<compile_context>
chip_gen: v7x
topology: tpu7x:2x2x1
jax: 0.10.2.dev20260603
libtpu: 0.0.44.dev20260713+nightly
codegen_flags: <defaults>
</compile_context>

<pallas_src>
import functools
import jax
import jax.numpy as jnp
from jax import lax
from jax.experimental import pallas as pl
from jax.experimental.pallas import tpu as pltpu
from jax.experimental.pallas import tpu_sc as plsc

N = 10000
E = 320000
DF = 128
DE = 16
H = 128
G = 64

NC = 2
NS = 16
NW = NC * NS
EW = E // NW
CH = 80
NCHUNK = EW // CH

f32 = jnp.float32


def _sc_mesh():
    return plsc.VectorSubcoreMesh(
        core_axis_name="c", subcore_axis_name="s", num_cores=NC, num_subcores=NS
    )


NBUF = 4
SNBUF = 3


def _sc_gather(table, idx3):
    @functools.partial(
        pl.kernel,
        out_type=jax.ShapeDtypeStruct((E, H), f32),
        mesh=_sc_mesh(),
        scratch_types=[pltpu.VMEM((NCHUNK, CH), jnp.int32)]
        + [pltpu.VMEM((CH, H), f32)] * NBUF
        + [pltpu.SemaphoreType.DMA] * (2 * NBUF),
    )
    def k(table_hbm, idx_hbm, out_hbm, idxv, *rest):
        bufs = rest[:NBUF]
        gsem = rest[NBUF : 2 * NBUF]
        ssem = rest[2 * NBUF :]
        cid = lax.axis_index("c")
        sid = lax.axis_index("s")
        w = cid * NS + sid
        base = w * EW
        pltpu.sync_copy(idx_hbm.at[w], idxv)

        def wait_g(b):
            pltpu.make_async_copy(table_hbm.at[idxv.at[0]], bufs[b], gsem[b]).wait()

        def wait_s(b):
            pltpu.make_async_copy(bufs[b], out_hbm.at[pl.ds(0, CH)], ssem[b]).wait()

        for b in range(NBUF):
            pltpu.async_copy(table_hbm.at[idxv.at[b]], bufs[b], gsem[b])

        def body(k2, _):
            for b in range(NBUF):
                j = NBUF * k2 + b

                @pl.when(j < NCHUNK)
                def _store():
                    wait_g(b)
                    pltpu.async_copy(
                        bufs[b], out_hbm.at[pl.ds(base + j * CH, CH)], ssem[b]
                    )

                @pl.when(j + NBUF < NCHUNK)
                def _next():
                    wait_s(b)
                    pltpu.async_copy(
                        table_hbm.at[idxv.at[j + NBUF]], bufs[b], gsem[b]
                    )

            return _

        lax.fori_loop(0, (NCHUNK + NBUF - 1) // NBUF, body, None)
        for b in range(NBUF):
            wait_s(b)

    return k(table, idx3)


def _sc_segsum(h, dst3):
    @functools.partial(
        pl.kernel,
        out_type=jax.ShapeDtypeStruct((NC, N, H), f32),
        mesh=_sc_mesh(),
        scratch_types=[
            pltpu.VMEM_SHARED((N, H), f32),
            pltpu.VMEM((NCHUNK, CH), jnp.int32),
        ]
        + [pltpu.VMEM((CH, H), f32)] * SNBUF
        + [pltpu.SemaphoreType.DMA] * (2 * SNBUF),
    )
    def k(h_hbm, dst_hbm, out_hbm, macc, dstv, *rest):
        bufs = rest[:SNBUF]
        lsem = rest[SNBUF : 2 * SNBUF]
        asem = rest[2 * SNBUF :]
        cid = lax.axis_index("c")
        sid = lax.axis_index("s")
        w = cid * NS + sid

        base = w * EW
        pltpu.sync_copy(dst_hbm.at[w], dstv)

        zero16 = jnp.zeros((16,), f32)

        def zfill(r, _):
            for u in range(H // 16):
                bufs[0][r, pl.ds(u * 16, 16)] = zero16
            return _

        lax.fori_loop(0, CH, zfill, None)

        nz = N // CH

        def zchunk(kk, _):
            c = sid + kk * NS

            @pl.when(c < nz)
            def _():
                pltpu.sync_copy(bufs[0], macc.at[pl.ds(c * CH, CH)])

            return _

        lax.fori_loop(0, (nz + NS - 1) // NS, zchunk, None)
        plsc.subcore_barrier()

        def wait_l(b):
            pltpu.make_async_copy(h_hbm.at[pl.ds(0, CH)], bufs[b], lsem[b]).wait()

        def wait_a(b):
            pltpu.make_async_copy(bufs[b], macc.at[dstv.at[0]], asem[b]).wait()

        for b in range(SNBUF):
            pltpu.async_copy(h_hbm.at[pl.ds(base + b * CH, CH)], bufs[b], lsem[b])

        def body(k2, _):
            for b in range(SNBUF):
                j = SNBUF * k2 + b

                @pl.when(j < NCHUNK)
                def _scat():
                    wait_l(b)
                    pltpu.async_copy(bufs[b], macc.at[dstv.at[j]], asem[b], add=True)

                @pl.when(j + SNBUF < NCHUNK)
                def _next():
                    wait_a(b)
                    pltpu.async_copy(
                        h_hbm.at[pl.ds(base + (j + SNBUF) * CH, CH)], bufs[b], lsem[b]
                    )

            return _

        lax.fori_loop(0, (NCHUNK + SNBUF - 1) // SNBUF, body, None)
        for b in range(SNBUF):
            wait_a(b)
        plsc.subcore_barrier()

        def wchunk(kk, _):
            c = sid + kk * NS

            @pl.when(c < nz)
            def _():
                pltpu.sync_copy(macc.at[pl.ds(c * CH, CH)], bufs[0])
                pltpu.sync_copy(bufs[0], out_hbm.at[cid, pl.ds(c * CH, CH)])

            return _

        lax.fori_loop(0, (nz + NS - 1) // NS, wchunk, None)

    return k(h, dst3)


def _mm_body(a_ref, w_ref, o_ref):
    o_ref[...] = jnp.dot(a_ref[...], w_ref[...], preferred_element_type=f32)


def _tc_mm(a, wT, tile):
    M = a.shape[0]
    K = a.shape[1]
    return pl.pallas_call(
        _mm_body,
        grid=(M // tile,),
        in_specs=[
            pl.BlockSpec((tile, K), lambda i: (i, 0)),
            pl.BlockSpec((K, H), lambda i: (0, 0)),
        ],
        out_specs=pl.BlockSpec((tile, H), lambda i: (i, 0)),
        out_shape=jax.ShapeDtypeStruct((M, H), f32),
    )(a, wT)


def _edge_init_body(gx_ref, ea_ref, w_ref, o_ref, ob_ref):
    z = jnp.maximum(
        gx_ref[...] + jnp.dot(ea_ref[...], w_ref[...], preferred_element_type=f32),
        0.0,
    )
    o_ref[...] = z
    ob_ref[...] = z.astype(jnp.bfloat16)


def _tc_edge_init(gx, ea, w1eT, tile):
    return pl.pallas_call(
        _edge_init_body,
        grid=(E // tile,),
        in_specs=[
            pl.BlockSpec((tile, H), lambda i: (i, 0)),
            pl.BlockSpec((tile, DE), lambda i: (i, 0)),
            pl.BlockSpec((DE, H), lambda i: (0, 0)),
        ],
        out_specs=[
            pl.BlockSpec((tile, H), lambda i: (i, 0)),
            pl.BlockSpec((tile, H), lambda i: (i, 0)),
        ],
        out_shape=[
            jax.ShapeDtypeStruct((E, H), f32),
            jax.ShapeDtypeStruct((E, H), jnp.bfloat16),
        ],
    )(gx, ea, w1eT)


def _mm_partial_body(p_ref, w_ref, o_ref):
    m = p_ref[0] + p_ref[1]
    o_ref[...] = jnp.dot(m, w_ref[...], preferred_element_type=f32)


def _tc_mm_partials(p, wT, tile):
    return pl.pallas_call(
        _mm_partial_body,
        grid=(N // tile,),
        in_specs=[
            pl.BlockSpec((NC, tile, H), lambda i: (0, i, 0)),
            pl.BlockSpec((H, H), lambda i: (0, 0)),
        ],
        out_specs=pl.BlockSpec((tile, H), lambda i: (i, 0)),
        out_shape=jax.ShapeDtypeStruct((N, H), f32),
    )(p, wT)


def _combine_body(h0_ref, gs_ref, gr_ref, w_ref, o_ref):
    mdirW = gs_ref[...] - jnp.dot(gr_ref[...], w_ref[...], preferred_element_type=f32)
    o_ref[...] = jnp.maximum(h0_ref[...].astype(f32) + mdirW, 0.0)


def _tc_combine(h0, gs, gr, w2T, tile):
    return pl.pallas_call(
        _combine_body,
        grid=(E // tile,),
        in_specs=[
            pl.BlockSpec((tile, H), lambda i: (i, 0)),
            pl.BlockSpec((tile, H), lambda i: (i, 0)),
            pl.BlockSpec((tile, H), lambda i: (i, 0)),
            pl.BlockSpec((H, H), lambda i: (0, 0)),
        ],
        out_specs=pl.BlockSpec((tile, H), lambda i: (i, 0)),
        out_shape=jax.ShapeDtypeStruct((E, H), f32),
    )(h0, gs, gr, w2T)


def _final_body(x_ref, p_ref, b_ref, w3x_ref, w3v_ref, b3_ref, o_ref, sums, counts):
    i = pl.program_id(0)
    nblk = pl.num_programs(0)
    tile = x_ref.shape[0]

    @pl.when(i == 0)
    def _():
        sums[...] = jnp.zeros_like(sums)
        counts[...] = jnp.zeros_like(counts)

    v = p_ref[0] + p_ref[1]
    z = (
        jnp.dot(x_ref[...], w3x_ref[...], preferred_element_type=f32)
        + jnp.dot(v, w3v_ref[...], preferred_element_type=f32)
        + b3_ref[...]
    )
    z = jnp.maximum(z, 0.0)
    onehot = (
        b_ref[...] == lax.broadcasted_iota(jnp.int32, (tile, G), 1)
    ).astype(f32)
    sums[...] += lax.dot_general(
        onehot, z, (((0,), (0,)), ((), ())), preferred_element_type=f32
    )
    counts[...] += lax.dot_general(
        onehot, jnp.ones((tile, H), f32), (((0,), (0,)), ((), ())),
        preferred_element_type=f32,
    )

    @pl.when(i == nblk - 1)
    def _():
        o_ref[...] = sums[...] / jnp.maximum(counts[...], 1.0)


def _tc_final(x, p, batch2, w3xT, w3vT, b3r, tile):
    return pl.pallas_call(
        _final_body,
        grid=(N // tile,),
        in_specs=[
            pl.BlockSpec((tile, DF), lambda i: (i, 0)),
            pl.BlockSpec((NC, tile, H), lambda i: (0, i, 0)),
            pl.BlockSpec((tile, 1), lambda i: (i, 0)),
            pl.BlockSpec((DF, H), lambda i: (0, 0)),
            pl.BlockSpec((H, H), lambda i: (0, 0)),
            pl.BlockSpec((1, H), lambda i: (0, 0)),
        ],
        out_specs=pl.BlockSpec((G, H), lambda i: (0, 0)),
        out_shape=jax.ShapeDtypeStruct((G, H), f32),
        scratch_shapes=[pltpu.VMEM((G, H), f32), pltpu.VMEM((G, H), f32)],
    )(x, p, batch2, w3xT, w3vT, b3r)


def kernel(x, edge_index, revedge_index, edge_attr, num_nodes, batch, W1, W2, W3, b3):
    src = edge_index[0]
    dst = edge_index[1] + (jnp.asarray(num_nodes, jnp.int32) - N)

    src3 = src.reshape(NW, NCHUNK, CH)
    dst3 = dst.reshape(NW, NCHUNK, CH)
    rev3 = revedge_index.reshape(NW, NCHUNK, CH)

    w1xT = W1[:, :DF].T
    w1eT = W1[:, DF:].T
    w2T = W2.T
    w3xT = W3[:, :DF].T
    w3vT = W3[:, DF:].T
    b3r = b3.reshape(1, H)
    batch2 = batch.reshape(N, 1)

    TE = 8000
    TN = 2000

    xW1 = _tc_mm(x, w1xT, TN)
    gx = _sc_gather(xW1, src3)
    h0, h0b = _tc_edge_init(gx, edge_attr, w1eT, TE)

    h = h0
    for _ in range(2):
        p = _sc_segsum(h, dst3)
        mW2 = _tc_mm_partials(p, w2T, TN)
        gs = _sc_gather(mW2, src3)
        gr = _sc_gather(h, rev3)
        h = _tc_combine(h0b, gs, gr, w2T, TE)

    p = _sc_segsum(h, dst3)
    return _tc_final(x, p, batch2, w3xT, w3vT, b3r, 2000)

# --- scband reference (transcript-rebuilt; emitter-appended) ---
"""Pipeline reference for scband-dmpnnencoder-8194797601301 (READ-ONLY COPY).

The authoritative reference and input builder live on the scoring server;
editing this copy changes nothing except your own understanding.
"""

import jax, jax.numpy as jnp
import numpy as np

N = 10000
E = 320000
DF = 128
DE = 16
H = 128
DEPTH = 3
G = 64


def setup_inputs(seed: int = 0) -> dict:
    key = jax.random.key(seed)
    ks = jax.random.split(key, 10)
    x = jax.random.normal(ks[0], (N, DF), dtype=jnp.float32)
    edge_index = jax.random.randint(ks[1], (2, E), 0, N, dtype=jnp.int32)
    revedge_index = jax.random.randint(ks[2], (E,), 0, E, dtype=jnp.int32)
    edge_attr = jax.random.normal(ks[3], (E, DE), dtype=jnp.float32)
    batch = jnp.sort(jax.random.randint(ks[4], (N,), 0, G, dtype=jnp.int32))
    # learned parameters (torch nn.Linear convention: W has shape [out, in])
    s1 = 1.0 / np.sqrt(DF + DE)
    s2 = 1.0 / np.sqrt(H)
    s3 = 1.0 / np.sqrt(DF + H)
    W1 = jax.random.uniform(ks[5], (H, DF + DE), jnp.float32, -s1, s1)
    W2 = jax.random.uniform(ks[6], (H, H), jnp.float32, -s2, s2)
    W3 = jax.random.uniform(ks[7], (H, DF + H), jnp.float32, -s3, s3)
    b3 = jax.random.uniform(ks[8], (H,), jnp.float32, -s3, s3)
    return {"x": x, "edge_index": edge_index, "revedge_index": revedge_index,
            "edge_attr": edge_attr, "num_nodes": N, "batch": batch,
            "W1": W1, "W2": W2, "W3": W3, "b3": b3}


def reference(x, edge_index, revedge_index, edge_attr, num_nodes, batch, W1, W2, W3, b3):
    relu = jax.nn.relu
    src = edge_index[0]
    dst = edge_index[1]
    num_nodes_static = x.shape[0]
    dst = dst + (jnp.asarray(num_nodes, dtype=dst.dtype) - num_nodes_static)
    # initial directed edge messages
    init_msg = jnp.concatenate([x[src], edge_attr], axis=1).astype(jnp.float32)
    h0 = relu(init_msg @ W1.T)
    h = h0
    for _ in range(DEPTH - 1):
        # directed message passing: sum incoming at dst, gather back at src, subtract reverse edge
        m = jax.ops.segment_sum(h, dst, num_segments=num_nodes_static)
        m_all = m[src]
        m_rev = h[revedge_index]
        m_dir = m_all - m_rev
        h = relu(h0 + m_dir @ W2.T)
    # aggregate edge messages at nodes
    v_msg = jax.ops.segment_sum(h, dst, num_segments=num_nodes_static)
    z = jnp.concatenate([x, v_msg], axis=1)
    node_attr = relu(z @ W3.T + b3)
    # global mean pool over graphs in the batch
    sums = jax.ops.segment_sum(node_attr, batch, num_segments=G)
    counts = jnp.bincount(batch, length=G)
    counts = jnp.maximum(counts, 1).astype(jnp.float32)
    return sums / counts[:, None]

if __name__ == "__main__":
    import jax
    _d = setup_inputs()
    print(jax.jit(kernel)(*tuple(_d.values())))

</pallas_src>

<mosaic_0001>
#map = affine_map<(d0, d1) -> (0, 0)>
#map1 = affine_map<(d0, d1) -> (0, 0, 0)>
module attributes {stable_mosaic.version = 14 : i64} {
  func.func @k(%arg0: i32, %arg1: i32, %arg2: memref<320000x128xf32, #tpu.memory_space<hbm>>, %arg3: memref<32x125x80xi32, #tpu.memory_space<hbm>>, %arg4: memref<320000x128xf32, #tpu.memory_space<hbm>>, %arg5: memref<125x80xi32, #tpu.memory_space<vmem>>, %arg6: memref<80x128xf32, #tpu.memory_space<vmem>>, %arg7: memref<80x128xf32, #tpu.memory_space<vmem>>, %arg8: memref<80x128xf32, #tpu.memory_space<vmem>>, %arg9: memref<80x128xf32, #tpu.memory_space<vmem>>, %arg10: memref<!tpu.dma_semaphore, #tpu.memory_space<semaphore_mem>>, %arg11: memref<!tpu.dma_semaphore, #tpu.memory_space<semaphore_mem>>, %arg12: memref<!tpu.dma_semaphore, #tpu.memory_space<semaphore_mem>>, %arg13: memref<!tpu.dma_semaphore, #tpu.memory_space<semaphore_mem>>, %arg14: memref<!tpu.dma_semaphore, #tpu.memory_space<semaphore_mem>>, %arg15: memref<!tpu.dma_semaphore, #tpu.memory_space<semaphore_mem>>, %arg16: memref<!tpu.dma_semaphore, #tpu.memory_space<semaphore_mem>>, %arg17: memref<!tpu.dma_semaphore, #tpu.memory_space<semaphore_mem>>) attributes {dimension_semantics = [#tpu.dimension_semantics<core_parallel>, #tpu.dimension_semantics<subcore_parallel>], iteration_bounds = array<i64: 2, 16>, scalar_prefetch = 0 : i64, scratch_operands = 13 : i64, tpu.core_type = #tpu.core_type<sc_vector_subcore>, window_params = [{transform_indices = #map}, {transform_indices = #map1}, {transform_indices = #map}]} {
    %mul3A = arith.constant 16 : i32
    %mul3A_0 = arith.muli %arg0, %mul3A : i32
    %add3A = arith.addi %mul3A_0, %arg1 : i32
    %mul3A_1 = arith.constant 10000 : i32
    %mul3A_2 = arith.muli %add3A, %mul3A_1 : i32
    "tpu.region"() ({
      %run_scoped3A = tpu.sem_alloc : memref<!tpu.dma_semaphore, #tpu.memory_space<semaphore_mem>>
      %dma_start3A_57 = arith.constant 0 : i32
      %dma_start3A_58 = arith.constant 0 : i32
      %dma_start3A_59 = tpu.memref_slice %arg3[%add3A, %dma_start3A_57, %dma_start3A_58] : memref<32x125x80xi32, #tpu.memory_space<hbm>> -> memref<1x125x80xi32, #tpu.memory_space<hbm>>
      %dma_start3A_60 = tpu.memref_squeeze %dma_start3A_59 : memref<1x125x80xi32, #tpu.memory_space<hbm>> -> memref<125x80xi32, #tpu.memory_space<hbm>>
      %dma_start3A_61 = arith.constant 0 : i32
      %dma_start3A_62 = arith.constant 0 : i32
      %dma_start3A_63 = tpu.memref_slice %arg3[%add3A, %dma_start3A_61, %dma_start3A_62] : memref<32x125x80xi32, #tpu.memory_space<hbm>> -> memref<1x125x80xi32, #tpu.memory_space<hbm>>
      %dma_start3A_64 = tpu.memref_squeeze %dma_start3A_63 : memref<1x125x80xi32, #tpu.memory_space<hbm>> -> memref<125x80xi32, #tpu.memory_space<hbm>>
      tpu.enqueue_dma source(%dma_start3A_64 : memref<125x80xi32, #tpu.memory_space<hbm>>) target(%arg5 : memref<125x80xi32, #tpu.memory_space<vmem>>) target_semaphore(%run_scoped3A : memref<!tpu.dma_semaphore, #tpu.memory_space<semaphore_mem>>)
      %dma_wait3A_65 = arith.constant 0 : i32
      %dma_wait3A_66 = arith.constant 0 : i32
      %dma_wait3A_67 = tpu.memref_slice %arg3[%add3A, %dma_wait3A_65, %dma_wait3A_66] : memref<32x125x80xi32, #tpu.memory_space<hbm>> -> memref<1x125x80xi32, #tpu.memory_space<hbm>>
      %dma_wait3A_68 = tpu.memref_squeeze %dma_wait3A_67 : memref<1x125x80xi32, #tpu.memory_space<hbm>> -> memref<125x80xi32, #tpu.memory_space<hbm>>
      %dma_wait3A_69 = arith.constant 0 : i32
      %dma_wait3A_70 = arith.constant 0 : i32
      %dma_wait3A_71 = tpu.memref_slice %arg3[%add3A, %dma_wait3A_69, %dma_wait3A_70] : memref<32x125x80xi32, #tpu.memory_space<hbm>> -> memref<1x125x80xi32, #tpu.memory_space<hbm>>
      %dma_wait3A_72 = tpu.memref_squeeze %dma_wait3A_71 : memref<1x125x80xi32, #tpu.memory_space<hbm>> -> memref<125x80xi32, #tpu.memory_space<hbm>>
      tpu.wait_dma2 semaphore(%run_scoped3A : memref<!tpu.dma_semaphore, #tpu.memory_space<semaphore_mem>>) src(%dma_wait3A_72 : memref<125x80xi32, #tpu.memory_space<hbm>>) dst(%arg5 : memref<125x80xi32, #tpu.memory_space<vmem>>)
      tpu.yield
    }) : () -> ()
    %dma_start3A = arith.constant 0 : i32
    %dma_start3A_3 = arith.constant 0 : i32
    %dma_start3A_4 = tpu.memref_slice %arg5[%dma_start3A, %dma_start3A_3] : memref<125x80xi32, #tpu.memory_space<vmem>> -> memref<1x80xi32, #tpu.memory_space<vmem>>
    %dma_start3A_5 = tpu.memref_squeeze %dma_start3A_4 : memref<1x80xi32, #tpu.memory_space<vmem>> -> memref<80xi32, #tpu.memory_space<vmem>>
    %dma_start3A_6 = arith.constant 0 : i32
    %dma_start3A_7 = arith.constant 0 : i32
    %dma_start3A_8 = tpu.memref_slice %arg2[%dma_start3A_6, %dma_start3A_7] : memref<320000x128xf32, #tpu.memory_space<hbm>> -> memref<320000x128xf32, #tpu.memory_space<hbm>>
    tpu.enqueue_indirect_dma source(%dma_start3A_8 : memref<320000x128xf32, #tpu.memory_space<hbm>>) target(%arg6 : memref<80x128xf32, #tpu.memory_space<vmem>>) offsets(%dma_start3A_5 : memref<80xi32, #tpu.memory_space<vmem>>) semaphore(%arg10 : memref<!tpu.dma_semaphore, #tpu.memory_space<semaphore_mem>>)
    %dma_start3A_9 = arith.constant 1 : i32
    %dma_start3A_10 = arith.constant 0 : i32
    %dma_start3A_11 = tpu.memref_slice %arg5[%dma_start3A_9, %dma_start3A_10] : memref<125x80xi32, #tpu.memory_space<vmem>> -> memref<1x80xi32, #tpu.memory_space<vmem>>
    %dma_start3A_12 = tpu.memref_squeeze %dma_start3A_11 : memref<1x80xi32, #tpu.memory_space<vmem>> -> memref<80xi32, #tpu.memory_space<vmem>>
    %dma_start3A_13 = arith.constant 0 : i32
    %dma_start3A_14 = arith.constant 0 : i32
    %dma_start3A_15 = tpu.memref_slice %arg2[%dma_start3A_13, %dma_start3A_14] : memref<320000x128xf32, #tpu.memory_space<hbm>> -> memref<320000x128xf32, #tpu.memory_space<hbm>>
    tpu.enqueue_indirect_dma source(%dma_start3A_15 : memref<320000x128xf32, #tpu.memory_space<hbm>>) target(%arg7 : memref<80x128xf32, #tpu.memory_space<vmem>>) offsets(%dma_start3A_12 : memref<80xi32, #tpu.memory_space<vmem>>) semaphore(%arg11 : memref<!tpu.dma_semaphore, #tpu.memory_space<semaphore_mem>>)
    %dma_start3A_16 = arith.constant 2 : i32
    %dma_start3A_17 = arith.constant 0 : i32
    %dma_start3A_18 = tpu.memref_slice %arg5[%dma_start3A_16, %dma_start3A_17] : memref<125x80xi32, #tpu.memory_space<vmem>> -> memref<1x80xi32, #tpu.memory_space<vmem>>
    %dma_start3A_19 = tpu.memref_squeeze %dma_start3A_18 : memref<1x80xi32, #tpu.memory_space<vmem>> -> memref<80xi32, #tpu.memory_space<vmem>>
    %dma_start3A_20 = arith.constant 0 : i32
    %dma_start3A_21 = arith.constant 0 : i32
    %dma_start3A_22 = tpu.memref_slice %arg2[%dma_start3A_20, %dma_start3A_21] : memref<320000x128xf32, #tpu.memory_space<hbm>> -> memref<320000x128xf32, #tpu.memory_space<hbm>>
    tpu.enqueue_indirect_dma source(%dma_start3A_22 : memref<320000x128xf32, #tpu.memory_space<hbm>>) target(%arg8 : memref<80x128xf32, #tpu.memory_space<vmem>>) offsets(%dma_start3A_19 : memref<80xi32, #tpu.memory_space<vmem>>) semaphore(%arg12 : memref<!tpu.dma_semaphore, #tpu.memory_space<semaphore_mem>>)
    %dma_start3A_23 = arith.constant 3 : i32
    %dma_start3A_24 = arith.constant 0 : i32
    %dma_start3A_25 = tpu.memref_slice %arg5[%dma_start3A_23, %dma_start3A_24] : memref<125x80xi32, #tpu.memory_space<vmem>> -> memref<1x80xi32, #tpu.memory_space<vmem>>
    %dma_start3A_26 = tpu.memref_squeeze %dma_start3A_25 : memref<1x80xi32, #tpu.memory_space<vmem>> -> memref<80xi32, #tpu.memory_space<vmem>>
    %dma_start3A_27 = arith.constant 0 : i32
    %dma_start3A_28 = arith.constant 0 : i32
    %dma_start3A_29 = tpu.memref_slice %arg2[%dma_start3A_27, %dma_start3A_28] : memref<320000x128xf32, #tpu.memory_space<hbm>> -> memref<320000x128xf32, #tpu.memory_space<hbm>>
    tpu.enqueue_indirect_dma source(%dma_start3A_29 : memref<320000x128xf32, #tpu.memory_space<hbm>>) target(%arg9 : memref<80x128xf32, #tpu.memory_space<vmem>>) offsets(%dma_start3A_26 : memref<80xi32, #tpu.memory_space<vmem>>) semaphore(%arg13 : memref<!tpu.dma_semaphore, #tpu.memory_space<semaphore_mem>>)
    %scan3A = arith.constant 0 : i32
    %scan3A_30 = arith.constant 32 : i32
    %scan3A_31 = arith.addi %scan3A, %scan3A_30 : i32
    %scan3A_32 = arith.constant 1 : i32
    scf.for %scan3A_57 = %scan3A to %scan3A_31 step %scan3A_32  : i32 {
      %mul3A_58 = arith.constant 4 : i32
      %mul3A_59 = arith.muli %mul3A_58, %scan3A_57 : i32
      %add3A_60 = arith.constant 0 : i32
      %add3A_61 = arith.addi %mul3A_59, %add3A_60 : i32
      %lt3A = arith.constant 125 : i32
      %lt3A_62 = arith.cmpi slt, %add3A_61, %lt3A : i32
      %convert_element_type3A = arith.extui %lt3A_62 : i1 to i32
      %cond3A = arith.constant 0 : i32
      %cond3A_63 = arith.cmpi ne, %convert_element_type3A, %cond3A : i32
      scf.if %cond3A_63 {
        %dma_wait3A_119 = arith.constant 0 : i32
        %dma_wait3A_120 = arith.constant 0 : i32
        %dma_wait3A_121 = tpu.memref_slice %arg5[%dma_wait3A_119, %dma_wait3A_120] : memref<125x80xi32, #tpu.memory_space<vmem>> -> memref<1x80xi32, #tpu.memory_space<vmem>>
        %dma_wait3A_122 = tpu.memref_squeeze %dma_wait3A_121 : memref<1x80xi32, #tpu.memory_space<vmem>> -> memref<80xi32, #tpu.memory_space<vmem>>
        %dma_wait3A_123 = arith.constant 0 : i32
        %dma_wait3A_124 = arith.constant 0 : i32
        %dma_wait3A_125 = tpu.memref_slice %arg2[%dma_wait3A_123, %dma_wait3A_124] : memref<320000x128xf32, #tpu.memory_space<hbm>> -> memref<320000x128xf32, #tpu.memory_space<hbm>>
        tpu.wait_indirect_dma semaphore(%arg10 : memref<!tpu.dma_semaphore, #tpu.memory_space<semaphore_mem>>) src(%dma_wait3A_125 : memref<320000x128xf32, #tpu.memory_space<hbm>>) dst(%arg6 : memref<80x128xf32, #tpu.memory_space<vmem>>)
        %mul3A_126 = arith.constant 80 : i32
        %mul3A_127 = arith.muli %add3A_61, %mul3A_126 : i32
        %add3A_128 = arith.addi %mul3A_2, %mul3A_127 : i32
        %dma_start3A_129 = arith.constant 0 : i32
        %dma_start3A_130 = tpu.memref_slice %arg4[%add3A_128, %dma_start3A_129] : memref<320000x128xf32, #tpu.memory_space<hbm>> -> memref<80x128xf32, #tpu.memory_space<hbm>>
        %dma_start3A_131 = arith.constant 0 : i32
        %dma_start3A_132 = tpu.memref_slice %arg4[%add3A_128, %dma_start3A_131] : memref<320000x128xf32, #tpu.memory_space<hbm>> -> memref<80x128xf32, #tpu.memory_space<hbm>>
        tpu.enqueue_dma source(%arg6 : memref<80x128xf32, #tpu.memory_space<vmem>>) target(%dma_start3A_132 : memref<80x128xf32, #tpu.memory_space<hbm>>) target_semaphore(%arg14 : memref<!tpu.dma_semaphore, #tpu.memory_space<semaphore_mem>>)
      } else {
      }
      %add3A_64 = arith.constant 4 : i32
      %add3A_65 = arith.addi %add3A_61, %add3A_64 : i32
      %lt3A_66 = arith.constant 125 : i32
      %lt3A_67 = arith.cmpi slt, %add3A_65, %lt3A_66 : i32
      %convert_element_type3A_68 = arith.extui %lt3A_67 : i1 to i32
      %cond3A_69 = arith.constant 0 : i32
      %cond3A_70 = arith.cmpi ne, %convert_element_type3A_68, %cond3A_69 : i32
      scf.if %cond3A_70 {
        %dma_wait3A_119 = arith.constant 0 : i32
        %dma_wait3A_120 = arith.constant 0 : i32
        %dma_wait3A_121 = tpu.memref_slice %arg4[%dma_wait3A_119, %dma_wait3A_120] : memref<320000x128xf32, #tpu.memory_space<hbm>> -> memref<80x128xf32, #tpu.memory_space<hbm>>
        %dma_wait3A_122 = arith.constant 0 : i32
        %dma_wait3A_123 = arith.constant 0 : i32
        %dma_wait3A_124 = tpu.memref_slice %arg4[%dma_wait3A_122, %dma_wait3A_123] : memref<320000x128xf32, #tpu.memory_space<hbm>> -> memref<80x128xf32, #tpu.memory_space<hbm>>
        tpu.wait_dma2 semaphore(%arg14 : memref<!tpu.dma_semaphore, #tpu.memory_space<semaphore_mem>>) src(%arg6 : memref<80x128xf32, #tpu.memory_space<vmem>>) dst(%dma_wait3A_124 : memref<80x128xf32, #tpu.memory_space<hbm>>)
        %add3A_125 = arith.constant 4 : i32
        %add3A_126 = arith.addi %add3A_61, %add3A_125 : i32
        %dma_start3A_127 = arith.constant 0 : i32
        %dma_start3A_128 = tpu.memref_slice %arg5[%add3A_126, %dma_start3A_127] : memref<125x80xi32, #tpu.memory_space<vmem>> -> memref<1x80xi32, #tpu.memory_space<vmem>>
        %dma_start3A_129 = tpu.memref_squeeze %dma_start3A_128 : memref<1x80xi32, #tpu.memory_space<vmem>> -> memref<80xi32, #tpu.memory_space<vmem>>
        %dma_start3A_130 = arith.constant 0 : i32
        %dma_start3A_131 = arith.constant 0 : i32
        %dma_start3A_132 = tpu.memref_slice %arg2[%dma_start3A_130, %dma_start3A_131] : memref<320000x128xf32, #tpu.memory_space<hbm>> -> memref<320000x128xf32, #tpu.memory_space<hbm>>
        tpu.enqueue_indirect_dma source(%dma_start3A_132 : memref<320000x128xf32, #tpu.memory_space<hbm>>) target(%arg6 : memref<80x128xf32, #tpu.memory_space<vmem>>) offsets(%dma_start3A_129 : memref<80xi32, #tpu.memory_space<vmem>>) semaphore(%arg10 : memref<!tpu.dma_semaphore, #tpu.memory_space<semaphore_mem>>)
      } else {
      }
      %mul3A_71 = arith.constant 4 : i32
      %mul3A_72 = arith.muli %mul3A_71, %scan3A_57 : i32
      %add3A_73 = arith.constant 1 : i32
      %add3A_74 = arith.addi %mul3A_72, %add3A_73 : i32
      %lt3A_75 = arith.constant 125 : i32
      %lt3A_76 = arith.cmpi slt, %add3A_74, %lt3A_75 : i32
      %convert_element_type3A_77 = arith.extui %lt3A_76 : i1 to i32
      %cond3A_78 = arith.constant 0 : i32
      %cond3A_79 = arith.cmpi ne, %convert_element_type3A_77, %cond3A_78 : i32
      scf.if %cond3A_79 {
        %dma_wait3A_119 = arith.constant 0 : i32
        %dma_wait3A_120 = arith.constant 0 : i32
        %dma_wait3A_121 = tpu.memref_slice %arg5[%dma_wait3A_119, %dma_wait3A_120] : memref<125x80xi32, #tpu.memory_space<vmem>> -> memref<1x80xi32, #tpu.memory_space<vmem>>
        %dma_wait3A_122 = tpu.memref_squeeze %dma_wait3A_121 : memref<1x80xi32, #tpu.memory_space<vmem>> -> memref<80xi32, #tpu.memory_space<vmem>>
        %dma_wait3A_123 = arith.constant 0 : i32
        %dma_wait3A_124 = arith.constant 0 : i32
        %dma_wait3A_125 = tpu.memref_slice %arg2[%dma_wait3A_123, %dma_wait3A_124] : memref<320000x128xf32, #tpu.memory_space<hbm>> -> memref<320000x128xf32, #tpu.memory_space<hbm>>
        tpu.wait_indirect_dma semaphore(%arg11 : memref<!tpu.dma_semaphore, #tpu.memory_space<semaphore_mem>>) src(%dma_wait3A_125 : memref<320000x128xf32, #tpu.memory_space<hbm>>) dst(%arg7 : memref<80x128xf32, #tpu.memory_space<vmem>>)
        %mul3A_126 = arith.constant 80 : i32
        %mul3A_127 = arith.muli %add3A_74, %mul3A_126 : i32
        %add3A_128 = arith.addi %mul3A_2, %mul3A_127 : i32
        %dma_start3A_129 = arith.constant 0 : i32
        %dma_start3A_130 = tpu.memref_slice %arg4[%add3A_128, %dma_start3A_129] : memref<320000x128xf32, #tpu.memory_space<hbm>> -> memref<80x128xf32, #tpu.memory_space<hbm>>
        %dma_start3A_131 = arith.constant 0 : i32
        %dma_start3A_132 = tpu.memref_slice %arg4[%add3A_128, %dma_start3A_131] : memref<320000x128xf32, #tpu.memory_space<hbm>> -> memref<80x128xf32, #tpu.memory_space<hbm>>
        tpu.enqueue_dma source(%arg7 : memref<80x128xf32, #tpu.memory_space<vmem>>) target(%dma_start3A_132 : memref<80x128xf32, #tpu.memory_space<hbm>>) target_semaphore(%arg15 : memref<!tpu.dma_semaphore, #tpu.memory_space<semaphore_mem>>)
      } else {
      }
      %add3A_80 = arith.constant 4 : i32
      %add3A_81 = arith.addi %add3A_74, %add3A_80 : i32
      %lt3A_82 = arith.constant 125 : i32
      %lt3A_83 = arith.cmpi slt, %add3A_81, %lt3A_82 : i32
      %convert_element_type3A_84 = arith.extui %lt3A_83 : i1 to i32
      %cond3A_85 = arith.constant 0 : i32
      %cond3A_86 = arith.cmpi ne, %convert_element_type3A_84, %cond3A_85 : i32
      scf.if %cond3A_86 {
        %dma_wait3A_119 = arith.constant 0 : i32
        %dma_wait3A_120 = arith.constant 0 : i32
        %dma_wait3A_121 = tpu.memref_slice %arg4[%dma_wait3A_119, %dma_wait3A_120] : memref<320000x128xf32, #tpu.memory_space<hbm>> -> memref<80x128xf32, #tpu.memory_space<hbm>>
        %dma_wait3A_122 = arith.constant 0 : i32
        %dma_wait3A_123 = arith.constant 0 : i32
        %dma_wait3A_124 = tpu.memref_slice %arg4[%dma_wait3A_122, %dma_wait3A_123] : memref<320000x128xf32, #tpu.memory_space<hbm>> -> memref<80x128xf32, #tpu.memory_space<hbm>>
        tpu.wait_dma2 semaphore(%arg15 : memref<!tpu.dma_semaphore, #tpu.memory_space<semaphore_mem>>) src(%arg7 : memref<80x128xf32, #tpu.memory_space<vmem>>) dst(%dma_wait3A_124 : memref<80x128xf32, #tpu.memory_space<hbm>>)
        %add3A_125 = arith.constant 4 : i32
        %add3A_126 = arith.addi %add3A_74, %add3A_125 : i32
        %dma_start3A_127 = arith.constant 0 : i32
        %dma_start3A_128 = tpu.memref_slice %arg5[%add3A_126, %dma_start3A_127] : memref<125x80xi32, #tpu.memory_space<vmem>> -> memref<1x80xi32, #tpu.memory_space<vmem>>
        %dma_start3A_129 = tpu.memref_squeeze %dma_start3A_128 : memref<1x80xi32, #tpu.memory_space<vmem>> -> memref<80xi32, #tpu.memory_space<vmem>>
        %dma_start3A_130 = arith.constant 0 : i32
        %dma_start3A_131 = arith.constant 0 : i32
        %dma_start3A_132 = tpu.memref_slice %arg2[%dma_start3A_130, %dma_start3A_131] : memref<320000x128xf32, #tpu.memory_space<hbm>> -> memref<320000x128xf32, #tpu.memory_space<hbm>>
        tpu.enqueue_indirect_dma source(%dma_start3A_132 : memref<320000x128xf32, #tpu.memory_space<hbm>>) target(%arg7 : memref<80x128xf32, #tpu.memory_space<vmem>>) offsets(%dma_start3A_129 : memref<80xi32, #tpu.memory_space<vmem>>) semaphore(%arg11 : memref<!tpu.dma_semaphore, #tpu.memory_space<semaphore_mem>>)
      } else {
      }
      %mul3A_87 = arith.constant 4 : i32
      %mul3A_88 = arith.muli %mul3A_87, %scan3A_57 : i32
      %add3A_89 = arith.constant 2 : i32
      %add3A_90 = arith.addi %mul3A_88, %add3A_89 : i32
      %lt3A_91 = arith.constant 125 : i32
      %lt3A_92 = arith.cmpi slt, %add3A_90, %lt3A_91 : i32
      %convert_element_type3A_93 = arith.extui %lt3A_92 : i1 to i32
      %cond3A_94 = arith.constant 0 : i32
      %cond3A_95 = arith.cmpi ne, %convert_element_type3A_93, %cond3A_94 : i32
      scf.if %cond3A_95 {
        %dma_wait3A_119 = arith.constant 0 : i32
        %dma_wait3A_120 = arith.constant 0 : i32
        %dma_wait3A_121 = tpu.memref_slice %arg5[%dma_wait3A_119, %dma_wait3A_120] : memref<125x80xi32, #tpu.memory_space<vmem>> -> memref<1x80xi32, #tpu.memory_space<vmem>>
        %dma_wait3A_122 = tpu.memref_squeeze %dma_wait3A_121 : memref<1x80xi32, #tpu.memory_space<vmem>> -> memref<80xi32, #tpu.memory_space<vmem>>
        %dma_wait3A_123 = arith.constant 0 : i32
        %dma_wait3A_124 = arith.constant 0 : i32
        %dma_wait3A_125 = tpu.memref_slice %arg2[%dma_wait3A_123, %dma_wait3A_124] : memref<320000x128xf32, #tpu.memory_space<hbm>> -> memref<320000x128xf32, #tpu.memory_space<hbm>>
        tpu.wait_indirect_dma semaphore(%arg12 : memref<!tpu.dma_semaphore, #tpu.memory_space<semaphore_mem>>) src(%dma_wait3A_125 : memref<320000x128xf32, #tpu.memory_space<hbm>>) dst(%arg8 : memref<80x128xf32, #tpu.memory_space<vmem>>)
        %mul3A_126 = arith.constant 80 : i32
        %mul3A_127 = arith.muli %add3A_90, %mul3A_126 : i32
        %add3A_128 = arith.addi %mul3A_2, %mul3A_127 : i32
        %dma_start3A_129 = arith.constant 0 : i32
        %dma_start3A_130 = tpu.memref_slice %arg4[%add3A_128, %dma_start3A_129] : memref<320000x128xf32, #tpu.memory_space<hbm>> -> memref<80x128xf32, #tpu.memory_space<hbm>>
        %dma_start3A_131 = arith.constant 0 : i32
        %dma_start3A_132 = tpu.memref_slice %arg4[%add3A_128, %dma_start3A_131] : memref<320000x128xf32, #tpu.memory_space<hbm>> -> memref<80x128xf32, #tpu.memory_space<hbm>>
        tpu.enqueue_dma source(%arg8 : memref<80x128xf32, #tpu.memory_space<vmem>>) target(%dma_start3A_132 : memref<80x128xf32, #tpu.memory_space<hbm>>) target_semaphore(%arg16 : memref<!tpu.dma_semaphore, #tpu.memory_space<semaphore_mem>>)
      } else {
      }
      %add3A_96 = arith.constant 4 : i32
      %add3A_97 = arith.addi %add3A_90, %add3A_96 : i32
      %lt3A_98 = arith.constant 125 : i32
      %lt3A_99 = arith.cmpi slt, %add3A_97, %lt3A_98 : i32
      %convert_element_type3A_100 = arith.extui %lt3A_99 : i1 to i32
      %cond3A_101 = arith.constant 0 : i32
      %cond3A_102 = arith.cmpi ne, %convert_element_type3A_100, %cond3A_101 : i32
      scf.if %cond3A_102 {
        %dma_wait3A_119 = arith.constant 0 : i32
        %dma_wait3A_120 = arith.constant 0 : i32
        %dma_wait3A_121 = tpu.memref_slice %arg4[%dma_wait3A_119, %dma_wait3A_120] : memref<320000x128xf32, #tpu.memory_space<hbm>> -> memref<80x128xf32, #tpu.memory_space<hbm>>
        %dma_wait3A_122 = arith.constant 0 : i32
        %dma_wait3A_123 = arith.constant 0 : i32
        %dma_wait3A_124 = tpu.memref_slice %arg4[%dma_wait3A_122, %dma_wait3A_123] : memref<320000x128xf32, #tpu.memory_space<hbm>> -> memref<80x128xf32, #tpu.memory_space<hbm>>
        tpu.wait_dma2 semaphore(%arg16 : memref<!tpu.dma_semaphore, #tpu.memory_space<semaphore_mem>>) src(%arg8 : memref<80x128xf32, #tpu.memory_space<vmem>>) dst(%dma_wait3A_124 : memref<80x128xf32, #tpu.memory_space<hbm>>)
        %add3A_125 = arith.constant 4 : i32
        %add3A_126 = arith.addi %add3A_90, %add3A_125 : i32
        %dma_start3A_127 = arith.constant 0 : i32
        %dma_start3A_128 = tpu.memref_slice %arg5[%add3A_126, %dma_start3A_127] : memref<125x80xi32, #tpu.memory_space<vmem>> -> memref<1x80xi32, #tpu.memory_space<vmem>>
        %dma_start3A_129 = tpu.memref_squeeze %dma_start3A_128 : memref<1x80xi32, #tpu.memory_space<vmem>> -> memref<80xi32, #tpu.memory_space<vmem>>
        %dma_start3A_130 = arith.constant 0 : i32
        %dma_start3A_131 = arith.constant 0 : i32
        %dma_start3A_132 = tpu.memref_slice %arg2[%dma_start3A_130, %dma_start3A_131] : memref<320000x128xf32, #tpu.memory_space<hbm>> -> memref<320000x128xf32, #tpu.memory_space<hbm>>
        tpu.enqueue_indirect_dma source(%dma_start3A_132 : memref<320000x128xf32, #tpu.memory_space<hbm>>) target(%arg8 : memref<80x128xf32, #tpu.memory_space<vmem>>) offsets(%dma_start3A_129 : memref<80xi32, #tpu.memory_space<vmem>>) semaphore(%arg12 : memref<!tpu.dma_semaphore, #tpu.memory_space<semaphore_mem>>)
      } else {
      }
      %mul3A_103 = arith.constant 4 : i32
      %mul3A_104 = arith.muli %mul3A_103, %scan3A_57 : i32
      %add3A_105 = arith.constant 3 : i32
      %add3A_106 = arith.addi %mul3A_104, %add3A_105 : i32
      %lt3A_107 = arith.constant 125 : i32
      %lt3A_108 = arith.cmpi slt, %add3A_106, %lt3A_107 : i32
      %convert_element_type3A_109 = arith.extui %lt3A_108 : i1 to i32
      %cond3A_110 = arith.constant 0 : i32
      %cond3A_111 = arith.cmpi ne, %convert_element_type3A_109, %cond3A_110 : i32
      scf.if %cond3A_111 {
        %dma_wait3A_119 = arith.constant 0 : i32
        %dma_wait3A_120 = arith.constant 0 : i32
        %dma_wait3A_121 = tpu.memref_slice %arg5[%dma_wait3A_119, %dma_wait3A_120] : memref<125x80xi32, #tpu.memory_space<vmem>> -> memref<1x80xi32, #tpu.memory_space<vmem>>
        %dma_wait3A_122 = tpu.memref_squeeze %dma_wait3A_121 : memref<1x80xi32, #tpu.memory_space<vmem>> -> memref<80xi32, #tpu.memory_space<vmem>>
        %dma_wait3A_123 = arith.constant 0 : i32
        %dma_wait3A_124 = arith.constant 0 : i32
        %dma_wait3A_125 = tpu.memref_slice %arg2[%dma_wait3A_123, %dma_wait3A_124] : memref<320000x128xf32, #tpu.memory_space<hbm>> -> memref<320000x128xf32, #tpu.memory_space<hbm>>
        tpu.wait_indirect_dma semaphore(%arg13 : memref<!tpu.dma_semaphore, #tpu.memory_space<semaphore_mem>>) src(%dma_wait3A_125 : memref<320000x128xf32, #tpu.memory_space<hbm>>) dst(%arg9 : memref<80x128xf32, #tpu.memory_space<vmem>>)
        %mul3A_126 = arith.constant 80 : i32
        %mul3A_127 = arith.muli %add3A_106, %mul3A_126 : i32
        %add3A_128 = arith.addi %mul3A_2, %mul3A_127 : i32
        %dma_start3A_129 = arith.constant 0 : i32
        %dma_start3A_130 = tpu.memref_slice %arg4[%add3A_128, %dma_start3A_129] : memref<320000x128xf32, #tpu.memory_space<hbm>> -> memref<80x128xf32, #tpu.memory_space<hbm>>
        %dma_start3A_131 = arith.constant 0 : i32
        %dma_start3A_132 = tpu.memref_slice %arg4[%add3A_128, %dma_start3A_131] : memref<320000x128xf32, #tpu.memory_space<hbm>> -> memref<80x128xf32, #tpu.memory_space<hbm>>
        tpu.enqueue_dma source(%arg9 : memref<80x128xf32, #tpu.memory_space<vmem>>) target(%dma_start3A_132 : memref<80x128xf32, #tpu.memory_space<hbm>>) target_semaphore(%arg17 : memref<!tpu.dma_semaphore, #tpu.memory_space<semaphore_mem>>)
      } else {
      }
      %add3A_112 = arith.constant 4 : i32
      %add3A_113 = arith.addi %add3A_106, %add3A_112 : i32
      %lt3A_114 = arith.constant 125 : i32
      %lt3A_115 = arith.cmpi slt, %add3A_113, %lt3A_114 : i32
      %convert_element_type3A_116 = arith.extui %lt3A_115 : i1 to i32
      %cond3A_117 = arith.constant 0 : i32
      %cond3A_118 = arith.cmpi ne, %convert_element_type3A_116, %cond3A_117 : i32
      scf.if %cond3A_118 {
        %dma_wait3A_119 = arith.constant 0 : i32
        %dma_wait3A_120 = arith.constant 0 : i32
        %dma_wait3A_121 = tpu.memref_slice %arg4[%dma_wait3A_119, %dma_wait3A_120] : memref<320000x128xf32, #tpu.memory_space<hbm>> -> memref<80x128xf32, #tpu.memory_space<hbm>>
        %dma_wait3A_122 = arith.constant 0 : i32
        %dma_wait3A_123 = arith.constant 0 : i32
        %dma_wait3A_124 = tpu.memref_slice %arg4[%dma_wait3A_122, %dma_wait3A_123] : memref<320000x128xf32, #tpu.memory_space<hbm>> -> memref<80x128xf32, #tpu.memory_space<hbm>>
        tpu.wait_dma2 semaphore(%arg17 : memref<!tpu.dma_semaphore, #tpu.memory_space<semaphore_mem>>) src(%arg9 : memref<80x128xf32, #tpu.memory_space<vmem>>) dst(%dma_wait3A_124 : memref<80x128xf32, #tpu.memory_space<hbm>>)
        %add3A_125 = arith.constant 4 : i32
        %add3A_126 = arith.addi %add3A_106, %add3A_125 : i32
        %dma_start3A_127 = arith.constant 0 : i32
        %dma_start3A_128 = tpu.memref_slice %arg5[%add3A_126, %dma_start3A_127] : memref<125x80xi32, #tpu.memory_space<vmem>> -> memref<1x80xi32, #tpu.memory_space<vmem>>
        %dma_start3A_129 = tpu.memref_squeeze %dma_start3A_128 : memref<1x80xi32, #tpu.memory_space<vmem>> -> memref<80xi32, #tpu.memory_space<vmem>>
        %dma_start3A_130 = arith.constant 0 : i32
        %dma_start3A_131 = arith.constant 0 : i32
        %dma_start3A_132 = tpu.memref_slice %arg2[%dma_start3A_130, %dma_start3A_131] : memref<320000x128xf32, #tpu.memory_space<hbm>> -> memref<320000x128xf32, #tpu.memory_space<hbm>>
        tpu.enqueue_indirect_dma source(%dma_start3A_132 : memref<320000x128xf32, #tpu.memory_space<hbm>>) target(%arg9 : memref<80x128xf32, #tpu.memory_space<vmem>>) offsets(%dma_start3A_129 : memref<80xi32, #tpu.memory_space<vmem>>) semaphore(%arg13 : memref<!tpu.dma_semaphore, #tpu.memory_space<semaphore_mem>>)
      } else {
      }
    }
    %scan3A_33 = arith.constant 32 : i32
    %dma_wait3A = arith.constant 0 : i32
    %dma_wait3A_34 = arith.constant 0 : i32
    %dma_wait3A_35 = tpu.memref_slice %arg4[%dma_wait3A, %dma_wait3A_34] : memref<320000x128xf32, #tpu.memory_space<hbm>> -> memref<80x128xf32, #tpu.memory_space<hbm>>
    %dma_wait3A_36 = arith.constant 0 : i32
    %dma_wait3A_37 = arith.constant 0 : i32
    %dma_wait3A_38 = tpu.memref_slice %arg4[%dma_wait3A_36, %dma_wait3A_37] : memref<320000x128xf32, #tpu.memory_space<hbm>> -> memref<80x128xf32, #tpu.memory_space<hbm>>
    tpu.wait_dma2 semaphore(%arg14 : memref<!tpu.dma_semaphore, #tpu.memory_space<semaphore_mem>>) src(%arg6 : memref<80x128xf32, #tpu.memory_space<vmem>>) dst(%dma_wait3A_38 : memref<80x128xf32, #tpu.memory_space<hbm>>)
    %dma_wait3A_39 = arith.constant 0 : i32
    %dma_wait3A_40 = arith.constant 0 : i32
    %dma_wait3A_41 = tpu.memref_slice %arg4[%dma_wait3A_39, %dma_wait3A_40] : memref<320000x128xf32, #tpu.memory_space<hbm>> -> memref<80x128xf32, #tpu.memory_space<hbm>>
    %dma_wait3A_42 = arith.constant 0 : i32
    %dma_wait3A_43 = arith.constant 0 : i32
    %dma_wait3A_44 = tpu.memref_slice %arg4[%dma_wait3A_42, %dma_wait3A_43] : memref<320000x128xf32, #tpu.memory_space<hbm>> -> memref<80x128xf32, #tpu.memory_space<hbm>>
    tpu.wait_dma2 semaphore(%arg15 : memref<!tpu.dma_semaphore, #tpu.memory_space<semaphore_mem>>) src(%arg7 : memref<80x128xf32, #tpu.memory_space<vmem>>) dst(%dma_wait3A_44 : memref<80x128xf32, #tpu.memory_space<hbm>>)
    %dma_wait3A_45 = arith.constant 0 : i32
    %dma_wait3A_46 = arith.constant 0 : i32
    %dma_wait3A_47 = tpu.memref_slice %arg4[%dma_wait3A_45, %dma_wait3A_46] : memref<320000x128xf32, #tpu.memory_space<hbm>> -> memref<80x128xf32, #tpu.memory_space<hbm>>
    %dma_wait3A_48 = arith.constant 0 : i32
    %dma_wait3A_49 = arith.constant 0 : i32
    %dma_wait3A_50 = tpu.memref_slice %arg4[%dma_wait3A_48, %dma_wait3A_49] : memref<320000x128xf32, #tpu.memory_space<hbm>> -> memref<80x128xf32, #tpu.memory_space<hbm>>
    tpu.wait_dma2 semaphore(%arg16 : memref<!tpu.dma_semaphore, #tpu.memory_space<semaphore_mem>>) src(%arg8 : memref<80x128xf32, #tpu.memory_space<vmem>>) dst(%dma_wait3A_50 : memref<80x128xf32, #tpu.memory_space<hbm>>)
    %dma_wait3A_51 = arith.constant 0 : i32
    %dma_wait3A_52 = arith.constant 0 : i32
    %dma_wait3A_53 = tpu.memref_slice %arg4[%dma_wait3A_51, %dma_wait3A_52] : memref<320000x128xf32, #tpu.memory_space<hbm>> -> memref<80x128xf32, #tpu.memory_space<hbm>>
    %dma_wait3A_54 = arith.constant 0 : i32
    %dma_wait3A_55 = arith.constant 0 : i32
    %dma_wait3A_56 = tpu.memref_slice %arg4[%dma_wait3A_54, %dma_wait3A_55] : memref<320000x128xf32, #tpu.memory_space<hbm>> -> memref<80x128xf32, #tpu.memory_space<hbm>>
    tpu.wait_dma2 semaphore(%arg17 : memref<!tpu.dma_semaphore, #tpu.memory_space<semaphore_mem>>) src(%arg9 : memref<80x128xf32, #tpu.memory_space<vmem>>) dst(%dma_wait3A_56 : memref<80x128xf32, #tpu.memory_space<hbm>>)
    return
  }
}

#map = affine_map<(d0, d1) -> (0, 0)>
#map1 = affine_map<(d0, d1) -> (0, 0, 0)>
module attributes {stable_mosaic.version = 14 : i64} {
  func.func @k(%arg0: i32, %arg1: i32, %arg2: memref<10000x128xf32, #tpu.memory_space<hbm>>, %arg3: memref<32x125x80xi32, #tpu.memory_space<hbm>>, %arg4: memref<320000x128xf32, #tpu.memory_space<hbm>>, %arg5: memref<125x80xi32, #tpu.memory_space<vmem>>, %arg6: memref<80x128xf32, #tpu.memory_space<vmem>>, %arg7: memref<80x128xf32, #tpu.memory_space<vmem>>, %arg8: memref<80x128xf32, #tpu.memory_space<vmem>>, %arg9: memref<80x128xf32, #tpu.memory_space<vmem>>, %arg10: memref<!tpu.dma_semaphore, #tpu.memory_space<semaphore_mem>>, %arg11: memref<!tpu.dma_semaphore, #tpu.memory_space<semaphore_mem>>, %arg12: memref<!tpu.dma_semaphore, #tpu.memory_space<semaphore_mem>>, %arg13: memref<!tpu.dma_semaphore, #tpu.memory_space<semaphore_mem>>, %arg14: memref<!tpu.dma_semaphore, #tpu.memory_space<semaphore_mem>>, %arg15: memref<!tpu.dma_semaphore, #tpu.memory_space<semaphore_mem>>, %arg16: memref<!tpu.dma_semaphore, #tpu.memory_space<semaphore_mem>>, %arg17: memref<!tpu.dma_semaphore, #tpu.memory_space<semaphore_mem>>) attributes {dimension_semantics = [#tpu.dimension_semantics<core_parallel>, #tpu.dimension_semantics<subcore_parallel>], iteration_bounds = array<i64: 2, 16>, scalar_prefetch = 0 : i64, scratch_operands = 13 : i64, tpu.core_type = #tpu.core_type<sc_vector_subcore>, window_params = [{transform_indices = #map}, {transform_indices = #map1}, {transform_indices = #map}]} {
    %mul3A = arith.constant 16 : i32
    %mul3A_0 = arith.muli %arg0, %mul3A : i32
    %add3A = arith.addi %mul3A_0, %arg1 : i32
    %mul3A_1 = arith.constant 10000 : i32
    %mul3A_2 = arith.muli %add3A, %mul3A_1 : i32
    "tpu.region"() ({
      %run_scoped3A = tpu.sem_alloc : memref<!tpu.dma_semaphore, #tpu.memory_space<semaphore_mem>>
      %dma_start3A_57 = arith.constant 0 : i32
      %dma_start3A_58 = arith.constant 0 : i32
      %dma_start3A_59 = tpu.memref_slice %arg3[%add3A, %dma_start3A_57, %dma_start3A_58] : memref<32x125x80xi32, #tpu.memory_space<hbm>> -> memref<1x125x80xi32, #tpu.memory_space<hbm>>
      %dma_start3A_60 = tpu.memref_squeeze %dma_start3A_59 : memref<1x125x80xi32, #tpu.memory_space<hbm>> -> memref<125x80xi32, #tpu.memory_space<hbm>>
      %dma_start3A_61 = arith.constant 0 : i32
      %dma_start3A_62 = arith.constant 0 : i32
      %dma_start3A_63 = tpu.memref_slice %arg3[%add3A, %dma_start3A_61, %dma_start3A_62] : memref<32x125x80xi32, #tpu.memory_space<hbm>> -> memref<1x125x80xi32, #tpu.memory_space<hbm>>
      %dma_start3A_64 = tpu.memref_squeeze %dma_start3A_63 : memref<1x125x80xi32, #tpu.memory_space<hbm>> -> memref<125x80xi32, #tpu.memory_space<hbm>>
      tpu.enqueue_dma source(%dma_start3A_64 : memref<125x80xi32, #tpu.memory_space<hbm>>) target(%arg5 : memref<125x80xi32, #tpu.memory_space<vmem>>) target_semaphore(%run_scoped3A : memref<!tpu.dma_semaphore, #tpu.memory_space<semaphore_mem>>)
      %dma_wait3A_65 = arith.constant 0 : i32
      %dma_wait3A_66 = arith.constant 0 : i32
      %dma_wait3A_67 = tpu.memref_slice %arg3[%add3A, %dma_wait3A_65, %dma_wait3A_66] : memref<32x125x80xi32, #tpu.memory_space<hbm>> -> memref<1x125x80xi32, #tpu.memory_space<hbm>>
      %dma_wait3A_68 = tpu.memref_squeeze %dma_wait3A_67 : memref<1x125x80xi32, #tpu.memory_space<hbm>> -> memref<125x80xi32, #tpu.memory_space<hbm>>
      %dma_wait3A_69 = arith.constant 0 : i32
      %dma_wait3A_70 = arith.constant 0 : i32
      %dma_wait3A_71 = tpu.memref_slice %arg3[%add3A, %dma_wait3A_69, %dma_wait3A_70] : memref<32x125x80xi32, #tpu.memory_space<hbm>> -> memref<1x125x80xi32, #tpu.memory_space<hbm>>
      %dma_wait3A_72 = tpu.memref_squeeze %dma_wait3A_71 : memref<1x125x80xi32, #tpu.memory_space<hbm>> -> memref<125x80xi32, #tpu.memory_space<hbm>>
      tpu.wait_dma2 semaphore(%run_scoped3A : memref<!tpu.dma_semaphore, #tpu.memory_space<semaphore_mem>>) src(%dma_wait3A_72 : memref<125x80xi32, #tpu.memory_space<hbm>>) dst(%arg5 : memref<125x80xi32, #tpu.memory_space<vmem>>)
      tpu.yield
    }) : () -> ()
    %dma_start3A = arith.constant 0 : i32
    %dma_start3A_3 = arith.constant 0 : i32
    %dma_start3A_4 = tpu.memref_slice %arg5[%dma_start3A, %dma_start3A_3] : memref<125x80xi32, #tpu.memory_space<vmem>> -> memref<1x80xi32, #tpu.memory_space<vmem>>
    %dma_start3A_5 = tpu.memref_squeeze %dma_start3A_4 : memref<1x80xi32, #tpu.memory_space<vmem>> -> memref<80xi32, #tpu.memory_space<vmem>>
    %dma_start3A_6 = arith.constant 0 : i32
    %dma_start3A_7 = arith.constant 0 : i32
    %dma_start3A_8 = tpu.memref_slice %arg2[%dma_start3A_6, %dma_start3A_7] : memref<10000x128xf32, #tpu.memory_space<hbm>> -> memref<10000x128xf32, #tpu.memory_space<hbm>>
    tpu.enqueue_indirect_dma source(%dma_start3A_8 : memref<10000x128xf32, #tpu.memory_space<hbm>>) target(%arg6 : memref<80x128xf32, #tpu.memory_space<vmem>>) offsets(%dma_start3A_5 : memref<80xi32, #tpu.memory_space<vmem>>) semaphore(%arg10 : memref<!tpu.dma_semaphore, #tpu.memory_space<semaphore_mem>>)
    %dma_start3A_9 = arith.constant 1 : i32
    %dma_start3A_10 = arith.constant 0 : i32
    %dma_start3A_11 = tpu.memref_slice %arg5[%dma_start3A_9, %dma_start3A_10] : memref<125x80xi32, #tpu.memory_space<vmem>> -> memref<1x80xi32, #tpu.memory_space<vmem>>
    %dma_start3A_12 = tpu.memref_squeeze %dma_start3A_11 : memref<1x80xi32, #tpu.memory_space<vmem>> -> memref<80xi32, #tpu.memory_space<vmem>>
    %dma_start3A_13 = arith.constant 0 : i32
    %dma_start3A_14 = arith.constant 0 : i32
    %dma_start3A_15 = tpu.memref_slice %arg2[%dma_start3A_13, %dma_start3A_14] : memref<10000x128xf32, #tpu.memory_space<hbm>> -> memref<10000x128xf32, #tpu.memory_space<hbm>>
    tpu.enqueue_indirect_dma source(%dma_start3A_15 : memref<10000x128xf32, #tpu.memory_space<hbm>>) target(%arg7 : memref<80x128xf32, #tpu.memory_space<vmem>>) offsets(%dma_start3A_12 : memref<80xi32, #tpu.memory_space<vmem>>) semaphore(%arg11 : memref<!tpu.dma_semaphore, #tpu.memory_space<semaphore_mem>>)
    %dma_start3A_16 = arith.constant 2 : i32
    %dma_start3A_17 = arith.constant 0 : i32
    %dma_start3A_18 = tpu.memref_slice %arg5[%dma_start3A_16, %dma_start3A_17] : memref<125x80xi32, #tpu.memory_space<vmem>> -> memref<1x80xi32, #tpu.memory_space<vmem>>
    %dma_start3A_19 = tpu.memref_squeeze %dma_start3A_18 : memref<1x80xi32, #tpu.memory_space<vmem>> -> memref<80xi32, #tpu.memory_space<vmem>>
    %dma_start3A_20 = arith.constant 0 : i32
    %dma_start3A_21 = arith.constant 0 : i32
    %dma_start3A_22 = tpu.memref_slice %arg2[%dma_start3A_20, %dma_start3A_21] : memref<10000x128xf32, #tpu.memory_space<hbm>> -> memref<10000x128xf32, #tpu.memory_space<hbm>>
    tpu.enqueue_indirect_dma source(%dma_start3A_22 : memref<10000x128xf32, #tpu.memory_space<hbm>>) target(%arg8 : memref<80x128xf32, #tpu.memory_space<vmem>>) offsets(%dma_start3A_19 : memref<80xi32, #tpu.memory_space<vmem>>) semaphore(%arg12 : memref<!tpu.dma_semaphore, #tpu.memory_space<semaphore_mem>>)
    %dma_start3A_23 = arith.constant 3 : i32
    %dma_start3A_24 = arith.constant 0 : i32
    %dma_start3A_25 = tpu.memref_slice %arg5[%dma_start3A_23, %dma_start3A_24] : memref<125x80xi32, #tpu.memory_space<vmem>> -> memref<1x80xi32, #tpu.memory_space<vmem>>
    %dma_start3A_26 = tpu.memref_squeeze %dma_start3A_25 : memref<1x80xi32, #tpu.memory_space<vmem>> -> memref<80xi32, #tpu.memory_space<vmem>>
    %dma_start3A_27 = arith.constant 0 : i32
    %dma_start3A_28 = arith.constant 0 : i32
    %dma_start3A_29 = tpu.memref_slice %arg2[%dma_start3A_27, %dma_start3A_28] : memref<10000x128xf32, #tpu.memory_space<hbm>> -> memref<10000x128xf32, #tpu.memory_space<hbm>>
    tpu.enqueue_indirect_dma source(%dma_start3A_29 : memref<10000x128xf32, #tpu.memory_space<hbm>>) target(%arg9 : memref<80x128xf32, #tpu.memory_space<vmem>>) offsets(%dma_start3A_26 : memref<80xi32, #tpu.memory_space<vmem>>) semaphore(%arg13 : memref<!tpu.dma_semaphore, #tpu.memory_space<semaphore_mem>>)
    %scan3A = arith.constant 0 : i32
    %scan3A_30 = arith.constant 32 : i32
    %scan3A_31 = arith.addi %scan3A, %scan3A_30 : i32
    %scan3A_32 = arith.constant 1 : i32
    scf.for %scan3A_57 = %scan3A to %scan3A_31 step %scan3A_32  : i32 {
      %mul3A_58 = arith.constant 4 : i32
      %mul3A_59 = arith.muli %mul3A_58, %scan3A_57 : i32
      %add3A_60 = arith.constant 0 : i32
      %add3A_61 = arith.addi %mul3A_59, %add3A_60 : i32
      %lt3A = arith.constant 125 : i32
      %lt3A_62 = arith.cmpi slt, %add3A_61, %lt3A : i32
      %convert_element_type3A = arith.extui %lt3A_62 : i1 to i32
      %cond3A = arith.constant 0 : i32
      %cond3A_63 = arith.cmpi ne, %convert_element_type3A, %cond3A : i32
      scf.if %cond3A_63 {
        %dma_wait3A_119 = arith.constant 0 : i32
        %dma_wait3A_120 = arith.constant 0 : i32
        %dma_wait3A_121 = tpu.memref_slice %arg5[%dma_wait3A_119, %dma_wait3A_120] : memref<125x80xi32, #tpu.memory_space<vmem>> -> memref<1x80xi32, #tpu.memory_space<vmem>>
        %dma_wait3A_122 = tpu.memref_squeeze %dma_wait3A_121 : memref<1x80xi32, #tpu.memory_space<vmem>> -> memref<80xi32, #tpu.memory_space<vmem>>
        %dma_wait3A_123 = arith.constant 0 : i32
        %dma_wait3A_124 = arith.constant 0 : i32
        %dma_wait3A_125 = tpu.memref_slice %arg2[%dma_wait3A_123, %dma_wait3A_124] : memref<10000x128xf32, #tpu.memory_space<hbm>> -> memref<10000x128xf32, #tpu.memory_space<hbm>>
        tpu.wait_indirect_dma semaphore(%arg10 : memref<!tpu.dma_semaphore, #tpu.memory_space<semaphore_mem>>) src(%dma_wait3A_125 : memref<10000x128xf32, #tpu.memory_space<hbm>>) dst(%arg6 : memref<80x128xf32, #tpu.memory_space<vmem>>)
        %mul3A_126 = arith.constant 80 : i32
        %mul3A_127 = arith.muli %add3A_61, %mul3A_126 : i32
        %add3A_128 = arith.addi %mul3A_2, %mul3A_127 : i32
        %dma_start3A_129 = arith.constant 0 : i32
        %dma_start3A_130 = tpu.memref_slice %arg4[%add3A_128, %dma_start3A_129] : memref<320000x128xf32, #tpu.memory_space<hbm>> -> memref<80x128xf32, #tpu.memory_space<hbm>>
        %dma_start3A_131 = arith.constant 0 : i32
        %dma_start3A_132 = tpu.memref_slice %arg4[%add3A_128, %dma_start3A_131] : memref<320000x128xf32, #tpu.memory_space<hbm>> -> memref<80x128xf32, #tpu.memory_space<hbm>>
        tpu.enqueue_dma source(%arg6 : memref<80x128xf32, #tpu.memory_space<vmem>>) target(%dma_start3A_132 : memref<80x128xf32, #tpu.memory_space<hbm>>) target_semaphore(%arg14 : memref<!tpu.dma_semaphore, #tpu.memory_space<semaphore_mem>>)
      } else {
      }
      %add3A_64 = arith.constant 4 : i32
      %add3A_65 = arith.addi %add3A_61, %add3A_64 : i32
      %lt3A_66 = arith.constant 125 : i32
      %lt3A_67 = arith.cmpi slt, %add3A_65, %lt3A_66 : i32
      %convert_element_type3A_68 = arith.extui %lt3A_67 : i1 to i32
      %cond3A_69 = arith.constant 0 : i32
      %cond3A_70 = arith.cmpi ne, %convert_element_type3A_68, %cond3A_69 : i32
      scf.if %cond3A_70 {
        %dma_wait3A_119 = arith.constant 0 : i32
        %dma_wait3A_120 = arith.constant 0 : i32
        %dma_wait3A_121 = tpu.memref_slice %arg4[%dma_wait3A_119, %dma_wait3A_120] : memref<320000x128xf32, #tpu.memory_space<hbm>> -> memref<80x128xf32, #tpu.memory_space<hbm>>
        %dma_wait3A_122 = arith.constant 0 : i32
        %dma_wait3A_123 = arith.constant 0 : i32
        %dma_wait3A_124 = tpu.memref_slice %arg4[%dma_wait3A_122, %dma_wait3A_123] : memref<320000x128xf32, #tpu.memory_space<hbm>> -> memref<80x128xf32, #tpu.memory_space<hbm>>
        tpu.wait_dma2 semaphore(%arg14 : memref<!tpu.dma_semaphore, #tpu.memory_space<semaphore_mem>>) src(%arg6 : memref<80x128xf32, #tpu.memory_space<vmem>>) dst(%dma_wait3A_124 : memref<80x128xf32, #tpu.memory_space<hbm>>)
        %add3A_125 = arith.constant 4 : i32
        %add3A_126 = arith.addi %add3A_61, %add3A_125 : i32
        %dma_start3A_127 = arith.constant 0 : i32
        %dma_start3A_128 = tpu.memref_slice %arg5[%add3A_126, %dma_start3A_127] : memref<125x80xi32, #tpu.memory_space<vmem>> -> memref<1x80xi32, #tpu.memory_space<vmem>>
        %dma_start3A_129 = tpu.memref_squeeze %dma_start3A_128 : memref<1x80xi32, #tpu.memory_space<vmem>> -> memref<80xi32, #tpu.memory_space<vmem>>
        %dma_start3A_130 = arith.constant 0 : i32
        %dma_start3A_131 = arith.constant 0 : i32
        %dma_start3A_132 = tpu.memref_slice %arg2[%dma_start3A_130, %dma_start3A_131] : memref<10000x128xf32, #tpu.memory_space<hbm>> -> memref<10000x128xf32, #tpu.memory_space<hbm>>
        tpu.enqueue_indirect_dma source(%dma_start3A_132 : memref<10000x128xf32, #tpu.memory_space<hbm>>) target(%arg6 : memref<80x128xf32, #tpu.memory_space<vmem>>) offsets(%dma_start3A_129 : memref<80xi32, #tpu.memory_space<vmem>>) semaphore(%arg10 : memref<!tpu.dma_semaphore, #tpu.memory_space<semaphore_mem>>)
      } else {
      }
      %mul3A_71 = arith.constant 4 : i32
      %mul3A_72 = arith.muli %mul3A_71, %scan3A_57 : i32
      %add3A_73 = arith.constant 1 : i32
      %add3A_74 = arith.addi %mul3A_72, %add3A_73 : i32
      %lt3A_75 = arith.constant 125 : i32
      %lt3A_76 = arith.cmpi slt, %add3A_74, %lt3A_75 : i32
      %convert_element_type3A_77 = arith.extui %lt3A_76 : i1 to i32
      %cond3A_78 = arith.constant 0 : i32
      %cond3A_79 = arith.cmpi ne, %convert_element_type3A_77, %cond3A_78 : i32
      scf.if %cond3A_79 {
        %dma_wait3A_119 = arith.constant 0 : i32
        %dma_wait3A_120 = arith.constant 0 : i32
        %dma_wait3A_121 = tpu.memref_slice %arg5[%dma_wait3A_119, %dma_wait3A_120] : memref<125x80xi32, #tpu.memory_space<vmem>> -> memref<1x80xi32, #tpu.memory_space<vmem>>
        %dma_wait3A_122 = tpu.memref_squeeze %dma_wait3A_121 : memref<1x80xi32, #tpu.memory_space<vmem>> -> memref<80xi32, #tpu.memory_space<vmem>>
        %dma_wait3A_123 = arith.constant 0 : i32
        %dma_wait3A_124 = arith.constant 0 : i32
        %dma_wait3A_125 = tpu.memref_slice %arg2[%dma_wait3A_123, %dma_wait3A_124] : memref<10000x128xf32, #tpu.memory_space<hbm>> -> memref<10000x128xf32, #tpu.memory_space<hbm>>
        tpu.wait_indirect_dma semaphore(%arg11 : memref<!tpu.dma_semaphore, #tpu.memory_space<semaphore_mem>>) src(%dma_wait3A_125 : memref<10000x128xf32, #tpu.memory_space<hbm>>) dst(%arg7 : memref<80x128xf32, #tpu.memory_space<vmem>>)
        %mul3A_126 = arith.constant 80 : i32
        %mul3A_127 = arith.muli %add3A_74, %mul3A_126 : i32
        %add3A_128 = arith.addi %mul3A_2, %mul3A_127 : i32
        %dma_start3A_129 = arith.constant 0 : i32
        %dma_start3A_130 = tpu.memref_slice %arg4[%add3A_128, %dma_start3A_129] : memref<320000x128xf32, #tpu.memory_space<hbm>> -> memref<80x128xf32, #tpu.memory_space<hbm>>
        %dma_start3A_131 = arith.constant 0 : i32
        %dma_start3A_132 = tpu.memref_slice %arg4[%add3A_128, %dma_start3A_131] : memref<320000x128xf32, #tpu.memory_space<hbm>> -> memref<80x128xf32, #tpu.memory_space<hbm>>
        tpu.enqueue_dma source(%arg7 : memref<80x128xf32, #tpu.memory_space<vmem>>) target(%dma_start3A_132 : memref<80x128xf32, #tpu.memory_space<hbm>>) target_semaphore(%arg15 : memref<!tpu.dma_semaphore, #tpu.memory_space<semaphore_mem>>)
      } else {
      }
      %add3A_80 = arith.constant 4 : i32
      %add3A_81 = arith.addi %add3A_74, %add3A_80 : i32
      %lt3A_82 = arith.constant 125 : i32
      %lt3A_83 = arith.cmpi slt, %add3A_81, %lt3A_82 : i32
      %convert_element_type3A_84 = arith.extui %lt3A_83 : i1 to i32
      %cond3A_85 = arith.constant 0 : i32
      %cond3A_86 = arith.cmpi ne, %convert_element_type3A_84, %cond3A_85 : i32
      scf.if %cond3A_86 {
        %dma_wait3A_119 = arith.constant 0 : i32
        %dma_wait3A_120 = arith.constant 0 : i32
        %dma_wait3A_121 = tpu.memref_slice %arg4[%dma_wait3A_119, %dma_wait3A_120] : memref<320000x128xf32, #tpu.memory_space<hbm>> -> memref<80x128xf32, #tpu.memory_space<hbm>>
        %dma_wait3A_122 = arith.constant 0 : i32
        %dma_wait3A_123 = arith.constant 0 : i32
        %dma_wait3A_124 = tpu.memref_slice %arg4[%dma_wait3A_122, %dma_wait3A_123] : memref<320000x128xf32, #tpu.memory_space<hbm>> -> memref<80x128xf32, #tpu.memory_space<hbm>>
        tpu.wait_dma2 semaphore(%arg15 : memref<!tpu.dma_semaphore, #tpu.memory_space<semaphore_mem>>) src(%arg7 : memref<80x128xf32, #tpu.memory_space<vmem>>) dst(%dma_wait3A_124 : memref<80x128xf32, #tpu.memory_space<hbm>>)
        %add3A_125 = arith.constant 4 : i32
        %add3A_126 = arith.addi %add3A_74, %add3A_125 : i32
        %dma_start3A_127 = arith.constant 0 : i32
        %dma_start3A_128 = tpu.memref_slice %arg5[%add3A_126, %dma_start3A_127] : memref<125x80xi32, #tpu.memory_space<vmem>> -> memref<1x80xi32, #tpu.memory_space<vmem>>
        %dma_start3A_129 = tpu.memref_squeeze %dma_start3A_128 : memref<1x80xi32, #tpu.memory_space<vmem>> -> memref<80xi32, #tpu.memory_space<vmem>>
        %dma_start3A_130 = arith.constant 0 : i32
        %dma_start3A_131 = arith.constant 0 : i32
        %dma_start3A_132 = tpu.memref_slice %arg2[%dma_start3A_130, %dma_start3A_131] : memref<10000x128xf32, #tpu.memory_space<hbm>> -> memref<10000x128xf32, #tpu.memory_space<hbm>>
        tpu.enqueue_indirect_dma source(%dma_start3A_132 : memref<10000x128xf32, #tpu.memory_space<hbm>>) target(%arg7 : memref<80x128xf32, #tpu.memory_space<vmem>>) offsets(%dma_start3A_129 : memref<80xi32, #tpu.memory_space<vmem>>) semaphore(%arg11 : memref<!tpu.dma_semaphore, #tpu.memory_space<semaphore_mem>>)
      } else {
      }
      %mul3A_87 = arith.constant 4 : i32
      %mul3A_88 = arith.muli %mul3A_87, %scan3A_57 : i32
      %add3A_89 = arith.constant 2 : i32
      %add3A_90 = arith.addi %mul3A_88, %add3A_89 : i32
      %lt3A_91 = arith.constant 125 : i32
      %lt3A_92 = arith.cmpi slt, %add3A_90, %lt3A_91 : i32
      %convert_element_type3A_93 = arith.extui %lt3A_92 : i1 to i32
      %cond3A_94 = arith.constant 0 : i32
      %cond3A_95 = arith.cmpi ne, %convert_element_type3A_93, %cond3A_94 : i32
      scf.if %cond3A_95 {
        %dma_wait3A_119 = arith.constant 0 : i32
        %dma_wait3A_120 = arith.constant 0 : i32
        %dma_wait3A_121 = tpu.memref_slice %arg5[%dma_wait3A_119, %dma_wait3A_120] : memref<125x80xi32, #tpu.memory_space<vmem>> -> memref<1x80xi32, #tpu.memory_space<vmem>>
        %dma_wait3A_122 = tpu.memref_squeeze %dma_wait3A_121 : memref<1x80xi32, #tpu.memory_space<vmem>> -> memref<80xi32, #tpu.memory_space<vmem>>
        %dma_wait3A_123 = arith.constant 0 : i32
        %dma_wait3A_124 = arith.constant 0 : i32
        %dma_wait3A_125 = tpu.memref_slice %arg2[%dma_wait3A_123, %dma_wait3A_124] : memref<10000x128xf32, #tpu.memory_space<hbm>> -> memref<10000x128xf32, #tpu.memory_space<hbm>>
        tpu.wait_indirect_dma semaphore(%arg12 : memref<!tpu.dma_semaphore, #tpu.memory_space<semaphore_mem>>) src(%dma_wait3A_125 : memref<10000x128xf32, #tpu.memory_space<hbm>>) dst(%arg8 : memref<80x128xf32, #tpu.memory_space<vmem>>)
        %mul3A_126 = arith.constant 80 : i32
        %mul3A_127 = arith.muli %add3A_90, %mul3A_126 : i32
        %add3A_128 = arith.addi %mul3A_2, %mul3A_127 : i32
        %dma_start3A_129 = arith.constant 0 : i32
        %dma_start3A_130 = tpu.memref_slice %arg4[%add3A_128, %dma_start3A_129] : memref<320000x128xf32, #tpu.memory_space<hbm>> -> memref<80x128xf32, #tpu.memory_space<hbm>>
        %dma_start3A_131 = arith.constant 0 : i32
        %dma_start3A_132 = tpu.memref_slice %arg4[%add3A_128, %dma_start3A_131] : memref<320000x128xf32, #tpu.memory_space<hbm>> -> memref<80x128xf32, #tpu.memory_space<hbm>>
        tpu.enqueue_dma source(%arg8 : memref<80x128xf32, #tpu.memory_space<vmem>>) target(%dma_start3A_132 : memref<80x128xf32, #tpu.memory_space<hbm>>) target_semaphore(%arg16 : memref<!tpu.dma_semaphore, #tpu.memory_space<semaphore_mem>>)
      } else {
      }
      %add3A_96 = arith.constant 4 : i32
      %add3A_97 = arith.addi %add3A_90, %add3A_96 : i32
      %lt3A_98 = arith.constant 125 : i32
      %lt3A_99 = arith.cmpi slt, %add3A_97, %lt3A_98 : i32
      %convert_element_type3A_100 = arith.extui %lt3A_99 : i1 to i32
      %cond3A_101 = arith.constant 0 : i32
      %cond3A_102 = arith.cmpi ne, %convert_element_type3A_100, %cond3A_101 : i32
      scf.if %cond3A_102 {
        %dma_wait3A_119 = arith.constant 0 : i32
        %dma_wait3A_120 = arith.constant 0 : i32
        %dma_wait3A_121 = tpu.memref_slice %arg4[%dma_wait3A_119, %dma_wait3A_120] : memref<320000x128xf32, #tpu.memory_space<hbm>> -> memref<80x128xf32, #tpu.memory_space<hbm>>
        %dma_wait3A_122 = arith.constant 0 : i32
        %dma_wait3A_123 = arith.constant 0 : i32
        %dma_wait3A_124 = tpu.memref_slice %arg4[%dma_wait3A_122, %dma_wait3A_123] : memref<320000x128xf32, #tpu.memory_space<hbm>> -> memref<80x128xf32, #tpu.memory_space<hbm>>
        tpu.wait_dma2 semaphore(%arg16 : memref<!tpu.dma_semaphore, #tpu.memory_space<semaphore_mem>>) src(%arg8 : memref<80x128xf32, #tpu.memory_space<vmem>>) dst(%dma_wait3A_124 : memref<80x128xf32, #tpu.memory_space<hbm>>)
        %add3A_125 = arith.constant 4 : i32
        %add3A_126 = arith.addi %add3A_90, %add3A_125 : i32
        %dma_start3A_127 = arith.constant 0 : i32
        %dma_start3A_128 = tpu.memref_slice %arg5[%add3A_126, %dma_start3A_127] : memref<125x80xi32, #tpu.memory_space<vmem>> -> memref<1x80xi32, #tpu.memory_space<vmem>>
        %dma_start3A_129 = tpu.memref_squeeze %dma_start3A_128 : memref<1x80xi32, #tpu.memory_space<vmem>> -> memref<80xi32, #tpu.memory_space<vmem>>
        %dma_start3A_130 = arith.constant 0 : i32
        %dma_start3A_131 = arith.constant 0 : i32
        %dma_start3A_132 = tpu.memref_slice %arg2[%dma_start3A_130, %dma_start3A_131] : memref<10000x128xf32, #tpu.memory_space<hbm>> -> memref<10000x128xf32, #tpu.memory_space<hbm>>
        tpu.enqueue_indirect_dma source(%dma_start3A_132 : memref<10000x128xf32, #tpu.memory_space<hbm>>) target(%arg8 : memref<80x128xf32, #tpu.memory_space<vmem>>) offsets(%dma_start3A_129 : memref<80xi32, #tpu.memory_space<vmem>>) semaphore(%arg12 : memref<!tpu.dma_semaphore, #tpu.memory_space<semaphore_mem>>)
      } else {
      }
      %mul3A_103 = arith.constant 4 : i32
      %mul3A_104 = arith.muli %mul3A_103, %scan3A_57 : i32
      %add3A_105 = arith.constant 3 : i32
      %add3A_106 = arith.addi %mul3A_104, %add3A_105 : i32
      %lt3A_107 = arith.constant 125 : i32
      %lt3A_108 = arith.cmpi slt, %add3A_106, %lt3A_107 : i32
      %convert_element_type3A_109 = arith.extui %lt3A_108 : i1 to i32
      %cond3A_110 = arith.constant 0 : i32
      %cond3A_111 = arith.cmpi ne, %convert_element_type3A_109, %cond3A_110 : i32
      scf.if %cond3A_111 {
        %dma_wait3A_119 = arith.constant 0 : i32
        %dma_wait3A_120 = arith.constant 0 : i32
        %dma_wait3A_121 = tpu.memref_slice %arg5[%dma_wait3A_119, %dma_wait3A_120] : memref<125x80xi32, #tpu.memory_space<vmem>> -> memref<1x80xi32, #tpu.memory_space<vmem>>
        %dma_wait3A_122 = tpu.memref_squeeze %dma_wait3A_121 : memref<1x80xi32, #tpu.memory_space<vmem>> -> memref<80xi32, #tpu.memory_space<vmem>>
        %dma_wait3A_123 = arith.constant 0 : i32
        %dma_wait3A_124 = arith.constant 0 : i32
        %dma_wait3A_125 = tpu.memref_slice %arg2[%dma_wait3A_123, %dma_wait3A_124] : memref<10000x128xf32, #tpu.memory_space<hbm>> -> memref<10000x128xf32, #tpu.memory_space<hbm>>
        tpu.wait_indirect_dma semaphore(%arg13 : memref<!tpu.dma_semaphore, #tpu.memory_space<semaphore_mem>>) src(%dma_wait3A_125 : memref<10000x128xf32, #tpu.memory_space<hbm>>) dst(%arg9 : memref<80x128xf32, #tpu.memory_space<vmem>>)
        %mul3A_126 = arith.constant 80 : i32
        %mul3A_127 = arith.muli %add3A_106, %mul3A_126 : i32
        %add3A_128 = arith.addi %mul3A_2, %mul3A_127 : i32
        %dma_start3A_129 = arith.constant 0 : i32
        %dma_start3A_130 = tpu.memref_slice %arg4[%add3A_128, %dma_start3A_129] : memref<320000x128xf32, #tpu.memory_space<hbm>> -> memref<80x128xf32, #tpu.memory_space<hbm>>
        %dma_start3A_131 = arith.constant 0 : i32
        %dma_start3A_132 = tpu.memref_slice %arg4[%add3A_128, %dma_start3A_131] : memref<320000x128xf32, #tpu.memory_space<hbm>> -> memref<80x128xf32, #tpu.memory_space<hbm>>
        tpu.enqueue_dma source(%arg9 : memref<80x128xf32, #tpu.memory_space<vmem>>) target(%dma_start3A_132 : memref<80x128xf32, #tpu.memory_space<hbm>>) target_semaphore(%arg17 : memref<!tpu.dma_semaphore, #tpu.memory_space<semaphore_mem>>)
      } else {
      }
      %add3A_112 = arith.constant 4 : i32
      %add3A_113 = arith.addi %add3A_106, %add3A_112 : i32
      %lt3A_114 = arith.constant 125 : i32
      %lt3A_115 = arith.cmpi slt, %add3A_113, %lt3A_114 : i32
      %convert_element_type3A_116 = arith.extui %lt3A_115 : i1 to i32
      %cond3A_117 = arith.constant 0 : i32
      %cond3A_118 = arith.cmpi ne, %convert_element_type3A_116, %cond3A_117 : i32
      scf.if %cond3A_118 {
        %dma_wait3A_119 = arith.constant 0 : i32
        %dma_wait3A_120 = arith.constant 0 : i32
        %dma_wait3A_121 = tpu.memref_slice %arg4[%dma_wait3A_119, %dma_wait3A_120] : memref<320000x128xf32, #tpu.memory_space<hbm>> -> memref<80x128xf32, #tpu.memory_space<hbm>>
        %dma_wait3A_122 = arith.constant 0 : i32
        %dma_wait3A_123 = arith.constant 0 : i32
        %dma_wait3A_124 = tpu.memref_slice %arg4[%dma_wait3A_122, %dma_wait3A_123] : memref<320000x128xf32, #tpu.memory_space<hbm>> -> memref<80x128xf32, #tpu.memory_space<hbm>>
        tpu.wait_dma2 semaphore(%arg17 : memref<!tpu.dma_semaphore, #tpu.memory_space<semaphore_mem>>) src(%arg9 : memref<80x128xf32, #tpu.memory_space<vmem>>) dst(%dma_wait3A_124 : memref<80x128xf32, #tpu.memory_space<hbm>>)
        %add3A_125 = arith.constant 4 : i32
        %add3A_126 = arith.addi %add3A_106, %add3A_125 : i32
        %dma_start3A_127 = arith.constant 0 : i32
        %dma_start3A_128 = tpu.memref_slice %arg5[%add3A_126, %dma_start3A_127] : memref<125x80xi32, #tpu.memory_space<vmem>> -> memref<1x80xi32, #tpu.memory_space<vmem>>
        %dma_start3A_129 = tpu.memref_squeeze %dma_start3A_128 : memref<1x80xi32, #tpu.memory_space<vmem>> -> memref<80xi32, #tpu.memory_space<vmem>>
        %dma_start3A_130 = arith.constant 0 : i32
        %dma_start3A_131 = arith.constant 0 : i32
        %dma_start3A_132 = tpu.memref_slice %arg2[%dma_start3A_130, %dma_start3A_131] : memref<10000x128xf32, #tpu.memory_space<hbm>> -> memref<10000x128xf32, #tpu.memory_space<hbm>>
        tpu.enqueue_indirect_dma source(%dma_start3A_132 : memref<10000x128xf32, #tpu.memory_space<hbm>>) target(%arg9 : memref<80x128xf32, #tpu.memory_space<vmem>>) offsets(%dma_start3A_129 : memref<80xi32, #tpu.memory_space<vmem>>) semaphore(%arg13 : memref<!tpu.dma_semaphore, #tpu.memory_space<semaphore_mem>>)
      } else {
      }
    }
    %scan3A_33 = arith.constant 32 : i32
    %dma_wait3A = arith.constant 0 : i32
    %dma_wait3A_34 = arith.constant 0 : i32
    %dma_wait3A_35 = tpu.memref_slice %arg4[%dma_wait3A, %dma_wait3A_34] : memref<320000x128xf32, #tpu.memory_space<hbm>> -> memref<80x128xf32, #tpu.memory_space<hbm>>
    %dma_wait3A_36 = arith.constant 0 : i32
    %dma_wait3A_37 = arith.constant 0 : i32
    %dma_wait3A_38 = tpu.memref_slice %arg4[%dma_wait3A_36, %dma_wait3A_37] : memref<320000x128xf32, #tpu.memory_space<hbm>> -> memref<80x128xf32, #tpu.memory_space<hbm>>
    tpu.wait_dma2 semaphore(%arg14 : memref<!tpu.dma_semaphore, #tpu.memory_space<semaphore_mem>>) src(%arg6 : memref<80x128xf32, #tpu.memory_space<vmem>>) dst(%dma_wait3A_38 : memref<80x128xf32, #tpu.memory_space<hbm>>)
    %dma_wait3A_39 = arith.constant 0 : i32
    %dma_wait3A_40 = arith.constant 0 : i32
    %dma_wait3A_41 = tpu.memref_slice %arg4[%dma_wait3A_39, %dma_wait3A_40] : memref<320000x128xf32, #tpu.memory_space<hbm>> -> memref<80x128xf32, #tpu.memory_space<hbm>>
    %dma_wait3A_42 = arith.constant 0 : i32
    %dma_wait3A_43 = arith.constant 0 : i32
    %dma_wait3A_44 = tpu.memref_slice %arg4[%dma_wait3A_42, %dma_wait3A_43] : memref<320000x128xf32, #tpu.memory_space<hbm>> -> memref<80x128xf32, #tpu.memory_space<hbm>>
    tpu.wait_dma2 semaphore(%arg15 : memref<!tpu.dma_semaphore, #tpu.memory_space<semaphore_mem>>) src(%arg7 : memref<80x128xf32, #tpu.memory_space<vmem>>) dst(%dma_wait3A_44 : memref<80x128xf32, #tpu.memory_space<hbm>>)
    %dma_wait3A_45 = arith.constant 0 : i32
    %dma_wait3A_46 = arith.constant 0 : i32
    %dma_wait3A_47 = tpu.memref_slice %arg4[%dma_wait3A_45, %dma_wait3A_46] : memref<320000x128xf32, #tpu.memory_space<hbm>> -> memref<80x128xf32, #tpu.memory_space<hbm>>
    %dma_wait3A_48 = arith.constant 0 : i32
    %dma_wait3A_49 = arith.constant 0 : i32
    %dma_wait3A_50 = tpu.memref_slice %arg4[%dma_wait3A_48, %dma_wait3A_49] : memref<320000x128xf32, #tpu.memory_space<hbm>> -> memref<80x128xf32, #tpu.memory_space<hbm>>
    tpu.wait_dma2 semaphore(%arg16 : memref<!tpu.dma_semaphore, #tpu.memory_space<semaphore_mem>>) src(%arg8 : memref<80x128xf32, #tpu.memory_space<vmem>>) dst(%dma_wait3A_50 : memref<80x128xf32, #tpu.memory_space<hbm>>)
    %dma_wait3A_51 = arith.constant 0 : i32
    %dma_wait3A_52 = arith.constant 0 : i32
    %dma_wait3A_53 = tpu.memref_slice %arg4[%dma_wait3A_51, %dma_wait3A_52] : memref<320000x128xf32, #tpu.memory_space<hbm>> -> memref<80x128xf32, #tpu.memory_space<hbm>>
    %dma_wait3A_54 = arith.constant 0 : i32
    %dma_wait3A_55 = arith.constant 0 : i32
    %dma_wait3A_56 = tpu.memref_slice %arg4[%dma_wait3A_54, %dma_wait3A_55] : memref<320000x128xf32, #tpu.memory_space<hbm>> -> memref<80x128xf32, #tpu.memory_space<hbm>>
    tpu.wait_dma2 semaphore(%arg17 : memref<!tpu.dma_semaphore, #tpu.memory_space<semaphore_mem>>) src(%arg9 : memref<80x128xf32, #tpu.memory_space<vmem>>) dst(%dma_wait3A_56 : memref<80x128xf32, #tpu.memory_space<hbm>>)
    return
  }
}

#map = affine_map<(d0, d1) -> (0, 0)>
#map1 = affine_map<(d0, d1) -> (0, 0, 0)>
module attributes {stable_mosaic.version = 14 : i64} {
  func.func @k(%arg0: i32, %arg1: i32, %arg2: memref<10000x128xf32, #tpu.memory_space<hbm>>, %arg3: memref<32x125x80xi32, #tpu.memory_space<hbm>>, %arg4: memref<320000x128xf32, #tpu.memory_space<hbm>>, %arg5: memref<125x80xi32, #tpu.memory_space<vmem>>, %arg6: memref<80x128xf32, #tpu.memory_space<vmem>>, %arg7: memref<80x128xf32, #tpu.memory_space<vmem>>, %arg8: memref<80x128xf32, #tpu.memory_space<vmem>>, %arg9: memref<80x128xf32, #tpu.memory_space<vmem>>, %arg10: memref<!tpu.dma_semaphore, #tpu.memory_space<semaphore_mem>>, %arg11: memref<!tpu.dma_semaphore, #tpu.memory_space<semaphore_mem>>, %arg12: memref<!tpu.dma_semaphore, #tpu.memory_space<semaphore_mem>>, %arg13: memref<!tpu.dma_semaphore, #tpu.memory_space<semaphore_mem>>, %arg14: memref<!tpu.dma_semaphore, #tpu.memory_space<semaphore_mem>>, %arg15: memref<!tpu.dma_semaphore, #tpu.memory_space<semaphore_mem>>, %arg16: memref<!tpu.dma_semaphore, #tpu.memory_space<semaphore_mem>>, %arg17: memref<!tpu.dma_semaphore, #tpu.memory_space<semaphore_mem>>) attributes {dimension_semantics = [#tpu.dimension_semantics<core_parallel>, #tpu.dimension_semantics<subcore_parallel>], iteration_bounds = array<i64: 2, 16>, scalar_prefetch = 0 : i64, scratch_operands = 13 : i64, tpu.core_type = #tpu.core_type<sc_vector_subcore>, window_params = [{transform_indices = #map}, {transform_indices = #map1}, {transform_indices = #map}]} {
    %mul3A = arith.constant 16 : i32
    %mul3A_0 = arith.muli %arg0, %mul3A : i32
    %add3A = arith.addi %mul3A_0, %arg1 : i32
    %mul3A_1 = arith.constant 10000 : i32
    %mul3A_2 = arith.muli %add3A, %mul3A_1 : i32
    "tpu.region"() ({
      %run_scoped3A = tpu.sem_alloc : memref<!tpu.dma_semaphore, #tpu.memory_space<semaphore_mem>>
      %dma_start3A_57 = arith.constant 0 : i32
      %dma_start3A_58 = arith.constant 0 : i32
      %dma_start3A_59 = tpu.memref_slice %arg3[%add3A, %dma_start3A_57, %dma_start3A_58] : memref<32x125x80xi32, #tpu.memory_space<hbm>> -> memref<1x125x80xi32, #tpu.memory_space<hbm>>
      %dma_start3A_60 = tpu.memref_squeeze %dma_start3A_59 : memref<1x125x80xi32, #tpu.memory_space<hbm>> -> memref<125x80xi32, #tpu.memory_space<hbm>>
      %dma_start3A_61 = arith.constant 0 : i32
      %dma_start3A_62 = arith.constant 0 : i32
      %dma_start3A_63 = tpu.memref_slice %arg3[%add3A, %dma_start3A_61, %dma_start3A_62] : memref<32x125x80xi32, #tpu.memory_space<hbm>> -> memref<1x125x80xi32, #tpu.memory_space<hbm>>
      %dma_start3A_64 = tpu.memref_squeeze %dma_start3A_63 : memref<1x125x80xi32, #tpu.memory_space<hbm>> -> memref<125x80xi32, #tpu.memory_space<hbm>>
      tpu.enqueue_dma source(%dma_start3A_64 : memref<125x80xi32, #tpu.memory_space<hbm>>) target(%arg5 : memref<125x80xi32, #tpu.memory_space<vmem>>) target_semaphore(%run_scoped3A : memref<!tpu.dma_semaphore, #tpu.memory_space<semaphore_mem>>)
      %dma_wait3A_65 = arith.constant 0 : i32
      %dma_wait3A_66 = arith.constant 0 : i32
      %dma_wait3A_67 = tpu.memref_slice %arg3[%add3A, %dma_wait3A_65, %dma_wait3A_66] : memref<32x125x80xi32, #tpu.memory_space<hbm>> -> memref<1x125x80xi32, #tpu.memory_space<hbm>>
      %dma_wait3A_68 = tpu.memref_squeeze %dma_wait3A_67 : memref<1x125x80xi32, #tpu.memory_space<hbm>> -> memref<125x80xi32, #tpu.memory_space<hbm>>
      %dma_wait3A_69 = arith.constant 0 : i32
      %dma_wait3A_70 = arith.constant 0 : i32
      %dma_wait3A_71 = tpu.memref_slice %arg3[%add3A, %dma_wait3A_69, %dma_wait3A_70] : memref<32x125x80xi32, #tpu.memory_space<hbm>> -> memref<1x125x80xi32, #tpu.memory_space<hbm>>
      %dma_wait3A_72 = tpu.memref_squeeze %dma_wait3A_71 : memref<1x125x80xi32, #tpu.memory_space<hbm>> -> memref<125x80xi32, #tpu.memory_space<hbm>>
      tpu.wait_dma2 semaphore(%run_scoped3A : memref<!tpu.dma_semaphore, #tpu.memory_space<semaphore_mem>>) src(%dma_wait3A_72 : memref<125x80xi32, #tpu.memory_space<hbm>>) dst(%arg5 : memref<125x80xi32, #tpu.memory_space<vmem>>)
      tpu.yield
    }) : () -> ()
    %dma_start3A = arith.constant 0 : i32
    %dma_start3A_3 = arith.constant 0 : i32
    %dma_start3A_4 = tpu.memref_slice %arg5[%dma_start3A, %dma_start3A_3] : memref<125x80xi32, #tpu.memory_space<vmem>> -> memref<1x80xi32, #tpu.memory_space<vmem>>
    %dma_start3A_5 = tpu.memref_squeeze %dma_start3A_4 : memref<1x80xi32, #tpu.memory_space<vmem>> -> memref<80xi32, #tpu.memory_space<vmem>>
    %dma_start3A_6 = arith.constant 0 : i32
    %dma_start3A_7 = arith.constant 0 : i32
    %dma_start3A_8 = tpu.memref_slice %arg2[%dma_start3A_6, %dma_start3A_7] : memref<10000x128xf32, #tpu.memory_space<hbm>> -> memref<10000x128xf32, #tpu.memory_space<hbm>>
    tpu.enqueue_indirect_dma source(%dma_start3A_8 : memref<10000x128xf32, #tpu.memory_space<hbm>>) target(%arg6 : memref<80x128xf32, #tpu.memory_space<vmem>>) offsets(%dma_start3A_5 : memref<80xi32, #tpu.memory_space<vmem>>) semaphore(%arg10 : memref<!tpu.dma_semaphore, #tpu.memory_space<semaphore_mem>>)
    %dma_start3A_9 = arith.constant 1 : i32
    %dma_start3A_10 = arith.constant 0 : i32
    %dma_start3A_11 = tpu.memref_slice %arg5[%dma_start3A_9, %dma_start3A_10] : memref<125x80xi32, #tpu.memory_space<vmem>> -> memref<1x80xi32, #tpu.memory_space<vmem>>
    %dma_start3A_12 = tpu.memref_squeeze %dma_start3A_11 : memref<1x80xi32, #tpu.memory_space<vmem>> -> memref<80xi32, #tpu.memory_space<vmem>>
    %dma_start3A_13 = arith.constant 0 : i32
    %dma_start3A_14 = arith.constant 0 : i32
    %dma_start3A_15 = tpu.memref_slice %arg2[%dma_start3A_13, %dma_start3A_14] : memref<10000x128xf32, #tpu.memory_space<hbm>> -> memref<10000x128xf32, #tpu.memory_space<hbm>>
    tpu.enqueue_indirect_dma source(%dma_start3A_15 : memref<10000x128xf32, #tpu.memory_space<hbm>>) target(%arg7 : memref<80x128xf32, #tpu.memory_space<vmem>>) offsets(%dma_start3A_12 : memref<80xi32, #tpu.memory_space<vmem>>) semaphore(%arg11 : memref<!tpu.dma_semaphore, #tpu.memory_space<semaphore_mem>>)
    %dma_start3A_16 = arith.constant 2 : i32
    %dma_start3A_17 = arith.constant 0 : i32
    %dma_start3A_18 = tpu.memref_slice %arg5[%dma_start3A_16, %dma_start3A_17] : memref<125x80xi32, #tpu.memory_space<vmem>> -> memref<1x80xi32, #tpu.memory_space<vmem>>
    %dma_start3A_19 = tpu.memref_squeeze %dma_start3A_18 : memref<1x80xi32, #tpu.memory_space<vmem>> -> memref<80xi32, #tpu.memory_space<vmem>>
    %dma_start3A_20 = arith.constant 0 : i32
    %dma_start3A_21 = arith.constant 0 : i32
    %dma_start3A_22 = tpu.memref_slice %arg2[%dma_start3A_20, %dma_start3A_21] : memref<10000x128xf32, #tpu.memory_space<hbm>> -> memref<10000x128xf32, #tpu.memory_space<hbm>>
    tpu.enqueue_indirect_dma source(%dma_start3A_22 : memref<10000x128xf32, #tpu.memory_space<hbm>>) target(%arg8 : memref<80x128xf32, #tpu.memory_space<vmem>>) offsets(%dma_start3A_19 : memref<80xi32, #tpu.memory_space<vmem>>) semaphore(%arg12 : memref<!tpu.dma_semaphore, #tpu.memory_space<semaphore_mem>>)
    %dma_start3A_23 = arith.constant 3 : i32
    %dma_start3A_24 = arith.constant 0 : i32
    %dma_start3A_25 = tpu.memref_slice %arg5[%dma_start3A_23, %dma_start3A_24] : memref<125x80xi32, #tpu.memory_space<vmem>> -> memref<1x80xi32, #tpu.memory_space<vmem>>
    %dma_start3A_26 = tpu.memref_squeeze %dma_start3A_25 : memref<1x80xi32, #tpu.memory_space<vmem>> -> memref<80xi32, #tpu.memory_space<vmem>>
    %dma_start3A_27 = arith.constant 0 : i32
    %dma_start3A_28 = arith.constant 0 : i32
    %dma_start3A_29 = tpu.memref_slice %arg2[%dma_start3A_27, %dma_start3A_28] : memref<10000x128xf32, #tpu.memory_space<hbm>> -> memref<10000x128xf32, #tpu.memory_space<hbm>>
    tpu.enqueue_indirect_dma source(%dma_start3A_29 : memref<10000x128xf32, #tpu.memory_space<hbm>>) target(%arg9 : memref<80x128xf32, #tpu.memory_space<vmem>>) offsets(%dma_start3A_26 : memref<80xi32, #tpu.memory_space<vmem>>) semaphore(%arg13 : memref<!tpu.dma_semaphore, #tpu.memory_space<semaphore_mem>>)
    %scan3A = arith.constant 0 : i32
    %scan3A_30 = arith.constant 32 : i32
    %scan3A_31 = arith.addi %scan3A, %scan3A_30 : i32
    %scan3A_32 = arith.constant 1 : i32
    scf.for %scan3A_57 = %scan3A to %scan3A_31 step %scan3A_32  : i32 {
      %mul3A_58 = arith.constant 4 : i32
      %mul3A_59 = arith.muli %mul3A_58, %scan3A_57 : i32
      %add3A_60 = arith.constant 0 : i32
      %add3A_61 = arith.addi %mul3A_59, %add3A_60 : i32
      %lt3A = arith.constant 125 : i32
      %lt3A_62 = arith.cmpi slt, %add3A_61, %lt3A : i32
      %convert_element_type3A = arith.extui %lt3A_62 : i1 to i32
      %cond3A = arith.constant 0 : i32
      %cond3A_63 = arith.cmpi ne, %convert_element_type3A, %cond3A : i32
      scf.if %cond3A_63 {
        %dma_wait3A_119 = arith.constant 0 : i32
        %dma_wait3A_120 = arith.constant 0 : i32
        %dma_wait3A_121 = tpu.memref_slice %arg5[%dma_wait3A_119, %dma_wait3A_120] : memref<125x80xi32, #tpu.memory_space<vmem>> -> memref<1x80xi32, #tpu.memory_space<vmem>>
        %dma_wait3A_122 = tpu.memref_squeeze %dma_wait3A_121 : memref<1x80xi32, #tpu.memory_space<vmem>> -> memref<80xi32, #tpu.memory_space<vmem>>
        %dma_wait3A_123 = arith.constant 0 : i32
        %dma_wait3A_124 = arith.constant 0 : i32
        %dma_wait3A_125 = tpu.memref_slice %arg2[%dma_wait3A_123, %dma_wait3A_124] : memref<10000x128xf32, #tpu.memory_space<hbm>> -> memref<10000x128xf32, #tpu.memory_space<hbm>>
        tpu.wait_indirect_dma semaphore(%arg10 : memref<!tpu.dma_semaphore, #tpu.memory_space<semaphore_mem>>) src(%dma_wait3A_125 : memref<10000x128xf32, #tpu.memory_space<hbm>>) dst(%arg6 : memref<80x128xf32, #tpu.memory_space<vmem>>)
        %mul3A_126 = arith.constant 80 : i32
        %mul3A_127 = arith.muli %add3A_61, %mul3A_126 : i32
        %add3A_128 = arith.addi %mul3A_2, %mul3A_127 : i32
        %dma_start3A_129 = arith.constant 0 : i32
        %dma_start3A_130 = tpu.memref_slice %arg4[%add3A_128, %dma_start3A_129] : memref<320000x128xf32, #tpu.memory_space<hbm>> -> memref<80x128xf32, #tpu.memory_space<hbm>>
        %dma_start3A_131 = arith.constant 0 : i32
        %dma_start3A_132 = tpu.memref_slice %arg4[%add3A_128, %dma_start3A_131] : memref<320000x128xf32, #tpu.memory_space<hbm>> -> memref<80x128xf32, #tpu.memory_space<hbm>>
        tpu.enqueue_dma source(%arg6 : memref<80x128xf32, #tpu.memory_space<vmem>>) target(%dma_start3A_132 : memref<80x128xf32, #tpu.memory_space<hbm>>) target_semaphore(%arg14 : memref<!tpu.dma_semaphore, #tpu.memory_space<semaphore_mem>>)
      } else {
      }
      %add3A_64 = arith.constant 4 : i32
      %add3A_65 = arith.addi %add3A_61, %add3A_64 : i32
      %lt3A_66 = arith.constant 125 : i32
      %lt3A_67 = arith.cmpi slt, %add3A_65, %lt3A_66 : i32
      %convert_element_type3A_68 = arith.extui %lt3A_67 : i1 to i32
      %cond3A_69 = arith.constant 0 : i32
      %cond3A_70 = arith.cmpi ne, %convert_element_type3A_68, %cond3A_69 : i32
      scf.if %cond3A_70 {
        %dma_wait3A_119 = arith.constant 0 : i32
        %dma_wait3A_120 = arith.constant 0 : i32
        %dma_wait3A_121 = tpu.memref_slice %arg4[%dma_wait3A_119, %dma_wait3A_120] : memref<320000x128xf32, #tpu.memory_space<hbm>> -> memref<80x128xf32, #tpu.memory_space<hbm>>
        %dma_wait3A_122 = arith.constant 0 : i32
        %dma_wait3A_123 = arith.constant 0 : i32
        %dma_wait3A_124 = tpu.memref_slice %arg4[%dma_wait3A_122, %dma_wait3A_123] : memref<320000x128xf32, #tpu.memory_space<hbm>> -> memref<80x128xf32, #tpu.memory_space<hbm>>
        tpu.wait_dma2 semaphore(%arg14 : memref<!tpu.dma_semaphore, #tpu.memory_space<semaphore_mem>>) src(%arg6 : memref<80x128xf32, #tpu.memory_space<vmem>>) dst(%dma_wait3A_124 : memref<80x128xf32, #tpu.memory_space<hbm>>)
        %add3A_125 = arith.constant 4 : i32
        %add3A_126 = arith.addi %add3A_61, %add3A_125 : i32
        %dma_start3A_127 = arith.constant 0 : i32
        %dma_start3A_128 = tpu.memref_slice %arg5[%add3A_126, %dma_start3A_127] : memref<125x80xi32, #tpu.memory_space<vmem>> -> memref<1x80xi32, #tpu.memory_space<vmem>>
        %dma_start3A_129 = tpu.memref_squeeze %dma_start3A_128 : memref<1x80xi32, #tpu.memory_space<vmem>> -> memref<80xi32, #tpu.memory_space<vmem>>
        %dma_start3A_130 = arith.constant 0 : i32
        %dma_start3A_131 = arith.constant 0 : i32
        %dma_start3A_132 = tpu.memref_slice %arg2[%dma_start3A_130, %dma_start3A_131] : memref<10000x128xf32, #tpu.memory_space<hbm>> -> memref<10000x128xf32, #tpu.memory_space<hbm>>
        tpu.enqueue_indirect_dma source(%dma_start3A_132 : memref<10000x128xf32, #tpu.memory_space<hbm>>) target(%arg6 : memref<80x128xf32, #tpu.memory_space<vmem>>) offsets(%dma_start3A_129 : memref<80xi32, #tpu.memory_space<vmem>>) semaphore(%arg10 : memref<!tpu.dma_semaphore, #tpu.memory_space<semaphore_mem>>)
      } else {
      }
      %mul3A_71 = arith.constant 4 : i32
      %mul3A_72 = arith.muli %mul3A_71, %scan3A_57 : i32
      %add3A_73 = arith.constant 1 : i32
      %add3A_74 = arith.addi %mul3A_72, %add3A_73 : i32
      %lt3A_75 = arith.constant 125 : i32
      %lt3A_76 = arith.cmpi slt, %add3A_74, %lt3A_75 : i32
      %convert_element_type3A_77 = arith.extui %lt3A_76 : i1 to i32
      %cond3A_78 = arith.constant 0 : i32
      %cond3A_79 = arith.cmpi ne, %convert_element_type3A_77, %cond3A_78 : i32
      scf.if %cond3A_79 {
        %dma_wait3A_119 = arith.constant 0 : i32
        %dma_wait3A_120 = arith.constant 0 : i32
        %dma_wait3A_121 = tpu.memref_slice %arg5[%dma_wait3A_119, %dma_wait3A_120] : memref<125x80xi32, #tpu.memory_space<vmem>> -> memref<1x80xi32, #tpu.memory_space<vmem>>
        %dma_wait3A_122 = tpu.memref_squeeze %dma_wait3A_121 : memref<1x80xi32, #tpu.memory_space<vmem>> -> memref<80xi32, #tpu.memory_space<vmem>>
        %dma_wait3A_123 = arith.constant 0 : i32
        %dma_wait3A_124 = arith.constant 0 : i32
        %dma_wait3A_125 = tpu.memref_slice %arg2[%dma_wait3A_123, %dma_wait3A_124] : memref<10000x128xf32, #tpu.memory_space<hbm>> -> memref<10000x128xf32, #tpu.memory_space<hbm>>
        tpu.wait_indirect_dma semaphore(%arg11 : memref<!tpu.dma_semaphore, #tpu.memory_space<semaphore_mem>>) src(%dma_wait3A_125 : memref<10000x128xf32, #tpu.memory_space<hbm>>) dst(%arg7 : memref<80x128xf32, #tpu.memory_space<vmem>>)
        %mul3A_126 = arith.constant 80 : i32
        %mul3A_127 = arith.muli %add3A_74, %mul3A_126 : i32
        %add3A_128 = arith.addi %mul3A_2, %mul3A_127 : i32
        %dma_start3A_129 = arith.constant 0 : i32
        %dma_start3A_130 = tpu.memref_slice %arg4[%add3A_128, %dma_start3A_129] : memref<320000x128xf32, #tpu.memory_space<hbm>> -> memref<80x128xf32, #tpu.memory_space<hbm>>
        %dma_start3A_131 = arith.constant 0 : i32
        %dma_start3A_132 = tpu.memref_slice %arg4[%add3A_128, %dma_start3A_131] : memref<320000x128xf32, #tpu.memory_space<hbm>> -> memref<80x128xf32, #tpu.memory_space<hbm>>
        tpu.enqueue_dma source(%arg7 : memref<80x128xf32, #tpu.memory_space<vmem>>) target(%dma_start3A_132 : memref<80x128xf32, #tpu.memory_space<hbm>>) target_semaphore(%arg15 : memref<!tpu.dma_semaphore, #tpu.memory_space<semaphore_mem>>)
      } else {
      }
      %add3A_80 = arith.constant 4 : i32
      %add3A_81 = arith.addi %add3A_74, %add3A_80 : i32
      %lt3A_82 = arith.constant 125 : i32
      %lt3A_83 = arith.cmpi slt, %add3A_81, %lt3A_82 : i32
      %convert_element_type3A_84 = arith.extui %lt3A_83 : i1 to i32
      %cond3A_85 = arith.constant 0 : i32
      %cond3A_86 = arith.cmpi ne, %convert_element_type3A_84, %cond3A_85 : i32
      scf.if %cond3A_86 {
        %dma_wait3A_119 = arith.constant 0 : i32
        %dma_wait3A_120 = arith.constant 0 : i32
        %dma_wait3A_121 = tpu.memref_slice %arg4[%dma_wait3A_119, %dma_wait3A_120] : memref<320000x128xf32, #tpu.memory_space<hbm>> -> memref<80x128xf32, #tpu.memory_space<hbm>>
        %dma_wait3A_122 = arith.constant 0 : i32
        %dma_wait3A_123 = arith.constant 0 : i32
        %dma_wait3A_124 = tpu.memref_slice %arg4[%dma_wait3A_122, %dma_wait3A_123] : memref<320000x128xf32, #tpu.memory_space<hbm>> -> memref<80x128xf32, #tpu.memory_space<hbm>>
        tpu.wait_dma2 semaphore(%arg15 : memref<!tpu.dma_semaphore, #tpu.memory_space<semaphore_mem>>) src(%arg7 : memref<80x128xf32, #tpu.memory_space<vmem>>) dst(%dma_wait3A_124 : memref<80x128xf32, #tpu.memory_space<hbm>>)
        %add3A_125 = arith.constant 4 : i32
        %add3A_126 = arith.addi %add3A_74, %add3A_125 : i32
        %dma_start3A_127 = arith.constant 0 : i32
        %dma_start3A_128 = tpu.memref_slice %arg5[%add3A_126, %dma_start3A_127] : memref<125x80xi32, #tpu.memory_space<vmem>> -> memref<1x80xi32, #tpu.memory_space<vmem>>
        %dma_start3A_129 = tpu.memref_squeeze %dma_start3A_128 : memref<1x80xi32, #tpu.memory_space<vmem>> -> memref<80xi32, #tpu.memory_space<vmem>>
        %dma_start3A_130 = arith.constant 0 : i32
        %dma_start3A_131 = arith.constant 0 : i32
        %dma_start3A_132 = tpu.memref_slice %arg2[%dma_start3A_130, %dma_start3A_131] : memref<10000x128xf32, #tpu.memory_space<hbm>> -> memref<10000x128xf32, #tpu.memory_space<hbm>>
        tpu.enqueue_indirect_dma source(%dma_start3A_132 : memref<10000x128xf32, #tpu.memory_space<hbm>>) target(%arg7 : memref<80x128xf32, #tpu.memory_space<vmem>>) offsets(%dma_start3A_129 : memref<80xi32, #tpu.memory_space<vmem>>) semaphore(%arg11 : memref<!tpu.dma_semaphore, #tpu.memory_space<semaphore_mem>>)
      } else {
      }
      %mul3A_87 = arith.constant 4 : i32
      %mul3A_88 = arith.muli %mul3A_87, %scan3A_57 : i32
      %add3A_89 = arith.constant 2 : i32
      %add3A_90 = arith.addi %mul3A_88, %add3A_89 : i32
      %lt3A_91 = arith.constant 125 : i32
      %lt3A_92 = arith.cmpi slt, %add3A_90, %lt3A_91 : i32
      %convert_element_type3A_93 = arith.extui %lt3A_92 : i1 to i32
      %cond3A_94 = arith.constant 0 : i32
      %cond3A_95 = arith.cmpi ne, %convert_element_type3A_93, %cond3A_94 : i32
      scf.if %cond3A_95 {
        %dma_wait3A_119 = arith.constant 0 : i32
        %dma_wait3A_120 = arith.constant 0 : i32
        %dma_wait3A_121 = tpu.memref_slice %arg5[%dma_wait3A_119, %dma_wait3A_120] : memref<125x80xi32, #tpu.memory_space<vmem>> -> memref<1x80xi32, #tpu.memory_space<vmem>>
        %dma_wait3A_122 = tpu.memref_squeeze %dma_wait3A_121 : memref<1x80xi32, #tpu.memory_space<vmem>> -> memref<80xi32, #tpu.memory_space<vmem>>
        %dma_wait3A_123 = arith.constant 0 : i32
        %dma_wait3A_124 = arith.constant 0 : i32
        %dma_wait3A_125 = tpu.memref_slice %arg2[%dma_wait3A_123, %dma_wait3A_124] : memref<10000x128xf32, #tpu.memory_space<hbm>> -> memref<10000x128xf32, #tpu.memory_space<hbm>>
        tpu.wait_indirect_dma semaphore(%arg12 : memref<!tpu.dma_semaphore, #tpu.memory_space<semaphore_mem>>) src(%dma_wait3A_125 : memref<10000x128xf32, #tpu.memory_space<hbm>>) dst(%arg8 : memref<80x128xf32, #tpu.memory_space<vmem>>)
        %mul3A_126 = arith.constant 80 : i32
        %mul3A_127 = arith.muli %add3A_90, %mul3A_126 : i32
        %add3A_128 = arith.addi %mul3A_2, %mul3A_127 : i32
        %dma_start3A_129 = arith.constant 0 : i32
        %dma_start3A_130 = tpu.memref_slice %arg4[%add3A_128, %dma_start3A_129] : memref<320000x128xf32, #tpu.memory_space<hbm>> -> memref<80x128xf32, #tpu.memory_space<hbm>>
        %dma_start3A_131 = arith.constant 0 : i32
        %dma_start3A_132 = tpu.memref_slice %arg4[%add3A_128, %dma_start3A_131] : memref<320000x128xf32, #tpu.memory_space<hbm>> -> memref<80x128xf32, #tpu.memory_space<hbm>>
        tpu.enqueue_dma source(%arg8 : memref<80x128xf32, #tpu.memory_space<vmem>>) target(%dma_start3A_132 : memref<80x128xf32, #tpu.memory_space<hbm>>) target_semaphore(%arg16 : memref<!tpu.dma_semaphore, #tpu.memory_space<semaphore_mem>>)
      } else {
      }
      %add3A_96 = arith.constant 4 : i32
      %add3A_97 = arith.addi %add3A_90, %add3A_96 : i32
      %lt3A_98 = arith.constant 125 : i32
      %lt3A_99 = arith.cmpi slt, %add3A_97, %lt3A_98 : i32
      %convert_element_type3A_100 = arith.extui %lt3A_99 : i1 to i32
      %cond3A_101 = arith.constant 0 : i32
      %cond3A_102 = arith.cmpi ne, %convert_element_type3A_100, %cond3A_101 : i32
      scf.if %cond3A_102 {
        %dma_wait3A_119 = arith.constant 0 : i32
        %dma_wait3A_120 = arith.constant 0 : i32
        %dma_wait3A_121 = tpu.memref_slice %arg4[%dma_wait3A_119, %dma_wait3A_120] : memref<320000x128xf32, #tpu.memory_space<hbm>> -> memref<80x128xf32, #tpu.memory_space<hbm>>
        %dma_wait3A_122 = arith.constant 0 : i32
        %dma_wait3A_123 = arith.constant 0 : i32
        %dma_wait3A_124 = tpu.memref_slice %arg4[%dma_wait3A_122, %dma_wait3A_123] : memref<320000x128xf32, #tpu.memory_space<hbm>> -> memref<80x128xf32, #tpu.memory_space<hbm>>
        tpu.wait_dma2 semaphore(%arg16 : memref<!tpu.dma_semaphore, #tpu.memory_space<semaphore_mem>>) src(%arg8 : memref<80x128xf32, #tpu.memory_space<vmem>>) dst(%dma_wait3A_124 : memref<80x128xf32, #tpu.memory_space<hbm>>)
        %add3A_125 = arith.constant 4 : i32
        %add3A_126 = arith.addi %add3A_90, %add3A_125 : i32
        %dma_start3A_127 = arith.constant 0 : i32
        %dma_start3A_128 = tpu.memref_slice %arg5[%add3A_126, %dma_start3A_127] : memref<125x80xi32, #tpu.memory_space<vmem>> -> memref<1x80xi32, #tpu.memory_space<vmem>>
        %dma_start3A_129 = tpu.memref_squeeze %dma_start3A_128 : memref<1x80xi32, #tpu.memory_space<vmem>> -> memref<80xi32, #tpu.memory_space<vmem>>
        %dma_start3A_130 = arith.constant 0 : i32
        %dma_start3A_131 = arith.constant 0 : i32
        %dma_start3A_132 = tpu.memref_slice %arg2[%dma_start3A_130, %dma_start3A_131] : memref<10000x128xf32, #tpu.memory_space<hbm>> -> memref<10000x128xf32, #tpu.memory_space<hbm>>
        tpu.enqueue_indirect_dma source(%dma_start3A_132 : memref<10000x128xf32, #tpu.memory_space<hbm>>) target(%arg8 : memref<80x128xf32, #tpu.memory_space<vmem>>) offsets(%dma_start3A_129 : memref<80xi32, #tpu.memory_space<vmem>>) semaphore(%arg12 : memref<!tpu.dma_semaphore, #tpu.memory_space<semaphore_mem>>)
      } else {
      }
      %mul3A_103 = arith.constant 4 : i32
      %mul3A_104 = arith.muli %mul3A_103, %scan3A_57 : i32
      %add3A_105 = arith.constant 3 : i32
      %add3A_106 = arith.addi %mul3A_104, %add3A_105 : i32
      %lt3A_107 = arith.constant 125 : i32
      %lt3A_108 = arith.cmpi slt, %add3A_106, %lt3A_107 : i32
      %convert_element_type3A_109 = arith.extui %lt3A_108 : i1 to i32
      %cond3A_110 = arith.constant 0 : i32
      %cond3A_111 = arith.cmpi ne, %convert_element_type3A_109, %cond3A_110 : i32
      scf.if %cond3A_111 {
        %dma_wait3A_119 = arith.constant 0 : i32
        %dma_wait3A_120 = arith.constant 0 : i32
        %dma_wait3A_121 = tpu.memref_slice %arg5[%dma_wait3A_119, %dma_wait3A_120] : memref<125x80xi32, #tpu.memory_space<vmem>> -> memref<1x80xi32, #tpu.memory_space<vmem>>
        %dma_wait3A_122 = tpu.memref_squeeze %dma_wait3A_121 : memref<1x80xi32, #tpu.memory_space<vmem>> -> memref<80xi32, #tpu.memory_space<vmem>>
        %dma_wait3A_123 = arith.constant 0 : i32
        %dma_wait3A_124 = arith.constant 0 : i32
        %dma_wait3A_125 = tpu.memref_slice %arg2[%dma_wait3A_123, %dma_wait3A_124] : memref<10000x128xf32, #tpu.memory_space<hbm>> -> memref<10000x128xf32, #tpu.memory_space<hbm>>
        tpu.wait_indirect_dma semaphore(%arg13 : memref<!tpu.dma_semaphore, #tpu.memory_space<semaphore_mem>>) src(%dma_wait3A_125 : memref<10000x128xf32, #tpu.memory_space<hbm>>) dst(%arg9 : memref<80x128xf32, #tpu.memory_space<vmem>>)
        %mul3A_126 = arith.constant 80 : i32
        %mul3A_127 = arith.muli %add3A_106, %mul3A_126 : i32
        %add3A_128 = arith.addi %mul3A_2, %mul3A_127 : i32
        %dma_start3A_129 = arith.constant 0 : i32
        %dma_start3A_130 = tpu.memref_slice %arg4[%add3A_128, %dma_start3A_129] : memref<320000x128xf32, #tpu.memory_space<hbm>> -> memref<80x128xf32, #tpu.memory_space<hbm>>
        %dma_start3A_131 = arith.constant 0 : i32
        %dma_start3A_132 = tpu.memref_slice %arg4[%add3A_128, %dma_start3A_131] : memref<320000x128xf32, #tpu.memory_space<hbm>> -> memref<80x128xf32, #tpu.memory_space<hbm>>
        tpu.enqueue_dma source(%arg9 : memref<80x128xf32, #tpu.memory_space<vmem>>) target(%dma_start3A_132 : memref<80x128xf32, #tpu.memory_space<hbm>>) target_semaphore(%arg17 : memref<!tpu.dma_semaphore, #tpu.memory_space<semaphore_mem>>)
      } else {
      }
      %add3A_112 = arith.constant 4 : i32
      %add3A_113 = arith.addi %add3A_106, %add3A_112 : i32
      %lt3A_114 = arith.constant 125 : i32
      %lt3A_115 = arith.cmpi slt, %add3A_113, %lt3A_114 : i32
      %convert_element_type3A_116 = arith.extui %lt3A_115 : i1 to i32
      %cond3A_117 = arith.constant 0 : i32
      %cond3A_118 = arith.cmpi ne, %convert_element_type3A_116, %cond3A_117 : i32
      scf.if %cond3A_118 {
        %dma_wait3A_119 = arith.constant 0 : i32
        %dma_wait3A_120 = arith.constant 0 : i32
        %dma_wait3A_121 = tpu.memref_slice %arg4[%dma_wait3A_119, %dma_wait3A_120] : memref<320000x128xf32, #tpu.memory_space<hbm>> -> memref<80x128xf32, #tpu.memory_space<hbm>>
        %dma_wait3A_122 = arith.constant 0 : i32
        %dma_wait3A_123 = arith.constant 0 : i32
        %dma_wait3A_124 = tpu.memref_slice %arg4[%dma_wait3A_122, %dma_wait3A_123] : memref<320000x128xf32, #tpu.memory_space<hbm>> -> memref<80x128xf32, #tpu.memory_space<hbm>>
        tpu.wait_dma2 semaphore(%arg17 : memref<!tpu.dma_semaphore, #tpu.memory_space<semaphore_mem>>) src(%arg9 : memref<80x128xf32, #tpu.memory_space<vmem>>) dst(%dma_wait3A_124 : memref<80x128xf32, #tpu.memory_space<hbm>>)
        %add3A_125 = arith.constant 4 : i32
        %add3A_126 = arith.addi %add3A_106, %add3A_125 : i32
        %dma_start3A_127 = arith.constant 0 : i32
        %dma_start3A_128 = tpu.memref_slice %arg5[%add3A_126, %dma_start3A_127] : memref<125x80xi32, #tpu.memory_space<vmem>> -> memref<1x80xi32, #tpu.memory_space<vmem>>
        %dma_start3A_129 = tpu.memref_squeeze %dma_start3A_128 : memref<1x80xi32, #tpu.memory_space<vmem>> -> memref<80xi32, #tpu.memory_space<vmem>>
        %dma_start3A_130 = arith.constant 0 : i32
        %dma_start3A_131 = arith.constant 0 : i32
        %dma_start3A_132 = tpu.memref_slice %arg2[%dma_start3A_130, %dma_start3A_131] : memref<10000x128xf32, #tpu.memory_space<hbm>> -> memref<10000x128xf32, #tpu.memory_space<hbm>>
        tpu.enqueue_indirect_dma source(%dma_start3A_132 : memref<10000x128xf32, #tpu.memory_space<hbm>>) target(%arg9 : memref<80x128xf32, #tpu.memory_space<vmem>>) offsets(%dma_start3A_129 : memref<80xi32, #tpu.memory_space<vmem>>) semaphore(%arg13 : memref<!tpu.dma_semaphore, #tpu.memory_space<semaphore_mem>>)
      } else {
      }
    }
    %scan3A_33 = arith.constant 32 : i32
    %dma_wait3A = arith.constant 0 : i32
    %dma_wait3A_34 = arith.constant 0 : i32
    %dma_wait3A_35 = tpu.memref_slice %arg4[%dma_wait3A, %dma_wait3A_34] : memref<320000x128xf32, #tpu.memory_space<hbm>> -> memref<80x128xf32, #tpu.memory_space<hbm>>
    %dma_wait3A_36 = arith.constant 0 : i32
    %dma_wait3A_37 = arith.constant 0 : i32
    %dma_wait3A_38 = tpu.memref_slice %arg4[%dma_wait3A_36, %dma_wait3A_37] : memref<320000x128xf32, #tpu.memory_space<hbm>> -> memref<80x128xf32, #tpu.memory_space<hbm>>
    tpu.wait_dma2 semaphore(%arg14 : memref<!tpu.dma_semaphore, #tpu.memory_space<semaphore_mem>>) src(%arg6 : memref<80x128xf32, #tpu.memory_space<vmem>>) dst(%dma_wait3A_38 : memref<80x128xf32, #tpu.memory_space<hbm>>)
    %dma_wait3A_39 = arith.constant 0 : i32
    %dma_wait3A_40 = arith.constant 0 : i32
    %dma_wait3A_41 = tpu.memref_slice %arg4[%dma_wait3A_39, %dma_wait3A_40] : memref<320000x128xf32, #tpu.memory_space<hbm>> -> memref<80x128xf32, #tpu.memory_space<hbm>>
    %dma_wait3A_42 = arith.constant 0 : i32
    %dma_wait3A_43 = arith.constant 0 : i32
    %dma_wait3A_44 = tpu.memref_slice %arg4[%dma_wait3A_42, %dma_wait3A_43] : memref<320000x128xf32, #tpu.memory_space<hbm>> -> memref<80x128xf32, #tpu.memory_space<hbm>>
    tpu.wait_dma2 semaphore(%arg15 : memref<!tpu.dma_semaphore, #tpu.memory_space<semaphore_mem>>) src(%arg7 : memref<80x128xf32, #tpu.memory_space<vmem>>) dst(%dma_wait3A_44 : memref<80x128xf32, #tpu.memory_space<hbm>>)
    %dma_wait3A_45 = arith.constant 0 : i32
    %dma_wait3A_46 = arith.constant 0 : i32
    %dma_wait3A_47 = tpu.memref_slice %arg4[%dma_wait3A_45, %dma_wait3A_46] : memref<320000x128xf32, #tpu.memory_space<hbm>> -> memref<80x128xf32, #tpu.memory_space<hbm>>
    %dma_wait3A_48 = arith.constant 0 : i32
    %dma_wait3A_49 = arith.constant 0 : i32
    %dma_wait3A_50 = tpu.memref_slice %arg4[%dma_wait3A_48, %dma_wait3A_49] : memref<320000x128xf32, #tpu.memory_space<hbm>> -> memref<80x128xf32, #tpu.memory_space<hbm>>
    tpu.wait_dma2 semaphore(%arg16 : memref<!tpu.dma_semaphore, #tpu.memory_space<semaphore_mem>>) src(%arg8 : memref<80x128xf32, #tpu.memory_space<vmem>>) dst(%dma_wait3A_50 : memref<80x128xf32, #tpu.memory_space<hbm>>)
    %dma_wait3A_51 = arith.constant 0 : i32
    %dma_wait3A_52 = arith.constant 0 : i32
    %dma_wait3A_53 = tpu.memref_slice %arg4[%dma_wait3A_51, %dma_wait3A_52] : memref<320000x128xf32, #tpu.memory_space<hbm>> -> memref<80x128xf32, #tpu.memory_space<hbm>>
    %dma_wait3A_54 = arith.constant 0 : i32
    %dma_wait3A_55 = arith.constant 0 : i32
    %dma_wait3A_56 = tpu.memref_slice %arg4[%dma_wait3A_54, %dma_wait3A_55] : memref<320000x128xf32, #tpu.memory_space<hbm>> -> memref<80x128xf32, #tpu.memory_space<hbm>>
    tpu.wait_dma2 semaphore(%arg17 : memref<!tpu.dma_semaphore, #tpu.memory_space<semaphore_mem>>) src(%arg9 : memref<80x128xf32, #tpu.memory_space<vmem>>) dst(%dma_wait3A_56 : memref<80x128xf32, #tpu.memory_space<hbm>>)
    return
  }
}

#map = affine_map<(d0, d1) -> (0, 0)>
#map1 = affine_map<(d0, d1) -> (0, 0, 0)>
module attributes {stable_mosaic.version = 14 : i64} {
  func.func @k(%arg0: i32, %arg1: i32, %arg2: memref<320000x128xf32, #tpu.memory_space<hbm>>, %arg3: memref<32x125x80xi32, #tpu.memory_space<hbm>>, %arg4: memref<2x10000x128xf32, #tpu.memory_space<hbm>>, %arg5: memref<10000x128xf32, #tpu.memory_space<vmem_shared>>, %arg6: memref<125x80xi32, #tpu.memory_space<vmem>>, %arg7: memref<80x128xf32, #tpu.memory_space<vmem>>, %arg8: memref<80x128xf32, #tpu.memory_space<vmem>>, %arg9: memref<80x128xf32, #tpu.memory_space<vmem>>, %arg10: memref<!tpu.dma_semaphore, #tpu.memory_space<semaphore_mem>>, %arg11: memref<!tpu.dma_semaphore, #tpu.memory_space<semaphore_mem>>, %arg12: memref<!tpu.dma_semaphore, #tpu.memory_space<semaphore_mem>>, %arg13: memref<!tpu.dma_semaphore, #tpu.memory_space<semaphore_mem>>, %arg14: memref<!tpu.dma_semaphore, #tpu.memory_space<semaphore_mem>>, %arg15: memref<!tpu.dma_semaphore, #tpu.memory_space<semaphore_mem>>) attributes {dimension_semantics = [#tpu.dimension_semantics<core_parallel>, #tpu.dimension_semantics<subcore_parallel>], iteration_bounds = array<i64: 2, 16>, scalar_prefetch = 0 : i64, scratch_operands = 11 : i64, tpu.core_type = #tpu.core_type<sc_vector_subcore>, window_params = [{transform_indices = #map}, {transform_indices = #map1}, {transform_indices = #map1}]} {
    %mul3A = arith.constant 16 : i32
    %mul3A_0 = arith.muli %arg0, %mul3A : i32
    %add3A = arith.addi %mul3A_0, %arg1 : i32
    %mul3A_1 = arith.constant 10000 : i32
    %mul3A_2 = arith.muli %add3A, %mul3A_1 : i32
    "tpu.region"() ({
      %run_scoped3A = tpu.sem_alloc : memref<!tpu.dma_semaphore, #tpu.memory_space<semaphore_mem>>
      %dma_start3A_61 = arith.constant 0 : i32
      %dma_start3A_62 = arith.constant 0 : i32
      %dma_start3A_63 = tpu.memref_slice %arg3[%add3A, %dma_start3A_61, %dma_start3A_62] : memref<32x125x80xi32, #tpu.memory_space<hbm>> -> memref<1x125x80xi32, #tpu.memory_space<hbm>>
      %dma_start3A_64 = tpu.memref_squeeze %dma_start3A_63 : memref<1x125x80xi32, #tpu.memory_space<hbm>> -> memref<125x80xi32, #tpu.memory_space<hbm>>
      %dma_start3A_65 = arith.constant 0 : i32
      %dma_start3A_66 = arith.constant 0 : i32
      %dma_start3A_67 = tpu.memref_slice %arg3[%add3A, %dma_start3A_65, %dma_start3A_66] : memref<32x125x80xi32, #tpu.memory_space<hbm>> -> memref<1x125x80xi32, #tpu.memory_space<hbm>>
      %dma_start3A_68 = tpu.memref_squeeze %dma_start3A_67 : memref<1x125x80xi32, #tpu.memory_space<hbm>> -> memref<125x80xi32, #tpu.memory_space<hbm>>
      tpu.enqueue_dma source(%dma_start3A_68 : memref<125x80xi32, #tpu.memory_space<hbm>>) target(%arg6 : memref<125x80xi32, #tpu.memory_space<vmem>>) target_semaphore(%run_scoped3A : memref<!tpu.dma_semaphore, #tpu.memory_space<semaphore_mem>>)
      %dma_wait3A_69 = arith.constant 0 : i32
      %dma_wait3A_70 = arith.constant 0 : i32
      %dma_wait3A_71 = tpu.memref_slice %arg3[%add3A, %dma_wait3A_69, %dma_wait3A_70] : memref<32x125x80xi32, #tpu.memory_space<hbm>> -> memref<1x125x80xi32, #tpu.memory_space<hbm>>
      %dma_wait3A_72 = tpu.memref_squeeze %dma_wait3A_71 : memref<1x125x80xi32, #tpu.memory_space<hbm>> -> memref<125x80xi32, #tpu.memory_space<hbm>>
      %dma_wait3A_73 = arith.constant 0 : i32
      %dma_wait3A_74 = arith.constant 0 : i32
      %dma_wait3A_75 = tpu.memref_slice %arg3[%add3A, %dma_wait3A_73, %dma_wait3A_74] : memref<32x125x80xi32, #tpu.memory_space<hbm>> -> memref<1x125x80xi32, #tpu.memory_space<hbm>>
      %dma_wait3A_76 = tpu.memref_squeeze %dma_wait3A_75 : memref<1x125x80xi32, #tpu.memory_space<hbm>> -> memref<125x80xi32, #tpu.memory_space<hbm>>
      tpu.wait_dma2 semaphore(%run_scoped3A : memref<!tpu.dma_semaphore, #tpu.memory_space<semaphore_mem>>) src(%dma_wait3A_76 : memref<125x80xi32, #tpu.memory_space<hbm>>) dst(%arg6 : memref<125x80xi32, #tpu.memory_space<vmem>>)
      tpu.yield
    }) : () -> ()
    %broadcast_in_dim3A = arith.constant 0.000000e+00 : f32
    %broadcast_in_dim3A_3 = vector.broadcast %broadcast_in_dim3A : f32 to vector<16xf32>
    %scan3A = arith.constant 0 : i32
    %scan3A_4 = arith.constant 80 : i32
    %scan3A_5 = arith.addi %scan3A, %scan3A_4 : i32
    %scan3A_6 = arith.constant 1 : i32
    scf.for %scan3A_61 = %scan3A to %scan3A_5 step %scan3A_6  : i32 {
      %swap3A = arith.index_cast %scan3A_61 : i32 to index
      %swap3A_62 = arith.constant 0 : index
      %swap3A_63 = tpu.vector_load %arg7[%swap3A, %swap3A_62] {strides = array<i32>} : memref<80x128xf32, #tpu.memory_space<vmem>>, vector<1x16xf32>,
      %swap3A_64 = vector.shape_cast %swap3A_63 : vector<1x16xf32> to vector<16xf32>
      %swap3A_65 = vector.shape_cast %broadcast_in_dim3A_3 : vector<16xf32> to vector<1x16xf32>
      tpu.vector_store %arg7[%swap3A, %swap3A_62], %swap3A_65 {strides = array<i32>} : memref<80x128xf32, #tpu.memory_space<vmem>>, vector<1x16xf32>,
      %swap3A_66 = arith.index_cast %scan3A_61 : i32 to index
      %swap3A_67 = arith.constant 16 : index
      %swap3A_68 = tpu.vector_load %arg7[%swap3A_66, %swap3A_67] {strides = array<i32>} : memref<80x128xf32, #tpu.memory_space<vmem>>, vector<1x16xf32>,
      %swap3A_69 = vector.shape_cast %swap3A_68 : vector<1x16xf32> to vector<16xf32>
      %swap3A_70 = vector.shape_cast %broadcast_in_dim3A_3 : vector<16xf32> to vector<1x16xf32>
      tpu.vector_store %arg7[%swap3A_66, %swap3A_67], %swap3A_70 {strides = array<i32>} : memref<80x128xf32, #tpu.memory_space<vmem>>, vector<1x16xf32>,
      %swap3A_71 = arith.index_cast %scan3A_61 : i32 to index
      %swap3A_72 = arith.constant 32 : index
      %swap3A_73 = tpu.vector_load %arg7[%swap3A_71, %swap3A_72] {strides = array<i32>} : memref<80x128xf32, #tpu.memory_space<vmem>>, vector<1x16xf32>,
      %swap3A_74 = vector.shape_cast %swap3A_73 : vector<1x16xf32> to vector<16xf32>
      %swap3A_75 = vector.shape_cast %broadcast_in_dim3A_3 : vector<16xf32> to vector<1x16xf32>
      tpu.vector_store %arg7[%swap3A_71, %swap3A_72], %swap3A_75 {strides = array<i32>} : memref<80x128xf32, #tpu.memory_space<vmem>>, vector<1x16xf32>,
      %swap3A_76 = arith.index_cast %scan3A_61 : i32 to index
      %swap3A_77 = arith.constant 48 : index
      %swap3A_78 = tpu.vector_load %arg7[%swap3A_76, %swap3A_77] {strides = array<i32>} : memref<80x128xf32, #tpu.memory_space<vmem>>, vector<1x16xf32>,
      %swap3A_79 = vector.shape_cast %swap3A_78 : vector<1x16xf32> to vector<16xf32>
      %swap3A_80 = vector.shape_cast %broadcast_in_dim3A_3 : vector<16xf32> to vector<1x16xf32>
      tpu.vector_store %arg7[%swap3A_76, %swap3A_77], %swap3A_80 {strides = array<i32>} : memref<80x128xf32, #tpu.memory_space<vmem>>, vector<1x16xf32>,
      %swap3A_81 = arith.index_cast %scan3A_61 : i32 to index
      %swap3A_82 = arith.constant 64 : index
      %swap3A_83 = tpu.vector_load %arg7[%swap3A_81, %swap3A_82] {strides = array<i32>} : memref<80x128xf32, #tpu.memory_space<vmem>>, vector<1x16xf32>,
      %swap3A_84 = vector.shape_cast %swap3A_83 : vector<1x16xf32> to vector<16xf32>
      %swap3A_85 = vector.shape_cast %broadcast_in_dim3A_3 : vector<16xf32> to vector<1x16xf32>
      tpu.vector_store %arg7[%swap3A_81, %swap3A_82], %swap3A_85 {strides = array<i32>} : memref<80x128xf32, #tpu.memory_space<vmem>>, vector<1x16xf32>,
      %swap3A_86 = arith.index_cast %scan3A_61 : i32 to index
      %swap3A_87 = arith.constant 80 : index
      %swap3A_88 = tpu.vector_load %arg7[%swap3A_86, %swap3A_87] {strides = array<i32>} : memref<80x128xf32, #tpu.memory_space<vmem>>, vector<1x16xf32>,
      %swap3A_89 = vector.shape_cast %swap3A_88 : vector<1x16xf32> to vector<16xf32>
      %swap3A_90 = vector.shape_cast %broadcast_in_dim3A_3 : vector<16xf32> to vector<1x16xf32>
      tpu.vector_store %arg7[%swap3A_86, %swap3A_87], %swap3A_90 {strides = array<i32>} : memref<80x128xf32, #tpu.memory_space<vmem>>, vector<1x16xf32>,
      %swap3A_91 = arith.index_cast %scan3A_61 : i32 to index
      %swap3A_92 = arith.constant 96 : index
      %swap3A_93 = tpu.vector_load %arg7[%swap3A_91, %swap3A_92] {strides = array<i32>} : memref<80x128xf32, #tpu.memory_space<vmem>>, vector<1x16xf32>,
      %swap3A_94 = vector.shape_cast %swap3A_93 : vector<1x16xf32> to vector<16xf32>
      %swap3A_95 = vector.shape_cast %broadcast_in_dim3A_3 : vector<16xf32> to vector<1x16xf32>
      tpu.vector_store %arg7[%swap3A_91, %swap3A_92], %swap3A_95 {strides = array<i32>} : memref<80x128xf32, #tpu.memory_space<vmem>>, vector<1x16xf32>,
      %swap3A_96 = arith.index_cast %scan3A_61 : i32 to index
      %swap3A_97 = arith.constant 112 : index
      %swap3A_98 = tpu.vector_load %arg7[%swap3A_96, %swap3A_97] {strides = array<i32>} : memref<80x128xf32, #tpu.memory_space<vmem>>, vector<1x16xf32>,
      %swap3A_99 = vector.shape_cast %swap3A_98 : vector<1x16xf32> to vector<16xf32>
      %swap3A_100 = vector.shape_cast %broadcast_in_dim3A_3 : vector<16xf32> to vector<1x16xf32>
      tpu.vector_store %arg7[%swap3A_96, %swap3A_97], %swap3A_100 {strides = array<i32>} : memref<80x128xf32, #tpu.memory_space<vmem>>, vector<1x16xf32>,
    }
    %scan3A_7 = arith.constant 80 : i32
    %scan3A_8 = arith.constant 0 : i32
    %scan3A_9 = arith.constant 8 : i32
    %scan3A_10 = arith.addi %scan3A_8, %scan3A_9 : i32
    %scan3A_11 = arith.constant 1 : i32
    scf.for %scan3A_61 = %scan3A_8 to %scan3A_10 step %scan3A_11  : i32 {
      %mul3A_62 = arith.constant 16 : i32
      %mul3A_63 = arith.muli %scan3A_61, %mul3A_62 : i32
      %add3A_64 = arith.addi %arg1, %mul3A_63 : i32
      %lt3A = arith.constant 125 : i32
      %lt3A_65 = arith.cmpi slt, %add3A_64, %lt3A : i32
      %convert_element_type3A = arith.extui %lt3A_65 : i1 to i32
      %cond3A = arith.constant 0 : i32
      %cond3A_66 = arith.cmpi ne, %convert_element_type3A, %cond3A : i32
      scf.if %cond3A_66 {
        %mul3A_67 = arith.constant 80 : i32
        %mul3A_68 = arith.muli %add3A_64, %mul3A_67 : i32
        "tpu.region"() ({
          %run_scoped3A = tpu.sem_alloc : memref<!tpu.dma_semaphore, #tpu.memory_space<semaphore_mem>>
          %dma_start3A_69 = arith.constant 0 : i32
          %dma_start3A_70 = tpu.memref_slice %arg5[%mul3A_68, %dma_start3A_69] : memref<10000x128xf32, #tpu.memory_space<vmem_shared>> -> memref<80x128xf32, #tpu.memory_space<vmem_shared>>
          %dma_start3A_71 = arith.constant 0 : i32
          %dma_start3A_72 = tpu.memref_slice %arg5[%mul3A_68, %dma_start3A_71] : memref<10000x128xf32, #tpu.memory_space<vmem_shared>> -> memref<80x128xf32, #tpu.memory_space<vmem_shared>>
          tpu.enqueue_dma source(%arg7 : memref<80x128xf32, #tpu.memory_space<vmem>>) target(%dma_start3A_72 : memref<80x128xf32, #tpu.memory_space<vmem_shared>>) target_semaphore(%run_scoped3A : memref<!tpu.dma_semaphore, #tpu.memory_space<semaphore_mem>>)
          %dma_wait3A_73 = arith.constant 0 : i32
          %dma_wait3A_74 = tpu.memref_slice %arg5[%mul3A_68, %dma_wait3A_73] : memref<10000x128xf32, #tpu.memory_space<vmem_shared>> -> memref<80x128xf32, #tpu.memory_space<vmem_shared>>
          %dma_wait3A_75 = arith.constant 0 : i32
          %dma_wait3A_76 = tpu.memref_slice %arg5[%mul3A_68, %dma_wait3A_75] : memref<10000x128xf32, #tpu.memory_space<vmem_shared>> -> memref<80x128xf32, #tpu.memory_space<vmem_shared>>
          tpu.wait_dma2 semaphore(%run_scoped3A : memref<!tpu.dma_semaphore, #tpu.memory_space<semaphore_mem>>) src(%arg7 : memref<80x128xf32, #tpu.memory_space<vmem>>) dst(%dma_wait3A_76 : memref<80x128xf32, #tpu.memory_space<vmem_shared>>)
          tpu.yield
        }) : () -> ()
      } else {
      }
    }
    %scan3A_12 = arith.constant 8 : i32
    %barrier3A = arith.constant 0 : index
    tpu.barrier barrier_id(%barrier3A)
    %add3A_13 = arith.constant 0 : i32
    %add3A_14 = arith.addi %mul3A_2, %add3A_13 : i32
    %dma_start3A = arith.constant 0 : i32
    %dma_start3A_15 = tpu.memref_slice %arg2[%add3A_14, %dma_start3A] : memref<320000x128xf32, #tpu.memory_space<hbm>> -> memref<80x128xf32, #tpu.memory_space<hbm>>
    %dma_start3A_16 = arith.constant 0 : i32
    %dma_start3A_17 = tpu.memref_slice %arg2[%add3A_14, %dma_start3A_16] : memref<320000x128xf32, #tpu.memory_space<hbm>> -> memref<80x128xf32, #tpu.memory_space<hbm>>
    tpu.enqueue_dma source(%dma_start3A_17 : memref<80x128xf32, #tpu.memory_space<hbm>>) target(%arg7 : memref<80x128xf32, #tpu.memory_space<vmem>>) target_semaphore(%arg10 : memref<!tpu.dma_semaphore, #tpu.memory_space<semaphore_mem>>)
    %add3A_18 = arith.constant 80 : i32
    %add3A_19 = arith.addi %mul3A_2, %add3A_18 : i32
    %dma_start3A_20 = arith.constant 0 : i32
    %dma_start3A_21 = tpu.memref_slice %arg2[%add3A_19, %dma_start3A_20] : memref<320000x128xf32, #tpu.memory_space<hbm>> -> memref<80x128xf32, #tpu.memory_space<hbm>>
    %dma_start3A_22 = arith.constant 0 : i32
    %dma_start3A_23 = tpu.memref_slice %arg2[%add3A_19, %dma_start3A_22] : memref<320000x128xf32, #tpu.memory_space<hbm>> -> memref<80x128xf32, #tpu.memory_space<hbm>>
    tpu.enqueue_dma source(%dma_start3A_23 : memref<80x128xf32, #tpu.memory_space<hbm>>) target(%arg8 : memref<80x128xf32, #tpu.memory_space<vmem>>) target_semaphore(%arg11 : memref<!tpu.dma_semaphore, #tpu.memory_space<semaphore_mem>>)
    %add3A_24 = arith.constant 160 : i32
    %add3A_25 = arith.addi %mul3A_2, %add3A_24 : i32
    %dma_start3A_26 = arith.constant 0 : i32
    %dma_start3A_27 = tpu.memref_slice %arg2[%add3A_25, %dma_start3A_26] : memref<320000x128xf32, #tpu.memory_space<hbm>> -> memref<80x128xf32, #tpu.memory_space<hbm>>
    %dma_start3A_28 = arith.constant 0 : i32
    %dma_start3A_29 = tpu.memref_slice %arg2[%add3A_25, %dma_start3A_28] : memref<320000x128xf32, #tpu.memory_space<hbm>> -> memref<80x128xf32, #tpu.memory_space<hbm>>
    tpu.enqueue_dma source(%dma_start3A_29 : memref<80x128xf32, #tpu.memory_space<hbm>>) target(%arg9 : memref<80x128xf32, #tpu.memory_space<vmem>>) target_semaphore(%arg12 : memref<!tpu.dma_semaphore, #tpu.memory_space<semaphore_mem>>)
    %scan3A_30 = arith.constant 0 : i32
    %scan3A_31 = arith.constant 42 : i32
    %scan3A_32 = arith.addi %scan3A_30, %scan3A_31 : i32
    %scan3A_33 = arith.constant 1 : i32
    scf.for %scan3A_61 = %scan3A_30 to %scan3A_32 step %scan3A_33  : i32 {
      %mul3A_62 = arith.constant 3 : i32
      %mul3A_63 = arith.muli %mul3A_62, %scan3A_61 : i32
      %add3A_64 = arith.constant 0 : i32
      %add3A_65 = arith.addi %mul3A_63, %add3A_64 : i32
      %lt3A = arith.constant 125 : i32
      %lt3A_66 = arith.cmpi slt, %add3A_65, %lt3A : i32
      %convert_element_type3A = arith.extui %lt3A_66 : i1 to i32
      %cond3A = arith.constant 0 : i32
      %cond3A_67 = arith.cmpi ne, %convert_element_type3A, %cond3A : i32
      scf.if %cond3A_67 {
        %dma_wait3A_107 = arith.constant 0 : i32
        %dma_wait3A_108 = arith.constant 0 : i32
        %dma_wait3A_109 = tpu.memref_slice %arg2[%dma_wait3A_107, %dma_wait3A_108] : memref<320000x128xf32, #tpu.memory_space<hbm>> -> memref<80x128xf32, #tpu.memory_space<hbm>>
        %dma_wait3A_110 = arith.constant 0 : i32
        %dma_wait3A_111 = arith.constant 0 : i32
        %dma_wait3A_112 = tpu.memref_slice %arg2[%dma_wait3A_110, %dma_wait3A_111] : memref<320000x128xf32, #tpu.memory_space<hbm>> -> memref<80x128xf32, #tpu.memory_space<hbm>>
        tpu.wait_dma2 semaphore(%arg10 : memref<!tpu.dma_semaphore, #tpu.memory_space<semaphore_mem>>) src(%dma_wait3A_112 : memref<80x128xf32, #tpu.memory_space<hbm>>) dst(%arg7 : memref<80x128xf32, #tpu.memory_space<vmem>>)
        %dma_start3A_113 = arith.constant 0 : i32
        %dma_start3A_114 = tpu.memref_slice %arg6[%add3A_65, %dma_start3A_113] : memref<125x80xi32, #tpu.memory_space<vmem>> -> memref<1x80xi32, #tpu.memory_space<vmem>>
        %dma_start3A_115 = tpu.memref_squeeze %dma_start3A_114 : memref<1x80xi32, #tpu.memory_space<vmem>> -> memref<80xi32, #tpu.memory_space<vmem>>
        %dma_start3A_116 = arith.constant 0 : i32
        %dma_start3A_117 = arith.constant 0 : i32
        %dma_start3A_118 = tpu.memref_slice %arg5[%dma_start3A_116, %dma_start3A_117] : memref<10000x128xf32, #tpu.memory_space<vmem_shared>> -> memref<10000x128xf32, #tpu.memory_space<vmem_shared>>
        tpu.enqueue_indirect_dma source(%arg7 : memref<80x128xf32, #tpu.memory_space<vmem>>) target(%dma_start3A_118 : memref<10000x128xf32, #tpu.memory_space<vmem_shared>>) offsets(%dma_start3A_115 : memref<80xi32, #tpu.memory_space<vmem>>) semaphore(%arg13 : memref<!tpu.dma_semaphore, #tpu.memory_space<semaphore_mem>>) {add = true}
      } else {
      }
      %add3A_68 = arith.constant 3 : i32
      %add3A_69 = arith.addi %add3A_65, %add3A_68 : i32
      %lt3A_70 = arith.constant 125 : i32
      %lt3A_71 = arith.cmpi slt, %add3A_69, %lt3A_70 : i32
      %convert_element_type3A_72 = arith.extui %lt3A_71 : i1 to i32
      %cond3A_73 = arith.constant 0 : i32
      %cond3A_74 = arith.cmpi ne, %convert_element_type3A_72, %cond3A_73 : i32
      scf.if %cond3A_74 {
        %dma_wait3A_107 = arith.constant 0 : i32
        %dma_wait3A_108 = arith.constant 0 : i32
        %dma_wait3A_109 = tpu.memref_slice %arg6[%dma_wait3A_107, %dma_wait3A_108] : memref<125x80xi32, #tpu.memory_space<vmem>> -> memref<1x80xi32, #tpu.memory_space<vmem>>
        %dma_wait3A_110 = tpu.memref_squeeze %dma_wait3A_109 : memref<1x80xi32, #tpu.memory_space<vmem>> -> memref<80xi32, #tpu.memory_space<vmem>>
        %dma_wait3A_111 = arith.constant 0 : i32
        %dma_wait3A_112 = arith.constant 0 : i32
        %dma_wait3A_113 = tpu.memref_slice %arg5[%dma_wait3A_111, %dma_wait3A_112] : memref<10000x128xf32, #tpu.memory_space<vmem_shared>> -> memref<10000x128xf32, #tpu.memory_space<vmem_shared>>
        tpu.wait_indirect_dma semaphore(%arg13 : memref<!tpu.dma_semaphore, #tpu.memory_space<semaphore_mem>>) src(%arg7 : memref<80x128xf32, #tpu.memory_space<vmem>>) dst(%dma_wait3A_113 : memref<10000x128xf32, #tpu.memory_space<vmem_shared>>)
        %add3A_114 = arith.constant 3 : i32
        %add3A_115 = arith.addi %add3A_65, %add3A_114 : i32
        %mul3A_116 = arith.constant 80 : i32
        %mul3A_117 = arith.muli %add3A_115, %mul3A_116 : i32
        %add3A_118 = arith.addi %mul3A_2, %mul3A_117 : i32
        %dma_start3A_119 = arith.constant 0 : i32
        %dma_start3A_120 = tpu.memref_slice %arg2[%add3A_118, %dma_start3A_119] : memref<320000x128xf32, #tpu.memory_space<hbm>> -> memref<80x128xf32, #tpu.memory_space<hbm>>
        %dma_start3A_121 = arith.constant 0 : i32
        %dma_start3A_122 = tpu.memref_slice %arg2[%add3A_118, %dma_start3A_121] : memref<320000x128xf32, #tpu.memory_space<hbm>> -> memref<80x128xf32, #tpu.memory_space<hbm>>
        tpu.enqueue_dma source(%dma_start3A_122 : memref<80x128xf32, #tpu.memory_space<hbm>>) target(%arg7 : memref<80x128xf32, #tpu.memory_space<vmem>>) target_semaphore(%arg10 : memref<!tpu.dma_semaphore, #tpu.memory_space<semaphore_mem>>)
      } else {
      }
      %mul3A_75 = arith.constant 3 : i32
      %mul3A_76 = arith.muli %mul3A_75, %scan3A_61 : i32
      %add3A_77 = arith.constant 1 : i32
      %add3A_78 = arith.addi %mul3A_76, %add3A_77 : i32
      %lt3A_79 = arith.constant 125 : i32
      %lt3A_80 = arith.cmpi slt, %add3A_78, %lt3A_79 : i32
      %convert_element_type3A_81 = arith.extui %lt3A_80 : i1 to i32
      %cond3A_82 = arith.constant 0 : i32
      %cond3A_83 = arith.cmpi ne, %convert_element_type3A_81, %cond3A_82 : i32
      scf.if %cond3A_83 {
        %dma_wait3A_107 = arith.constant 0 : i32
        %dma_wait3A_108 = arith.constant 0 : i32
        %dma_wait3A_109 = tpu.memref_slice %arg2[%dma_wait3A_107, %dma_wait3A_108] : memref<320000x128xf32, #tpu.memory_space<hbm>> -> memref<80x128xf32, #tpu.memory_space<hbm>>
        %dma_wait3A_110 = arith.constant 0 : i32
        %dma_wait3A_111 = arith.constant 0 : i32
        %dma_wait3A_112 = tpu.memref_slice %arg2[%dma_wait3A_110, %dma_wait3A_111] : memref<320000x128xf32, #tpu.memory_space<hbm>> -> memref<80x128xf32, #tpu.memory_space<hbm>>
        tpu.wait_dma2 semaphore(%arg11 : memref<!tpu.dma_semaphore, #tpu.memory_space<semaphore_mem>>) src(%dma_wait3A_112 : memref<80x128xf32, #tpu.memory_space<hbm>>) dst(%arg8 : memref<80x128xf32, #tpu.memory_space<vmem>>)
        %dma_start3A_113 = arith.constant 0 : i32
        %dma_start3A_114 = tpu.memref_slice %arg6[%add3A_78, %dma_start3A_113] : memref<125x80xi32, #tpu.memory_space<vmem>> -> memref<1x80xi32, #tpu.memory_space<vmem>>
        %dma_start3A_115 = tpu.memref_squeeze %dma_start3A_114 : memref<1x80xi32, #tpu.memory_space<vmem>> -> memref<80xi32, #tpu.memory_space<vmem>>
        %dma_start3A_116 = arith.constant 0 : i32
        %dma_start3A_117 = arith.constant 0 : i32
        %dma_start3A_118 = tpu.memref_slice %arg5[%dma_start3A_116, %dma_start3A_117] : memref<10000x128xf32, #tpu.memory_space<vmem_shared>> -> memref<10000x128xf32, #tpu.memory_space<vmem_shared>>
        tpu.enqueue_indirect_dma source(%arg8 : memref<80x128xf32, #tpu.memory_space<vmem>>) target(%dma_start3A_118 : memref<10000x128xf32, #tpu.memory_space<vmem_shared>>) offsets(%dma_start3A_115 : memref<80xi32, #tpu.memory_space<vmem>>) semaphore(%arg14 : memref<!tpu.dma_semaphore, #tpu.memory_space<semaphore_mem>>) {add = true}
      } else {
      }
      %add3A_84 = arith.constant 3 : i32
      %add3A_85 = arith.addi %add3A_78, %add3A_84 : i32
      %lt3A_86 = arith.constant 125 : i32
      %lt3A_87 = arith.cmpi slt, %add3A_85, %lt3A_86 : i32
      %convert_element_type3A_88 = arith.extui %lt3A_87 : i1 to i32
      %cond3A_89 = arith.constant 0 : i32
      %cond3A_90 = arith.cmpi ne, %convert_element_type3A_88, %cond3A_89 : i32
      scf.if %cond3A_90 {
        %dma_wait3A_107 = arith.constant 0 : i32
        %dma_wait3A_108 = arith.constant 0 : i32
        %dma_wait3A_109 = tpu.memref_slice %arg6[%dma_wait3A_107, %dma_wait3A_108] : memref<125x80xi32, #tpu.memory_space<vmem>> -> memref<1x80xi32, #tpu.memory_space<vmem>>
        %dma_wait3A_110 = tpu.memref_squeeze %dma_wait3A_109 : memref<1x80xi32, #tpu.memory_space<vmem>> -> memref<80xi32, #tpu.memory_space<vmem>>
        %dma_wait3A_111 = arith.constant 0 : i32
        %dma_wait3A_112 = arith.constant 0 : i32
        %dma_wait3A_113 = tpu.memref_slice %arg5[%dma_wait3A_111, %dma_wait3A_112] : memref<10000x128xf32, #tpu.memory_space<vmem_shared>> -> memref<10000x128xf32, #tpu.memory_space<vmem_shared>>
        tpu.wait_indirect_dma semaphore(%arg14 : memref<!tpu.dma_semaphore, #tpu.memory_space<semaphore_mem>>) src(%arg8 : memref<80x128xf32, #tpu.memory_space<vmem>>) dst(%dma_wait3A_113 : memref<10000x128xf32, #tpu.memory_space<vmem_shared>>)
        %add3A_114 = arith.constant 3 : i32
        %add3A_115 = arith.addi %add3A_78, %add3A_114 : i32
        %mul3A_116 = arith.constant 80 : i32
        %mul3A_117 = arith.muli %add3A_115, %mul3A_116 : i32
        %add3A_118 = arith.addi %mul3A_2, %mul3A_117 : i32
        %dma_start3A_119 = arith.constant 0 : i32
        %dma_start3A_120 = tpu.memref_slice %arg2[%add3A_118, %dma_start3A_119] : memref<320000x128xf32, #tpu.memory_space<hbm>> -> memref<80x128xf32, #tpu.memory_space<hbm>>
        %dma_start3A_121 = arith.constant 0 : i32
        %dma_start3A_122 = tpu.memref_slice %arg2[%add3A_118, %dma_start3A_121] : memref<320000x128xf32, #tpu.memory_space<hbm>> -> memref<80x128xf32, #tpu.memory_space<hbm>>
        tpu.enqueue_dma source(%dma_start3A_122 : memref<80x128xf32, #tpu.memory_space<hbm>>) target(%arg8 : memref<80x128xf32, #tpu.memory_space<vmem>>) target_semaphore(%arg11 : memref<!tpu.dma_semaphore, #tpu.memory_space<semaphore_mem>>)
      } else {
      }
      %mul3A_91 = arith.constant 3 : i32
      %mul3A_92 = arith.muli %mul3A_91, %scan3A_61 : i32
      %add3A_93 = arith.constant 2 : i32
      %add3A_94 = arith.addi %mul3A_92, %add3A_93 : i32
      %lt3A_95 = arith.constant 125 : i32
      %lt3A_96 = arith.cmpi slt, %add3A_94, %lt3A_95 : i32
      %convert_element_type3A_97 = arith.extui %lt3A_96 : i1 to i32
      %cond3A_98 = arith.constant 0 : i32
      %cond3A_99 = arith.cmpi ne, %convert_element_type3A_97, %cond3A_98 : i32
      scf.if %cond3A_99 {
        %dma_wait3A_107 = arith.constant 0 : i32
        %dma_wait3A_108 = arith.constant 0 : i32
        %dma_wait3A_109 = tpu.memref_slice %arg2[%dma_wait3A_107, %dma_wait3A_108] : memref<320000x128xf32, #tpu.memory_space<hbm>> -> memref<80x128xf32, #tpu.memory_space<hbm>>
        %dma_wait3A_110 = arith.constant 0 : i32
        %dma_wait3A_111 = arith.constant 0 : i32
        %dma_wait3A_112 = tpu.memref_slice %arg2[%dma_wait3A_110, %dma_wait3A_111] : memref<320000x128xf32, #tpu.memory_space<hbm>> -> memref<80x128xf32, #tpu.memory_space<hbm>>
        tpu.wait_dma2 semaphore(%arg12 : memref<!tpu.dma_semaphore, #tpu.memory_space<semaphore_mem>>) src(%dma_wait3A_112 : memref<80x128xf32, #tpu.memory_space<hbm>>) dst(%arg9 : memref<80x128xf32, #tpu.memory_space<vmem>>)
        %dma_start3A_113 = arith.constant 0 : i32
        %dma_start3A_114 = tpu.memref_slice %arg6[%add3A_94, %dma_start3A_113] : memref<125x80xi32, #tpu.memory_space<vmem>> -> memref<1x80xi32, #tpu.memory_space<vmem>>
        %dma_start3A_115 = tpu.memref_squeeze %dma_start3A_114 : memref<1x80xi32, #tpu.memory_space<vmem>> -> memref<80xi32, #tpu.memory_space<vmem>>
        %dma_start3A_116 = arith.constant 0 : i32
        %dma_start3A_117 = arith.constant 0 : i32
        %dma_start3A_118 = tpu.memref_slice %arg5[%dma_start3A_116, %dma_start3A_117] : memref<10000x128xf32, #tpu.memory_space<vmem_shared>> -> memref<10000x128xf32, #tpu.memory_space<vmem_shared>>
        tpu.enqueue_indirect_dma source(%arg9 : memref<80x128xf32, #tpu.memory_space<vmem>>) target(%dma_start3A_118 : memref<10000x128xf32, #tpu.memory_space<vmem_shared>>) offsets(%dma_start3A_115 : memref<80xi32, #tpu.memory_space<vmem>>) semaphore(%arg15 : memref<!tpu.dma_semaphore, #tpu.memory_space<semaphore_mem>>) {add = true}
      } else {
      }
      %add3A_100 = arith.constant 3 : i32
      %add3A_101 = arith.addi %add3A_94, %add3A_100 : i32
      %lt3A_102 = arith.constant 125 : i32
      %lt3A_103 = arith.cmpi slt, %add3A_101, %lt3A_102 : i32
      %convert_element_type3A_104 = arith.extui %lt3A_103 : i1 to i32
      %cond3A_105 = arith.constant 0 : i32
      %cond3A_106 = arith.cmpi ne, %convert_element_type3A_104, %cond3A_105 : i32
      scf.if %cond3A_106 {
        %dma_wait3A_107 = arith.constant 0 : i32
        %dma_wait3A_108 = arith.constant 0 : i32
        %dma_wait3A_109 = tpu.memref_slice %arg6[%dma_wait3A_107, %dma_wait3A_108] : memref<125x80xi32, #tpu.memory_space<vmem>> -> memref<1x80xi32, #tpu.memory_space<vmem>>
        %dma_wait3A_110 = tpu.memref_squeeze %dma_wait3A_109 : memref<1x80xi32, #tpu.memory_space<vmem>> -> memref<80xi32, #tpu.memory_space<vmem>>
        %dma_wait3A_111 = arith.constant 0 : i32
        %dma_wait3A_112 = arith.constant 0 : i32
        %dma_wait3A_113 = tpu.memref_slice %arg5[%dma_wait3A_111, %dma_wait3A_112] : memref<10000x128xf32, #tpu.memory_space<vmem_shared>> -> memref<10000x128xf32, #tpu.memory_space<vmem_shared>>
        tpu.wait_indirect_dma semaphore(%arg15 : memref<!tpu.dma_semaphore, #tpu.memory_space<semaphore_mem>>) src(%arg9 : memref<80x128xf32, #tpu.memory_space<vmem>>) dst(%dma_wait3A_113 : memref<10000x128xf32, #tpu.memory_space<vmem_shared>>)
        %add3A_114 = arith.constant 3 : i32
        %add3A_115 = arith.addi %add3A_94, %add3A_114 : i32
        %mul3A_116 = arith.constant 80 : i32
        %mul3A_117 = arith.muli %add3A_115, %mul3A_116 : i32
        %add3A_118 = arith.addi %mul3A_2, %mul3A_117 : i32
        %dma_start3A_119 = arith.constant 0 : i32
        %dma_start3A_120 = tpu.memref_slice %arg2[%add3A_118, %dma_start3A_119] : memref<320000x128xf32, #tpu.memory_space<hbm>> -> memref<80x128xf32, #tpu.memory_space<hbm>>
        %dma_start3A_121 = arith.constant 0 : i32
        %dma_start3A_122 = tpu.memref_slice %arg2[%add3A_118, %dma_start3A_121] : memref<320000x128xf32, #tpu.memory_space<hbm>> -> memref<80x128xf32, #tpu.memory_space<hbm>>
        tpu.enqueue_dma source(%dma_start3A_122 : memref<80x128xf32, #tpu.memory_space<hbm>>) target(%arg9 : memref<80x128xf32, #tpu.memory_space<vmem>>) target_semaphore(%arg12 : memref<!tpu.dma_semaphore, #tpu.memory_space<semaphore_mem>>)
      } else {
      }
    }
    %scan3A_34 = arith.constant 42 : i32
    %dma_wait3A = arith.constant 0 : i32
    %dma_wait3A_35 = arith.constant 0 : i32
    %dma_wait3A_36 = tpu.memref_slice %arg6[%dma_wait3A, %dma_wait3A_35] : memref<125x80xi32, #tpu.memory_space<vmem>> -> memref<1x80xi32, #tpu.memory_space<vmem>>
    %dma_wait3A_37 = tpu.memref_squeeze %dma_wait3A_36 : memref<1x80xi32, #tpu.memory_space<vmem>> -> memref<80xi32, #tpu.memory_space<vmem>>
    %dma_wait3A_38 = arith.constant 0 : i32
    %dma_wait3A_39 = arith.constant 0 : i32
    %dma_wait3A_40 = tpu.memref_slice %arg5[%dma_wait3A_38, %dma_wait3A_39] : memref<10000x128xf32, #tpu.memory_space<vmem_shared>> -> memref<10000x128xf32, #tpu.memory_space<vmem_shared>>
    tpu.wait_indirect_dma semaphore(%arg13 : memref<!tpu.dma_semaphore, #tpu.memory_space<semaphore_mem>>) src(%arg7 : memref<80x128xf32, #tpu.memory_space<vmem>>) dst(%dma_wait3A_40 : memref<10000x128xf32, #tpu.memory_space<vmem_shared>>)
    %dma_wait3A_41 = arith.constant 0 : i32
    %dma_wait3A_42 = arith.constant 0 : i32
    %dma_wait3A_43 = tpu.memref_slice %arg6[%dma_wait3A_41, %dma_wait3A_42] : memref<125x80xi32, #tpu.memory_space<vmem>> -> memref<1x80xi32, #tpu.memory_space<vmem>>
    %dma_wait3A_44 = tpu.memref_squeeze %dma_wait3A_43 : memref<1x80xi32, #tpu.memory_space<vmem>> -> memref<80xi32, #tpu.memory_space<vmem>>
    %dma_wait3A_45 = arith.constant 0 : i32
    %dma_wait3A_46 = arith.constant 0 : i32
    %dma_wait3A_47 = tpu.memref_slice %arg5[%dma_wait3A_45, %dma_wait3A_46] : memref<10000x128xf32, #tpu.memory_space<vmem_shared>> -> memref<10000x128xf32, #tpu.memory_space<vmem_shared>>
    tpu.wait_indirect_dma semaphore(%arg14 : memref<!tpu.dma_semaphore, #tpu.memory_space<semaphore_mem>>) src(%arg8 : memref<80x128xf32, #tpu.memory_space<vmem>>) dst(%dma_wait3A_47 : memref<10000x128xf32, #tpu.memory_space<vmem_shared>>)
    %dma_wait3A_48 = arith.constant 0 : i32
    %dma_wait3A_49 = arith.constant 0 : i32
    %dma_wait3A_50 = tpu.memref_slice %arg6[%dma_wait3A_48, %dma_wait3A_49] : memref<125x80xi32, #tpu.memory_space<vmem>> -> memref<1x80xi32, #tpu.memory_space<vmem>>
    %dma_wait3A_51 = tpu.memref_squeeze %dma_wait3A_50 : memref<1x80xi32, #tpu.memory_space<vmem>> -> memref<80xi32, #tpu.memory_space<vmem>>
    %dma_wait3A_52 = arith.constant 0 : i32
    %dma_wait3A_53 = arith.constant 0 : i32
    %dma_wait3A_54 = tpu.memref_slice %arg5[%dma_wait3A_52, %dma_wait3A_53] : memref<10000x128xf32, #tpu.memory_space<vmem_shared>> -> memref<10000x128xf32, #tpu.memory_space<vmem_shared>>
    tpu.wait_indirect_dma semaphore(%arg15 : memref<!tpu.dma_semaphore, #tpu.memory_space<semaphore_mem>>) src(%arg9 : memref<80x128xf32, #tpu.memory_space<vmem>>) dst(%dma_wait3A_54 : memref<10000x128xf32, #tpu.memory_space<vmem_shared>>)
    %barrier3A_55 = arith.constant 0 : index
    tpu.barrier barrier_id(%barrier3A_55)
    %scan3A_56 = arith.constant 0 : i32
    %scan3A_57 = arith.constant 8 : i32
    %scan3A_58 = arith.addi %scan3A_56, %scan3A_57 : i32
    %scan3A_59 = arith.constant 1 : i32
    scf.for %scan3A_61 = %scan3A_56 to %scan3A_58 step %scan3A_59  : i32 {
      %mul3A_62 = arith.constant 16 : i32
      %mul3A_63 = arith.muli %scan3A_61, %mul3A_62 : i32
      %add3A_64 = arith.addi %arg1, %mul3A_63 : i32
      %lt3A = arith.constant 125 : i32
      %lt3A_65 = arith.cmpi slt, %add3A_64, %lt3A : i32
      %convert_element_type3A = arith.extui %lt3A_65 : i1 to i32
      %cond3A = arith.constant 0 : i32
      %cond3A_66 = arith.cmpi ne, %convert_element_type3A, %cond3A : i32
      scf.if %cond3A_66 {
        %mul3A_67 = arith.constant 80 : i32
        %mul3A_68 = arith.muli %add3A_64, %mul3A_67 : i32
        "tpu.region"() ({
          %run_scoped3A = tpu.sem_alloc : memref<!tpu.dma_semaphore, #tpu.memory_space<semaphore_mem>>
          %dma_start3A_71 = arith.constant 0 : i32
          %dma_start3A_72 = tpu.memref_slice %arg5[%mul3A_68, %dma_start3A_71] : memref<10000x128xf32, #tpu.memory_space<vmem_shared>> -> memref<80x128xf32, #tpu.memory_space<vmem_shared>>
          %dma_start3A_73 = arith.constant 0 : i32
          %dma_start3A_74 = tpu.memref_slice %arg5[%mul3A_68, %dma_start3A_73] : memref<10000x128xf32, #tpu.memory_space<vmem_shared>> -> memref<80x128xf32, #tpu.memory_space<vmem_shared>>
          tpu.enqueue_dma source(%dma_start3A_74 : memref<80x128xf32, #tpu.memory_space<vmem_shared>>) target(%arg7 : memref<80x128xf32, #tpu.memory_space<vmem>>) target_semaphore(%run_scoped3A : memref<!tpu.dma_semaphore, #tpu.memory_space<semaphore_mem>>)
          %dma_wait3A_75 = arith.constant 0 : i32
          %dma_wait3A_76 = tpu.memref_slice %arg5[%mul3A_68, %dma_wait3A_75] : memref<10000x128xf32, #tpu.memory_space<vmem_shared>> -> memref<80x128xf32, #tpu.memory_space<vmem_shared>>
          %dma_wait3A_77 = arith.constant 0 : i32
          %dma_wait3A_78 = tpu.memref_slice %arg5[%mul3A_68, %dma_wait3A_77] : memref<10000x128xf32, #tpu.memory_space<vmem_shared>> -> memref<80x128xf32, #tpu.memory_space<vmem_shared>>
          tpu.wait_dma2 semaphore(%run_scoped3A : memref<!tpu.dma_semaphore, #tpu.memory_space<semaphore_mem>>) src(%dma_wait3A_78 : memref<80x128xf32, #tpu.memory_space<vmem_shared>>) dst(%arg7 : memref<80x128xf32, #tpu.memory_space<vmem>>)
          tpu.yield
        }) : () -> ()
        %mul3A_69 = arith.constant 80 : i32
        %mul3A_70 = arith.muli %add3A_64, %mul3A_69 : i32
        "tpu.region"() ({
          %run_scoped3A = tpu.sem_alloc : memref<!tpu.dma_semaphore, #tpu.memory_space<semaphore_mem>>
          %dma_start3A_71 = arith.constant 0 : i32
          %dma_start3A_72 = tpu.memref_slice %arg4[%arg0, %mul3A_70, %dma_start3A_71] : memref<2x10000x128xf32, #tpu.memory_space<hbm>> -> memref<1x80x128xf32, #tpu.memory_space<hbm>>
          %dma_start3A_73 = tpu.memref_squeeze %dma_start3A_72 : memref<1x80x128xf32, #tpu.memory_space<hbm>> -> memref<80x128xf32, #tpu.memory_space<hbm>>
          %dma_start3A_74 = arith.constant 0 : i32
          %dma_start3A_75 = tpu.memref_slice %arg4[%arg0, %mul3A_70, %dma_start3A_74] : memref<2x10000x128xf32, #tpu.memory_space<hbm>> -> memref<1x80x128xf32, #tpu.memory_space<hbm>>
          %dma_start3A_76 = tpu.memref_squeeze %dma_start3A_75 : memref<1x80x128xf32, #tpu.memory_space<hbm>> -> memref<80x128xf32, #tpu.memory_space<hbm>>
          tpu.enqueue_dma source(%arg7 : memref<80x128xf32, #tpu.memory_space<vmem>>) target(%dma_start3A_76 : memref<80x128xf32, #tpu.memory_space<hbm>>) target_semaphore(%run_scoped3A : memref<!tpu.dma_semaphore, #tpu.memory_space<semaphore_mem>>)
          %dma_wait3A_77 = arith.constant 0 : i32
          %dma_wait3A_78 = tpu.memref_slice %arg4[%arg0, %mul3A_70, %dma_wait3A_77] : memref<2x10000x128xf32, #tpu.memory_space<hbm>> -> memref<1x80x128xf32, #tpu.memory_space<hbm>>
          %dma_wait3A_79 = tpu.memref_squeeze %dma_wait3A_78 : memref<1x80x128xf32, #tpu.memory_space<hbm>> -> memref<80x128xf32, #tpu.memory_space<hbm>>
          %dma_wait3A_80 = arith.constant 0 : i32
          %dma_wait3A_81 = tpu.memref_slice %arg4[%arg0, %mul3A_70, %dma_wait3A_80] : memref<2x10000x128xf32, #tpu.memory_space<hbm>> -> memref<1x80x128xf32, #tpu.memory_space<hbm>>
          %dma_wait3A_82 = tpu.memref_squeeze %dma_wait3A_81 : memref<1x80x128xf32, #tpu.memory_space<hbm>> -> memref<80x128xf32, #tpu.memory_space<hbm>>
          tpu.wait_dma2 semaphore(%run_scoped3A : memref<!tpu.dma_semaphore, #tpu.memory_space<semaphore_mem>>) src(%arg7 : memref<80x128xf32, #tpu.memory_space<vmem>>) dst(%dma_wait3A_82 : memref<80x128xf32, #tpu.memory_space<hbm>>)
          tpu.yield
        }) : () -> ()
      } else {
      }
    }
    %scan3A_60 = arith.constant 8 : i32
    return
  }
}

#map = affine_map<(d0, d1) -> (0, 0)>
#map1 = affine_map<(d0, d1) -> (0, 0, 0)>
module attributes {stable_mosaic.version = 14 : i64} {
  func.func @k(%arg0: i32, %arg1: i32, %arg2: memref<320000x128xf32, #tpu.memory_space<hbm>>, %arg3: memref<32x125x80xi32, #tpu.memory_space<hbm>>, %arg4: memref<2x10000x128xf32, #tpu.memory_space<hbm>>, %arg5: memref<10000x128xf32, #tpu.memory_space<vmem_shared>>, %arg6: memref<125x80xi32, #tpu.memory_space<vmem>>, %arg7: memref<80x128xf32, #tpu.memory_space<vmem>>, %arg8: memref<80x128xf32, #tpu.memory_space<vmem>>, %arg9: memref<80x128xf32, #tpu.memory_space<vmem>>, %arg10: memref<!tpu.dma_semaphore, #tpu.memory_space<semaphore_mem>>, %arg11: memref<!tpu.dma_semaphore, #tpu.memory_space<semaphore_mem>>, %arg12: memref<!tpu.dma_semaphore, #tpu.memory_space<semaphore_mem>>, %arg13: memref<!tpu.dma_semaphore, #tpu.memory_space<semaphore_mem>>, %arg14: memref<!tpu.dma_semaphore, #tpu.memory_space<semaphore_mem>>, %arg15: memref<!tpu.dma_semaphore, #tpu.memory_space<semaphore_mem>>) attributes {dimension_semantics = [#tpu.dimension_semantics<core_parallel>, #tpu.dimension_semantics<subcore_parallel>], iteration_bounds = array<i64: 2, 16>, scalar_prefetch = 0 : i64, scratch_operands = 11 : i64, tpu.core_type = #tpu.core_type<sc_vector_subcore>, window_params = [{transform_indices = #map}, {transform_indices = #map1}, {transform_indices = #map1}]} {
    %mul3A = arith.constant 16 : i32
    %mul3A_0 = arith.muli %arg0, %mul3A : i32
    %add3A = arith.addi %mul3A_0, %arg1 : i32
    %mul3A_1 = arith.constant 10000 : i32
    %mul3A_2 = arith.muli %add3A, %mul3A_1 : i32
    "tpu.region"() ({
      %run_scoped3A = tpu.sem_alloc : memref<!tpu.dma_semaphore, #tpu.memory_space<semaphore_mem>>
      %dma_start3A_61 = arith.constant 0 : i32
      %dma_start3A_62 = arith.constant 0 : i32
      %dma_start3A_63 = tpu.memref_slice %arg3[%add3A, %dma_start3A_61, %dma_start3A_62] : memref<32x125x80xi32, #tpu.memory_space<hbm>> -> memref<1x125x80xi32, #tpu.memory_space<hbm>>
      %dma_start3A_64 = tpu.memref_squeeze %dma_start3A_63 : memref<1x125x80xi32, #tpu.memory_space<hbm>> -> memref<125x80xi32, #tpu.memory_space<hbm>>
      %dma_start3A_65 = arith.constant 0 : i32
      %dma_start3A_66 = arith.constant 0 : i32
      %dma_start3A_67 = tpu.memref_slice %arg3[%add3A, %dma_start3A_65, %dma_start3A_66] : memref<32x125x80xi32, #tpu.memory_space<hbm>> -> memref<1x125x80xi32, #tpu.memory_space<hbm>>
      %dma_start3A_68 = tpu.memref_squeeze %dma_start3A_67 : memref<1x125x80xi32, #tpu.memory_space<hbm>> -> memref<125x80xi32, #tpu.memory_space<hbm>>
      tpu.enqueue_dma source(%dma_start3A_68 : memref<125x80xi32, #tpu.memory_space<hbm>>) target(%arg6 : memref<125x80xi32, #tpu.memory_space<vmem>>) target_semaphore(%run_scoped3A : memref<!tpu.dma_semaphore, #tpu.memory_space<semaphore_mem>>)
      %dma_wait3A_69 = arith.constant 0 : i32
      %dma_wait3A_70 = arith.constant 0 : i32
      %dma_wait3A_71 = tpu.memref_slice %arg3[%add3A, %dma_wait3A_69, %dma_wait3A_70] : memref<32x125x80xi32, #tpu.memory_space<hbm>> -> memref<1x125x80xi32, #tpu.memory_space<hbm>>
      %dma_wait3A_72 = tpu.memref_squeeze %dma_wait3A_71 : memref<1x125x80xi32, #tpu.memory_space<hbm>> -> memref<125x80xi32, #tpu.memory_space<hbm>>
      %dma_wait3A_73 = arith.constant 0 : i32
      %dma_wait3A_74 = arith.constant 0 : i32
      %dma_wait3A_75 = tpu.memref_slice %arg3[%add3A, %dma_wait3A_73, %dma_wait3A_74] : memref<32x125x80xi32, #tpu.memory_space<hbm>> -> memref<1x125x80xi32, #tpu.memory_space<hbm>>
      %dma_wait3A_76 = tpu.memref_squeeze %dma_wait3A_75 : memref<1x125x80xi32, #tpu.memory_space<hbm>> -> memref<125x80xi32, #tpu.memory_space<hbm>>
      tpu.wait_dma2 semaphore(%run_scoped3A : memref<!tpu.dma_semaphore, #tpu.memory_space<semaphore_mem>>) src(%dma_wait3A_76 : memref<125x80xi32, #tpu.memory_space<hbm>>) dst(%arg6 : memref<125x80xi32, #tpu.memory_space<vmem>>)
      tpu.yield
    }) : () -> ()
    %broadcast_in_dim3A = arith.constant 0.000000e+00 : f32
    %broadcast_in_dim3A_3 = vector.broadcast %broadcast_in_dim3A : f32 to vector<16xf32>
    %scan3A = arith.constant 0 : i32
    %scan3A_4 = arith.constant 80 : i32
    %scan3A_5 = arith.addi %scan3A, %scan3A_4 : i32
    %scan3A_6 = arith.constant 1 : i32
    scf.for %scan3A_61 = %scan3A to %scan3A_5 step %scan3A_6  : i32 {
      %swap3A = arith.index_cast %scan3A_61 : i32 to index
      %swap3A_62 = arith.constant 0 : index
      %swap3A_63 = tpu.vector_load %arg7[%swap3A, %swap3A_62] {strides = array<i32>} : memref<80x128xf32, #tpu.memory_space<vmem>>, vector<1x16xf32>,
      %swap3A_64 = vector.shape_cast %swap3A_63 : vector<1x16xf32> to vector<16xf32>
      %swap3A_65 = vector.shape_cast %broadcast_in_dim3A_3 : vector<16xf32> to vector<1x16xf32>
      tpu.vector_store %arg7[%swap3A, %swap3A_62], %swap3A_65 {strides = array<i32>} : memref<80x128xf32, #tpu.memory_space<vmem>>, vector<1x16xf32>,
      %swap3A_66 = arith.index_cast %scan3A_61 : i32 to index
      %swap3A_67 = arith.constant 16 : index
      %swap3A_68 = tpu.vector_load %arg7[%swap3A_66, %swap3A_67] {strides = array<i32>} : memref<80x128xf32, #tpu.memory_space<vmem>>, vector<1x16xf32>,
      %swap3A_69 = vector.shape_cast %swap3A_68 : vector<1x16xf32> to vector<16xf32>
      %swap3A_70 = vector.shape_cast %broadcast_in_dim3A_3 : vector<16xf32> to vector<1x16xf32>
      tpu.vector_store %arg7[%swap3A_66, %swap3A_67], %swap3A_70 {strides = array<i32>} : memref<80x128xf32, #tpu.memory_space<vmem>>, vector<1x16xf32>,
      %swap3A_71 = arith.index_cast %scan3A_61 : i32 to index
      %swap3A_72 = arith.constant 32 : index
      %swap3A_73 = tpu.vector_load %arg7[%swap3A_71, %swap3A_72] {strides = array<i32>} : memref<80x128xf32, #tpu.memory_space<vmem>>, vector<1x16xf32>,
      %swap3A_74 = vector.shape_cast %swap3A_73 : vector<1x16xf32> to vector<16xf32>
      %swap3A_75 = vector.shape_cast %broadcast_in_dim3A_3 : vector<16xf32> to vector<1x16xf32>
      tpu.vector_store %arg7[%swap3A_71, %swap3A_72], %swap3A_75 {strides = array<i32>} : memref<80x128xf32, #tpu.memory_space<vmem>>, vector<1x16xf32>,
      %swap3A_76 = arith.index_cast %scan3A_61 : i32 to index
      %swap3A_77 = arith.constant 48 : index
      %swap3A_78 = tpu.vector_load %arg7[%swap3A_76, %swap3A_77] {strides = array<i32>} : memref<80x128xf32, #tpu.memory_space<vmem>>, vector<1x16xf32>,
      %swap3A_79 = vector.shape_cast %swap3A_78 : vector<1x16xf32> to vector<16xf32>
      %swap3A_80 = vector.shape_cast %broadcast_in_dim3A_3 : vector<16xf32> to vector<1x16xf32>
      tpu.vector_store %arg7[%swap3A_76, %swap3A_77], %swap3A_80 {strides = array<i32>} : memref<80x128xf32, #tpu.memory_space<vmem>>, vector<1x16xf32>,
      %swap3A_81 = arith.index_cast %scan3A_61 : i32 to index
      %swap3A_82 = arith.constant 64 : index
      %swap3A_83 = tpu.vector_load %arg7[%swap3A_81, %swap3A_82] {strides = array<i32>} : memref<80x128xf32, #tpu.memory_space<vmem>>, vector<1x16xf32>,
      %swap3A_84 = vector.shape_cast %swap3A_83 : vector<1x16xf32> to vector<16xf32>
      %swap3A_85 = vector.shape_cast %broadcast_in_dim3A_3 : vector<16xf32> to vector<1x16xf32>
      tpu.vector_store %arg7[%swap3A_81, %swap3A_82], %swap3A_85 {strides = array<i32>} : memref<80x128xf32, #tpu.memory_space<vmem>>, vector<1x16xf32>,
      %swap3A_86 = arith.index_cast %scan3A_61 : i32 to index
      %swap3A_87 = arith.constant 80 : index
      %swap3A_88 = tpu.vector_load %arg7[%swap3A_86, %swap3A_87] {strides = array<i32>} : memref<80x128xf32, #tpu.memory_space<vmem>>, vector<1x16xf32>,
      %swap3A_89 = vector.shape_cast %swap3A_88 : vector<1x16xf32> to vector<16xf32>
      %swap3A_90 = vector.shape_cast %broadcast_in_dim3A_3 : vector<16xf32> to vector<1x16xf32>
      tpu.vector_store %arg7[%swap3A_86, %swap3A_87], %swap3A_90 {strides = array<i32>} : memref<80x128xf32, #tpu.memory_space<vmem>>, vector<1x16xf32>,
      %swap3A_91 = arith.index_cast %scan3A_61 : i32 to index
      %swap3A_92 = arith.constant 96 : index
      %swap3A_93 = tpu.vector_load %arg7[%swap3A_91, %swap3A_92] {strides = array<i32>} : memref<80x128xf32, #tpu.memory_space<vmem>>, vector<1x16xf32>,
      %swap3A_94 = vector.shape_cast %swap3A_93 : vector<1x16xf32> to vector<16xf32>
      %swap3A_95 = vector.shape_cast %broadcast_in_dim3A_3 : vector<16xf32> to vector<1x16xf32>
      tpu.vector_store %arg7[%swap3A_91, %swap3A_92], %swap3A_95 {strides = array<i32>} : memref<80x128xf32, #tpu.memory_space<vmem>>, vector<1x16xf32>,
      %swap3A_96 = arith.index_cast %scan3A_61 : i32 to index
      %swap3A_97 = arith.constant 112 : index
      %swap3A_98 = tpu.vector_load %arg7[%swap3A_96, %swap3A_97] {strides = array<i32>} : memref<80x128xf32, #tpu.memory_space<vmem>>, vector<1x16xf32>,
      %swap3A_99 = vector.shape_cast %swap3A_98 : vector<1x16xf32> to vector<16xf32>
      %swap3A_100 = vector.shape_cast %broadcast_in_dim3A_3 : vector<16xf32> to vector<1x16xf32>
      tpu.vector_store %arg7[%swap3A_96, %swap3A_97], %swap3A_100 {strides = array<i32>} : memref<80x128xf32, #tpu.memory_space<vmem>>, vector<1x16xf32>,
    }
    %scan3A_7 = arith.constant 80 : i32
    %scan3A_8 = arith.constant 0 : i32
    %scan3A_9 = arith.constant 8 : i32
    %scan3A_10 = arith.addi %scan3A_8, %scan3A_9 : i32
    %scan3A_11 = arith.constant 1 : i32
    scf.for %scan3A_61 = %scan3A_8 to %scan3A_10 step %scan3A_11  : i32 {
      %mul3A_62 = arith.constant 16 : i32
      %mul3A_63 = arith.muli %scan3A_61, %mul3A_62 : i32
      %add3A_64 = arith.addi %arg1, %mul3A_63 : i32
      %lt3A = arith.constant 125 : i32
      %lt3A_65 = arith.cmpi slt, %add3A_64, %lt3A : i32
      %convert_element_type3A = arith.extui %lt3A_65 : i1 to i32
      %cond3A = arith.constant 0 : i32
      %cond3A_66 = arith.cmpi ne, %convert_element_type3A, %cond3A : i32
      scf.if %cond3A_66 {
        %mul3A_67 = arith.constant 80 : i32
        %mul3A_68 = arith.muli %add3A_64, %mul3A_67 : i32
        "tpu.region"() ({
          %run_scoped3A = tpu.sem_alloc : memref<!tpu.dma_semaphore, #tpu.memory_space<semaphore_mem>>
          %dma_start3A_69 = arith.constant 0 : i32
          %dma_start3A_70 = tpu.memref_slice %arg5[%mul3A_68, %dma_start3A_69] : memref<10000x128xf32, #tpu.memory_space<vmem_shared>> -> memref<80x128xf32, #tpu.memory_space<vmem_shared>>
          %dma_start3A_71 = arith.constant 0 : i32
          %dma_start3A_72 = tpu.memref_slice %arg5[%mul3A_68, %dma_start3A_71] : memref<10000x128xf32, #tpu.memory_space<vmem_shared>> -> memref<80x128xf32, #tpu.memory_space<vmem_shared>>
          tpu.enqueue_dma source(%arg7 : memref<80x128xf32, #tpu.memory_space<vmem>>) target(%dma_start3A_72 : memref<80x128xf32, #tpu.memory_space<vmem_shared>>) target_semaphore(%run_scoped3A : memref<!tpu.dma_semaphore, #tpu.memory_space<semaphore_mem>>)
          %dma_wait3A_73 = arith.constant 0 : i32
          %dma_wait3A_74 = tpu.memref_slice %arg5[%mul3A_68, %dma_wait3A_73] : memref<10000x128xf32, #tpu.memory_space<vmem_shared>> -> memref<80x128xf32, #tpu.memory_space<vmem_shared>>
          %dma_wait3A_75 = arith.constant 0 : i32
          %dma_wait3A_76 = tpu.memref_slice %arg5[%mul3A_68, %dma_wait3A_75] : memref<10000x128xf32, #tpu.memory_space<vmem_shared>> -> memref<80x128xf32, #tpu.memory_space<vmem_shared>>
          tpu.wait_dma2 semaphore(%run_scoped3A : memref<!tpu.dma_semaphore, #tpu.memory_space<semaphore_mem>>) src(%arg7 : memref<80x128xf32, #tpu.memory_space<vmem>>) dst(%dma_wait3A_76 : memref<80x128xf32, #tpu.memory_space<vmem_shared>>)
          tpu.yield
        }) : () -> ()
      } else {
      }
    }
    %scan3A_12 = arith.constant 8 : i32
    %barrier3A = arith.constant 0 : index
    tpu.barrier barrier_id(%barrier3A)
    %add3A_13 = arith.constant 0 : i32
    %add3A_14 = arith.addi %mul3A_2, %add3A_13 : i32
    %dma_start3A = arith.constant 0 : i32
    %dma_start3A_15 = tpu.memref_slice %arg2[%add3A_14, %dma_start3A] : memref<320000x128xf32, #tpu.memory_space<hbm>> -> memref<80x128xf32, #tpu.memory_space<hbm>>
    %dma_start3A_16 = arith.constant 0 : i32
    %dma_start3A_17 = tpu.memref_slice %arg2[%add3A_14, %dma_start3A_16] : memref<320000x128xf32, #tpu.memory_space<hbm>> -> memref<80x128xf32, #tpu.memory_space<hbm>>
    tpu.enqueue_dma source(%dma_start3A_17 : memref<80x128xf32, #tpu.memory_space<hbm>>) target(%arg7 : memref<80x128xf32, #tpu.memory_space<vmem>>) target_semaphore(%arg10 : memref<!tpu.dma_semaphore, #tpu.memory_space<semaphore_mem>>)
    %add3A_18 = arith.constant 80 : i32
    %add3A_19 = arith.addi %mul3A_2, %add3A_18 : i32
    %dma_start3A_20 = arith.constant 0 : i32
    %dma_start3A_21 = tpu.memref_slice %arg2[%add3A_19, %dma_start3A_20] : memref<320000x128xf32, #tpu.memory_space<hbm>> -> memref<80x128xf32, #tpu.memory_space<hbm>>
    %dma_start3A_22 = arith.constant 0 : i32
    %dma_start3A_23 = tpu.memref_slice %arg2[%add3A_19, %dma_start3A_22] : memref<320000x128xf32, #tpu.memory_space<hbm>> -> memref<80x128xf32, #tpu.memory_space<hbm>>
    tpu.enqueue_dma source(%dma_start3A_23 : memref<80x128xf32, #tpu.memory_space<hbm>>) target(%arg8 : memref<80x128xf32, #tpu.memory_space<vmem>>) target_semaphore(%arg11 : memref<!tpu.dma_semaphore, #tpu.memory_space<semaphore_mem>>)
    %add3A_24 = arith.constant 160 : i32
    %add3A_25 = arith.addi %mul3A_2, %add3A_24 : i32
    %dma_start3A_26 = arith.constant 0 : i32
    %dma_start3A_27 = tpu.memref_slice %arg2[%add3A_25, %dma_start3A_26] : memref<320000x128xf32, #tpu.memory_space<hbm>> -> memref<80x128xf32, #tpu.memory_space<hbm>>
    %dma_start3A_28 = arith.constant 0 : i32
    %dma_start3A_29 = tpu.memref_slice %arg2[%add3A_25, %dma_start3A_28] : memref<320000x128xf32, #tpu.memory_space<hbm>> -> memref<80x128xf32, #tpu.memory_space<hbm>>
    tpu.enqueue_dma source(%dma_start3A_29 : memref<80x128xf32, #tpu.memory_space<hbm>>) target(%arg9 : memref<80x128xf32, #tpu.memory_space<vmem>>) target_semaphore(%arg12 : memref<!tpu.dma_semaphore, #tpu.memory_space<semaphore_mem>>)
    %scan3A_30 = arith.constant 0 : i32
    %scan3A_31 = arith.constant 42 : i32
    %scan3A_32 = arith.addi %scan3A_30, %scan3A_31 : i32
    %scan3A_33 = arith.constant 1 : i32
    scf.for %scan3A_61 = %scan3A_30 to %scan3A_32 step %scan3A_33  : i32 {
      %mul3A_62 = arith.constant 3 : i32
      %mul3A_63 = arith.muli %mul3A_62, %scan3A_61 : i32
      %add3A_64 = arith.constant 0 : i32
      %add3A_65 = arith.addi %mul3A_63, %add3A_64 : i32
      %lt3A = arith.constant 125 : i32
      %lt3A_66 = arith.cmpi slt, %add3A_65, %lt3A : i32
      %convert_element_type3A = arith.extui %lt3A_66 : i1 to i32
      %cond3A = arith.constant 0 : i32
      %cond3A_67 = arith.cmpi ne, %convert_element_type3A, %cond3A : i32
      scf.if %cond3A_67 {
        %dma_wait3A_107 = arith.constant 0 : i32
        %dma_wait3A_108 = arith.constant 0 : i32
        %dma_wait3A_109 = tpu.memref_slice %arg2[%dma_wait3A_107, %dma_wait3A_108] : memref<320000x128xf32, #tpu.memory_space<hbm>> -> memref<80x128xf32, #tpu.memory_space<hbm>>
        %dma_wait3A_110 = arith.constant 0 : i32
        %dma_wait3A_111 = arith.constant 0 : i32
        %dma_wait3A_112 = tpu.memref_slice %arg2[%dma_wait3A_110, %dma_wait3A_111] : memref<320000x128xf32, #tpu.memory_space<hbm>> -> memref<80x128xf32, #tpu.memory_space<hbm>>
        tpu.wait_dma2 semaphore(%arg10 : memref<!tpu.dma_semaphore, #tpu.memory_space<semaphore_mem>>) src(%dma_wait3A_112 : memref<80x128xf32, #tpu.memory_space<hbm>>) dst(%arg7 : memref<80x128xf32, #tpu.memory_space<vmem>>)
        %dma_start3A_113 = arith.constant 0 : i32
        %dma_start3A_114 = tpu.memref_slice %arg6[%add3A_65, %dma_start3A_113] : memref<125x80xi32, #tpu.memory_space<vmem>> -> memref<1x80xi32, #tpu.memory_space<vmem>>
        %dma_start3A_115 = tpu.memref_squeeze %dma_start3A_114 : memref<1x80xi32, #tpu.memory_space<vmem>> -> memref<80xi32, #tpu.memory_space<vmem>>
        %dma_start3A_116 = arith.constant 0 : i32
        %dma_start3A_117 = arith.constant 0 : i32
        %dma_start3A_118 = tpu.memref_slice %arg5[%dma_start3A_116, %dma_start3A_117] : memref<10000x128xf32, #tpu.memory_space<vmem_shared>> -> memref<10000x128xf32, #tpu.memory_space<vmem_shared>>
        tpu.enqueue_indirect_dma source(%arg7 : memref<80x128xf32, #tpu.memory_space<vmem>>) target(%dma_start3A_118 : memref<10000x128xf32, #tpu.memory_space<vmem_shared>>) offsets(%dma_start3A_115 : memref<80xi32, #tpu.memory_space<vmem>>) semaphore(%arg13 : memref<!tpu.dma_semaphore, #tpu.memory_space<semaphore_mem>>) {add = true}
      } else {
      }
      %add3A_68 = arith.constant 3 : i32
      %add3A_69 = arith.addi %add3A_65, %add3A_68 : i32
      %lt3A_70 = arith.constant 125 : i32
      %lt3A_71 = arith.cmpi slt, %add3A_69, %lt3A_70 : i32
      %convert_element_type3A_72 = arith.extui %lt3A_71 : i1 to i32
      %cond3A_73 = arith.constant 0 : i32
      %cond3A_74 = arith.cmpi ne, %convert_element_type3A_72, %cond3A_73 : i32
      scf.if %cond3A_74 {
        %dma_wait3A_107 = arith.constant 0 : i32
        %dma_wait3A_108 = arith.constant 0 : i32
        %dma_wait3A_109 = tpu.memref_slice %arg6[%dma_wait3A_107, %dma_wait3A_108] : memref<125x80xi32, #tpu.memory_space<vmem>> -> memref<1x80xi32, #tpu.memory_space<vmem>>
        %dma_wait3A_110 = tpu.memref_squeeze %dma_wait3A_109 : memref<1x80xi32, #tpu.memory_space<vmem>> -> memref<80xi32, #tpu.memory_space<vmem>>
        %dma_wait3A_111 = arith.constant 0 : i32
        %dma_wait3A_112 = arith.constant 0 : i32
        %dma_wait3A_113 = tpu.memref_slice %arg5[%dma_wait3A_111, %dma_wait3A_112] : memref<10000x128xf32, #tpu.memory_space<vmem_shared>> -> memref<10000x128xf32, #tpu.memory_space<vmem_shared>>
        tpu.wait_indirect_dma semaphore(%arg13 : memref<!tpu.dma_semaphore, #tpu.memory_space<semaphore_mem>>) src(%arg7 : memref<80x128xf32, #tpu.memory_space<vmem>>) dst(%dma_wait3A_113 : memref<10000x128xf32, #tpu.memory_space<vmem_shared>>)
        %add3A_114 = arith.constant 3 : i32
        %add3A_115 = arith.addi %add3A_65, %add3A_114 : i32
        %mul3A_116 = arith.constant 80 : i32
        %mul3A_117 = arith.muli %add3A_115, %mul3A_116 : i32
        %add3A_118 = arith.addi %mul3A_2, %mul3A_117 : i32
        %dma_start3A_119 = arith.constant 0 : i32
        %dma_start3A_120 = tpu.memref_slice %arg2[%add3A_118, %dma_start3A_119] : memref<320000x128xf32, #tpu.memory_space<hbm>> -> memref<80x128xf32, #tpu.memory_space<hbm>>
        %dma_start3A_121 = arith.constant 0 : i32
        %dma_start3A_122 = tpu.memref_slice %arg2[%add3A_118, %dma_start3A_121] : memref<320000x128xf32, #tpu.memory_space<hbm>> -> memref<80x128xf32, #tpu.memory_space<hbm>>
        tpu.enqueue_dma source(%dma_start3A_122 : memref<80x128xf32, #tpu.memory_space<hbm>>) target(%arg7 : memref<80x128xf32, #tpu.memory_space<vmem>>) target_semaphore(%arg10 : memref<!tpu.dma_semaphore, #tpu.memory_space<semaphore_mem>>)
      } else {
      }
      %mul3A_75 = arith.constant 3 : i32
      %mul3A_76 = arith.muli %mul3A_75, %scan3A_61 : i32
      %add3A_77 = arith.constant 1 : i32
      %add3A_78 = arith.addi %mul3A_76, %add3A_77 : i32
      %lt3A_79 = arith.constant 125 : i32
      %lt3A_80 = arith.cmpi slt, %add3A_78, %lt3A_79 : i32
      %convert_element_type3A_81 = arith.extui %lt3A_80 : i1 to i32
      %cond3A_82 = arith.constant 0 : i32
      %cond3A_83 = arith.cmpi ne, %convert_element_type3A_81, %cond3A_82 : i32
      scf.if %cond3A_83 {
        %dma_wait3A_107 = arith.constant 0 : i32
        %dma_wait3A_108 = arith.constant 0 : i32
        %dma_wait3A_109 = tpu.memref_slice %arg2[%dma_wait3A_107, %dma_wait3A_108] : memref<320000x128xf32, #tpu.memory_space<hbm>> -> memref<80x128xf32, #tpu.memory_space<hbm>>
        %dma_wait3A_110 = arith.constant 0 : i32
        %dma_wait3A_111 = arith.constant 0 : i32
        %dma_wait3A_112 = tpu.memref_slice %arg2[%dma_wait3A_110, %dma_wait3A_111] : memref<320000x128xf32, #tpu.memory_space<hbm>> -> memref<80x128xf32, #tpu.memory_space<hbm>>
        tpu.wait_dma2 semaphore(%arg11 : memref<!tpu.dma_semaphore, #tpu.memory_space<semaphore_mem>>) src(%dma_wait3A_112 : memref<80x128xf32, #tpu.memory_space<hbm>>) dst(%arg8 : memref<80x128xf32, #tpu.memory_space<vmem>>)
        %dma_start3A_113 = arith.constant 0 : i32
        %dma_start3A_114 = tpu.memref_slice %arg6[%add3A_78, %dma_start3A_113] : memref<125x80xi32, #tpu.memory_space<vmem>> -> memref<1x80xi32, #tpu.memory_space<vmem>>
        %dma_start3A_115 = tpu.memref_squeeze %dma_start3A_114 : memref<1x80xi32, #tpu.memory_space<vmem>> -> memref<80xi32, #tpu.memory_space<vmem>>
        %dma_start3A_116 = arith.constant 0 : i32
        %dma_start3A_117 = arith.constant 0 : i32
        %dma_start3A_118 = tpu.memref_slice %arg5[%dma_start3A_116, %dma_start3A_117] : memref<10000x128xf32, #tpu.memory_space<vmem_shared>> -> memref<10000x128xf32, #tpu.memory_space<vmem_shared>>
        tpu.enqueue_indirect_dma source(%arg8 : memref<80x128xf32, #tpu.memory_space<vmem>>) target(%dma_start3A_118 : memref<10000x128xf32, #tpu.memory_space<vmem_shared>>) offsets(%dma_start3A_115 : memref<80xi32, #tpu.memory_space<vmem>>) semaphore(%arg14 : memref<!tpu.dma_semaphore, #tpu.memory_space<semaphore_mem>>) {add = true}
      } else {
      }
      %add3A_84 = arith.constant 3 : i32
      %add3A_85 = arith.addi %add3A_78, %add3A_84 : i32
      %lt3A_86 = arith.constant 125 : i32
      %lt3A_87 = arith.cmpi slt, %add3A_85, %lt3A_86 : i32
      %convert_element_type3A_88 = arith.extui %lt3A_87 : i1 to i32
      %cond3A_89 = arith.constant 0 : i32
      %cond3A_90 = arith.cmpi ne, %convert_element_type3A_88, %cond3A_89 : i32
      scf.if %cond3A_90 {
        %dma_wait3A_107 = arith.constant 0 : i32
        %dma_wait3A_108 = arith.constant 0 : i32
        %dma_wait3A_109 = tpu.memref_slice %arg6[%dma_wait3A_107, %dma_wait3A_108] : memref<125x80xi32, #tpu.memory_space<vmem>> -> memref<1x80xi32, #tpu.memory_space<vmem>>
        %dma_wait3A_110 = tpu.memref_squeeze %dma_wait3A_109 : memref<1x80xi32, #tpu.memory_space<vmem>> -> memref<80xi32, #tpu.memory_space<vmem>>
        %dma_wait3A_111 = arith.constant 0 : i32
        %dma_wait3A_112 = arith.constant 0 : i32
        %dma_wait3A_113 = tpu.memref_slice %arg5[%dma_wait3A_111, %dma_wait3A_112] : memref<10000x128xf32, #tpu.memory_space<vmem_shared>> -> memref<10000x128xf32, #tpu.memory_space<vmem_shared>>
        tpu.wait_indirect_dma semaphore(%arg14 : memref<!tpu.dma_semaphore, #tpu.memory_space<semaphore_mem>>) src(%arg8 : memref<80x128xf32, #tpu.memory_space<vmem>>) dst(%dma_wait3A_113 : memref<10000x128xf32, #tpu.memory_space<vmem_shared>>)
        %add3A_114 = arith.constant 3 : i32
        %add3A_115 = arith.addi %add3A_78, %add3A_114 : i32
        %mul3A_116 = arith.constant 80 : i32
        %mul3A_117 = arith.muli %add3A_115, %mul3A_116 : i32
        %add3A_118 = arith.addi %mul3A_2, %mul3A_117 : i32
        %dma_start3A_119 = arith.constant 0 : i32
        %dma_start3A_120 = tpu.memref_slice %arg2[%add3A_118, %dma_start3A_119] : memref<320000x128xf32, #tpu.memory_space<hbm>> -> memref<80x128xf32, #tpu.memory_space<hbm>>
        %dma_start3A_121 = arith.constant 0 : i32
        %dma_start3A_122 = tpu.memref_slice %arg2[%add3A_118, %dma_start3A_121] : memref<320000x128xf32, #tpu.memory_space<hbm>> -> memref<80x128xf32, #tpu.memory_space<hbm>>
        tpu.enqueue_dma source(%dma_start3A_122 : memref<80x128xf32, #tpu.memory_space<hbm>>) target(%arg8 : memref<80x128xf32, #tpu.memory_space<vmem>>) target_semaphore(%arg11 : memref<!tpu.dma_semaphore, #tpu.memory_space<semaphore_mem>>)
      } else {
      }
      %mul3A_91 = arith.constant 3 : i32
      %mul3A_92 = arith.muli %mul3A_91, %scan3A_61 : i32
      %add3A_93 = arith.constant 2 : i32
      %add3A_94 = arith.addi %mul3A_92, %add3A_93 : i32
      %lt3A_95 = arith.constant 125 : i32
      %lt3A_96 = arith.cmpi slt, %add3A_94, %lt3A_95 : i32
      %convert_element_type3A_97 = arith.extui %lt3A_96 : i1 to i32
      %cond3A_98 = arith.constant 0 : i32
      %cond3A_99 = arith.cmpi ne, %convert_element_type3A_97, %cond3A_98 : i32
      scf.if %cond3A_99 {
        %dma_wait3A_107 = arith.constant 0 : i32
        %dma_wait3A_108 = arith.constant 0 : i32
        %dma_wait3A_109 = tpu.memref_slice %arg2[%dma_wait3A_107, %dma_wait3A_108] : memref<320000x128xf32, #tpu.memory_space<hbm>> -> memref<80x128xf32, #tpu.memory_space<hbm>>
        %dma_wait3A_110 = arith.constant 0 : i32
        %dma_wait3A_111 = arith.constant 0 : i32
        %dma_wait3A_112 = tpu.memref_slice %arg2[%dma_wait3A_110, %dma_wait3A_111] : memref<320000x128xf32, #tpu.memory_space<hbm>> -> memref<80x128xf32, #tpu.memory_space<hbm>>
        tpu.wait_dma2 semaphore(%arg12 : memref<!tpu.dma_semaphore, #tpu.memory_space<semaphore_mem>>) src(%dma_wait3A_112 : memref<80x128xf32, #tpu.memory_space<hbm>>) dst(%arg9 : memref<80x128xf32, #tpu.memory_space<vmem>>)
        %dma_start3A_113 = arith.constant 0 : i32
        %dma_start3A_114 = tpu.memref_slice %arg6[%add3A_94, %dma_start3A_113] : memref<125x80xi32, #tpu.memory_space<vmem>> -> memref<1x80xi32, #tpu.memory_space<vmem>>
        %dma_start3A_115 = tpu.memref_squeeze %dma_start3A_114 : memref<1x80xi32, #tpu.memory_space<vmem>> -> memref<80xi32, #tpu.memory_space<vmem>>
        %dma_start3A_116 = arith.constant 0 : i32
        %dma_start3A_117 = arith.constant 0 : i32
        %dma_start3A_118 = tpu.memref_slice %arg5[%dma_start3A_116, %dma_start3A_117] : memref<10000x128xf32, #tpu.memory_space<vmem_shared>> -> memref<10000x128xf32, #tpu.memory_space<vmem_shared>>
        tpu.enqueue_indirect_dma source(%arg9 : memref<80x128xf32, #tpu.memory_space<vmem>>) target(%dma_start3A_118 : memref<10000x128xf32, #tpu.memory_space<vmem_shared>>) offsets(%dma_start3A_115 : memref<80xi32, #tpu.memory_space<vmem>>) semaphore(%arg15 : memref<!tpu.dma_semaphore, #tpu.memory_space<semaphore_mem>>) {add = true}
      } else {
      }
      %add3A_100 = arith.constant 3 : i32
      %add3A_101 = arith.addi %add3A_94, %add3A_100 : i32
      %lt3A_102 = arith.constant 125 : i32
      %lt3A_103 = arith.cmpi slt, %add3A_101, %lt3A_102 : i32
      %convert_element_type3A_104 = arith.extui %lt3A_103 : i1 to i32
      %cond3A_105 = arith.constant 0 : i32
      %cond3A_106 = arith.cmpi ne, %convert_element_type3A_104, %cond3A_105 : i32
      scf.if %cond3A_106 {
        %dma_wait3A_107 = arith.constant 0 : i32
        %dma_wait3A_108 = arith.constant 0 : i32
        %dma_wait3A_109 = tpu.memref_slice %arg6[%dma_wait3A_107, %dma_wait3A_108] : memref<125x80xi32, #tpu.memory_space<vmem>> -> memref<1x80xi32, #tpu.memory_space<vmem>>
        %dma_wait3A_110 = tpu.memref_squeeze %dma_wait3A_109 : memref<1x80xi32, #tpu.memory_space<vmem>> -> memref<80xi32, #tpu.memory_space<vmem>>
        %dma_wait3A_111 = arith.constant 0 : i32
        %dma_wait3A_112 = arith.constant 0 : i32
        %dma_wait3A_113 = tpu.memref_slice %arg5[%dma_wait3A_111, %dma_wait3A_112] : memref<10000x128xf32, #tpu.memory_space<vmem_shared>> -> memref<10000x128xf32, #tpu.memory_space<vmem_shared>>
        tpu.wait_indirect_dma semaphore(%arg15 : memref<!tpu.dma_semaphore, #tpu.memory_space<semaphore_mem>>) src(%arg9 : memref<80x128xf32, #tpu.memory_space<vmem>>) dst(%dma_wait3A_113 : memref<10000x128xf32, #tpu.memory_space<vmem_shared>>)
        %add3A_114 = arith.constant 3 : i32
        %add3A_115 = arith.addi %add3A_94, %add3A_114 : i32
        %mul3A_116 = arith.constant 80 : i32
        %mul3A_117 = arith.muli %add3A_115, %mul3A_116 : i32
        %add3A_118 = arith.addi %mul3A_2, %mul3A_117 : i32
        %dma_start3A_119 = arith.constant 0 : i32
        %dma_start3A_120 = tpu.memref_slice %arg2[%add3A_118, %dma_start3A_119] : memref<320000x128xf32, #tpu.memory_space<hbm>> -> memref<80x128xf32, #tpu.memory_space<hbm>>
        %dma_start3A_121 = arith.constant 0 : i32
        %dma_start3A_122 = tpu.memref_slice %arg2[%add3A_118, %dma_start3A_121] : memref<320000x128xf32, #tpu.memory_space<hbm>> -> memref<80x128xf32, #tpu.memory_space<hbm>>
        tpu.enqueue_dma source(%dma_start3A_122 : memref<80x128xf32, #tpu.memory_space<hbm>>) target(%arg9 : memref<80x128xf32, #tpu.memory_space<vmem>>) target_semaphore(%arg12 : memref<!tpu.dma_semaphore, #tpu.memory_space<semaphore_mem>>)
      } else {
      }
    }
    %scan3A_34 = arith.constant 42 : i32
    %dma_wait3A = arith.constant 0 : i32
    %dma_wait3A_35 = arith.constant 0 : i32
    %dma_wait3A_36 = tpu.memref_slice %arg6[%dma_wait3A, %dma_wait3A_35] : memref<125x80xi32, #tpu.memory_space<vmem>> -> memref<1x80xi32, #tpu.memory_space<vmem>>
    %dma_wait3A_37 = tpu.memref_squeeze %dma_wait3A_36 : memref<1x80xi32, #tpu.memory_space<vmem>> -> memref<80xi32, #tpu.memory_space<vmem>>
    %dma_wait3A_38 = arith.constant 0 : i32
    %dma_wait3A_39 = arith.constant 0 : i32
    %dma_wait3A_40 = tpu.memref_slice %arg5[%dma_wait3A_38, %dma_wait3A_39] : memref<10000x128xf32, #tpu.memory_space<vmem_shared>> -> memref<10000x128xf32, #tpu.memory_space<vmem_shared>>
    tpu.wait_indirect_dma semaphore(%arg13 : memref<!tpu.dma_semaphore, #tpu.memory_space<semaphore_mem>>) src(%arg7 : memref<80x128xf32, #tpu.memory_space<vmem>>) dst(%dma_wait3A_40 : memref<10000x128xf32, #tpu.memory_space<vmem_shared>>)
    %dma_wait3A_41 = arith.constant 0 : i32
    %dma_wait3A_42 = arith.constant 0 : i32
    %dma_wait3A_43 = tpu.memref_slice %arg6[%dma_wait3A_41, %dma_wait3A_42] : memref<125x80xi32, #tpu.memory_space<vmem>> -> memref<1x80xi32, #tpu.memory_space<vmem>>
    %dma_wait3A_44 = tpu.memref_squeeze %dma_wait3A_43 : memref<1x80xi32, #tpu.memory_space<vmem>> -> memref<80xi32, #tpu.memory_space<vmem>>
    %dma_wait3A_45 = arith.constant 0 : i32
    %dma_wait3A_46 = arith.constant 0 : i32
    %dma_wait3A_47 = tpu.memref_slice %arg5[%dma_wait3A_45, %dma_wait3A_46] : memref<10000x128xf32, #tpu.memory_space<vmem_shared>> -> memref<10000x128xf32, #tpu.memory_space<vmem_shared>>
    tpu.wait_indirect_dma semaphore(%arg14 : memref<!tpu.dma_semaphore, #tpu.memory_space<semaphore_mem>>) src(%arg8 : memref<80x128xf32, #tpu.memory_space<vmem>>) dst(%dma_wait3A_47 : memref<10000x128xf32, #tpu.memory_space<vmem_shared>>)
    %dma_wait3A_48 = arith.constant 0 : i32
    %dma_wait3A_49 = arith.constant 0 : i32
    %dma_wait3A_50 = tpu.memref_slice %arg6[%dma_wait3A_48, %dma_wait3A_49] : memref<125x80xi32, #tpu.memory_space<vmem>> -> memref<1x80xi32, #tpu.memory_space<vmem>>
    %dma_wait3A_51 = tpu.memref_squeeze %dma_wait3A_50 : memref<1x80xi32, #tpu.memory_space<vmem>> -> memref<80xi32, #tpu.memory_space<vmem>>
    %dma_wait3A_52 = arith.constant 0 : i32
    %dma_wait3A_53 = arith.constant 0 : i32
    %dma_wait3A_54 = tpu.memref_slice %arg5[%dma_wait3A_52, %dma_wait3A_53] : memref<10000x128xf32, #tpu.memory_space<vmem_shared>> -> memref<10000x128xf32, #tpu.memory_space<vmem_shared>>
    tpu.wait_indirect_dma semaphore(%arg15 : memref<!tpu.dma_semaphore, #tpu.memory_space<semaphore_mem>>) src(%arg9 : memref<80x128xf32, #tpu.memory_space<vmem>>) dst(%dma_wait3A_54 : memref<10000x128xf32, #tpu.memory_space<vmem_shared>>)
    %barrier3A_55 = arith.constant 0 : index
    tpu.barrier barrier_id(%barrier3A_55)
    %scan3A_56 = arith.constant 0 : i32
    %scan3A_57 = arith.constant 8 : i32
    %scan3A_58 = arith.addi %scan3A_56, %scan3A_57 : i32
    %scan3A_59 = arith.constant 1 : i32
    scf.for %scan3A_61 = %scan3A_56 to %scan3A_58 step %scan3A_59  : i32 {
      %mul3A_62 = arith.constant 16 : i32
      %mul3A_63 = arith.muli %scan3A_61, %mul3A_62 : i32
      %add3A_64 = arith.addi %arg1, %mul3A_63 : i32
      %lt3A = arith.constant 125 : i32
      %lt3A_65 = arith.cmpi slt, %add3A_64, %lt3A : i32
      %convert_element_type3A = arith.extui %lt3A_65 : i1 to i32
      %cond3A = arith.constant 0 : i32
      %cond3A_66 = arith.cmpi ne, %convert_element_type3A, %cond3A : i32
      scf.if %cond3A_66 {
        %mul3A_67 = arith.constant 80 : i32
        %mul3A_68 = arith.muli %add3A_64, %mul3A_67 : i32
        "tpu.region"() ({
          %run_scoped3A = tpu.sem_alloc : memref<!tpu.dma_semaphore, #tpu.memory_space<semaphore_mem>>
          %dma_start3A_71 = arith.constant 0 : i32
          %dma_start3A_72 = tpu.memref_slice %arg5[%mul3A_68, %dma_start3A_71] : memref<10000x128xf32, #tpu.memory_space<vmem_shared>> -> memref<80x128xf32, #tpu.memory_space<vmem_shared>>
          %dma_start3A_73 = arith.constant 0 : i32
          %dma_start3A_74 = tpu.memref_slice %arg5[%mul3A_68, %dma_start3A_73] : memref<10000x128xf32, #tpu.memory_space<vmem_shared>> -> memref<80x128xf32, #tpu.memory_space<vmem_shared>>
          tpu.enqueue_dma source(%dma_start3A_74 : memref<80x128xf32, #tpu.memory_space<vmem_shared>>) target(%arg7 : memref<80x128xf32, #tpu.memory_space<vmem>>) target_semaphore(%run_scoped3A : memref<!tpu.dma_semaphore, #tpu.memory_space<semaphore_mem>>)
          %dma_wait3A_75 = arith.constant 0 : i32
          %dma_wait3A_76 = tpu.memref_slice %arg5[%mul3A_68, %dma_wait3A_75] : memref<10000x128xf32, #tpu.memory_space<vmem_shared>> -> memref<80x128xf32, #tpu.memory_space<vmem_shared>>
          %dma_wait3A_77 = arith.constant 0 : i32
          %dma_wait3A_78 = tpu.memref_slice %arg5[%mul3A_68, %dma_wait3A_77] : memref<10000x128xf32, #tpu.memory_space<vmem_shared>> -> memref<80x128xf32, #tpu.memory_space<vmem_shared>>
          tpu.wait_dma2 semaphore(%run_scoped3A : memref<!tpu.dma_semaphore, #tpu.memory_space<semaphore_mem>>) src(%dma_wait3A_78 : memref<80x128xf32, #tpu.memory_space<vmem_shared>>) dst(%arg7 : memref<80x128xf32, #tpu.memory_space<vmem>>)
          tpu.yield
        }) : () -> ()
        %mul3A_69 = arith.constant 80 : i32
        %mul3A_70 = arith.muli %add3A_64, %mul3A_69 : i32
        "tpu.region"() ({
          %run_scoped3A = tpu.sem_alloc : memref<!tpu.dma_semaphore, #tpu.memory_space<semaphore_mem>>
          %dma_start3A_71 = arith.constant 0 : i32
          %dma_start3A_72 = tpu.memref_slice %arg4[%arg0, %mul3A_70, %dma_start3A_71] : memref<2x10000x128xf32, #tpu.memory_space<hbm>> -> memref<1x80x128xf32, #tpu.memory_space<hbm>>
          %dma_start3A_73 = tpu.memref_squeeze %dma_start3A_72 : memref<1x80x128xf32, #tpu.memory_space<hbm>> -> memref<80x128xf32, #tpu.memory_space<hbm>>
          %dma_start3A_74 = arith.constant 0 : i32
          %dma_start3A_75 = tpu.memref_slice %arg4[%arg0, %mul3A_70, %dma_start3A_74] : memref<2x10000x128xf32, #tpu.memory_space<hbm>> -> memref<1x80x128xf32, #tpu.memory_space<hbm>>
          %dma_start3A_76 = tpu.memref_squeeze %dma_start3A_75 : memref<1x80x128xf32, #tpu.memory_space<hbm>> -> memref<80x128xf32, #tpu.memory_space<hbm>>
          tpu.enqueue_dma source(%arg7 : memref<80x128xf32, #tpu.memory_space<vmem>>) target(%dma_start3A_76 : memref<80x128xf32, #tpu.memory_space<hbm>>) target_semaphore(%run_scoped3A : memref<!tpu.dma_semaphore, #tpu.memory_space<semaphore_mem>>)
          %dma_wait3A_77 = arith.constant 0 : i32
          %dma_wait3A_78 = tpu.memref_slice %arg4[%arg0, %mul3A_70, %dma_wait3A_77] : memref<2x10000x128xf32, #tpu.memory_space<hbm>> -> memref<1x80x128xf32, #tpu.memory_space<hbm>>
          %dma_wait3A_79 = tpu.memref_squeeze %dma_wait3A_78 : memref<1x80x128xf32, #tpu.memory_space<hbm>> -> memref<80x128xf32, #tpu.memory_space<hbm>>
          %dma_wait3A_80 = arith.constant 0 : i32
          %dma_wait3A_81 = tpu.memref_slice %arg4[%arg0, %mul3A_70, %dma_wait3A_80] : memref<2x10000x128xf32, #tpu.memory_space<hbm>> -> memref<1x80x128xf32, #tpu.memory_space<hbm>>
          %dma_wait3A_82 = tpu.memref_squeeze %dma_wait3A_81 : memref<1x80x128xf32, #tpu.memory_space<hbm>> -> memref<80x128xf32, #tpu.memory_space<hbm>>
          tpu.wait_dma2 semaphore(%run_scoped3A : memref<!tpu.dma_semaphore, #tpu.memory_space<semaphore_mem>>) src(%arg7 : memref<80x128xf32, #tpu.memory_space<vmem>>) dst(%dma_wait3A_82 : memref<80x128xf32, #tpu.memory_space<hbm>>)
          tpu.yield
        }) : () -> ()
      } else {
      }
    }
    %scan3A_60 = arith.constant 8 : i32
    return
  }
}

#map = affine_map<(d0, d1) -> (0, 0)>
#map1 = affine_map<(d0, d1) -> (0, 0, 0)>
module attributes {stable_mosaic.version = 14 : i64} {
  func.func @k(%arg0: i32, %arg1: i32, %arg2: memref<320000x128xf32, #tpu.memory_space<hbm>>, %arg3: memref<32x125x80xi32, #tpu.memory_space<hbm>>, %arg4: memref<320000x128xf32, #tpu.memory_space<hbm>>, %arg5: memref<125x80xi32, #tpu.memory_space<vmem>>, %arg6: memref<80x128xf32, #tpu.memory_space<vmem>>, %arg7: memref<80x128xf32, #tpu.memory_space<vmem>>, %arg8: memref<80x128xf32, #tpu.memory_space<vmem>>, %arg9: memref<80x128xf32, #tpu.memory_space<vmem>>, %arg10: memref<!tpu.dma_semaphore, #tpu.memory_space<semaphore_mem>>, %arg11: memref<!tpu.dma_semaphore, #tpu.memory_space<semaphore_mem>>, %arg12: memref<!tpu.dma_semaphore, #tpu.memory_space<semaphore_mem>>, %arg13: memref<!tpu.dma_semaphore, #tpu.memory_space<semaphore_mem>>, %arg14: memref<!tpu.dma_semaphore, #tpu.memory_space<semaphore_mem>>, %arg15: memref<!tpu.dma_semaphore, #tpu.memory_space<semaphore_mem>>, %arg16: memref<!tpu.dma_semaphore, #tpu.memory_space<semaphore_mem>>, %arg17: memref<!tpu.dma_semaphore, #tpu.memory_space<semaphore_mem>>) attributes {dimension_semantics = [#tpu.dimension_semantics<core_parallel>, #tpu.dimension_semantics<subcore_parallel>], iteration_bounds = array<i64: 2, 16>, scalar_prefetch = 0 : i64, scratch_operands = 13 : i64, tpu.core_type = #tpu.core_type<sc_vector_subcore>, window_params = [{transform_indices = #map}, {transform_indices = #map1}, {transform_indices = #map}]} {
    %mul3A = arith.constant 16 : i32
    %mul3A_0 = arith.muli %arg0, %mul3A : i32
    %add3A = arith.addi %mul3A_0, %arg1 : i32
    %mul3A_1 = arith.constant 10000 : i32
    %mul3A_2 = arith.muli %add3A, %mul3A_1 : i32
    "tpu.region"() ({
      %run_scoped3A = tpu.sem_alloc : memref<!tpu.dma_semaphore, #tpu.memory_space<semaphore_mem>>
      %dma_start3A_57 = arith.constant 0 : i32
      %dma_start3A_58 = arith.constant 0 : i32
      %dma_start3A_59 = tpu.memref_slice %arg3[%add3A, %dma_start3A_57, %dma_start3A_58] : memref<32x125x80xi32, #tpu.memory_space<hbm>> -> memref<1x125x80xi32, #tpu.memory_space<hbm>>
      %dma_start3A_60 = tpu.memref_squeeze %dma_start3A_59 : memref<1x125x80xi32, #tpu.memory_space<hbm>> -> memref<125x80xi32, #tpu.memory_space<hbm>>
      %dma_start3A_61 = arith.constant 0 : i32
      %dma_start3A_62 = arith.constant 0 : i32
      %dma_start3A_63 = tpu.memref_slice %arg3[%add3A, %dma_start3A_61, %dma_start3A_62] : memref<32x125x80xi32, #tpu.memory_space<hbm>> -> memref<1x125x80xi32, #tpu.memory_space<hbm>>
      %dma_start3A_64 = tpu.memref_squeeze %dma_start3A_63 : memref<1x125x80xi32, #tpu.memory_space<hbm>> -> memref<125x80xi32, #tpu.memory_space<hbm>>
      tpu.enqueue_dma source(%dma_start3A_64 : memref<125x80xi32, #tpu.memory_space<hbm>>) target(%arg5 : memref<125x80xi32, #tpu.memory_space<vmem>>) target_semaphore(%run_scoped3A : memref<!tpu.dma_semaphore, #tpu.memory_space<semaphore_mem>>)
      %dma_wait3A_65 = arith.constant 0 : i32
      %dma_wait3A_66 = arith.constant 0 : i32
      %dma_wait3A_67 = tpu.memref_slice %arg3[%add3A, %dma_wait3A_65, %dma_wait3A_66] : memref<32x125x80xi32, #tpu.memory_space<hbm>> -> memref<1x125x80xi32, #tpu.memory_space<hbm>>
      %dma_wait3A_68 = tpu.memref_squeeze %dma_wait3A_67 : memref<1x125x80xi32, #tpu.memory_space<hbm>> -> memref<125x80xi32, #tpu.memory_space<hbm>>
      %dma_wait3A_69 = arith.constant 0 : i32
      %dma_wait3A_70 = arith.constant 0 : i32
      %dma_wait3A_71 = tpu.memref_slice %arg3[%add3A, %dma_wait3A_69, %dma_wait3A_70] : memref<32x125x80xi32, #tpu.memory_space<hbm>> -> memref<1x125x80xi32, #tpu.memory_space<hbm>>
      %dma_wait3A_72 = tpu.memref_squeeze %dma_wait3A_71 : memref<1x125x80xi32, #tpu.memory_space<hbm>> -> memref<125x80xi32, #tpu.memory_space<hbm>>
      tpu.wait_dma2 semaphore(%run_scoped3A : memref<!tpu.dma_semaphore, #tpu.memory_space<semaphore_mem>>) src(%dma_wait3A_72 : memref<125x80xi32, #tpu.memory_space<hbm>>) dst(%arg5 : memref<125x80xi32, #tpu.memory_space<vmem>>)
      tpu.yield
    }) : () -> ()
    %dma_start3A = arith.constant 0 : i32
    %dma_start3A_3 = arith.constant 0 : i32
    %dma_start3A_4 = tpu.memref_slice %arg5[%dma_start3A, %dma_start3A_3] : memref<125x80xi32, #tpu.memory_space<vmem>> -> memref<1x80xi32, #tpu.memory_space<vmem>>
    %dma_start3A_5 = tpu.memref_squeeze %dma_start3A_4 : memref<1x80xi32, #tpu.memory_space<vmem>> -> memref<80xi32, #tpu.memory_space<vmem>>
    %dma_start3A_6 = arith.constant 0 : i32
    %dma_start3A_7 = arith.constant 0 : i32
    %dma_start3A_8 = tpu.memref_slice %arg2[%dma_start3A_6, %dma_start3A_7] : memref<320000x128xf32, #tpu.memory_space<hbm>> -> memref<320000x128xf32, #tpu.memory_space<hbm>>
    tpu.enqueue_indirect_dma source(%dma_start3A_8 : memref<320000x128xf32, #tpu.memory_space<hbm>>) target(%arg6 : memref<80x128xf32, #tpu.memory_space<vmem>>) offsets(%dma_start3A_5 : memref<80xi32, #tpu.memory_space<vmem>>) semaphore(%arg10 : memref<!tpu.dma_semaphore, #tpu.memory_space<semaphore_mem>>)
    %dma_start3A_9 = arith.constant 1 : i32
    %dma_start3A_10 = arith.constant 0 : i32
    %dma_start3A_11 = tpu.memref_slice %arg5[%dma_start3A_9, %dma_start3A_10] : memref<125x80xi32, #tpu.memory_space<vmem>> -> memref<1x80xi32, #tpu.memory_space<vmem>>
    %dma_start3A_12 = tpu.memref_squeeze %dma_start3A_11 : memref<1x80xi32, #tpu.memory_space<vmem>> -> memref<80xi32, #tpu.memory_space<vmem>>
    %dma_start3A_13 = arith.constant 0 : i32
    %dma_start3A_14 = arith.constant 0 : i32
    %dma_start3A_15 = tpu.memref_slice %arg2[%dma_start3A_13, %dma_start3A_14] : memref<320000x128xf32, #tpu.memory_space<hbm>> -> memref<320000x128xf32, #tpu.memory_space<hbm>>
    tpu.enqueue_indirect_dma source(%dma_start3A_15 : memref<320000x128xf32, #tpu.memory_space<hbm>>) target(%arg7 : memref<80x128xf32, #tpu.memory_space<vmem>>) offsets(%dma_start3A_12 : memref<80xi32, #tpu.memory_space<vmem>>) semaphore(%arg11 : memref<!tpu.dma_semaphore, #tpu.memory_space<semaphore_mem>>)
    %dma_start3A_16 = arith.constant 2 : i32
    %dma_start3A_17 = arith.constant 0 : i32
    %dma_start3A_18 = tpu.memref_slice %arg5[%dma_start3A_16, %dma_start3A_17] : memref<125x80xi32, #tpu.memory_space<vmem>> -> memref<1x80xi32, #tpu.memory_space<vmem>>
    %dma_start3A_19 = tpu.memref_squeeze %dma_start3A_18 : memref<1x80xi32, #tpu.memory_space<vmem>> -> memref<80xi32, #tpu.memory_space<vmem>>
    %dma_start3A_20 = arith.constant 0 : i32
    %dma_start3A_21 = arith.constant 0 : i32
    %dma_start3A_22 = tpu.memref_slice %arg2[%dma_start3A_20, %dma_start3A_21] : memref<320000x128xf32, #tpu.memory_space<hbm>> -> memref<320000x128xf32, #tpu.memory_space<hbm>>
    tpu.enqueue_indirect_dma source(%dma_start3A_22 : memref<320000x128xf32, #tpu.memory_space<hbm>>) target(%arg8 : memref<80x128xf32, #tpu.memory_space<vmem>>) offsets(%dma_start3A_19 : memref<80xi32, #tpu.memory_space<vmem>>) semaphore(%arg12 : memref<!tpu.dma_semaphore, #tpu.memory_space<semaphore_mem>>)
    %dma_start3A_23 = arith.constant 3 : i32
    %dma_start3A_24 = arith.constant 0 : i32
    %dma_start3A_25 = tpu.memref_slice %arg5[%dma_start3A_23, %dma_start3A_24] : memref<125x80xi32, #tpu.memory_space<vmem>> -> memref<1x80xi32, #tpu.memory_space<vmem>>
    %dma_start3A_26 = tpu.memref_squeeze %dma_start3A_25 : memref<1x80xi32, #tpu.memory_space<vmem>> -> memref<80xi32, #tpu.memory_space<vmem>>
    %dma_start3A_27 = arith.constant 0 : i32
    %dma_start3A_28 = arith.constant 0 : i32
    %dma_start3A_29 = tpu.memref_slice %arg2[%dma_start3A_27, %dma_start3A_28] : memref<320000x128xf32, #tpu.memory_space<hbm>> -> memref<320000x128xf32, #tpu.memory_space<hbm>>
    tpu.enqueue_indirect_dma source(%dma_start3A_29 : memref<320000x128xf32, #tpu.memory_space<hbm>>) target(%arg9 : memref<80x128xf32, #tpu.memory_space<vmem>>) offsets(%dma_start3A_26 : memref<80xi32, #tpu.memory_space<vmem>>) semaphore(%arg13 : memref<!tpu.dma_semaphore, #tpu.memory_space<semaphore_mem>>)
    %scan3A = arith.constant 0 : i32
    %scan3A_30 = arith.constant 32 : i32
    %scan3A_31 = arith.addi %scan3A, %scan3A_30 : i32
    %scan3A_32 = arith.constant 1 : i32
    scf.for %scan3A_57 = %scan3A to %scan3A_31 step %scan3A_32  : i32 {
      %mul3A_58 = arith.constant 4 : i32
      %mul3A_59 = arith.muli %mul3A_58, %scan3A_57 : i32
      %add3A_60 = arith.constant 0 : i32
      %add3A_61 = arith.addi %mul3A_59, %add3A_60 : i32
      %lt3A = arith.constant 125 : i32
      %lt3A_62 = arith.cmpi slt, %add3A_61, %lt3A : i32
      %convert_element_type3A = arith.extui %lt3A_62 : i1 to i32
      %cond3A = arith.constant 0 : i32
      %cond3A_63 = arith.cmpi ne, %convert_element_type3A, %cond3A : i32
      scf.if %cond3A_63 {
        %dma_wait3A_119 = arith.constant 0 : i32
        %dma_wait3A_120 = arith.constant 0 : i32
        %dma_wait3A_121 = tpu.memref_slice %arg5[%dma_wait3A_119, %dma_wait3A_120] : memref<125x80xi32, #tpu.memory_space<vmem>> -> memref<1x80xi32, #tpu.memory_space<vmem>>
        %dma_wait3A_122 = tpu.memref_squeeze %dma_wait3A_121 : memref<1x80xi32, #tpu.memory_space<vmem>> -> memref<80xi32, #tpu.memory_space<vmem>>
        %dma_wait3A_123 = arith.constant 0 : i32
        %dma_wait3A_124 = arith.constant 0 : i32
        %dma_wait3A_125 = tpu.memref_slice %arg2[%dma_wait3A_123, %dma_wait3A_124] : memref<320000x128xf32, #tpu.memory_space<hbm>> -> memref<320000x128xf32, #tpu.memory_space<hbm>>
        tpu.wait_indirect_dma semaphore(%arg10 : memref<!tpu.dma_semaphore, #tpu.memory_space<semaphore_mem>>) src(%dma_wait3A_125 : memref<320000x128xf32, #tpu.memory_space<hbm>>) dst(%arg6 : memref<80x128xf32, #tpu.memory_space<vmem>>)
        %mul3A_126 = arith.constant 80 : i32
        %mul3A_127 = arith.muli %add3A_61, %mul3A_126 : i32
        %add3A_128 = arith.addi %mul3A_2, %mul3A_127 : i32
        %dma_start3A_129 = arith.constant 0 : i32
        %dma_start3A_130 = tpu.memref_slice %arg4[%add3A_128, %dma_start3A_129] : memref<320000x128xf32, #tpu.memory_space<hbm>> -> memref<80x128xf32, #tpu.memory_space<hbm>>
        %dma_start3A_131 = arith.constant 0 : i32
        %dma_start3A_132 = tpu.memref_slice %arg4[%add3A_128, %dma_start3A_131] : memref<320000x128xf32, #tpu.memory_space<hbm>> -> memref<80x128xf32, #tpu.memory_space<hbm>>
        tpu.enqueue_dma source(%arg6 : memref<80x128xf32, #tpu.memory_space<vmem>>) target(%dma_start3A_132 : memref<80x128xf32, #tpu.memory_space<hbm>>) target_semaphore(%arg14 : memref<!tpu.dma_semaphore, #tpu.memory_space<semaphore_mem>>)
      } else {
      }
      %add3A_64 = arith.constant 4 : i32
      %add3A_65 = arith.addi %add3A_61, %add3A_64 : i32
      %lt3A_66 = arith.constant 125 : i32
      %lt3A_67 = arith.cmpi slt, %add3A_65, %lt3A_66 : i32
      %convert_element_type3A_68 = arith.extui %lt3A_67 : i1 to i32
      %cond3A_69 = arith.constant 0 : i32
      %cond3A_70 = arith.cmpi ne, %convert_element_type3A_68, %cond3A_69 : i32
      scf.if %cond3A_70 {
        %dma_wait3A_119 = arith.constant 0 : i32
        %dma_wait3A_120 = arith.constant 0 : i32
        %dma_wait3A_121 = tpu.memref_slice %arg4[%dma_wait3A_119, %dma_wait3A_120] : memref<320000x128xf32, #tpu.memory_space<hbm>> -> memref<80x128xf32, #tpu.memory_space<hbm>>
        %dma_wait3A_122 = arith.constant 0 : i32
        %dma_wait3A_123 = arith.constant 0 : i32
        %dma_wait3A_124 = tpu.memref_slice %arg4[%dma_wait3A_122, %dma_wait3A_123] : memref<320000x128xf32, #tpu.memory_space<hbm>> -> memref<80x128xf32, #tpu.memory_space<hbm>>
        tpu.wait_dma2 semaphore(%arg14 : memref<!tpu.dma_semaphore, #tpu.memory_space<semaphore_mem>>) src(%arg6 : memref<80x128xf32, #tpu.memory_space<vmem>>) dst(%dma_wait3A_124 : memref<80x128xf32, #tpu.memory_space<hbm>>)
        %add3A_125 = arith.constant 4 : i32
        %add3A_126 = arith.addi %add3A_61, %add3A_125 : i32
        %dma_start3A_127 = arith.constant 0 : i32
        %dma_start3A_128 = tpu.memref_slice %arg5[%add3A_126, %dma_start3A_127] : memref<125x80xi32, #tpu.memory_space<vmem>> -> memref<1x80xi32, #tpu.memory_space<vmem>>
        %dma_start3A_129 = tpu.memref_squeeze %dma_start3A_128 : memref<1x80xi32, #tpu.memory_space<vmem>> -> memref<80xi32, #tpu.memory_space<vmem>>
        %dma_start3A_130 = arith.constant 0 : i32
        %dma_start3A_131 = arith.constant 0 : i32
        %dma_start3A_132 = tpu.memref_slice %arg2[%dma_start3A_130, %dma_start3A_131] : memref<320000x128xf32, #tpu.memory_space<hbm>> -> memref<320000x128xf32, #tpu.memory_space<hbm>>
        tpu.enqueue_indirect_dma source(%dma_start3A_132 : memref<320000x128xf32, #tpu.memory_space<hbm>>) target(%arg6 : memref<80x128xf32, #tpu.memory_space<vmem>>) offsets(%dma_start3A_129 : memref<80xi32, #tpu.memory_space<vmem>>) semaphore(%arg10 : memref<!tpu.dma_semaphore, #tpu.memory_space<semaphore_mem>>)
      } else {
      }
      %mul3A_71 = arith.constant 4 : i32
      %mul3A_72 = arith.muli %mul3A_71, %scan3A_57 : i32
      %add3A_73 = arith.constant 1 : i32
      %add3A_74 = arith.addi %mul3A_72, %add3A_73 : i32
      %lt3A_75 = arith.constant 125 : i32
      %lt3A_76 = arith.cmpi slt, %add3A_74, %lt3A_75 : i32
      %convert_element_type3A_77 = arith.extui %lt3A_76 : i1 to i32
      %cond3A_78 = arith.constant 0 : i32
      %cond3A_79 = arith.cmpi ne, %convert_element_type3A_77, %cond3A_78 : i32
      scf.if %cond3A_79 {
        %dma_wait3A_119 = arith.constant 0 : i32
        %dma_wait3A_120 = arith.constant 0 : i32
        %dma_wait3A_121 = tpu.memref_slice %arg5[%dma_wait3A_119, %dma_wait3A_120] : memref<125x80xi32, #tpu.memory_space<vmem>> -> memref<1x80xi32, #tpu.memory_space<vmem>>
        %dma_wait3A_122 = tpu.memref_squeeze %dma_wait3A_121 : memref<1x80xi32, #tpu.memory_space<vmem>> -> memref<80xi32, #tpu.memory_space<vmem>>
        %dma_wait3A_123 = arith.constant 0 : i32
        %dma_wait3A_124 = arith.constant 0 : i32
        %dma_wait3A_125 = tpu.memref_slice %arg2[%dma_wait3A_123, %dma_wait3A_124] : memref<320000x128xf32, #tpu.memory_space<hbm>> -> memref<320000x128xf32, #tpu.memory_space<hbm>>
        tpu.wait_indirect_dma semaphore(%arg11 : memref<!tpu.dma_semaphore, #tpu.memory_space<semaphore_mem>>) src(%dma_wait3A_125 : memref<320000x128xf32, #tpu.memory_space<hbm>>) dst(%arg7 : memref<80x128xf32, #tpu.memory_space<vmem>>)
        %mul3A_126 = arith.constant 80 : i32
        %mul3A_127 = arith.muli %add3A_74, %mul3A_126 : i32
        %add3A_128 = arith.addi %mul3A_2, %mul3A_127 : i32
        %dma_start3A_129 = arith.constant 0 : i32
        %dma_start3A_130 = tpu.memref_slice %arg4[%add3A_128, %dma_start3A_129] : memref<320000x128xf32, #tpu.memory_space<hbm>> -> memref<80x128xf32, #tpu.memory_space<hbm>>
        %dma_start3A_131 = arith.constant 0 : i32
        %dma_start3A_132 = tpu.memref_slice %arg4[%add3A_128, %dma_start3A_131] : memref<320000x128xf32, #tpu.memory_space<hbm>> -> memref<80x128xf32, #tpu.memory_space<hbm>>
        tpu.enqueue_dma source(%arg7 : memref<80x128xf32, #tpu.memory_space<vmem>>) target(%dma_start3A_132 : memref<80x128xf32, #tpu.memory_space<hbm>>) target_semaphore(%arg15 : memref<!tpu.dma_semaphore, #tpu.memory_space<semaphore_mem>>)
      } else {
      }
      %add3A_80 = arith.constant 4 : i32
      %add3A_81 = arith.addi %add3A_74, %add3A_80 : i32
      %lt3A_82 = arith.constant 125 : i32
      %lt3A_83 = arith.cmpi slt, %add3A_81, %lt3A_82 : i32
      %convert_element_type3A_84 = arith.extui %lt3A_83 : i1 to i32
      %cond3A_85 = arith.constant 0 : i32
      %cond3A_86 = arith.cmpi ne, %convert_element_type3A_84, %cond3A_85 : i32
      scf.if %cond3A_86 {
        %dma_wait3A_119 = arith.constant 0 : i32
        %dma_wait3A_120 = arith.constant 0 : i32
        %dma_wait3A_121 = tpu.memref_slice %arg4[%dma_wait3A_119, %dma_wait3A_120] : memref<320000x128xf32, #tpu.memory_space<hbm>> -> memref<80x128xf32, #tpu.memory_space<hbm>>
        %dma_wait3A_122 = arith.constant 0 : i32
        %dma_wait3A_123 = arith.constant 0 : i32
        %dma_wait3A_124 = tpu.memref_slice %arg4[%dma_wait3A_122, %dma_wait3A_123] : memref<320000x128xf32, #tpu.memory_space<hbm>> -> memref<80x128xf32, #tpu.memory_space<hbm>>
        tpu.wait_dma2 semaphore(%arg15 : memref<!tpu.dma_semaphore, #tpu.memory_space<semaphore_mem>>) src(%arg7 : memref<80x128xf32, #tpu.memory_space<vmem>>) dst(%dma_wait3A_124 : memref<80x128xf32, #tpu.memory_space<hbm>>)
        %add3A_125 = arith.constant 4 : i32
        %add3A_126 = arith.addi %add3A_74, %add3A_125 : i32
        %dma_start3A_127 = arith.constant 0 : i32
        %dma_start3A_128 = tpu.memref_slice %arg5[%add3A_126, %dma_start3A_127] : memref<125x80xi32, #tpu.memory_space<vmem>> -> memref<1x80xi32, #tpu.memory_space<vmem>>
        %dma_start3A_129 = tpu.memref_squeeze %dma_start3A_128 : memref<1x80xi32, #tpu.memory_space<vmem>> -> memref<80xi32, #tpu.memory_space<vmem>>
        %dma_start3A_130 = arith.constant 0 : i32
        %dma_start3A_131 = arith.constant 0 : i32
        %dma_start3A_132 = tpu.memref_slice %arg2[%dma_start3A_130, %dma_start3A_131] : memref<320000x128xf32, #tpu.memory_space<hbm>> -> memref<320000x128xf32, #tpu.memory_space<hbm>>
        tpu.enqueue_indirect_dma source(%dma_start3A_132 : memref<320000x128xf32, #tpu.memory_space<hbm>>) target(%arg7 : memref<80x128xf32, #tpu.memory_space<vmem>>) offsets(%dma_start3A_129 : memref<80xi32, #tpu.memory_space<vmem>>) semaphore(%arg11 : memref<!tpu.dma_semaphore, #tpu.memory_space<semaphore_mem>>)
      } else {
      }
      %mul3A_87 = arith.constant 4 : i32
      %mul3A_88 = arith.muli %mul3A_87, %scan3A_57 : i32
      %add3A_89 = arith.constant 2 : i32
      %add3A_90 = arith.addi %mul3A_88, %add3A_89 : i32
      %lt3A_91 = arith.constant 125 : i32
      %lt3A_92 = arith.cmpi slt, %add3A_90, %lt3A_91 : i32
      %convert_element_type3A_93 = arith.extui %lt3A_92 : i1 to i32
      %cond3A_94 = arith.constant 0 : i32
      %cond3A_95 = arith.cmpi ne, %convert_element_type3A_93, %cond3A_94 : i32
      scf.if %cond3A_95 {
        %dma_wait3A_119 = arith.constant 0 : i32
        %dma_wait3A_120 = arith.constant 0 : i32
        %dma_wait3A_121 = tpu.memref_slice %arg5[%dma_wait3A_119, %dma_wait3A_120] : memref<125x80xi32, #tpu.memory_space<vmem>> -> memref<1x80xi32, #tpu.memory_space<vmem>>
        %dma_wait3A_122 = tpu.memref_squeeze %dma_wait3A_121 : memref<1x80xi32, #tpu.memory_space<vmem>> -> memref<80xi32, #tpu.memory_space<vmem>>
        %dma_wait3A_123 = arith.constant 0 : i32
        %dma_wait3A_124 = arith.constant 0 : i32
        %dma_wait3A_125 = tpu.memref_slice %arg2[%dma_wait3A_123, %dma_wait3A_124] : memref<320000x128xf32, #tpu.memory_space<hbm>> -> memref<320000x128xf32, #tpu.memory_space<hbm>>
        tpu.wait_indirect_dma semaphore(%arg12 : memref<!tpu.dma_semaphore, #tpu.memory_space<semaphore_mem>>) src(%dma_wait3A_125 : memref<320000x128xf32, #tpu.memory_space<hbm>>) dst(%arg8 : memref<80x128xf32, #tpu.memory_space<vmem>>)
        %mul3A_126 = arith.constant 80 : i32
        %mul3A_127 = arith.muli %add3A_90, %mul3A_126 : i32
        %add3A_128 = arith.addi %mul3A_2, %mul3A_127 : i32
        %dma_start3A_129 = arith.constant 0 : i32
        %dma_start3A_130 = tpu.memref_slice %arg4[%add3A_128, %dma_start3A_129] : memref<320000x128xf32, #tpu.memory_space<hbm>> -> memref<80x128xf32, #tpu.memory_space<hbm>>
        %dma_start3A_131 = arith.constant 0 : i32
        %dma_start3A_132 = tpu.memref_slice %arg4[%add3A_128, %dma_start3A_131] : memref<320000x128xf32, #tpu.memory_space<hbm>> -> memref<80x128xf32, #tpu.memory_space<hbm>>
        tpu.enqueue_dma source(%arg8 : memref<80x128xf32, #tpu.memory_space<vmem>>) target(%dma_start3A_132 : memref<80x128xf32, #tpu.memory_space<hbm>>) target_semaphore(%arg16 : memref<!tpu.dma_semaphore, #tpu.memory_space<semaphore_mem>>)
      } else {
      }
      %add3A_96 = arith.constant 4 : i32
      %add3A_97 = arith.addi %add3A_90, %add3A_96 : i32
      %lt3A_98 = arith.constant 125 : i32
      %lt3A_99 = arith.cmpi slt, %add3A_97, %lt3A_98 : i32
      %convert_element_type3A_100 = arith.extui %lt3A_99 : i1 to i32
      %cond3A_101 = arith.constant 0 : i32
      %cond3A_102 = arith.cmpi ne, %convert_element_type3A_100, %cond3A_101 : i32
      scf.if %cond3A_102 {
        %dma_wait3A_119 = arith.constant 0 : i32
        %dma_wait3A_120 = arith.constant 0 : i32
        %dma_wait3A_121 = tpu.memref_slice %arg4[%dma_wait3A_119, %dma_wait3A_120] : memref<320000x128xf32, #tpu.memory_space<hbm>> -> memref<80x128xf32, #tpu.memory_space<hbm>>
        %dma_wait3A_122 = arith.constant 0 : i32
        %dma_wait3A_123 = arith.constant 0 : i32
        %dma_wait3A_124 = tpu.memref_slice %arg4[%dma_wait3A_122, %dma_wait3A_123] : memref<320000x128xf32, #tpu.memory_space<hbm>> -> memref<80x128xf32, #tpu.memory_space<hbm>>
        tpu.wait_dma2 semaphore(%arg16 : memref<!tpu.dma_semaphore, #tpu.memory_space<semaphore_mem>>) src(%arg8 : memref<80x128xf32, #tpu.memory_space<vmem>>) dst(%dma_wait3A_124 : memref<80x128xf32, #tpu.memory_space<hbm>>)
        %add3A_125 = arith.constant 4 : i32
        %add3A_126 = arith.addi %add3A_90, %add3A_125 : i32
        %dma_start3A_127 = arith.constant 0 : i32
        %dma_start3A_128 = tpu.memref_slice %arg5[%add3A_126, %dma_start3A_127] : memref<125x80xi32, #tpu.memory_space<vmem>> -> memref<1x80xi32, #tpu.memory_space<vmem>>
        %dma_start3A_129 = tpu.memref_squeeze %dma_start3A_128 : memref<1x80xi32, #tpu.memory_space<vmem>> -> memref<80xi32, #tpu.memory_space<vmem>>
        %dma_start3A_130 = arith.constant 0 : i32
        %dma_start3A_131 = arith.constant 0 : i32
        %dma_start3A_132 = tpu.memref_slice %arg2[%dma_start3A_130, %dma_start3A_131] : memref<320000x128xf32, #tpu.memory_space<hbm>> -> memref<320000x128xf32, #tpu.memory_space<hbm>>
        tpu.enqueue_indirect_dma source(%dma_start3A_132 : memref<320000x128xf32, #tpu.memory_space<hbm>>) target(%arg8 : memref<80x128xf32, #tpu.memory_space<vmem>>) offsets(%dma_start3A_129 : memref<80xi32, #tpu.memory_space<vmem>>) semaphore(%arg12 : memref<!tpu.dma_semaphore, #tpu.memory_space<semaphore_mem>>)
      } else {
      }
      %mul3A_103 = arith.constant 4 : i32
      %mul3A_104 = arith.muli %mul3A_103, %scan3A_57 : i32
      %add3A_105 = arith.constant 3 : i32
      %add3A_106 = arith.addi %mul3A_104, %add3A_105 : i32
      %lt3A_107 = arith.constant 125 : i32
      %lt3A_108 = arith.cmpi slt, %add3A_106, %lt3A_107 : i32
      %convert_element_type3A_109 = arith.extui %lt3A_108 : i1 to i32
      %cond3A_110 = arith.constant 0 : i32
      %cond3A_111 = arith.cmpi ne, %convert_element_type3A_109, %cond3A_110 : i32
      scf.if %cond3A_111 {
        %dma_wait3A_119 = arith.constant 0 : i32
        %dma_wait3A_120 = arith.constant 0 : i32
        %dma_wait3A_121 = tpu.memref_slice %arg5[%dma_wait3A_119, %dma_wait3A_120] : memref<125x80xi32, #tpu.memory_space<vmem>> -> memref<1x80xi32, #tpu.memory_space<vmem>>
        %dma_wait3A_122 = tpu.memref_squeeze %dma_wait3A_121 : memref<1x80xi32, #tpu.memory_space<vmem>> -> memref<80xi32, #tpu.memory_space<vmem>>
        %dma_wait3A_123 = arith.constant 0 : i32
        %dma_wait3A_124 = arith.constant 0 : i32
        %dma_wait3A_125 = tpu.memref_slice %arg2[%dma_wait3A_123, %dma_wait3A_124] : memref<320000x128xf32, #tpu.memory_space<hbm>> -> memref<320000x128xf32, #tpu.memory_space<hbm>>
        tpu.wait_indirect_dma semaphore(%arg13 : memref<!tpu.dma_semaphore, #tpu.memory_space<semaphore_mem>>) src(%dma_wait3A_125 : memref<320000x128xf32, #tpu.memory_space<hbm>>) dst(%arg9 : memref<80x128xf32, #tpu.memory_space<vmem>>)
        %mul3A_126 = arith.constant 80 : i32
        %mul3A_127 = arith.muli %add3A_106, %mul3A_126 : i32
        %add3A_128 = arith.addi %mul3A_2, %mul3A_127 : i32
        %dma_start3A_129 = arith.constant 0 : i32
        %dma_start3A_130 = tpu.memref_slice %arg4[%add3A_128, %dma_start3A_129] : memref<320000x128xf32, #tpu.memory_space<hbm>> -> memref<80x128xf32, #tpu.memory_space<hbm>>
        %dma_start3A_131 = arith.constant 0 : i32
        %dma_start3A_132 = tpu.memref_slice %arg4[%add3A_128, %dma_start3A_131] : memref<320000x128xf32, #tpu.memory_space<hbm>> -> memref<80x128xf32, #tpu.memory_space<hbm>>
        tpu.enqueue_dma source(%arg9 : memref<80x128xf32, #tpu.memory_space<vmem>>) target(%dma_start3A_132 : memref<80x128xf32, #tpu.memory_space<hbm>>) target_semaphore(%arg17 : memref<!tpu.dma_semaphore, #tpu.memory_space<semaphore_mem>>)
      } else {
      }
      %add3A_112 = arith.constant 4 : i32
      %add3A_113 = arith.addi %add3A_106, %add3A_112 : i32
      %lt3A_114 = arith.constant 125 : i32
      %lt3A_115 = arith.cmpi slt, %add3A_113, %lt3A_114 : i32
      %convert_element_type3A_116 = arith.extui %lt3A_115 : i1 to i32
      %cond3A_117 = arith.constant 0 : i32
      %cond3A_118 = arith.cmpi ne, %convert_element_type3A_116, %cond3A_117 : i32
      scf.if %cond3A_118 {
        %dma_wait3A_119 = arith.constant 0 : i32
        %dma_wait3A_120 = arith.constant 0 : i32
        %dma_wait3A_121 = tpu.memref_slice %arg4[%dma_wait3A_119, %dma_wait3A_120] : memref<320000x128xf32, #tpu.memory_space<hbm>> -> memref<80x128xf32, #tpu.memory_space<hbm>>
        %dma_wait3A_122 = arith.constant 0 : i32
        %dma_wait3A_123 = arith.constant 0 : i32
        %dma_wait3A_124 = tpu.memref_slice %arg4[%dma_wait3A_122, %dma_wait3A_123] : memref<320000x128xf32, #tpu.memory_space<hbm>> -> memref<80x128xf32, #tpu.memory_space<hbm>>
        tpu.wait_dma2 semaphore(%arg17 : memref<!tpu.dma_semaphore, #tpu.memory_space<semaphore_mem>>) src(%arg9 : memref<80x128xf32, #tpu.memory_space<vmem>>) dst(%dma_wait3A_124 : memref<80x128xf32, #tpu.memory_space<hbm>>)
        %add3A_125 = arith.constant 4 : i32
        %add3A_126 = arith.addi %add3A_106, %add3A_125 : i32
        %dma_start3A_127 = arith.constant 0 : i32
        %dma_start3A_128 = tpu.memref_slice %arg5[%add3A_126, %dma_start3A_127] : memref<125x80xi32, #tpu.memory_space<vmem>> -> memref<1x80xi32, #tpu.memory_space<vmem>>
        %dma_start3A_129 = tpu.memref_squeeze %dma_start3A_128 : memref<1x80xi32, #tpu.memory_space<vmem>> -> memref<80xi32, #tpu.memory_space<vmem>>
        %dma_start3A_130 = arith.constant 0 : i32
        %dma_start3A_131 = arith.constant 0 : i32
        %dma_start3A_132 = tpu.memref_slice %arg2[%dma_start3A_130, %dma_start3A_131] : memref<320000x128xf32, #tpu.memory_space<hbm>> -> memref<320000x128xf32, #tpu.memory_space<hbm>>
        tpu.enqueue_indirect_dma source(%dma_start3A_132 : memref<320000x128xf32, #tpu.memory_space<hbm>>) target(%arg9 : memref<80x128xf32, #tpu.memory_space<vmem>>) offsets(%dma_start3A_129 : memref<80xi32, #tpu.memory_space<vmem>>) semaphore(%arg13 : memref<!tpu.dma_semaphore, #tpu.memory_space<semaphore_mem>>)
      } else {
      }
    }
    %scan3A_33 = arith.constant 32 : i32
    %dma_wait3A = arith.constant 0 : i32
    %dma_wait3A_34 = arith.constant 0 : i32
    %dma_wait3A_35 = tpu.memref_slice %arg4[%dma_wait3A, %dma_wait3A_34] : memref<320000x128xf32, #tpu.memory_space<hbm>> -> memref<80x128xf32, #tpu.memory_space<hbm>>
    %dma_wait3A_36 = arith.constant 0 : i32
    %dma_wait3A_37 = arith.constant 0 : i32
    %dma_wait3A_38 = tpu.memref_slice %arg4[%dma_wait3A_36, %dma_wait3A_37] : memref<320000x128xf32, #tpu.memory_space<hbm>> -> memref<80x128xf32, #tpu.memory_space<hbm>>
    tpu.wait_dma2 semaphore(%arg14 : memref<!tpu.dma_semaphore, #tpu.memory_space<semaphore_mem>>) src(%arg6 : memref<80x128xf32, #tpu.memory_space<vmem>>) dst(%dma_wait3A_38 : memref<80x128xf32, #tpu.memory_space<hbm>>)
    %dma_wait3A_39 = arith.constant 0 : i32
    %dma_wait3A_40 = arith.constant 0 : i32
    %dma_wait3A_41 = tpu.memref_slice %arg4[%dma_wait3A_39, %dma_wait3A_40] : memref<320000x128xf32, #tpu.memory_space<hbm>> -> memref<80x128xf32, #tpu.memory_space<hbm>>
    %dma_wait3A_42 = arith.constant 0 : i32
    %dma_wait3A_43 = arith.constant 0 : i32
    %dma_wait3A_44 = tpu.memref_slice %arg4[%dma_wait3A_42, %dma_wait3A_43] : memref<320000x128xf32, #tpu.memory_space<hbm>> -> memref<80x128xf32, #tpu.memory_space<hbm>>
    tpu.wait_dma2 semaphore(%arg15 : memref<!tpu.dma_semaphore, #tpu.memory_space<semaphore_mem>>) src(%arg7 : memref<80x128xf32, #tpu.memory_space<vmem>>) dst(%dma_wait3A_44 : memref<80x128xf32, #tpu.memory_space<hbm>>)
    %dma_wait3A_45 = arith.constant 0 : i32
    %dma_wait3A_46 = arith.constant 0 : i32
    %dma_wait3A_47 = tpu.memref_slice %arg4[%dma_wait3A_45, %dma_wait3A_46] : memref<320000x128xf32, #tpu.memory_space<hbm>> -> memref<80x128xf32, #tpu.memory_space<hbm>>
    %dma_wait3A_48 = arith.constant 0 : i32
    %dma_wait3A_49 = arith.constant 0 : i32
    %dma_wait3A_50 = tpu.memref_slice %arg4[%dma_wait3A_48, %dma_wait3A_49] : memref<320000x128xf32, #tpu.memory_space<hbm>> -> memref<80x128xf32, #tpu.memory_space<hbm>>
    tpu.wait_dma2 semaphore(%arg16 : memref<!tpu.dma_semaphore, #tpu.memory_space<semaphore_mem>>) src(%arg8 : memref<80x128xf32, #tpu.memory_space<vmem>>) dst(%dma_wait3A_50 : memref<80x128xf32, #tpu.memory_space<hbm>>)
    %dma_wait3A_51 = arith.constant 0 : i32
    %dma_wait3A_52 = arith.constant 0 : i32
    %dma_wait3A_53 = tpu.memref_slice %arg4[%dma_wait3A_51, %dma_wait3A_52] : memref<320000x128xf32, #tpu.memory_space<hbm>> -> memref<80x128xf32, #tpu.memory_space<hbm>>
    %dma_wait3A_54 = arith.constant 0 : i32
    %dma_wait3A_55 = arith.constant 0 : i32
    %dma_wait3A_56 = tpu.memref_slice %arg4[%dma_wait3A_54, %dma_wait3A_55] : memref<320000x128xf32, #tpu.memory_space<hbm>> -> memref<80x128xf32, #tpu.memory_space<hbm>>
    tpu.wait_dma2 semaphore(%arg17 : memref<!tpu.dma_semaphore, #tpu.memory_space<semaphore_mem>>) src(%arg9 : memref<80x128xf32, #tpu.memory_space<vmem>>) dst(%dma_wait3A_56 : memref<80x128xf32, #tpu.memory_space<hbm>>)
    return
  }
}

#map = affine_map<(d0, d1) -> (0, 0)>
#map1 = affine_map<(d0, d1) -> (0, 0, 0)>
module attributes {stable_mosaic.version = 14 : i64} {
  func.func @k(%arg0: i32, %arg1: i32, %arg2: memref<10000x128xf32, #tpu.memory_space<hbm>>, %arg3: memref<32x125x80xi32, #tpu.memory_space<hbm>>, %arg4: memref<320000x128xf32, #tpu.memory_space<hbm>>, %arg5: memref<125x80xi32, #tpu.memory_space<vmem>>, %arg6: memref<80x128xf32, #tpu.memory_space<vmem>>, %arg7: memref<80x128xf32, #tpu.memory_space<vmem>>, %arg8: memref<80x128xf32, #tpu.memory_space<vmem>>, %arg9: memref<80x128xf32, #tpu.memory_space<vmem>>, %arg10: memref<!tpu.dma_semaphore, #tpu.memory_space<semaphore_mem>>, %arg11: memref<!tpu.dma_semaphore, #tpu.memory_space<semaphore_mem>>, %arg12: memref<!tpu.dma_semaphore, #tpu.memory_space<semaphore_mem>>, %arg13: memref<!tpu.dma_semaphore, #tpu.memory_space<semaphore_mem>>, %arg14: memref<!tpu.dma_semaphore, #tpu.memory_space<semaphore_mem>>, %arg15: memref<!tpu.dma_semaphore, #tpu.memory_space<semaphore_mem>>, %arg16: memref<!tpu.dma_semaphore, #tpu.memory_space<semaphore_mem>>, %arg17: memref<!tpu.dma_semaphore, #tpu.memory_space<semaphore_mem>>) attributes {dimension_semantics = [#tpu.dimension_semantics<core_parallel>, #tpu.dimension_semantics<subcore_parallel>], iteration_bounds = array<i64: 2, 16>, scalar_prefetch = 0 : i64, scratch_operands = 13 : i64, tpu.core_type = #tpu.core_type<sc_vector_subcore>, window_params = [{transform_indices = #map}, {transform_indices = #map1}, {transform_indices = #map}]} {
    %mul3A = arith.constant 16 : i32
    %mul3A_0 = arith.muli %arg0, %mul3A : i32
    %add3A = arith.addi %mul3A_0, %arg1 : i32
    %mul3A_1 = arith.constant 10000 : i32
    %mul3A_2 = arith.muli %add3A, %mul3A_1 : i32
    "tpu.region"() ({
      %run_scoped3A = tpu.sem_alloc : memref<!tpu.dma_semaphore, #tpu.memory_space<semaphore_mem>>
      %dma_start3A_57 = arith.constant 0 : i32
      %dma_start3A_58 = arith.constant 0 : i32
      %dma_start3A_59 = tpu.memref_slice %arg3[%add3A, %dma_start3A_57, %dma_start3A_58] : memref<32x125x80xi32, #tpu.memory_space<hbm>> -> memref<1x125x80xi32, #tpu.memory_space<hbm>>
      %dma_start3A_60 = tpu.memref_squeeze %dma_start3A_59 : memref<1x125x80xi32, #tpu.memory_space<hbm>> -> memref<125x80xi32, #tpu.memory_space<hbm>>
      %dma_start3A_61 = arith.constant 0 : i32
      %dma_start3A_62 = arith.constant 0 : i32
      %dma_start3A_63 = tpu.memref_slice %arg3[%add3A, %dma_start3A_61, %dma_start3A_62] : memref<32x125x80xi32, #tpu.memory_space<hbm>> -> memref<1x125x80xi32, #tpu.memory_space<hbm>>
      %dma_start3A_64 = tpu.memref_squeeze %dma_start3A_63 : memref<1x125x80xi32, #tpu.memory_space<hbm>> -> memref<125x80xi32, #tpu.memory_space<hbm>>
      tpu.enqueue_dma source(%dma_start3A_64 : memref<125x80xi32, #tpu.memory_space<hbm>>) target(%arg5 : memref<125x80xi32, #tpu.memory_space<vmem>>) target_semaphore(%run_scoped3A : memref<!tpu.dma_semaphore, #tpu.memory_space<semaphore_mem>>)
      %dma_wait3A_65 = arith.constant 0 : i32
      %dma_wait3A_66 = arith.constant 0 : i32
      %dma_wait3A_67 = tpu.memref_slice %arg3[%add3A, %dma_wait3A_65, %dma_wait3A_66] : memref<32x125x80xi32, #tpu.memory_space<hbm>> -> memref<1x125x80xi32, #tpu.memory_space<hbm>>
      %dma_wait3A_68 = tpu.memref_squeeze %dma_wait3A_67 : memref<1x125x80xi32, #tpu.memory_space<hbm>> -> memref<125x80xi32, #tpu.memory_space<hbm>>
      %dma_wait3A_69 = arith.constant 0 : i32
      %dma_wait3A_70 = arith.constant 0 : i32
      %dma_wait3A_71 = tpu.memref_slice %arg3[%add3A, %dma_wait3A_69, %dma_wait3A_70] : memref<32x125x80xi32, #tpu.memory_space<hbm>> -> memref<1x125x80xi32, #tpu.memory_space<hbm>>
      %dma_wait3A_72 = tpu.memref_squeeze %dma_wait3A_71 : memref<1x125x80xi32, #tpu.memory_space<hbm>> -> memref<125x80xi32, #tpu.memory_space<hbm>>
      tpu.wait_dma2 semaphore(%run_scoped3A : memref<!tpu.dma_semaphore, #tpu.memory_space<semaphore_mem>>) src(%dma_wait3A_72 : memref<125x80xi32, #tpu.memory_space<hbm>>) dst(%arg5 : memref<125x80xi32, #tpu.memory_space<vmem>>)
      tpu.yield
    }) : () -> ()
    %dma_start3A = arith.constant 0 : i32
    %dma_start3A_3 = arith.constant 0 : i32
    %dma_start3A_4 = tpu.memref_slice %arg5[%dma_start3A, %dma_start3A_3] : memref<125x80xi32, #tpu.memory_space<vmem>> -> memref<1x80xi32, #tpu.memory_space<vmem>>
    %dma_start3A_5 = tpu.memref_squeeze %dma_start3A_4 : memref<1x80xi32, #tpu.memory_space<vmem>> -> memref<80xi32, #tpu.memory_space<vmem>>
    %dma_start3A_6 = arith.constant 0 : i32
    %dma_start3A_7 = arith.constant 0 : i32
    %dma_start3A_8 = tpu.memref_slice %arg2[%dma_start3A_6, %dma_start3A_7] : memref<10000x128xf32, #tpu.memory_space<hbm>> -> memref<10000x128xf32, #tpu.memory_space<hbm>>
    tpu.enqueue_indirect_dma source(%dma_start3A_8 : memref<10000x128xf32, #tpu.memory_space<hbm>>) target(%arg6 : memref<80x128xf32, #tpu.memory_space<vmem>>) offsets(%dma_start3A_5 : memref<80xi32, #tpu.memory_space<vmem>>) semaphore(%arg10 : memref<!tpu.dma_semaphore, #tpu.memory_space<semaphore_mem>>)
    %dma_start3A_9 = arith.constant 1 : i32
    %dma_start3A_10 = arith.constant 0 : i32
    %dma_start3A_11 = tpu.memref_slice %arg5[%dma_start3A_9, %dma_start3A_10] : memref<125x80xi32, #tpu.memory_space<vmem>> -> memref<1x80xi32, #tpu.memory_space<vmem>>
    %dma_start3A_12 = tpu.memref_squeeze %dma_start3A_11 : memref<1x80xi32, #tpu.memory_space<vmem>> -> memref<80xi32, #tpu.memory_space<vmem>>
    %dma_start3A_13 = arith.constant 0 : i32
    %dma_start3A_14 = arith.constant 0 : i32
    %dma_start3A_15 = tpu.memref_slice %arg2[%dma_start3A_13, %dma_start3A_14] : memref<10000x128xf32, #tpu.memory_space<hbm>> -> memref<10000x128xf32, #tpu.memory_space<hbm>>
    tpu.enqueue_indirect_dma source(%dma_start3A_15 : memref<10000x128xf32, #tpu.memory_space<hbm>>) target(%arg7 : memref<80x128xf32, #tpu.memory_space<vmem>>) offsets(%dma_start3A_12 : memref<80xi32, #tpu.memory_space<vmem>>) semaphore(%arg11 : memref<!tpu.dma_semaphore, #tpu.memory_space<semaphore_mem>>)
    %dma_start3A_16 = arith.constant 2 : i32
    %dma_start3A_17 = arith.constant 0 : i32
    %dma_start3A_18 = tpu.memref_slice %arg5[%dma_start3A_16, %dma_start3A_17] : memref<125x80xi32, #tpu.memory_space<vmem>> -> memref<1x80xi32, #tpu.memory_space<vmem>>
    %dma_start3A_19 = tpu.memref_squeeze %dma_start3A_18 : memref<1x80xi32, #tpu.memory_space<vmem>> -> memref<80xi32, #tpu.memory_space<vmem>>
    %dma_start3A_20 = arith.constant 0 : i32
    %dma_start3A_21 = arith.constant 0 : i32
    %dma_start3A_22 = tpu.memref_slice %arg2[%dma_start3A_20, %dma_start3A_21] : memref<10000x128xf32, #tpu.memory_space<hbm>> -> memref<10000x128xf32, #tpu.memory_space<hbm>>
    tpu.enqueue_indirect_dma source(%dma_start3A_22 : memref<10000x128xf32, #tpu.memory_space<hbm>>) target(%arg8 : memref<80x128xf32, #tpu.memory_space<vmem>>) offsets(%dma_start3A_19 : memref<80xi32, #tpu.memory_space<vmem>>) semaphore(%arg12 : memref<!tpu.dma_semaphore, #tpu.memory_space<semaphore_mem>>)
    %dma_start3A_23 = arith.constant 3 : i32
    %dma_start3A_24 = arith.constant 0 : i32
    %dma_start3A_25 = tpu.memref_slice %arg5[%dma_start3A_23, %dma_start3A_24] : memref<125x80xi32, #tpu.memory_space<vmem>> -> memref<1x80xi32, #tpu.memory_space<vmem>>
    %dma_start3A_26 = tpu.memref_squeeze %dma_start3A_25 : memref<1x80xi32, #tpu.memory_space<vmem>> -> memref<80xi32, #tpu.memory_space<vmem>>
    %dma_start3A_27 = arith.constant 0 : i32
    %dma_start3A_28 = arith.constant 0 : i32
    %dma_start3A_29 = tpu.memref_slice %arg2[%dma_start3A_27, %dma_start3A_28] : memref<10000x128xf32, #tpu.memory_space<hbm>> -> memref<10000x128xf32, #tpu.memory_space<hbm>>
    tpu.enqueue_indirect_dma source(%dma_start3A_29 : memref<10000x128xf32, #tpu.memory_space<hbm>>) target(%arg9 : memref<80x128xf32, #tpu.memory_space<vmem>>) offsets(%dma_start3A_26 : memref<80xi32, #tpu.memory_space<vmem>>) semaphore(%arg13 : memref<!tpu.dma_semaphore, #tpu.memory_space<semaphore_mem>>)
    %scan3A = arith.constant 0 : i32
    %scan3A_30 = arith.constant 32 : i32
    %scan3A_31 = arith.addi %scan3A, %scan3A_30 : i32
    %scan3A_32 = arith.constant 1 : i32
    scf.for %scan3A_57 = %scan3A to %scan3A_31 step %scan3A_32  : i32 {
      %mul3A_58 = arith.constant 4 : i32
      %mul3A_59 = arith.muli %mul3A_58, %scan3A_57 : i32
      %add3A_60 = arith.constant 0 : i32
      %add3A_61 = arith.addi %mul3A_59, %add3A_60 : i32
      %lt3A = arith.constant 125 : i32
      %lt3A_62 = arith.cmpi slt, %add3A_61, %lt3A : i32
      %convert_element_type3A = arith.extui %lt3A_62 : i1 to i32
      %cond3A = arith.constant 0 : i32
      %cond3A_63 = arith.cmpi ne, %convert_element_type3A, %cond3A : i32
      scf.if %cond3A_63 {
        %dma_wait3A_119 = arith.constant 0 : i32
        %dma_wait3A_120 = arith.constant 0 : i32
        %dma_wait3A_121 = tpu.memref_slice %arg5[%dma_wait3A_119, %dma_wait3A_120] : memref<125x80xi32, #tpu.memory_space<vmem>> -> memref<1x80xi32, #tpu.memory_space<vmem>>
        %dma_wait3A_122 = tpu.memref_squeeze %dma_wait3A_121 : memref<1x80xi32, #tpu.memory_space<vmem>> -> memref<80xi32, #tpu.memory_space<vmem>>
        %dma_wait3A_123 = arith.constant 0 : i32
        %dma_wait3A_124 = arith.constant 0 : i32
        %dma_wait3A_125 = tpu.memref_slice %arg2[%dma_wait3A_123, %dma_wait3A_124] : memref<10000x128xf32, #tpu.memory_space<hbm>> -> memref<10000x128xf32, #tpu.memory_space<hbm>>
        tpu.wait_indirect_dma semaphore(%arg10 : memref<!tpu.dma_semaphore, #tpu.memory_space<semaphore_mem>>) src(%dma_wait3A_125 : memref<10000x128xf32, #tpu.memory_space<hbm>>) dst(%arg6 : memref<80x128xf32, #tpu.memory_space<vmem>>)
        %mul3A_126 = arith.constant 80 : i32
        %mul3A_127 = arith.muli %add3A_61, %mul3A_126 : i32
        %add3A_128 = arith.addi %mul3A_2, %mul3A_127 : i32
        %dma_start3A_129 = arith.constant 0 : i32
        %dma_start3A_130 = tpu.memref_slice %arg4[%add3A_128, %dma_start3A_129] : memref<320000x128xf32, #tpu.memory_space<hbm>> -> memref<80x128xf32, #tpu.memory_space<hbm>>
        %dma_start3A_131 = arith.constant 0 : i32
        %dma_start3A_132 = tpu.memref_slice %arg4[%add3A_128, %dma_start3A_131] : memref<320000x128xf32, #tpu.memory_space<hbm>> -> memref<80x128xf32, #tpu.memory_space<hbm>>
        tpu.enqueue_dma source(%arg6 : memref<80x128xf32, #tpu.memory_space<vmem>>) target(%dma_start3A_132 : memref<80x128xf32, #tpu.memory_space<hbm>>) target_semaphore(%arg14 : memref<!tpu.dma_semaphore, #tpu.memory_space<semaphore_mem>>)
      } else {
      }
      %add3A_64 = arith.constant 4 : i32
      %add3A_65 = arith.addi %add3A_61, %add3A_64 : i32
      %lt3A_66 = arith.constant 125 : i32
      %lt3A_67 = arith.cmpi slt, %add3A_65, %lt3A_66 : i32
      %convert_element_type3A_68 = arith.extui %lt3A_67 : i1 to i32
      %cond3A_69 = arith.constant 0 : i32
      %cond3A_70 = arith.cmpi ne, %convert_element_type3A_68, %cond3A_69 : i32
      scf.if %cond3A_70 {
        %dma_wait3A_119 = arith.constant 0 : i32
        %dma_wait3A_120 = arith.constant 0 : i32
        %dma_wait3A_121 = tpu.memref_slice %arg4[%dma_wait3A_119, %dma_wait3A_120] : memref<320000x128xf32, #tpu.memory_space<hbm>> -> memref<80x128xf32, #tpu.memory_space<hbm>>
        %dma_wait3A_122 = arith.constant 0 : i32
        %dma_wait3A_123 = arith.constant 0 : i32
        %dma_wait3A_124 = tpu.memref_slice %arg4[%dma_wait3A_122, %dma_wait3A_123] : memref<320000x128xf32, #tpu.memory_space<hbm>> -> memref<80x128xf32, #tpu.memory_space<hbm>>
        tpu.wait_dma2 semaphore(%arg14 : memref<!tpu.dma_semaphore, #tpu.memory_space<semaphore_mem>>) src(%arg6 : memref<80x128xf32, #tpu.memory_space<vmem>>) dst(%dma_wait3A_124 : memref<80x128xf32, #tpu.memory_space<hbm>>)
        %add3A_125 = arith.constant 4 : i32
        %add3A_126 = arith.addi %add3A_61, %add3A_125 : i32
        %dma_start3A_127 = arith.constant 0 : i32
        %dma_start3A_128 = tpu.memref_slice %arg5[%add3A_126, %dma_start3A_127] : memref<125x80xi32, #tpu.memory_space<vmem>> -> memref<1x80xi32, #tpu.memory_space<vmem>>
        %dma_start3A_129 = tpu.memref_squeeze %dma_start3A_128 : memref<1x80xi32, #tpu.memory_space<vmem>> -> memref<80xi32, #tpu.memory_space<vmem>>
        %dma_start3A_130 = arith.constant 0 : i32
        %dma_start3A_131 = arith.constant 0 : i32
        %dma_start3A_132 = tpu.memref_slice %arg2[%dma_start3A_130, %dma_start3A_131] : memref<10000x128xf32, #tpu.memory_space<hbm>> -> memref<10000x128xf32, #tpu.memory_space<hbm>>
        tpu.enqueue_indirect_dma source(%dma_start3A_132 : memref<10000x128xf32, #tpu.memory_space<hbm>>) target(%arg6 : memref<80x128xf32, #tpu.memory_space<vmem>>) offsets(%dma_start3A_129 : memref<80xi32, #tpu.memory_space<vmem>>) semaphore(%arg10 : memref<!tpu.dma_semaphore, #tpu.memory_space<semaphore_mem>>)
      } else {
      }
      %mul3A_71 = arith.constant 4 : i32
      %mul3A_72 = arith.muli %mul3A_71, %scan3A_57 : i32
      %add3A_73 = arith.constant 1 : i32
      %add3A_74 = arith.addi %mul3A_72, %add3A_73 : i32
      %lt3A_75 = arith.constant 125 : i32
      %lt3A_76 = arith.cmpi slt, %add3A_74, %lt3A_75 : i32
      %convert_element_type3A_77 = arith.extui %lt3A_76 : i1 to i32
      %cond3A_78 = arith.constant 0 : i32
      %cond3A_79 = arith.cmpi ne, %convert_element_type3A_77, %cond3A_78 : i32
      scf.if %cond3A_79 {
        %dma_wait3A_119 = arith.constant 0 : i32
        %dma_wait3A_120 = arith.constant 0 : i32
        %dma_wait3A_121 = tpu.memref_slice %arg5[%dma_wait3A_119, %dma_wait3A_120] : memref<125x80xi32, #tpu.memory_space<vmem>> -> memref<1x80xi32, #tpu.memory_space<vmem>>
        %dma_wait3A_122 = tpu.memref_squeeze %dma_wait3A_121 : memref<1x80xi32, #tpu.memory_space<vmem>> -> memref<80xi32, #tpu.memory_space<vmem>>
        %dma_wait3A_123 = arith.constant 0 : i32
        %dma_wait3A_124 = arith.constant 0 : i32
        %dma_wait3A_125 = tpu.memref_slice %arg2[%dma_wait3A_123, %dma_wait3A_124] : memref<10000x128xf32, #tpu.memory_space<hbm>> -> memref<10000x128xf32, #tpu.memory_space<hbm>>
        tpu.wait_indirect_dma semaphore(%arg11 : memref<!tpu.dma_semaphore, #tpu.memory_space<semaphore_mem>>) src(%dma_wait3A_125 : memref<10000x128xf32, #tpu.memory_space<hbm>>) dst(%arg7 : memref<80x128xf32, #tpu.memory_space<vmem>>)
        %mul3A_126 = arith.constant 80 : i32
        %mul3A_127 = arith.muli %add3A_74, %mul3A_126 : i32
        %add3A_128 = arith.addi %mul3A_2, %mul3A_127 : i32
        %dma_start3A_129 = arith.constant 0 : i32
        %dma_start3A_130 = tpu.memref_slice %arg4[%add3A_128, %dma_start3A_129] : memref<320000x128xf32, #tpu.memory_space<hbm>> -> memref<80x128xf32, #tpu.memory_space<hbm>>
        %dma_start3A_131 = arith.constant 0 : i32
        %dma_start3A_132 = tpu.memref_slice %arg4[%add3A_128, %dma_start3A_131] : memref<320000x128xf32, #tpu.memory_space<hbm>> -> memref<80x128xf32, #tpu.memory_space<hbm>>
        tpu.enqueue_dma source(%arg7 : memref<80x128xf32, #tpu.memory_space<vmem>>) target(%dma_start3A_132 : memref<80x128xf32, #tpu.memory_space<hbm>>) target_semaphore(%arg15 : memref<!tpu.dma_semaphore, #tpu.memory_space<semaphore_mem>>)
      } else {
      }
      %add3A_80 = arith.constant 4 : i32
      %add3A_81 = arith.addi %add3A_74, %add3A_80 : i32
      %lt3A_82 = arith.constant 125 : i32
      %lt3A_83 = arith.cmpi slt, %add3A_81, %lt3A_82 : i32
      %convert_element_type3A_84 = arith.extui %lt3A_83 : i1 to i32
      %cond3A_85 = arith.constant 0 : i32
      %cond3A_86 = arith.cmpi ne, %convert_element_type3A_84, %cond3A_85 : i32
      scf.if %cond3A_86 {
        %dma_wait3A_119 = arith.constant 0 : i32
        %dma_wait3A_120 = arith.constant 0 : i32
        %dma_wait3A_121 = tpu.memref_slice %arg4[%dma_wait3A_119, %dma_wait3A_120] : memref<320000x128xf32, #tpu.memory_space<hbm>> -> memref<80x128xf32, #tpu.memory_space<hbm>>
        %dma_wait3A_122 = arith.constant 0 : i32
        %dma_wait3A_123 = arith.constant 0 : i32
        %dma_wait3A_124 = tpu.memref_slice %arg4[%dma_wait3A_122, %dma_wait3A_123] : memref<320000x128xf32, #tpu.memory_space<hbm>> -> memref<80x128xf32, #tpu.memory_space<hbm>>
        tpu.wait_dma2 semaphore(%arg15 : memref<!tpu.dma_semaphore, #tpu.memory_space<semaphore_mem>>) src(%arg7 : memref<80x128xf32, #tpu.memory_space<vmem>>) dst(%dma_wait3A_124 : memref<80x128xf32, #tpu.memory_space<hbm>>)
        %add3A_125 = arith.constant 4 : i32
        %add3A_126 = arith.addi %add3A_74, %add3A_125 : i32
        %dma_start3A_127 = arith.constant 0 : i32
        %dma_start3A_128 = tpu.memref_slice %arg5[%add3A_126, %dma_start3A_127] : memref<125x80xi32, #tpu.memory_space<vmem>> -> memref<1x80xi32, #tpu.memory_space<vmem>>
        %dma_start3A_129 = tpu.memref_squeeze %dma_start3A_128 : memref<1x80xi32, #tpu.memory_space<vmem>> -> memref<80xi32, #tpu.memory_space<vmem>>
        %dma_start3A_130 = arith.constant 0 : i32
        %dma_start3A_131 = arith.constant 0 : i32
        %dma_start3A_132 = tpu.memref_slice %arg2[%dma_start3A_130, %dma_start3A_131] : memref<10000x128xf32, #tpu.memory_space<hbm>> -> memref<10000x128xf32, #tpu.memory_space<hbm>>
        tpu.enqueue_indirect_dma source(%dma_start3A_132 : memref<10000x128xf32, #tpu.memory_space<hbm>>) target(%arg7 : memref<80x128xf32, #tpu.memory_space<vmem>>) offsets(%dma_start3A_129 : memref<80xi32, #tpu.memory_space<vmem>>) semaphore(%arg11 : memref<!tpu.dma_semaphore, #tpu.memory_space<semaphore_mem>>)
      } else {
      }
      %mul3A_87 = arith.constant 4 : i32
      %mul3A_88 = arith.muli %mul3A_87, %scan3A_57 : i32
      %add3A_89 = arith.constant 2 : i32
      %add3A_90 = arith.addi %mul3A_88, %add3A_89 : i32
      %lt3A_91 = arith.constant 125 : i32
      %lt3A_92 = arith.cmpi slt, %add3A_90, %lt3A_91 : i32
      %convert_element_type3A_93 = arith.extui %lt3A_92 : i1 to i32
      %cond3A_94 = arith.constant 0 : i32
      %cond3A_95 = arith.cmpi ne, %convert_element_type3A_93, %cond3A_94 : i32
      scf.if %cond3A_95 {
        %dma_wait3A_119 = arith.constant 0 : i32
        %dma_wait3A_120 = arith.constant 0 : i32
        %dma_wait3A_121 = tpu.memref_slice %arg5[%dma_wait3A_119, %dma_wait3A_120] : memref<125x80xi32, #tpu.memory_space<vmem>> -> memref<1x80xi32, #tpu.memory_space<vmem>>
        %dma_wait3A_122 = tpu.memref_squeeze %dma_wait3A_121 : memref<1x80xi32, #tpu.memory_space<vmem>> -> memref<80xi32, #tpu.memory_space<vmem>>
        %dma_wait3A_123 = arith.constant 0 : i32
        %dma_wait3A_124 = arith.constant 0 : i32
        %dma_wait3A_125 = tpu.memref_slice %arg2[%dma_wait3A_123, %dma_wait3A_124] : memref<10000x128xf32, #tpu.memory_space<hbm>> -> memref<10000x128xf32, #tpu.memory_space<hbm>>
        tpu.wait_indirect_dma semaphore(%arg12 : memref<!tpu.dma_semaphore, #tpu.memory_space<semaphore_mem>>) src(%dma_wait3A_125 : memref<10000x128xf32, #tpu.memory_space<hbm>>) dst(%arg8 : memref<80x128xf32, #tpu.memory_space<vmem>>)
        %mul3A_126 = arith.constant 80 : i32
        %mul3A_127 = arith.muli %add3A_90, %mul3A_126 : i32
        %add3A_128 = arith.addi %mul3A_2, %mul3A_127 : i32
        %dma_start3A_129 = arith.constant 0 : i32
        %dma_start3A_130 = tpu.memref_slice %arg4[%add3A_128, %dma_start3A_129] : memref<320000x128xf32, #tpu.memory_space<hbm>> -> memref<80x128xf32, #tpu.memory_space<hbm>>
        %dma_start3A_131 = arith.constant 0 : i32
        %dma_start3A_132 = tpu.memref_slice %arg4[%add3A_128, %dma_start3A_131] : memref<320000x128xf32, #tpu.memory_space<hbm>> -> memref<80x128xf32, #tpu.memory_space<hbm>>
        tpu.enqueue_dma source(%arg8 : memref<80x128xf32, #tpu.memory_space<vmem>>) target(%dma_start3A_132 : memref<80x128xf32, #tpu.memory_space<hbm>>) target_semaphore(%arg16 : memref<!tpu.dma_semaphore, #tpu.memory_space<semaphore_mem>>)
      } else {
      }
      %add3A_96 = arith.constant 4 : i32
      %add3A_97 = arith.addi %add3A_90, %add3A_96 : i32
      %lt3A_98 = arith.constant 125 : i32
      %lt3A_99 = arith.cmpi slt, %add3A_97, %lt3A_98 : i32
      %convert_element_type3A_100 = arith.extui %lt3A_99 : i1 to i32
      %cond3A_101 = arith.constant 0 : i32
      %cond3A_102 = arith.cmpi ne, %convert_element_type3A_100, %cond3A_101 : i32
      scf.if %cond3A_102 {
        %dma_wait3A_119 = arith.constant 0 : i32
        %dma_wait3A_120 = arith.constant 0 : i32
        %dma_wait3A_121 = tpu.memref_slice %arg4[%dma_wait3A_119, %dma_wait3A_120] : memref<320000x128xf32, #tpu.memory_space<hbm>> -> memref<80x128xf32, #tpu.memory_space<hbm>>
        %dma_wait3A_122 = arith.constant 0 : i32
        %dma_wait3A_123 = arith.constant 0 : i32
        %dma_wait3A_124 = tpu.memref_slice %arg4[%dma_wait3A_122, %dma_wait3A_123] : memref<320000x128xf32, #tpu.memory_space<hbm>> -> memref<80x128xf32, #tpu.memory_space<hbm>>
        tpu.wait_dma2 semaphore(%arg16 : memref<!tpu.dma_semaphore, #tpu.memory_space<semaphore_mem>>) src(%arg8 : memref<80x128xf32, #tpu.memory_space<vmem>>) dst(%dma_wait3A_124 : memref<80x128xf32, #tpu.memory_space<hbm>>)
        %add3A_125 = arith.constant 4 : i32
        %add3A_126 = arith.addi %add3A_90, %add3A_125 : i32
        %dma_start3A_127 = arith.constant 0 : i32
        %dma_start3A_128 = tpu.memref_slice %arg5[%add3A_126, %dma_start3A_127] : memref<125x80xi32, #tpu.memory_space<vmem>> -> memref<1x80xi32, #tpu.memory_space<vmem>>
        %dma_start3A_129 = tpu.memref_squeeze %dma_start3A_128 : memref<1x80xi32, #tpu.memory_space<vmem>> -> memref<80xi32, #tpu.memory_space<vmem>>
        %dma_start3A_130 = arith.constant 0 : i32
        %dma_start3A_131 = arith.constant 0 : i32
        %dma_start3A_132 = tpu.memref_slice %arg2[%dma_start3A_130, %dma_start3A_131] : memref<10000x128xf32, #tpu.memory_space<hbm>> -> memref<10000x128xf32, #tpu.memory_space<hbm>>
        tpu.enqueue_indirect_dma source(%dma_start3A_132 : memref<10000x128xf32, #tpu.memory_space<hbm>>) target(%arg8 : memref<80x128xf32, #tpu.memory_space<vmem>>) offsets(%dma_start3A_129 : memref<80xi32, #tpu.memory_space<vmem>>) semaphore(%arg12 : memref<!tpu.dma_semaphore, #tpu.memory_space<semaphore_mem>>)
      } else {
      }
      %mul3A_103 = arith.constant 4 : i32
      %mul3A_104 = arith.muli %mul3A_103, %scan3A_57 : i32
      %add3A_105 = arith.constant 3 : i32
      %add3A_106 = arith.addi %mul3A_104, %add3A_105 : i32
      %lt3A_107 = arith.constant 125 : i32
      %lt3A_108 = arith.cmpi slt, %add3A_106, %lt3A_107 : i32
      %convert_element_type3A_109 = arith.extui %lt3A_108 : i1 to i32
      %cond3A_110 = arith.constant 0 : i32
      %cond3A_111 = arith.cmpi ne, %convert_element_type3A_109, %cond3A_110 : i32
      scf.if %cond3A_111 {
        %dma_wait3A_119 = arith.constant 0 : i32
        %dma_wait3A_120 = arith.constant 0 : i32
        %dma_wait3A_121 = tpu.memref_slice %arg5[%dma_wait3A_119, %dma_wait3A_120] : memref<125x80xi32, #tpu.memory_space<vmem>> -> memref<1x80xi32, #tpu.memory_space<vmem>>
        %dma_wait3A_122 = tpu.memref_squeeze %dma_wait3A_121 : memref<1x80xi32, #tpu.memory_space<vmem>> -> memref<80xi32, #tpu.memory_space<vmem>>
        %dma_wait3A_123 = arith.constant 0 : i32
        %dma_wait3A_124 = arith.constant 0 : i32
        %dma_wait3A_125 = tpu.memref_slice %arg2[%dma_wait3A_123, %dma_wait3A_124] : memref<10000x128xf32, #tpu.memory_space<hbm>> -> memref<10000x128xf32, #tpu.memory_space<hbm>>
        tpu.wait_indirect_dma semaphore(%arg13 : memref<!tpu.dma_semaphore, #tpu.memory_space<semaphore_mem>>) src(%dma_wait3A_125 : memref<10000x128xf32, #tpu.memory_space<hbm>>) dst(%arg9 : memref<80x128xf32, #tpu.memory_space<vmem>>)
        %mul3A_126 = arith.constant 80 : i32
        %mul3A_127 = arith.muli %add3A_106, %mul3A_126 : i32
        %add3A_128 = arith.addi %mul3A_2, %mul3A_127 : i32
        %dma_start3A_129 = arith.constant 0 : i32
        %dma_start3A_130 = tpu.memref_slice %arg4[%add3A_128, %dma_start3A_129] : memref<320000x128xf32, #tpu.memory_space<hbm>> -> memref<80x128xf32, #tpu.memory_space<hbm>>
        %dma_start3A_131 = arith.constant 0 : i32
        %dma_start3A_132 = tpu.memref_slice %arg4[%add3A_128, %dma_start3A_131] : memref<320000x128xf32, #tpu.memory_space<hbm>> -> memref<80x128xf32, #tpu.memory_space<hbm>>
        tpu.enqueue_dma source(%arg9 : memref<80x128xf32, #tpu.memory_space<vmem>>) target(%dma_start3A_132 : memref<80x128xf32, #tpu.memory_space<hbm>>) target_semaphore(%arg17 : memref<!tpu.dma_semaphore, #tpu.memory_space<semaphore_mem>>)
      } else {
      }
      %add3A_112 = arith.constant 4 : i32
      %add3A_113 = arith.addi %add3A_106, %add3A_112 : i32
      %lt3A_114 = arith.constant 125 : i32
      %lt3A_115 = arith.cmpi slt, %add3A_113, %lt3A_114 : i32
      %convert_element_type3A_116 = arith.extui %lt3A_115 : i1 to i32
      %cond3A_117 = arith.constant 0 : i32
      %cond3A_118 = arith.cmpi ne, %convert_element_type3A_116, %cond3A_117 : i32
      scf.if %cond3A_118 {
        %dma_wait3A_119 = arith.constant 0 : i32
        %dma_wait3A_120 = arith.constant 0 : i32
        %dma_wait3A_121 = tpu.memref_slice %arg4[%dma_wait3A_119, %dma_wait3A_120] : memref<320000x128xf32, #tpu.memory_space<hbm>> -> memref<80x128xf32, #tpu.memory_space<hbm>>
        %dma_wait3A_122 = arith.constant 0 : i32
        %dma_wait3A_123 = arith.constant 0 : i32
        %dma_wait3A_124 = tpu.memref_slice %arg4[%dma_wait3A_122, %dma_wait3A_123] : memref<320000x128xf32, #tpu.memory_space<hbm>> -> memref<80x128xf32, #tpu.memory_space<hbm>>
        tpu.wait_dma2 semaphore(%arg17 : memref<!tpu.dma_semaphore, #tpu.memory_space<semaphore_mem>>) src(%arg9 : memref<80x128xf32, #tpu.memory_space<vmem>>) dst(%dma_wait3A_124 : memref<80x128xf32, #tpu.memory_space<hbm>>)
        %add3A_125 = arith.constant 4 : i32
        %add3A_126 = arith.addi %add3A_106, %add3A_125 : i32
        %dma_start3A_127 = arith.constant 0 : i32
        %dma_start3A_128 = tpu.memref_slice %arg5[%add3A_126, %dma_start3A_127] : memref<125x80xi32, #tpu.memory_space<vmem>> -> memref<1x80xi32, #tpu.memory_space<vmem>>
        %dma_start3A_129 = tpu.memref_squeeze %dma_start3A_128 : memref<1x80xi32, #tpu.memory_space<vmem>> -> memref<80xi32, #tpu.memory_space<vmem>>
        %dma_start3A_130 = arith.constant 0 : i32
        %dma_start3A_131 = arith.constant 0 : i32
        %dma_start3A_132 = tpu.memref_slice %arg2[%dma_start3A_130, %dma_start3A_131] : memref<10000x128xf32, #tpu.memory_space<hbm>> -> memref<10000x128xf32, #tpu.memory_space<hbm>>
        tpu.enqueue_indirect_dma source(%dma_start3A_132 : memref<10000x128xf32, #tpu.memory_space<hbm>>) target(%arg9 : memref<80x128xf32, #tpu.memory_space<vmem>>) offsets(%dma_start3A_129 : memref<80xi32, #tpu.memory_space<vmem>>) semaphore(%arg13 : memref<!tpu.dma_semaphore, #tpu.memory_space<semaphore_mem>>)
      } else {
      }
    }
    %scan3A_33 = arith.constant 32 : i32
    %dma_wait3A = arith.constant 0 : i32
    %dma_wait3A_34 = arith.constant 0 : i32
    %dma_wait3A_35 = tpu.memref_slice %arg4[%dma_wait3A, %dma_wait3A_34] : memref<320000x128xf32, #tpu.memory_space<hbm>> -> memref<80x128xf32, #tpu.memory_space<hbm>>
    %dma_wait3A_36 = arith.constant 0 : i32
    %dma_wait3A_37 = arith.constant 0 : i32
    %dma_wait3A_38 = tpu.memref_slice %arg4[%dma_wait3A_36, %dma_wait3A_37] : memref<320000x128xf32, #tpu.memory_space<hbm>> -> memref<80x128xf32, #tpu.memory_space<hbm>>
    tpu.wait_dma2 semaphore(%arg14 : memref<!tpu.dma_semaphore, #tpu.memory_space<semaphore_mem>>) src(%arg6 : memref<80x128xf32, #tpu.memory_space<vmem>>) dst(%dma_wait3A_38 : memref<80x128xf32, #tpu.memory_space<hbm>>)
    %dma_wait3A_39 = arith.constant 0 : i32
    %dma_wait3A_40 = arith.constant 0 : i32
    %dma_wait3A_41 = tpu.memref_slice %arg4[%dma_wait3A_39, %dma_wait3A_40] : memref<320000x128xf32, #tpu.memory_space<hbm>> -> memref<80x128xf32, #tpu.memory_space<hbm>>
    %dma_wait3A_42 = arith.constant 0 : i32
    %dma_wait3A_43 = arith.constant 0 : i32
    %dma_wait3A_44 = tpu.memref_slice %arg4[%dma_wait3A_42, %dma_wait3A_43] : memref<320000x128xf32, #tpu.memory_space<hbm>> -> memref<80x128xf32, #tpu.memory_space<hbm>>
    tpu.wait_dma2 semaphore(%arg15 : memref<!tpu.dma_semaphore, #tpu.memory_space<semaphore_mem>>) src(%arg7 : memref<80x128xf32, #tpu.memory_space<vmem>>) dst(%dma_wait3A_44 : memref<80x128xf32, #tpu.memory_space<hbm>>)
    %dma_wait3A_45 = arith.constant 0 : i32
    %dma_wait3A_46 = arith.constant 0 : i32
    %dma_wait3A_47 = tpu.memref_slice %arg4[%dma_wait3A_45, %dma_wait3A_46] : memref<320000x128xf32, #tpu.memory_space<hbm>> -> memref<80x128xf32, #tpu.memory_space<hbm>>
    %dma_wait3A_48 = arith.constant 0 : i32
    %dma_wait3A_49 = arith.constant 0 : i32
    %dma_wait3A_50 = tpu.memref_slice %arg4[%dma_wait3A_48, %dma_wait3A_49] : memref<320000x128xf32, #tpu.memory_space<hbm>> -> memref<80x128xf32, #tpu.memory_space<hbm>>
    tpu.wait_dma2 semaphore(%arg16 : memref<!tpu.dma_semaphore, #tpu.memory_space<semaphore_mem>>) src(%arg8 : memref<80x128xf32, #tpu.memory_space<vmem>>) dst(%dma_wait3A_50 : memref<80x128xf32, #tpu.memory_space<hbm>>)
    %dma_wait3A_51 = arith.constant 0 : i32
    %dma_wait3A_52 = arith.constant 0 : i32
    %dma_wait3A_53 = tpu.memref_slice %arg4[%dma_wait3A_51, %dma_wait3A_52] : memref<320000x128xf32, #tpu.memory_space<hbm>> -> memref<80x128xf32, #tpu.memory_space<hbm>>
    %dma_wait3A_54 = arith.constant 0 : i32
    %dma_wait3A_55 = arith.constant 0 : i32
    %dma_wait3A_56 = tpu.memref_slice %arg4[%dma_wait3A_54, %dma_wait3A_55] : memref<320000x128xf32, #tpu.memory_space<hbm>> -> memref<80x128xf32, #tpu.memory_space<hbm>>
    tpu.wait_dma2 semaphore(%arg17 : memref<!tpu.dma_semaphore, #tpu.memory_space<semaphore_mem>>) src(%arg9 : memref<80x128xf32, #tpu.memory_space<vmem>>) dst(%dma_wait3A_56 : memref<80x128xf32, #tpu.memory_space<hbm>>)
    return
  }
}

#map = affine_map<(d0, d1) -> (0, 0)>
#map1 = affine_map<(d0, d1) -> (0, 0, 0)>
module attributes {stable_mosaic.version = 14 : i64} {
  func.func @k(%arg0: i32, %arg1: i32, %arg2: memref<320000x128xf32, #tpu.memory_space<hbm>>, %arg3: memref<32x125x80xi32, #tpu.memory_space<hbm>>, %arg4: memref<2x10000x128xf32, #tpu.memory_space<hbm>>, %arg5: memref<10000x128xf32, #tpu.memory_space<vmem_shared>>, %arg6: memref<125x80xi32, #tpu.memory_space<vmem>>, %arg7: memref<80x128xf32, #tpu.memory_space<vmem>>, %arg8: memref<80x128xf32, #tpu.memory_space<vmem>>, %arg9: memref<80x128xf32, #tpu.memory_space<vmem>>, %arg10: memref<!tpu.dma_semaphore, #tpu.memory_space<semaphore_mem>>, %arg11: memref<!tpu.dma_semaphore, #tpu.memory_space<semaphore_mem>>, %arg12: memref<!tpu.dma_semaphore, #tpu.memory_space<semaphore_mem>>, %arg13: memref<!tpu.dma_semaphore, #tpu.memory_space<semaphore_mem>>, %arg14: memref<!tpu.dma_semaphore, #tpu.memory_space<semaphore_mem>>, %arg15: memref<!tpu.dma_semaphore, #tpu.memory_space<semaphore_mem>>) attributes {dimension_semantics = [#tpu.dimension_semantics<core_parallel>, #tpu.dimension_semantics<subcore_parallel>], iteration_bounds = array<i64: 2, 16>, scalar_prefetch = 0 : i64, scratch_operands = 11 : i64, tpu.core_type = #tpu.core_type<sc_vector_subcore>, window_params = [{transform_indices = #map}, {transform_indices = #map1}, {transform_indices = #map1}]} {
    %mul3A = arith.constant 16 : i32
    %mul3A_0 = arith.muli %arg0, %mul3A : i32
    %add3A = arith.addi %mul3A_0, %arg1 : i32
    %mul3A_1 = arith.constant 10000 : i32
    %mul3A_2 = arith.muli %add3A, %mul3A_1 : i32
    "tpu.region"() ({
      %run_scoped3A = tpu.sem_alloc : memref<!tpu.dma_semaphore, #tpu.memory_space<semaphore_mem>>
      %dma_start3A_61 = arith.constant 0 : i32
      %dma_start3A_62 = arith.constant 0 : i32
      %dma_start3A_63 = tpu.memref_slice %arg3[%add3A, %dma_start3A_61, %dma_start3A_62] : memref<32x125x80xi32, #tpu.memory_space<hbm>> -> memref<1x125x80xi32, #tpu.memory_space<hbm>>
      %dma_start3A_64 = tpu.memref_squeeze %dma_start3A_63 : memref<1x125x80xi32, #tpu.memory_space<hbm>> -> memref<125x80xi32, #tpu.memory_space<hbm>>
      %dma_start3A_65 = arith.constant 0 : i32
      %dma_start3A_66 = arith.constant 0 : i32
      %dma_start3A_67 = tpu.memref_slice %arg3[%add3A, %dma_start3A_65, %dma_start3A_66] : memref<32x125x80xi32, #tpu.memory_space<hbm>> -> memref<1x125x80xi32, #tpu.memory_space<hbm>>
      %dma_start3A_68 = tpu.memref_squeeze %dma_start3A_67 : memref<1x125x80xi32, #tpu.memory_space<hbm>> -> memref<125x80xi32, #tpu.memory_space<hbm>>
      tpu.enqueue_dma source(%dma_start3A_68 : memref<125x80xi32, #tpu.memory_space<hbm>>) target(%arg6 : memref<125x80xi32, #tpu.memory_space<vmem>>) target_semaphore(%run_scoped3A : memref<!tpu.dma_semaphore, #tpu.memory_space<semaphore_mem>>)
      %dma_wait3A_69 = arith.constant 0 : i32
      %dma_wait3A_70 = arith.constant 0 : i32
      %dma_wait3A_71 = tpu.memref_slice %arg3[%add3A, %dma_wait3A_69, %dma_wait3A_70] : memref<32x125x80xi32, #tpu.memory_space<hbm>> -> memref<1x125x80xi32, #tpu.memory_space<hbm>>
      %dma_wait3A_72 = tpu.memref_squeeze %dma_wait3A_71 : memref<1x125x80xi32, #tpu.memory_space<hbm>> -> memref<125x80xi32, #tpu.memory_space<hbm>>
      %dma_wait3A_73 = arith.constant 0 : i32
      %dma_wait3A_74 = arith.constant 0 : i32
      %dma_wait3A_75 = tpu.memref_slice %arg3[%add3A, %dma_wait3A_73, %dma_wait3A_74] : memref<32x125x80xi32, #tpu.memory_space<hbm>> -> memref<1x125x80xi32, #tpu.memory_space<hbm>>
      %dma_wait3A_76 = tpu.memref_squeeze %dma_wait3A_75 : memref<1x125x80xi32, #tpu.memory_space<hbm>> -> memref<125x80xi32, #tpu.memory_space<hbm>>
      tpu.wait_dma2 semaphore(%run_scoped3A : memref<!tpu.dma_semaphore, #tpu.memory_space<semaphore_mem>>) src(%dma_wait3A_76 : memref<125x80xi32, #tpu.memory_space<hbm>>) dst(%arg6 : memref<125x80xi32, #tpu.memory_space<vmem>>)
      tpu.yield
    }) : () -> ()
    %broadcast_in_dim3A = arith.constant 0.000000e+00 : f32
    %broadcast_in_dim3A_3 = vector.broadcast %broadcast_in_dim3A : f32 to vector<16xf32>
    %scan3A = arith.constant 0 : i32
    %scan3A_4 = arith.constant 80 : i32
    %scan3A_5 = arith.addi %scan3A, %scan3A_4 : i32
    %scan3A_6 = arith.constant 1 : i32
    scf.for %scan3A_61 = %scan3A to %scan3A_5 step %scan3A_6  : i32 {
      %swap3A = arith.index_cast %scan3A_61 : i32 to index
      %swap3A_62 = arith.constant 0 : index
      %swap3A_63 = tpu.vector_load %arg7[%swap3A, %swap3A_62] {strides = array<i32>} : memref<80x128xf32, #tpu.memory_space<vmem>>, vector<1x16xf32>,
      %swap3A_64 = vector.shape_cast %swap3A_63 : vector<1x16xf32> to vector<16xf32>
      %swap3A_65 = vector.shape_cast %broadcast_in_dim3A_3 : vector<16xf32> to vector<1x16xf32>
      tpu.vector_store %arg7[%swap3A, %swap3A_62], %swap3A_65 {strides = array<i32>} : memref<80x128xf32, #tpu.memory_space<vmem>>, vector<1x16xf32>,
      %swap3A_66 = arith.index_cast %scan3A_61 : i32 to index
      %swap3A_67 = arith.constant 16 : index
      %swap3A_68 = tpu.vector_load %arg7[%swap3A_66, %swap3A_67] {strides = array<i32>} : memref<80x128xf32, #tpu.memory_space<vmem>>, vector<1x16xf32>,
      %swap3A_69 = vector.shape_cast %swap3A_68 : vector<1x16xf32> to vector<16xf32>
      %swap3A_70 = vector.shape_cast %broadcast_in_dim3A_3 : vector<16xf32> to vector<1x16xf32>
      tpu.vector_store %arg7[%swap3A_66, %swap3A_67], %swap3A_70 {strides = array<i32>} : memref<80x128xf32, #tpu.memory_space<vmem>>, vector<1x16xf32>,
      %swap3A_71 = arith.index_cast %scan3A_61 : i32 to index
      %swap3A_72 = arith.constant 32 : index
      %swap3A_73 = tpu.vector_load %arg7[%swap3A_71, %swap3A_72] {strides = array<i32>} : memref<80x128xf32, #tpu.memory_space<vmem>>, vector<1x16xf32>,
      %swap3A_74 = vector.shape_cast %swap3A_73 : vector<1x16xf32> to vector<16xf32>
      %swap3A_75 = vector.shape_cast %broadcast_in_dim3A_3 : vector<16xf32> to vector<1x16xf32>
      tpu.vector_store %arg7[%swap3A_71, %swap3A_72], %swap3A_75 {strides = array<i32>} : memref<80x128xf32, #tpu.memory_space<vmem>>, vector<1x16xf32>,
      %swap3A_76 = arith.index_cast %scan3A_61 : i32 to index
      %swap3A_77 = arith.constant 48 : index
      %swap3A_78 = tpu.vector_load %arg7[%swap3A_76, %swap3A_77] {strides = array<i32>} : memref<80x128xf32, #tpu.memory_space<vmem>>, vector<1x16xf32>,
      %swap3A_79 = vector.shape_cast %swap3A_78 : vector<1x16xf32> to vector<16xf32>
      %swap3A_80 = vector.shape_cast %broadcast_in_dim3A_3 : vector<16xf32> to vector<1x16xf32>
      tpu.vector_store %arg7[%swap3A_76, %swap3A_77], %swap3A_80 {strides = array<i32>} : memref<80x128xf32, #tpu.memory_space<vmem>>, vector<1x16xf32>,
      %swap3A_81 = arith.index_cast %scan3A_61 : i32 to index
      %swap3A_82 = arith.constant 64 : index
      %swap3A_83 = tpu.vector_load %arg7[%swap3A_81, %swap3A_82] {strides = array<i32>} : memref<80x128xf32, #tpu.memory_space<vmem>>, vector<1x16xf32>,
      %swap3A_84 = vector.shape_cast %swap3A_83 : vector<1x16xf32> to vector<16xf32>
      %swap3A_85 = vector.shape_cast %broadcast_in_dim3A_3 : vector<16xf32> to vector<1x16xf32>
      tpu.vector_store %arg7[%swap3A_81, %swap3A_82], %swap3A_85 {strides = array<i32>} : memref<80x128xf32, #tpu.memory_space<vmem>>, vector<1x16xf32>,
      %swap3A_86 = arith.index_cast %scan3A_61 : i32 to index
      %swap3A_87 = arith.constant 80 : index
      %swap3A_88 = tpu.vector_load %arg7[%swap3A_86, %swap3A_87] {strides = array<i32>} : memref<80x128xf32, #tpu.memory_space<vmem>>, vector<1x16xf32>,
      %swap3A_89 = vector.shape_cast %swap3A_88 : vector<1x16xf32> to vector<16xf32>
      %swap3A_90 = vector.shape_cast %broadcast_in_dim3A_3 : vector<16xf32> to vector<1x16xf32>
      tpu.vector_store %arg7[%swap3A_86, %swap3A_87], %swap3A_90 {strides = array<i32>} : memref<80x128xf32, #tpu.memory_space<vmem>>, vector<1x16xf32>,
      %swap3A_91 = arith.index_cast %scan3A_61 : i32 to index
      %swap3A_92 = arith.constant 96 : index
      %swap3A_93 = tpu.vector_load %arg7[%swap3A_91, %swap3A_92] {strides = array<i32>} : memref<80x128xf32, #tpu.memory_space<vmem>>, vector<1x16xf32>,
      %swap3A_94 = vector.shape_cast %swap3A_93 : vector<1x16xf32> to vector<16xf32>
      %swap3A_95 = vector.shape_cast %broadcast_in_dim3A_3 : vector<16xf32> to vector<1x16xf32>
      tpu.vector_store %arg7[%swap3A_91, %swap3A_92], %swap3A_95 {strides = array<i32>} : memref<80x128xf32, #tpu.memory_space<vmem>>, vector<1x16xf32>,
      %swap3A_96 = arith.index_cast %scan3A_61 : i32 to index
      %swap3A_97 = arith.constant 112 : index
      %swap3A_98 = tpu.vector_load %arg7[%swap3A_96, %swap3A_97] {strides = array<i32>} : memref<80x128xf32, #tpu.memory_space<vmem>>, vector<1x16xf32>,
      %swap3A_99 = vector.shape_cast %swap3A_98 : vector<1x16xf32> to vector<16xf32>
      %swap3A_100 = vector.shape_cast %broadcast_in_dim3A_3 : vector<16xf32> to vector<1x16xf32>
      tpu.vector_store %arg7[%swap3A_96, %swap3A_97], %swap3A_100 {strides = array<i32>} : memref<80x128xf32, #tpu.memory_space<vmem>>, vector<1x16xf32>,
    }
    %scan3A_7 = arith.constant 80 : i32
    %scan3A_8 = arith.constant 0 : i32
    %scan3A_9 = arith.constant 8 : i32
    %scan3A_10 = arith.addi %scan3A_8, %scan3A_9 : i32
    %scan3A_11 = arith.constant 1 : i32
    scf.for %scan3A_61 = %scan3A_8 to %scan3A_10 step %scan3A_11  : i32 {
      %mul3A_62 = arith.constant 16 : i32
      %mul3A_63 = arith.muli %scan3A_61, %mul3A_62 : i32
      %add3A_64 = arith.addi %arg1, %mul3A_63 : i32
      %lt3A = arith.constant 125 : i32
      %lt3A_65 = arith.cmpi slt, %add3A_64, %lt3A : i32
      %convert_element_type3A = arith.extui %lt3A_65 : i1 to i32
      %cond3A = arith.constant 0 : i32
      %cond3A_66 = arith.cmpi ne, %convert_element_type3A, %cond3A : i32
      scf.if %cond3A_66 {
        %mul3A_67 = arith.constant 80 : i32
        %mul3A_68 = arith.muli %add3A_64, %mul3A_67 : i32
        "tpu.region"() ({
          %run_scoped3A = tpu.sem_alloc : memref<!tpu.dma_semaphore, #tpu.memory_space<semaphore_mem>>
          %dma_start3A_69 = arith.constant 0 : i32
          %dma_start3A_70 = tpu.memref_slice %arg5[%mul3A_68, %dma_start3A_69] : memref<10000x128xf32, #tpu.memory_space<vmem_shared>> -> memref<80x128xf32, #tpu.memory_space<vmem_shared>>
          %dma_start3A_71 = arith.constant 0 : i32
          %dma_start3A_72 = tpu.memref_slice %arg5[%mul3A_68, %dma_start3A_71] : memref<10000x128xf32, #tpu.memory_space<vmem_shared>> -> memref<80x128xf32, #tpu.memory_space<vmem_shared>>
          tpu.enqueue_dma source(%arg7 : memref<80x128xf32, #tpu.memory_space<vmem>>) target(%dma_start3A_72 : memref<80x128xf32, #tpu.memory_space<vmem_shared>>) target_semaphore(%run_scoped3A : memref<!tpu.dma_semaphore, #tpu.memory_space<semaphore_mem>>)
          %dma_wait3A_73 = arith.constant 0 : i32
          %dma_wait3A_74 = tpu.memref_slice %arg5[%mul3A_68, %dma_wait3A_73] : memref<10000x128xf32, #tpu.memory_space<vmem_shared>> -> memref<80x128xf32, #tpu.memory_space<vmem_shared>>
          %dma_wait3A_75 = arith.constant 0 : i32
          %dma_wait3A_76 = tpu.memref_slice %arg5[%mul3A_68, %dma_wait3A_75] : memref<10000x128xf32, #tpu.memory_space<vmem_shared>> -> memref<80x128xf32, #tpu.memory_space<vmem_shared>>
          tpu.wait_dma2 semaphore(%run_scoped3A : memref<!tpu.dma_semaphore, #tpu.memory_space<semaphore_mem>>) src(%arg7 : memref<80x128xf32, #tpu.memory_space<vmem>>) dst(%dma_wait3A_76 : memref<80x128xf32, #tpu.memory_space<vmem_shared>>)
          tpu.yield
        }) : () -> ()
      } else {
      }
    }
    %scan3A_12 = arith.constant 8 : i32
    %barrier3A = arith.constant 0 : index
    tpu.barrier barrier_id(%barrier3A)
    %add3A_13 = arith.constant 0 : i32
    %add3A_14 = arith.addi %mul3A_2, %add3A_13 : i32
    %dma_start3A = arith.constant 0 : i32
    %dma_start3A_15 = tpu.memref_slice %arg2[%add3A_14, %dma_start3A] : memref<320000x128xf32, #tpu.memory_space<hbm>> -> memref<80x128xf32, #tpu.memory_space<hbm>>
    %dma_start3A_16 = arith.constant 0 : i32
    %dma_start3A_17 = tpu.memref_slice %arg2[%add3A_14, %dma_start3A_16] : memref<320000x128xf32, #tpu.memory_space<hbm>> -> memref<80x128xf32, #tpu.memory_space<hbm>>
    tpu.enqueue_dma source(%dma_start3A_17 : memref<80x128xf32, #tpu.memory_space<hbm>>) target(%arg7 : memref<80x128xf32, #tpu.memory_space<vmem>>) target_semaphore(%arg10 : memref<!tpu.dma_semaphore, #tpu.memory_space<semaphore_mem>>)
    %add3A_18 = arith.constant 80 : i32
    %add3A_19 = arith.addi %mul3A_2, %add3A_18 : i32
    %dma_start3A_20 = arith.constant 0 : i32
    %dma_start3A_21 = tpu.memref_slice %arg2[%add3A_19, %dma_start3A_20] : memref<320000x128xf32, #tpu.memory_space<hbm>> -> memref<80x128xf32, #tpu.memory_space<hbm>>
    %dma_start3A_22 = arith.constant 0 : i32
    %dma_start3A_23 = tpu.memref_slice %arg2[%add3A_19, %dma_start3A_22] : memref<320000x128xf32, #tpu.memory_space<hbm>> -> memref<80x128xf32, #tpu.memory_space<hbm>>
    tpu.enqueue_dma source(%dma_start3A_23 : memref<80x128xf32, #tpu.memory_space<hbm>>) target(%arg8 : memref<80x128xf32, #tpu.memory_space<vmem>>) target_semaphore(%arg11 : memref<!tpu.dma_semaphore, #tpu.memory_space<semaphore_mem>>)
    %add3A_24 = arith.constant 160 : i32
    %add3A_25 = arith.addi %mul3A_2, %add3A_24 : i32
    %dma_start3A_26 = arith.constant 0 : i32
    %dma_start3A_27 = tpu.memref_slice %arg2[%add3A_25, %dma_start3A_26] : memref<320000x128xf32, #tpu.memory_space<hbm>> -> memref<80x128xf32, #tpu.memory_space<hbm>>
    %dma_start3A_28 = arith.constant 0 : i32
    %dma_start3A_29 = tpu.memref_slice %arg2[%add3A_25, %dma_start3A_28] : memref<320000x128xf32, #tpu.memory_space<hbm>> -> memref<80x128xf32, #tpu.memory_space<hbm>>
    tpu.enqueue_dma source(%dma_start3A_29 : memref<80x128xf32, #tpu.memory_space<hbm>>) target(%arg9 : memref<80x128xf32, #tpu.memory_space<vmem>>) target_semaphore(%arg12 : memref<!tpu.dma_semaphore, #tpu.memory_space<semaphore_mem>>)
    %scan3A_30 = arith.constant 0 : i32
    %scan3A_31 = arith.constant 42 : i32
    %scan3A_32 = arith.addi %scan3A_30, %scan3A_31 : i32
    %scan3A_33 = arith.constant 1 : i32
    scf.for %scan3A_61 = %scan3A_30 to %scan3A_32 step %scan3A_33  : i32 {
      %mul3A_62 = arith.constant 3 : i32
      %mul3A_63 = arith.muli %mul3A_62, %scan3A_61 : i32
      %add3A_64 = arith.constant 0 : i32
      %add3A_65 = arith.addi %mul3A_63, %add3A_64 : i32
      %lt3A = arith.constant 125 : i32
      %lt3A_66 = arith.cmpi slt, %add3A_65, %lt3A : i32
      %convert_element_type3A = arith.extui %lt3A_66 : i1 to i32
      %cond3A = arith.constant 0 : i32
      %cond3A_67 = arith.cmpi ne, %convert_element_type3A, %cond3A : i32
      scf.if %cond3A_67 {
        %dma_wait3A_107 = arith.constant 0 : i32
        %dma_wait3A_108 = arith.constant 0 : i32
        %dma_wait3A_109 = tpu.memref_slice %arg2[%dma_wait3A_107, %dma_wait3A_108] : memref<320000x128xf32, #tpu.memory_space<hbm>> -> memref<80x128xf32, #tpu.memory_space<hbm>>
        %dma_wait3A_110 = arith.constant 0 : i32
        %dma_wait3A_111 = arith.constant 0 : i32
        %dma_wait3A_112 = tpu.memref_slice %arg2[%dma_wait3A_110, %dma_wait3A_111] : memref<320000x128xf32, #tpu.memory_space<hbm>> -> memref<80x128xf32, #tpu.memory_space<hbm>>
        tpu.wait_dma2 semaphore(%arg10 : memref<!tpu.dma_semaphore, #tpu.memory_space<semaphore_mem>>) src(%dma_wait3A_112 : memref<80x128xf32, #tpu.memory_space<hbm>>) dst(%arg7 : memref<80x128xf32, #tpu.memory_space<vmem>>)
        %dma_start3A_113 = arith.constant 0 : i32
        %dma_start3A_114 = tpu.memref_slice %arg6[%add3A_65, %dma_start3A_113] : memref<125x80xi32, #tpu.memory_space<vmem>> -> memref<1x80xi32, #tpu.memory_space<vmem>>
        %dma_start3A_115 = tpu.memref_squeeze %dma_start3A_114 : memref<1x80xi32, #tpu.memory_space<vmem>> -> memref<80xi32, #tpu.memory_space<vmem>>
        %dma_start3A_116 = arith.constant 0 : i32
        %dma_start3A_117 = arith.constant 0 : i32
        %dma_start3A_118 = tpu.memref_slice %arg5[%dma_start3A_116, %dma_start3A_117] : memref<10000x128xf32, #tpu.memory_space<vmem_shared>> -> memref<10000x128xf32, #tpu.memory_space<vmem_shared>>
        tpu.enqueue_indirect_dma source(%arg7 : memref<80x128xf32, #tpu.memory_space<vmem>>) target(%dma_start3A_118 : memref<10000x128xf32, #tpu.memory_space<vmem_shared>>) offsets(%dma_start3A_115 : memref<80xi32, #tpu.memory_space<vmem>>) semaphore(%arg13 : memref<!tpu.dma_semaphore, #tpu.memory_space<semaphore_mem>>) {add = true}
      } else {
      }
      %add3A_68 = arith.constant 3 : i32
      %add3A_69 = arith.addi %add3A_65, %add3A_68 : i32
      %lt3A_70 = arith.constant 125 : i32
      %lt3A_71 = arith.cmpi slt, %add3A_69, %lt3A_70 : i32
      %convert_element_type3A_72 = arith.extui %lt3A_71 : i1 to i32
      %cond3A_73 = arith.constant 0 : i32
      %cond3A_74 = arith.cmpi ne, %convert_element_type3A_72, %cond3A_73 : i32
      scf.if %cond3A_74 {
        %dma_wait3A_107 = arith.constant 0 : i32
        %dma_wait3A_108 = arith.constant 0 : i32
        %dma_wait3A_109 = tpu.memref_slice %arg6[%dma_wait3A_107, %dma_wait3A_108] : memref<125x80xi32, #tpu.memory_space<vmem>> -> memref<1x80xi32, #tpu.memory_space<vmem>>
        %dma_wait3A_110 = tpu.memref_squeeze %dma_wait3A_109 : memref<1x80xi32, #tpu.memory_space<vmem>> -> memref<80xi32, #tpu.memory_space<vmem>>
        %dma_wait3A_111 = arith.constant 0 : i32
        %dma_wait3A_112 = arith.constant 0 : i32
        %dma_wait3A_113 = tpu.memref_slice %arg5[%dma_wait3A_111, %dma_wait3A_112] : memref<10000x128xf32, #tpu.memory_space<vmem_shared>> -> memref<10000x128xf32, #tpu.memory_space<vmem_shared>>
        tpu.wait_indirect_dma semaphore(%arg13 : memref<!tpu.dma_semaphore, #tpu.memory_space<semaphore_mem>>) src(%arg7 : memref<80x128xf32, #tpu.memory_space<vmem>>) dst(%dma_wait3A_113 : memref<10000x128xf32, #tpu.memory_space<vmem_shared>>)
        %add3A_114 = arith.constant 3 : i32
        %add3A_115 = arith.addi %add3A_65, %add3A_114 : i32
        %mul3A_116 = arith.constant 80 : i32
        %mul3A_117 = arith.muli %add3A_115, %mul3A_116 : i32
        %add3A_118 = arith.addi %mul3A_2, %mul3A_117 : i32
        %dma_start3A_119 = arith.constant 0 : i32
        %dma_start3A_120 = tpu.memref_slice %arg2[%add3A_118, %dma_start3A_119] : memref<320000x128xf32, #tpu.memory_space<hbm>> -> memref<80x128xf32, #tpu.memory_space<hbm>>
        %dma_start3A_121 = arith.constant 0 : i32
        %dma_start3A_122 = tpu.memref_slice %arg2[%add3A_118, %dma_start3A_121] : memref<320000x128xf32, #tpu.memory_space<hbm>> -> memref<80x128xf32, #tpu.memory_space<hbm>>
        tpu.enqueue_dma source(%dma_start3A_122 : memref<80x128xf32, #tpu.memory_space<hbm>>) target(%arg7 : memref<80x128xf32, #tpu.memory_space<vmem>>) target_semaphore(%arg10 : memref<!tpu.dma_semaphore, #tpu.memory_space<semaphore_mem>>)
      } else {
      }
      %mul3A_75 = arith.constant 3 : i32
      %mul3A_76 = arith.muli %mul3A_75, %scan3A_61 : i32
      %add3A_77 = arith.constant 1 : i32
      %add3A_78 = arith.addi %mul3A_76, %add3A_77 : i32
      %lt3A_79 = arith.constant 125 : i32
      %lt3A_80 = arith.cmpi slt, %add3A_78, %lt3A_79 : i32
      %convert_element_type3A_81 = arith.extui %lt3A_80 : i1 to i32
      %cond3A_82 = arith.constant 0 : i32
      %cond3A_83 = arith.cmpi ne, %convert_element_type3A_81, %cond3A_82 : i32
      scf.if %cond3A_83 {
        %dma_wait3A_107 = arith.constant 0 : i32
        %dma_wait3A_108 = arith.constant 0 : i32
        %dma_wait3A_109 = tpu.memref_slice %arg2[%dma_wait3A_107, %dma_wait3A_108] : memref<320000x128xf32, #tpu.memory_space<hbm>> -> memref<80x128xf32, #tpu.memory_space<hbm>>
        %dma_wait3A_110 = arith.constant 0 : i32
        %dma_wait3A_111 = arith.constant 0 : i32
        %dma_wait3A_112 = tpu.memref_slice %arg2[%dma_wait3A_110, %dma_wait3A_111] : memref<320000x128xf32, #tpu.memory_space<hbm>> -> memref<80x128xf32, #tpu.memory_space<hbm>>
        tpu.wait_dma2 semaphore(%arg11 : memref<!tpu.dma_semaphore, #tpu.memory_space<semaphore_mem>>) src(%dma_wait3A_112 : memref<80x128xf32, #tpu.memory_space<hbm>>) dst(%arg8 : memref<80x128xf32, #tpu.memory_space<vmem>>)
        %dma_start3A_113 = arith.constant 0 : i32
        %dma_start3A_114 = tpu.memref_slice %arg6[%add3A_78, %dma_start3A_113] : memref<125x80xi32, #tpu.memory_space<vmem>> -> memref<1x80xi32, #tpu.memory_space<vmem>>
        %dma_start3A_115 = tpu.memref_squeeze %dma_start3A_114 : memref<1x80xi32, #tpu.memory_space<vmem>> -> memref<80xi32, #tpu.memory_space<vmem>>
        %dma_start3A_116 = arith.constant 0 : i32
        %dma_start3A_117 = arith.constant 0 : i32
        %dma_start3A_118 = tpu.memref_slice %arg5[%dma_start3A_116, %dma_start3A_117] : memref<10000x128xf32, #tpu.memory_space<vmem_shared>> -> memref<10000x128xf32, #tpu.memory_space<vmem_shared>>
        tpu.enqueue_indirect_dma source(%arg8 : memref<80x128xf32, #tpu.memory_space<vmem>>) target(%dma_start3A_118 : memref<10000x128xf32, #tpu.memory_space<vmem_shared>>) offsets(%dma_start3A_115 : memref<80xi32, #tpu.memory_space<vmem>>) semaphore(%arg14 : memref<!tpu.dma_semaphore, #tpu.memory_space<semaphore_mem>>) {add = true}
      } else {
      }
      %add3A_84 = arith.constant 3 : i32
      %add3A_85 = arith.addi %add3A_78, %add3A_84 : i32
      %lt3A_86 = arith.constant 125 : i32
      %lt3A_87 = arith.cmpi slt, %add3A_85, %lt3A_86 : i32
      %convert_element_type3A_88 = arith.extui %lt3A_87 : i1 to i32
      %cond3A_89 = arith.constant 0 : i32
      %cond3A_90 = arith.cmpi ne, %convert_element_type3A_88, %cond3A_89 : i32
      scf.if %cond3A_90 {
        %dma_wait3A_107 = arith.constant 0 : i32
        %dma_wait3A_108 = arith.constant 0 : i32
        %dma_wait3A_109 = tpu.memref_slice %arg6[%dma_wait3A_107, %dma_wait3A_108] : memref<125x80xi32, #tpu.memory_space<vmem>> -> memref<1x80xi32, #tpu.memory_space<vmem>>
        %dma_wait3A_110 = tpu.memref_squeeze %dma_wait3A_109 : memref<1x80xi32, #tpu.memory_space<vmem>> -> memref<80xi32, #tpu.memory_space<vmem>>
        %dma_wait3A_111 = arith.constant 0 : i32
        %dma_wait3A_112 = arith.constant 0 : i32
        %dma_wait3A_113 = tpu.memref_slice %arg5[%dma_wait3A_111, %dma_wait3A_112] : memref<10000x128xf32, #tpu.memory_space<vmem_shared>> -> memref<10000x128xf32, #tpu.memory_space<vmem_shared>>
        tpu.wait_indirect_dma semaphore(%arg14 : memref<!tpu.dma_semaphore, #tpu.memory_space<semaphore_mem>>) src(%arg8 : memref<80x128xf32, #tpu.memory_space<vmem>>) dst(%dma_wait3A_113 : memref<10000x128xf32, #tpu.memory_space<vmem_shared>>)
        %add3A_114 = arith.constant 3 : i32
        %add3A_115 = arith.addi %add3A_78, %add3A_114 : i32
        %mul3A_116 = arith.constant 80 : i32
        %mul3A_117 = arith.muli %add3A_115, %mul3A_116 : i32
        %add3A_118 = arith.addi %mul3A_2, %mul3A_117 : i32
        %dma_start3A_119 = arith.constant 0 : i32
        %dma_start3A_120 = tpu.memref_slice %arg2[%add3A_118, %dma_start3A_119] : memref<320000x128xf32, #tpu.memory_space<hbm>> -> memref<80x128xf32, #tpu.memory_space<hbm>>
        %dma_start3A_121 = arith.constant 0 : i32
        %dma_start3A_122 = tpu.memref_slice %arg2[%add3A_118, %dma_start3A_121] : memref<320000x128xf32, #tpu.memory_space<hbm>> -> memref<80x128xf32, #tpu.memory_space<hbm>>
        tpu.enqueue_dma source(%dma_start3A_122 : memref<80x128xf32, #tpu.memory_space<hbm>>) target(%arg8 : memref<80x128xf32, #tpu.memory_space<vmem>>) target_semaphore(%arg11 : memref<!tpu.dma_semaphore, #tpu.memory_space<semaphore_mem>>)
      } else {
      }
      %mul3A_91 = arith.constant 3 : i32
      %mul3A_92 = arith.muli %mul3A_91, %scan3A_61 : i32
      %add3A_93 = arith.constant 2 : i32
      %add3A_94 = arith.addi %mul3A_92, %add3A_93 : i32
      %lt3A_95 = arith.constant 125 : i32
      %lt3A_96 = arith.cmpi slt, %add3A_94, %lt3A_95 : i32
      %convert_element_type3A_97 = arith.extui %lt3A_96 : i1 to i32
      %cond3A_98 = arith.constant 0 : i32
      %cond3A_99 = arith.cmpi ne, %convert_element_type3A_97, %cond3A_98 : i32
      scf.if %cond3A_99 {
        %dma_wait3A_107 = arith.constant 0 : i32
        %dma_wait3A_108 = arith.constant 0 : i32
        %dma_wait3A_109 = tpu.memref_slice %arg2[%dma_wait3A_107, %dma_wait3A_108] : memref<320000x128xf32, #tpu.memory_space<hbm>> -> memref<80x128xf32, #tpu.memory_space<hbm>>
        %dma_wait3A_110 = arith.constant 0 : i32
        %dma_wait3A_111 = arith.constant 0 : i32
        %dma_wait3A_112 = tpu.memref_slice %arg2[%dma_wait3A_110, %dma_wait3A_111] : memref<320000x128xf32, #tpu.memory_space<hbm>> -> memref<80x128xf32, #tpu.memory_space<hbm>>
        tpu.wait_dma2 semaphore(%arg12 : memref<!tpu.dma_semaphore, #tpu.memory_space<semaphore_mem>>) src(%dma_wait3A_112 : memref<80x128xf32, #tpu.memory_space<hbm>>) dst(%arg9 : memref<80x128xf32, #tpu.memory_space<vmem>>)
        %dma_start3A_113 = arith.constant 0 : i32
        %dma_start3A_114 = tpu.memref_slice %arg6[%add3A_94, %dma_start3A_113] : memref<125x80xi32, #tpu.memory_space<vmem>> -> memref<1x80xi32, #tpu.memory_space<vmem>>
        %dma_start3A_115 = tpu.memref_squeeze %dma_start3A_114 : memref<1x80xi32, #tpu.memory_space<vmem>> -> memref<80xi32, #tpu.memory_space<vmem>>
        %dma_start3A_116 = arith.constant 0 : i32
        %dma_start3A_117 = arith.constant 0 : i32
        %dma_start3A_118 = tpu.memref_slice %arg5[%dma_start3A_116, %dma_start3A_117] : memref<10000x128xf32, #tpu.memory_space<vmem_shared>> -> memref<10000x128xf32, #tpu.memory_space<vmem_shared>>
        tpu.enqueue_indirect_dma source(%arg9 : memref<80x128xf32, #tpu.memory_space<vmem>>) target(%dma_start3A_118 : memref<10000x128xf32, #tpu.memory_space<vmem_shared>>) offsets(%dma_start3A_115 : memref<80xi32, #tpu.memory_space<vmem>>) semaphore(%arg15 : memref<!tpu.dma_semaphore, #tpu.memory_space<semaphore_mem>>) {add = true}
      } else {
      }
      %add3A_100 = arith.constant 3 : i32
      %add3A_101 = arith.addi %add3A_94, %add3A_100 : i32
      %lt3A_102 = arith.constant 125 : i32
      %lt3A_103 = arith.cmpi slt, %add3A_101, %lt3A_102 : i32
      %convert_element_type3A_104 = arith.extui %lt3A_103 : i1 to i32
      %cond3A_105 = arith.constant 0 : i32
      %cond3A_106 = arith.cmpi ne, %convert_element_type3A_104, %cond3A_105 : i32
      scf.if %cond3A_106 {
        %dma_wait3A_107 = arith.constant 0 : i32
        %dma_wait3A_108 = arith.constant 0 : i32
        %dma_wait3A_109 = tpu.memref_slice %arg6[%dma_wait3A_107, %dma_wait3A_108] : memref<125x80xi32, #tpu.memory_space<vmem>> -> memref<1x80xi32, #tpu.memory_space<vmem>>
        %dma_wait3A_110 = tpu.memref_squeeze %dma_wait3A_109 : memref<1x80xi32, #tpu.memory_space<vmem>> -> memref<80xi32, #tpu.memory_space<vmem>>
        %dma_wait3A_111 = arith.constant 0 : i32
        %dma_wait3A_112 = arith.constant 0 : i32
        %dma_wait3A_113 = tpu.memref_slice %arg5[%dma_wait3A_111, %dma_wait3A_112] : memref<10000x128xf32, #tpu.memory_space<vmem_shared>> -> memref<10000x128xf32, #tpu.memory_space<vmem_shared>>
        tpu.wait_indirect_dma semaphore(%arg15 : memref<!tpu.dma_semaphore, #tpu.memory_space<semaphore_mem>>) src(%arg9 : memref<80x128xf32, #tpu.memory_space<vmem>>) dst(%dma_wait3A_113 : memref<10000x128xf32, #tpu.memory_space<vmem_shared>>)
        %add3A_114 = arith.constant 3 : i32
        %add3A_115 = arith.addi %add3A_94, %add3A_114 : i32
        %mul3A_116 = arith.constant 80 : i32
        %mul3A_117 = arith.muli %add3A_115, %mul3A_116 : i32
        %add3A_118 = arith.addi %mul3A_2, %mul3A_117 : i32
        %dma_start3A_119 = arith.constant 0 : i32
        %dma_start3A_120 = tpu.memref_slice %arg2[%add3A_118, %dma_start3A_119] : memref<320000x128xf32, #tpu.memory_space<hbm>> -> memref<80x128xf32, #tpu.memory_space<hbm>>
        %dma_start3A_121 = arith.constant 0 : i32
        %dma_start3A_122 = tpu.memref_slice %arg2[%add3A_118, %dma_start3A_121] : memref<320000x128xf32, #tpu.memory_space<hbm>> -> memref<80x128xf32, #tpu.memory_space<hbm>>
        tpu.enqueue_dma source(%dma_start3A_122 : memref<80x128xf32, #tpu.memory_space<hbm>>) target(%arg9 : memref<80x128xf32, #tpu.memory_space<vmem>>) target_semaphore(%arg12 : memref<!tpu.dma_semaphore, #tpu.memory_space<semaphore_mem>>)
      } else {
      }
    }
    %scan3A_34 = arith.constant 42 : i32
    %dma_wait3A = arith.constant 0 : i32
    %dma_wait3A_35 = arith.constant 0 : i32
    %dma_wait3A_36 = tpu.memref_slice %arg6[%dma_wait3A, %dma_wait3A_35] : memref<125x80xi32, #tpu.memory_space<vmem>> -> memref<1x80xi32, #tpu.memory_space<vmem>>
    %dma_wait3A_37 = tpu.memref_squeeze %dma_wait3A_36 : memref<1x80xi32, #tpu.memory_space<vmem>> -> memref<80xi32, #tpu.memory_space<vmem>>
    %dma_wait3A_38 = arith.constant 0 : i32
    %dma_wait3A_39 = arith.constant 0 : i32
    %dma_wait3A_40 = tpu.memref_slice %arg5[%dma_wait3A_38, %dma_wait3A_39] : memref<10000x128xf32, #tpu.memory_space<vmem_shared>> -> memref<10000x128xf32, #tpu.memory_space<vmem_shared>>
    tpu.wait_indirect_dma semaphore(%arg13 : memref<!tpu.dma_semaphore, #tpu.memory_space<semaphore_mem>>) src(%arg7 : memref<80x128xf32, #tpu.memory_space<vmem>>) dst(%dma_wait3A_40 : memref<10000x128xf32, #tpu.memory_space<vmem_shared>>)
    %dma_wait3A_41 = arith.constant 0 : i32
    %dma_wait3A_42 = arith.constant 0 : i32
    %dma_wait3A_43 = tpu.memref_slice %arg6[%dma_wait3A_41, %dma_wait3A_42] : memref<125x80xi32, #tpu.memory_space<vmem>> -> memref<1x80xi32, #tpu.memory_space<vmem>>
    %dma_wait3A_44 = tpu.memref_squeeze %dma_wait3A_43 : memref<1x80xi32, #tpu.memory_space<vmem>> -> memref<80xi32, #tpu.memory_space<vmem>>
    %dma_wait3A_45 = arith.constant 0 : i32
    %dma_wait3A_46 = arith.constant 0 : i32
    %dma_wait3A_47 = tpu.memref_slice %arg5[%dma_wait3A_45, %dma_wait3A_46] : memref<10000x128xf32, #tpu.memory_space<vmem_shared>> -> memref<10000x128xf32, #tpu.memory_space<vmem_shared>>
    tpu.wait_indirect_dma semaphore(%arg14 : memref<!tpu.dma_semaphore, #tpu.memory_space<semaphore_mem>>) src(%arg8 : memref<80x128xf32, #tpu.memory_space<vmem>>) dst(%dma_wait3A_47 : memref<10000x128xf32, #tpu.memory_space<vmem_shared>>)
    %dma_wait3A_48 = arith.constant 0 : i32
    %dma_wait3A_49 = arith.constant 0 : i32
    %dma_wait3A_50 = tpu.memref_slice %arg6[%dma_wait3A_48, %dma_wait3A_49] : memref<125x80xi32, #tpu.memory_space<vmem>> -> memref<1x80xi32, #tpu.memory_space<vmem>>
    %dma_wait3A_51 = tpu.memref_squeeze %dma_wait3A_50 : memref<1x80xi32, #tpu.memory_space<vmem>> -> memref<80xi32, #tpu.memory_space<vmem>>
    %dma_wait3A_52 = arith.constant 0 : i32
    %dma_wait3A_53 = arith.constant 0 : i32
    %dma_wait3A_54 = tpu.memref_slice %arg5[%dma_wait3A_52, %dma_wait3A_53] : memref<10000x128xf32, #tpu.memory_space<vmem_shared>> -> memref<10000x128xf32, #tpu.memory_space<vmem_shared>>
    tpu.wait_indirect_dma semaphore(%arg15 : memref<!tpu.dma_semaphore, #tpu.memory_space<semaphore_mem>>) src(%arg9 : memref<80x128xf32, #tpu.memory_space<vmem>>) dst(%dma_wait3A_54 : memref<10000x128xf32, #tpu.memory_space<vmem_shared>>)
    %barrier3A_55 = arith.constant 0 : index
    tpu.barrier barrier_id(%barrier3A_55)
    %scan3A_56 = arith.constant 0 : i32
    %scan3A_57 = arith.constant 8 : i32
    %scan3A_58 = arith.addi %scan3A_56, %scan3A_57 : i32
    %scan3A_59 = arith.constant 1 : i32
    scf.for %scan3A_61 = %scan3A_56 to %scan3A_58 step %scan3A_59  : i32 {
      %mul3A_62 = arith.constant 16 : i32
      %mul3A_63 = arith.muli %scan3A_61, %mul3A_62 : i32
      %add3A_64 = arith.addi %arg1, %mul3A_63 : i32
      %lt3A = arith.constant 125 : i32
      %lt3A_65 = arith.cmpi slt, %add3A_64, %lt3A : i32
      %convert_element_type3A = arith.extui %lt3A_65 : i1 to i32
      %cond3A = arith.constant 0 : i32
      %cond3A_66 = arith.cmpi ne, %convert_element_type3A, %cond3A : i32
      scf.if %cond3A_66 {
        %mul3A_67 = arith.constant 80 : i32
        %mul3A_68 = arith.muli %add3A_64, %mul3A_67 : i32
        "tpu.region"() ({
          %run_scoped3A = tpu.sem_alloc : memref<!tpu.dma_semaphore, #tpu.memory_space<semaphore_mem>>
          %dma_start3A_71 = arith.constant 0 : i32
          %dma_start3A_72 = tpu.memref_slice %arg5[%mul3A_68, %dma_start3A_71] : memref<10000x128xf32, #tpu.memory_space<vmem_shared>> -> memref<80x128xf32, #tpu.memory_space<vmem_shared>>
          %dma_start3A_73 = arith.constant 0 : i32
          %dma_start3A_74 = tpu.memref_slice %arg5[%mul3A_68, %dma_start3A_73] : memref<10000x128xf32, #tpu.memory_space<vmem_shared>> -> memref<80x128xf32, #tpu.memory_space<vmem_shared>>
          tpu.enqueue_dma source(%dma_start3A_74 : memref<80x128xf32, #tpu.memory_space<vmem_shared>>) target(%arg7 : memref<80x128xf32, #tpu.memory_space<vmem>>) target_semaphore(%run_scoped3A : memref<!tpu.dma_semaphore, #tpu.memory_space<semaphore_mem>>)
          %dma_wait3A_75 = arith.constant 0 : i32
          %dma_wait3A_76 = tpu.memref_slice %arg5[%mul3A_68, %dma_wait3A_75] : memref<10000x128xf32, #tpu.memory_space<vmem_shared>> -> memref<80x128xf32, #tpu.memory_space<vmem_shared>>
          %dma_wait3A_77 = arith.constant 0 : i32
          %dma_wait3A_78 = tpu.memref_slice %arg5[%mul3A_68, %dma_wait3A_77] : memref<10000x128xf32, #tpu.memory_space<vmem_shared>> -> memref<80x128xf32, #tpu.memory_space<vmem_shared>>
          tpu.wait_dma2 semaphore(%run_scoped3A : memref<!tpu.dma_semaphore, #tpu.memory_space<semaphore_mem>>) src(%dma_wait3A_78 : memref<80x128xf32, #tpu.memory_space<vmem_shared>>) dst(%arg7 : memref<80x128xf32, #tpu.memory_space<vmem>>)
          tpu.yield
        }) : () -> ()
        %mul3A_69 = arith.constant 80 : i32
        %mul3A_70 = arith.muli %add3A_64, %mul3A_69 : i32
        "tpu.region"() ({
          %run_scoped3A = tpu.sem_alloc : memref<!tpu.dma_semaphore, #tpu.memory_space<semaphore_mem>>
          %dma_start3A_71 = arith.constant 0 : i32
          %dma_start3A_72 = tpu.memref_slice %arg4[%arg0, %mul3A_70, %dma_start3A_71] : memref<2x10000x128xf32, #tpu.memory_space<hbm>> -> memref<1x80x128xf32, #tpu.memory_space<hbm>>
          %dma_start3A_73 = tpu.memref_squeeze %dma_start3A_72 : memref<1x80x128xf32, #tpu.memory_space<hbm>> -> memref<80x128xf32, #tpu.memory_space<hbm>>
          %dma_start3A_74 = arith.constant 0 : i32
          %dma_start3A_75 = tpu.memref_slice %arg4[%arg0, %mul3A_70, %dma_start3A_74] : memref<2x10000x128xf32, #tpu.memory_space<hbm>> -> memref<1x80x128xf32, #tpu.memory_space<hbm>>
          %dma_start3A_76 = tpu.memref_squeeze %dma_start3A_75 : memref<1x80x128xf32, #tpu.memory_space<hbm>> -> memref<80x128xf32, #tpu.memory_space<hbm>>
          tpu.enqueue_dma source(%arg7 : memref<80x128xf32, #tpu.memory_space<vmem>>) target(%dma_start3A_76 : memref<80x128xf32, #tpu.memory_space<hbm>>) target_semaphore(%run_scoped3A : memref<!tpu.dma_semaphore, #tpu.memory_space<semaphore_mem>>)
          %dma_wait3A_77 = arith.constant 0 : i32
          %dma_wait3A_78 = tpu.memref_slice %arg4[%arg0, %mul3A_70, %dma_wait3A_77] : memref<2x10000x128xf32, #tpu.memory_space<hbm>> -> memref<1x80x128xf32, #tpu.memory_space<hbm>>
          %dma_wait3A_79 = tpu.memref_squeeze %dma_wait3A_78 : memref<1x80x128xf32, #tpu.memory_space<hbm>> -> memref<80x128xf32, #tpu.memory_space<hbm>>
          %dma_wait3A_80 = arith.constant 0 : i32
          %dma_wait3A_81 = tpu.memref_slice %arg4[%arg0, %mul3A_70, %dma_wait3A_80] : memref<2x10000x128xf32, #tpu.memory_space<hbm>> -> memref<1x80x128xf32, #tpu.memory_space<hbm>>
          %dma_wait3A_82 = tpu.memref_squeeze %dma_wait3A_81 : memref<1x80x128xf32, #tpu.memory_space<hbm>> -> memref<80x128xf32, #tpu.memory_space<hbm>>
          tpu.wait_dma2 semaphore(%run_scoped3A : memref<!tpu.dma_semaphore, #tpu.memory_space<semaphore_mem>>) src(%arg7 : memref<80x128xf32, #tpu.memory_space<vmem>>) dst(%dma_wait3A_82 : memref<80x128xf32, #tpu.memory_space<hbm>>)
          tpu.yield
        }) : () -> ()
      } else {
      }
    }
    %scan3A_60 = arith.constant 8 : i32
    return
  }
}

module attributes {stable_mosaic.version = 14 : i64} {
  func.func @_mm_body(%arg0: i32, %arg1: memref<2000x128xf32, #tpu.memory_space<vmem>>, %arg2: memref<128x128xf32, #tpu.memory_space<vmem>>, %arg3: memref<2000x128xf32, #tpu.memory_space<vmem>>) attributes {dimension_semantics = [#tpu.dimension_semantics<arbitrary>], iteration_bounds = array<i64: 5>, scalar_prefetch = 0 : i64, scratch_operands = 0 : i64, tpu.core_type = #tpu.core_type<tc>, window_params = [{transform_indices = @transform_0, window_bounds = array<i64: 2000, 128>}, {pipeline_mode = #tpu.pipeline_mode<synchronous>, transform_indices = @transform_1, window_bounds = array<i64: 128, 128>}, {transform_indices = @transform_2, window_bounds = array<i64: 2000, 128>}]} {
    %get3A = arith.constant 0 : index
    %get3A_0 = arith.constant 0 : index
    %get3A_1 = vector.load %arg1[%get3A, %get3A_0] : memref<2000x128xf32, #tpu.memory_space<vmem>>, vector<2000x128xf32>
    %get3A_2 = arith.constant 0 : index
    %get3A_3 = arith.constant 0 : index
    %get3A_4 = vector.load %arg2[%get3A_2, %get3A_3] : memref<128x128xf32, #tpu.memory_space<vmem>>, vector<128x128xf32>
    %dot_general3A = arith.constant dense<0.000000e+00> : vector<2000x128xf32>
    %dot_general3A_5 = tpu.matmul %get3A_1, %get3A_4, %dot_general3A {dimension_numbers = #tpu.dot_dimension_numbers<[1], [0], [0], [1], [0, 0, 1, 1], [], []>, transpose_lhs_hint = false} : vector<2000x128xf32>, vector<128x128xf32>, vector<2000x128xf32> -> vector<2000x128xf32>
    %swap3A = arith.constant 0 : index
    %swap3A_6 = arith.constant 0 : index
    %swap3A_7 = vector.load %arg3[%swap3A, %swap3A_6] : memref<2000x128xf32, #tpu.memory_space<vmem>>, vector<2000x128xf32>
    tpu.vector_store %arg3[%swap3A, %swap3A_6], %dot_general3A_5 {strides = array<i32>} : memref<2000x128xf32, #tpu.memory_space<vmem>>, vector<2000x128xf32>,
    return
  }
  func.func @transform_0(%arg0: i32) -> (i32, i32) {
    %c0_i32 = arith.constant 0 : i32
    %c0_i32_0 = arith.constant 0 : i32
    return %arg0, %c0_i32 : i32, i32
  }
  func.func @transform_1(%arg0: i32) -> (i32, i32) {
    %c0_i32 = arith.constant 0 : i32
    %c0_i32_0 = arith.constant 0 : i32
    %c0_i32_1 = arith.constant 0 : i32
    return %c0_i32, %c0_i32_0 : i32, i32
  }
  func.func @transform_2(%arg0: i32) -> (i32, i32) {
    %c0_i32 = arith.constant 0 : i32
    %c0_i32_0 = arith.constant 0 : i32
    return %arg0, %c0_i32 : i32, i32
  }
}

module attributes {stable_mosaic.version = 14 : i64} {
  func.func @_edge_init_body(%arg0: i32, %arg1: memref<8000x128xf32, #tpu.memory_space<vmem>>, %arg2: memref<8000x16xf32, #tpu.memory_space<vmem>>, %arg3: memref<16x128xf32, #tpu.memory_space<vmem>>, %arg4: memref<8000x128xf32, #tpu.memory_space<vmem>>, %arg5: memref<8000x128xbf16, #tpu.memory_space<vmem>>) attributes {dimension_semantics = [#tpu.dimension_semantics<arbitrary>], iteration_bounds = array<i64: 40>, scalar_prefetch = 0 : i64, scratch_operands = 0 : i64, tpu.core_type = #tpu.core_type<tc>, window_params = [{transform_indices = @transform_0, window_bounds = array<i64: 8000, 128>}, {transform_indices = @transform_1, window_bounds = array<i64: 8000, 16>}, {pipeline_mode = #tpu.pipeline_mode<synchronous>, transform_indices = @transform_2, window_bounds = array<i64: 16, 128>}, {transform_indices = @transform_3, window_bounds = array<i64: 8000, 128>}, {transform_indices = @transform_4, window_bounds = array<i64: 8000, 128>}]} {
    %get3A = arith.constant 0 : index
    %get3A_0 = arith.constant 0 : index
    %get3A_1 = vector.load %arg1[%get3A, %get3A_0] : memref<8000x128xf32, #tpu.memory_space<vmem>>, vector<8000x128xf32>
    %get3A_2 = arith.constant 0 : index
    %get3A_3 = arith.constant 0 : index
    %get3A_4 = vector.load %arg2[%get3A_2, %get3A_3] : memref<8000x16xf32, #tpu.memory_space<vmem>>, vector<8000x16xf32>
    %get3A_5 = arith.constant 0 : index
    %get3A_6 = arith.constant 0 : index
    %get3A_7 = vector.load %arg3[%get3A_5, %get3A_6] : memref<16x128xf32, #tpu.memory_space<vmem>>, vector<16x128xf32>
    %dot_general3A = arith.constant dense<0.000000e+00> : vector<8000x128xf32>
    %dot_general3A_8 = tpu.matmul %get3A_4, %get3A_7, %dot_general3A {dimension_numbers = #tpu.dot_dimension_numbers<[1], [0], [0], [1], [0, 0, 1, 1], [], []>, transpose_lhs_hint = false} : vector<8000x16xf32>, vector<16x128xf32>, vector<8000x128xf32> -> vector<8000x128xf32>
    %add3A = arith.addf %get3A_1, %dot_general3A_8 : vector<8000x128xf32>
    %max3A = arith.constant 0.000000e+00 : f32
    %max3A_9 = vector.broadcast %max3A : f32 to vector<8000x128xf32>
    %max3A_10 = arith.maximumf %add3A, %max3A_9 : vector<8000x128xf32>
    %swap3A = arith.constant 0 : index
    %swap3A_11 = arith.constant 0 : index
    %swap3A_12 = vector.load %arg4[%swap3A, %swap3A_11] : memref<8000x128xf32, #tpu.memory_space<vmem>>, vector<8000x128xf32>
    tpu.vector_store %arg4[%swap3A, %swap3A_11], %max3A_10 {strides = array<i32>} : memref<8000x128xf32, #tpu.memory_space<vmem>>, vector<8000x128xf32>,
    %convert_element_type3A = arith.truncf %max3A_10 : vector<8000x128xf32> to vector<8000x128xbf16>
    %swap3A_13 = arith.constant 0 : index
    %swap3A_14 = arith.constant 0 : index
    %swap3A_15 = vector.load %arg5[%swap3A_13, %swap3A_14] : memref<8000x128xbf16, #tpu.memory_space<vmem>>, vector<8000x128xbf16>
    tpu.vector_store %arg5[%swap3A_13, %swap3A_14], %convert_element_type3A {strides = array<i32>} : memref<8000x128xbf16, #tpu.memory_space<vmem>>, vector<8000x128xbf16>,
    return
  }
  func.func @transform_0(%arg0: i32) -> (i32, i32) {
    %c0_i32 = arith.constant 0 : i32
    %c0_i32_0 = arith.constant 0 : i32
    return %arg0, %c0_i32 : i32, i32
  }
  func.func @transform_1(%arg0: i32) -> (i32, i32) {
    %c0_i32 = arith.constant 0 : i32
    %c0_i32_0 = arith.constant 0 : i32
    return %arg0, %c0_i32 : i32, i32
  }
  func.func @transform_2(%arg0: i32) -> (i32, i32) {
    %c0_i32 = arith.constant 0 : i32
    %c0_i32_0 = arith.constant 0 : i32
    %c0_i32_1 = arith.constant 0 : i32
    return %c0_i32, %c0_i32_0 : i32, i32
  }
  func.func @transform_3(%arg0: i32) -> (i32, i32) {
    %c0_i32 = arith.constant 0 : i32
    %c0_i32_0 = arith.constant 0 : i32
    return %arg0, %c0_i32 : i32, i32
  }
  func.func @transform_4(%arg0: i32) -> (i32, i32) {
    %c0_i32 = arith.constant 0 : i32
    %c0_i32_0 = arith.constant 0 : i32
    return %arg0, %c0_i32 : i32, i32
  }
}

module attributes {stable_mosaic.version = 14 : i64} {
  func.func @_mm_partial_body(%arg0: i32, %arg1: memref<2x2000x128xf32, #tpu.memory_space<vmem>>, %arg2: memref<128x128xf32, #tpu.memory_space<vmem>>, %arg3: memref<2000x128xf32, #tpu.memory_space<vmem>>) attributes {dimension_semantics = [#tpu.dimension_semantics<arbitrary>], iteration_bounds = array<i64: 5>, scalar_prefetch = 0 : i64, scratch_operands = 0 : i64, tpu.core_type = #tpu.core_type<tc>, window_params = [{transform_indices = @transform_0, window_bounds = array<i64: 2, 2000, 128>}, {pipeline_mode = #tpu.pipeline_mode<synchronous>, transform_indices = @transform_1, window_bounds = array<i64: 128, 128>}, {transform_indices = @transform_2, window_bounds = array<i64: 2000, 128>}]} {
    %get3A = arith.constant 0 : index
    %get3A_0 = arith.constant 0 : index
    %get3A_1 = arith.constant 0 : index
    %get3A_2 = vector.load %arg1[%get3A, %get3A_0, %get3A_1] : memref<2x2000x128xf32, #tpu.memory_space<vmem>>, vector<1x2000x128xf32>
    %get3A_3 = vector.shape_cast %get3A_2 : vector<1x2000x128xf32> to vector<2000x128xf32>
    %get3A_4 = arith.constant 1 : index
    %get3A_5 = arith.constant 0 : index
    %get3A_6 = arith.constant 0 : index
    %get3A_7 = vector.load %arg1[%get3A_4, %get3A_5, %get3A_6] : memref<2x2000x128xf32, #tpu.memory_space<vmem>>, vector<1x2000x128xf32>
    %get3A_8 = vector.shape_cast %get3A_7 : vector<1x2000x128xf32> to vector<2000x128xf32>
    %add3A = arith.addf %get3A_3, %get3A_8 : vector<2000x128xf32>
    %get3A_9 = arith.constant 0 : index
    %get3A_10 = arith.constant 0 : index
    %get3A_11 = vector.load %arg2[%get3A_9, %get3A_10] : memref<128x128xf32, #tpu.memory_space<vmem>>, vector<128x128xf32>
    %dot_general3A = arith.constant dense<0.000000e+00> : vector<2000x128xf32>
    %dot_general3A_12 = tpu.matmul %add3A, %get3A_11, %dot_general3A {dimension_numbers = #tpu.dot_dimension_numbers<[1], [0], [0], [1], [0, 0, 1, 1], [], []>, transpose_lhs_hint = false} : vector<2000x128xf32>, vector<128x128xf32>, vector<2000x128xf32> -> vector<2000x128xf32>
    %swap3A = arith.constant 0 : index
    %swap3A_13 = arith.constant 0 : index
    %swap3A_14 = vector.load %arg3[%swap3A, %swap3A_13] : memref<2000x128xf32, #tpu.memory_space<vmem>>, vector<2000x128xf32>
    tpu.vector_store %arg3[%swap3A, %swap3A_13], %dot_general3A_12 {strides = array<i32>} : memref<2000x128xf32, #tpu.memory_space<vmem>>, vector<2000x128xf32>,
    return
  }
  func.func @transform_0(%arg0: i32) -> (i32, i32, i32) {
    %c0_i32 = arith.constant 0 : i32
    %c0_i32_0 = arith.constant 0 : i32
    %c0_i32_1 = arith.constant 0 : i32
    return %c0_i32, %arg0, %c0_i32_0 : i32, i32, i32
  }
  func.func @transform_1(%arg0: i32) -> (i32, i32) {
    %c0_i32 = arith.constant 0 : i32
    %c0_i32_0 = arith.constant 0 : i32
    %c0_i32_1 = arith.constant 0 : i32
    return %c0_i32, %c0_i32_0 : i32, i32
  }
  func.func @transform_2(%arg0: i32) -> (i32, i32) {
    %c0_i32 = arith.constant 0 : i32
    %c0_i32_0 = arith.constant 0 : i32
    return %arg0, %c0_i32 : i32, i32
  }
}

module attributes {stable_mosaic.version = 14 : i64} {
  func.func @_combine_body(%arg0: i32, %arg1: memref<8000x128xbf16, #tpu.memory_space<vmem>>, %arg2: memref<8000x128xf32, #tpu.memory_space<vmem>>, %arg3: memref<8000x128xf32, #tpu.memory_space<vmem>>, %arg4: memref<128x128xf32, #tpu.memory_space<vmem>>, %arg5: memref<8000x128xf32, #tpu.memory_space<vmem>>) attributes {dimension_semantics = [#tpu.dimension_semantics<arbitrary>], iteration_bounds = array<i64: 40>, scalar_prefetch = 0 : i64, scratch_operands = 0 : i64, tpu.core_type = #tpu.core_type<tc>, window_params = [{transform_indices = @transform_0, window_bounds = array<i64: 8000, 128>}, {transform_indices = @transform_1, window_bounds = array<i64: 8000, 128>}, {transform_indices = @transform_2, window_bounds = array<i64: 8000, 128>}, {pipeline_mode = #tpu.pipeline_mode<synchronous>, transform_indices = @transform_3, window_bounds = array<i64: 128, 128>}, {transform_indices = @transform_4, window_bounds = array<i64: 8000, 128>}]} {
    %get3A = arith.constant 0 : index
    %get3A_0 = arith.constant 0 : index
    %get3A_1 = vector.load %arg2[%get3A, %get3A_0] : memref<8000x128xf32, #tpu.memory_space<vmem>>, vector<8000x128xf32>
    %get3A_2 = arith.constant 0 : index
    %get3A_3 = arith.constant 0 : index
    %get3A_4 = vector.load %arg3[%get3A_2, %get3A_3] : memref<8000x128xf32, #tpu.memory_space<vmem>>, vector<8000x128xf32>
    %get3A_5 = arith.constant 0 : index
    %get3A_6 = arith.constant 0 : index
    %get3A_7 = vector.load %arg4[%get3A_5, %get3A_6] : memref<128x128xf32, #tpu.memory_space<vmem>>, vector<128x128xf32>
    %dot_general3A = arith.constant dense<0.000000e+00> : vector<8000x128xf32>
    %dot_general3A_8 = tpu.matmul %get3A_4, %get3A_7, %dot_general3A {dimension_numbers = #tpu.dot_dimension_numbers<[1], [0], [0], [1], [0, 0, 1, 1], [], []>, transpose_lhs_hint = false} : vector<8000x128xf32>, vector<128x128xf32>, vector<8000x128xf32> -> vector<8000x128xf32>
    %sub3A = arith.subf %get3A_1, %dot_general3A_8 : vector<8000x128xf32>
    %get3A_9 = arith.constant 0 : index
    %get3A_10 = arith.constant 0 : index
    %get3A_11 = vector.load %arg1[%get3A_9, %get3A_10] : memref<8000x128xbf16, #tpu.memory_space<vmem>>, vector<8000x128xbf16>
    %convert_element_type3A = arith.extf %get3A_11 : vector<8000x128xbf16> to vector<8000x128xf32>
    %add3A = arith.addf %convert_element_type3A, %sub3A : vector<8000x128xf32>
    %max3A = arith.constant 0.000000e+00 : f32
    %max3A_12 = vector.broadcast %max3A : f32 to vector<8000x128xf32>
    %max3A_13 = arith.maximumf %add3A, %max3A_12 : vector<8000x128xf32>
    %swap3A = arith.constant 0 : index
    %swap3A_14 = arith.constant 0 : index
    %swap3A_15 = vector.load %arg5[%swap3A, %swap3A_14] : memref<8000x128xf32, #tpu.memory_space<vmem>>, vector<8000x128xf32>
    tpu.vector_store %arg5[%swap3A, %swap3A_14], %max3A_13 {strides = array<i32>} : memref<8000x128xf32, #tpu.memory_space<vmem>>, vector<8000x128xf32>,
    return
  }
  func.func @transform_0(%arg0: i32) -> (i32, i32) {
    %c0_i32 = arith.constant 0 : i32
    %c0_i32_0 = arith.constant 0 : i32
    return %arg0, %c0_i32 : i32, i32
  }
  func.func @transform_1(%arg0: i32) -> (i32, i32) {
    %c0_i32 = arith.constant 0 : i32
    %c0_i32_0 = arith.constant 0 : i32
    return %arg0, %c0_i32 : i32, i32
  }
  func.func @transform_2(%arg0: i32) -> (i32, i32) {
    %c0_i32 = arith.constant 0 : i32
    %c0_i32_0 = arith.constant 0 : i32
    return %arg0, %c0_i32 : i32, i32
  }
  func.func @transform_3(%arg0: i32) -> (i32, i32) {
    %c0_i32 = arith.constant 0 : i32
    %c0_i32_0 = arith.constant 0 : i32
    %c0_i32_1 = arith.constant 0 : i32
    return %c0_i32, %c0_i32_0 : i32, i32
  }
  func.func @transform_4(%arg0: i32) -> (i32, i32) {
    %c0_i32 = arith.constant 0 : i32
    %c0_i32_0 = arith.constant 0 : i32
    return %arg0, %c0_i32 : i32, i32
  }
}

module attributes {stable_mosaic.version = 14 : i64} {
  func.func @_final_body(%arg0: i32, %arg1: memref<2000x128xf32, #tpu.memory_space<vmem>>, %arg2: memref<2x2000x128xf32, #tpu.memory_space<vmem>>, %arg3: memref<2000x1xi32, #tpu.memory_space<vmem>>, %arg4: memref<128x128xf32, #tpu.memory_space<vmem>>, %arg5: memref<128x128xf32, #tpu.memory_space<vmem>>, %arg6: memref<1x128xf32, #tpu.memory_space<vmem>>, %arg7: memref<64x128xf32, #tpu.memory_space<vmem>>, %arg8: memref<64x128xf32, #tpu.memory_space<vmem>>, %arg9: memref<64x128xf32, #tpu.memory_space<vmem>>) attributes {dimension_semantics = [#tpu.dimension_semantics<arbitrary>], iteration_bounds = array<i64: 5>, scalar_prefetch = 0 : i64, scratch_operands = 2 : i64, tpu.core_type = #tpu.core_type<tc>, window_params = [{transform_indices = @transform_0, window_bounds = array<i64: 2000, 128>}, {transform_indices = @transform_1, window_bounds = array<i64: 2, 2000, 128>}, {transform_indices = @transform_2, window_bounds = array<i64: 2000, 1>}, {pipeline_mode = #tpu.pipeline_mode<synchronous>, transform_indices = @transform_3, window_bounds = array<i64: 128, 128>}, {pipeline_mode = #tpu.pipeline_mode<synchronous>, transform_indices = @transform_4, window_bounds = array<i64: 128, 128>}, {pipeline_mode = #tpu.pipeline_mode<synchronous>, transform_indices = @transform_5, window_bounds = array<i64: 1, 128>}, {pipeline_mode = #tpu.pipeline_mode<synchronous>, transform_indices = @transform_6, window_bounds = array<i64: 64, 128>}]} {
    %eq3A = arith.constant 0 : i32
    %eq3A_0 = arith.cmpi eq, %arg0, %eq3A : i32
    %convert_element_type3A = arith.extui %eq3A_0 : i1 to i32
    %cond3A = arith.constant 0 : i32
    %cond3A_1 = arith.cmpi ne, %convert_element_type3A, %cond3A : i32
    scf.if %cond3A_1 {
      %broadcast_in_dim3A_61 = arith.constant 0.000000e+00 : f32
      %broadcast_in_dim3A_62 = vector.broadcast %broadcast_in_dim3A_61 : f32 to vector<64x128xf32>
      %swap3A_63 = arith.constant 0 : index
      %swap3A_64 = arith.constant 0 : index
      %swap3A_65 = vector.load %arg8[%swap3A_63, %swap3A_64] : memref<64x128xf32, #tpu.memory_space<vmem>>, vector<64x128xf32>
      tpu.vector_store %arg8[%swap3A_63, %swap3A_64], %broadcast_in_dim3A_62 {strides = array<i32>} : memref<64x128xf32, #tpu.memory_space<vmem>>, vector<64x128xf32>,
      %broadcast_in_dim3A_66 = arith.constant 0.000000e+00 : f32
      %broadcast_in_dim3A_67 = vector.broadcast %broadcast_in_dim3A_66 : f32 to vector<64x128xf32>
      %swap3A_68 = arith.constant 0 : index
      %swap3A_69 = arith.constant 0 : index
      %swap3A_70 = vector.load %arg9[%swap3A_68, %swap3A_69] : memref<64x128xf32, #tpu.memory_space<vmem>>, vector<64x128xf32>
      tpu.vector_store %arg9[%swap3A_68, %swap3A_69], %broadcast_in_dim3A_67 {strides = array<i32>} : memref<64x128xf32, #tpu.memory_space<vmem>>, vector<64x128xf32>,
    } else {
    }
    %get3A = arith.constant 0 : index
    %get3A_2 = arith.constant 0 : index
    %get3A_3 = arith.constant 0 : index
    %get3A_4 = vector.load %arg2[%get3A, %get3A_2, %get3A_3] : memref<2x2000x128xf32, #tpu.memory_space<vmem>>, vector<1x2000x128xf32>
    %get3A_5 = vector.shape_cast %get3A_4 : vector<1x2000x128xf32> to vector<2000x128xf32>
    %get3A_6 = arith.constant 1 : index
    %get3A_7 = arith.constant 0 : index
    %get3A_8 = arith.constant 0 : index
    %get3A_9 = vector.load %arg2[%get3A_6, %get3A_7, %get3A_8] : memref<2x2000x128xf32, #tpu.memory_space<vmem>>, vector<1x2000x128xf32>
    %get3A_10 = vector.shape_cast %get3A_9 : vector<1x2000x128xf32> to vector<2000x128xf32>
    %add3A = arith.addf %get3A_5, %get3A_10 : vector<2000x128xf32>
    %get3A_11 = arith.constant 0 : index
    %get3A_12 = arith.constant 0 : index
    %get3A_13 = vector.load %arg1[%get3A_11, %get3A_12] : memref<2000x128xf32, #tpu.memory_space<vmem>>, vector<2000x128xf32>
    %get3A_14 = arith.constant 0 : index
    %get3A_15 = arith.constant 0 : index
    %get3A_16 = vector.load %arg4[%get3A_14, %get3A_15] : memref<128x128xf32, #tpu.memory_space<vmem>>, vector<128x128xf32>
    %dot_general3A = arith.constant dense<0.000000e+00> : vector<2000x128xf32>
    %dot_general3A_17 = tpu.matmul %get3A_13, %get3A_16, %dot_general3A {dimension_numbers = #tpu.dot_dimension_numbers<[1], [0], [0], [1], [0, 0, 1, 1], [], []>, transpose_lhs_hint = false} : vector<2000x128xf32>, vector<128x128xf32>, vector<2000x128xf32> -> vector<2000x128xf32>
    %get3A_18 = arith.constant 0 : index
    %get3A_19 = arith.constant 0 : index
    %get3A_20 = vector.load %arg5[%get3A_18, %get3A_19] : memref<128x128xf32, #tpu.memory_space<vmem>>, vector<128x128xf32>
    %dot_general3A_21 = arith.constant dense<0.000000e+00> : vector<2000x128xf32>
    %dot_general3A_22 = tpu.matmul %add3A, %get3A_20, %dot_general3A_21 {dimension_numbers = #tpu.dot_dimension_numbers<[1], [0], [0], [1], [0, 0, 1, 1], [], []>, transpose_lhs_hint = false} : vector<2000x128xf32>, vector<128x128xf32>, vector<2000x128xf32> -> vector<2000x128xf32>
    %add3A_23 = arith.addf %dot_general3A_17, %dot_general3A_22 : vector<2000x128xf32>
    %get3A_24 = arith.constant 0 : index
    %get3A_25 = arith.constant 0 : index
    %get3A_26 = vector.load %arg6[%get3A_24, %get3A_25] : memref<1x128xf32, #tpu.memory_space<vmem>>, vector<1x128xf32>
    %add3A_27 = vector.broadcast %get3A_26 : vector<1x128xf32> to vector<2000x128xf32>
    %add3A_28 = arith.addf %add3A_23, %add3A_27 : vector<2000x128xf32>
    %max3A = arith.constant 0.000000e+00 : f32
    %max3A_29 = vector.broadcast %max3A : f32 to vector<2000x128xf32>
    %max3A_30 = arith.maximumf %add3A_28, %max3A_29 : vector<2000x128xf32>
    %get3A_31 = arith.constant 0 : index
    %get3A_32 = arith.constant 0 : index
    %get3A_33 = vector.load %arg3[%get3A_31, %get3A_32] : memref<2000x1xi32, #tpu.memory_space<vmem>>, vector<2000x1xi32>
    %iota3A = tpu.iota {dimensions = array<i32: 1>} : vector<2000x64xi32>
    %eq3A_34 = vector.broadcast %get3A_33 : vector<2000x1xi32> to vector<2000x64xi32>
    %eq3A_35 = arith.cmpi eq, %eq3A_34, %iota3A : vector<2000x64xi32>
    %convert_element_type3A_36 = arith.extui %eq3A_35 : vector<2000x64xi1> to vector<2000x64xi32>
    %convert_element_type3A_37 = arith.sitofp %convert_element_type3A_36 : vector<2000x64xi32> to vector<2000x64xf32>
    %get3A_38 = arith.constant 0 : index
    %get3A_39 = arith.constant 0 : index
    %get3A_40 = vector.load %arg8[%get3A_38, %get3A_39] : memref<64x128xf32, #tpu.memory_space<vmem>>, vector<64x128xf32>
    %dot_general3A_41 = arith.constant dense<0.000000e+00> : vector<64x128xf32>
    %dot_general3A_42 = tpu.matmul %convert_element_type3A_37, %max3A_30, %dot_general3A_41 {dimension_numbers = #tpu.dot_dimension_numbers<[0], [0], [1], [1], [0, 1, 1, 1], [], []>, transpose_lhs_hint = false} : vector<2000x64xf32>, vector<2000x128xf32>, vector<64x128xf32> -> vector<64x128xf32>
    %add3A_43 = arith.addf %get3A_40, %dot_general3A_42 : vector<64x128xf32>
    %swap3A = arith.constant 0 : index
    %swap3A_44 = arith.constant 0 : index
    %swap3A_45 = vector.load %arg8[%swap3A, %swap3A_44] : memref<64x128xf32, #tpu.memory_space<vmem>>, vector<64x128xf32>
    tpu.vector_store %arg8[%swap3A, %swap3A_44], %add3A_43 {strides = array<i32>} : memref<64x128xf32, #tpu.memory_space<vmem>>, vector<64x128xf32>,
    %get3A_46 = arith.constant 0 : index
    %get3A_47 = arith.constant 0 : index
    %get3A_48 = vector.load %arg9[%get3A_46, %get3A_47] : memref<64x128xf32, #tpu.memory_space<vmem>>, vector<64x128xf32>
    %broadcast_in_dim3A = arith.constant 1.000000e+00 : f32
    %broadcast_in_dim3A_49 = vector.broadcast %broadcast_in_dim3A : f32 to vector<2000x128xf32>
    %dot_general3A_50 = arith.constant dense<0.000000e+00> : vector<64x128xf32>
    %dot_general3A_51 = tpu.matmul %convert_element_type3A_37, %broadcast_in_dim3A_49, %dot_general3A_50 {dimension_numbers = #tpu.dot_dimension_numbers<[0], [0], [1], [1], [0, 1, 1, 1], [], []>, transpose_lhs_hint = false} : vector<2000x64xf32>, vector<2000x128xf32>, vector<64x128xf32> -> vector<64x128xf32>
    %add3A_52 = arith.addf %get3A_48, %dot_general3A_51 : vector<64x128xf32>
    %swap3A_53 = arith.constant 0 : index
    %swap3A_54 = arith.constant 0 : index
    %swap3A_55 = vector.load %arg9[%swap3A_53, %swap3A_54] : memref<64x128xf32, #tpu.memory_space<vmem>>, vector<64x128xf32>
    tpu.vector_store %arg9[%swap3A_53, %swap3A_54], %add3A_52 {strides = array<i32>} : memref<64x128xf32, #tpu.memory_space<vmem>>, vector<64x128xf32>,
    %eq3A_56 = arith.constant 4 : i32
    %eq3A_57 = arith.cmpi eq, %arg0, %eq3A_56 : i32
    %convert_element_type3A_58 = arith.extui %eq3A_57 : i1 to i32
    %cond3A_59 = arith.constant 0 : i32
    %cond3A_60 = arith.cmpi ne, %convert_element_type3A_58, %cond3A_59 : i32
    scf.if %cond3A_60 {
      %get3A_61 = arith.constant 0 : index
      %get3A_62 = arith.constant 0 : index
      %get3A_63 = vector.load %arg8[%get3A_61, %get3A_62] : memref<64x128xf32, #tpu.memory_space<vmem>>, vector<64x128xf32>
      %get3A_64 = arith.constant 0 : index
      %get3A_65 = arith.constant 0 : index
      %get3A_66 = vector.load %arg9[%get3A_64, %get3A_65] : memref<64x128xf32, #tpu.memory_space<vmem>>, vector<64x128xf32>
      %max3A_67 = arith.constant 1.000000e+00 : f32
      %max3A_68 = vector.broadcast %max3A_67 : f32 to vector<64x128xf32>
      %max3A_69 = arith.maximumf %get3A_66, %max3A_68 : vector<64x128xf32>
      %div3A = arith.divf %get3A_63, %max3A_69 : vector<64x128xf32>
      %swap3A_70 = arith.constant 0 : index
      %swap3A_71 = arith.constant 0 : index
      %swap3A_72 = vector.load %arg7[%swap3A_70, %swap3A_71] : memref<64x128xf32, #tpu.memory_space<vmem>>, vector<64x128xf32>
      tpu.vector_store %arg7[%swap3A_70, %swap3A_71], %div3A {strides = array<i32>} : memref<64x128xf32, #tpu.memory_space<vmem>>, vector<64x128xf32>,
    } else {
    }
    return
  }
  func.func @transform_0(%arg0: i32) -> (i32, i32) {
    %c0_i32 = arith.constant 0 : i32
    %c0_i32_0 = arith.constant 0 : i32
    return %arg0, %c0_i32 : i32, i32
  }
  func.func @transform_1(%arg0: i32) -> (i32, i32, i32) {
    %c0_i32 = arith.constant 0 : i32
    %c0_i32_0 = arith.constant 0 : i32
    %c0_i32_1 = arith.constant 0 : i32
    return %c0_i32, %arg0, %c0_i32_0 : i32, i32, i32
  }
  func.func @transform_2(%arg0: i32) -> (i32, i32) {
    %c0_i32 = arith.constant 0 : i32
    %c0_i32_0 = arith.constant 0 : i32
    return %arg0, %c0_i32 : i32, i32
  }
  func.func @transform_3(%arg0: i32) -> (i32, i32) {
    %c0_i32 = arith.constant 0 : i32
    %c0_i32_0 = arith.constant 0 : i32
    %c0_i32_1 = arith.constant 0 : i32
    return %c0_i32, %c0_i32_0 : i32, i32
  }
  func.func @transform_4(%arg0: i32) -> (i32, i32) {
    %c0_i32 = arith.constant 0 : i32
    %c0_i32_0 = arith.constant 0 : i32
    %c0_i32_1 = arith.constant 0 : i32
    return %c0_i32, %c0_i32_0 : i32, i32
  }
  func.func @transform_5(%arg0: i32) -> (i32, i32) {
    %c0_i32 = arith.constant 0 : i32
    %c0_i32_0 = arith.constant 0 : i32
    %c0_i32_1 = arith.constant 0 : i32
    return %c0_i32, %c0_i32_0 : i32, i32
  }
  func.func @transform_6(%arg0: i32) -> (i32, i32) {
    %c0_i32 = arith.constant 0 : i32
    %c0_i32_0 = arith.constant 0 : i32
    %c0_i32_1 = arith.constant 0 : i32
    return %c0_i32, %c0_i32_0 : i32, i32
  }
}

</mosaic_0001>

<sc_bundles>
// kernel: kernel.17.cloned.1.call-start
scs
__scs_entry_jumppad:
0x0: {  	(pc) =	sbr.rel $0x88, $3  }
0x1: {  	(tag) =	ssettag $0x0;
	lr =	simm.s32 $0x1  }
0x2: {  	[smem:$0x3F97] =	sst lr;
	_ =	strace $0xD0000000  }
0x3: {  	_ = 	snop  }
0x4: {  	_ = 	snop  }
0x5: {  	_ = 	snop  }
0x6: {  	_ = 	snop  }
0x7: {  	_ = 	snop  }
__scs_overlays_trampoline_lowered:
0x8: {  	[smem:$0x3FA6] =	sst s0  }
0x9: {  	[smem:$0x3FA7] =	sst s1  }
0xa: {  	[smem:$0x3FA8] =	sst s2  }
0xb: {  	[smem:$0x3FA9] =	sst s3  }
0xc: {  	[smem:$0x3FAA] =	sst s4  }
0xd: {  	[smem:$0x3FAB] =	sst s5  }
0xe: {  	[smem:$0x3FAC] =	sst s6  }
0xf: {  	[smem:$0x3FAD] =	sst s7  }
0x10: {  	[smem:$0x3FAE] =	sst s8  }
0x11: {  	[smem:$0x3FAF] =	sst s9;
	s0 =	simm.s32 @!p0 $0x0  }
0x12: {  	s1 =	sld [smem:$0x3F95];
	s0 =	simm.s32 @p0 $0x1  }
0x13: {  	[smem:$0x3FB0] =	sst s0;
	s0 =	simm.s32 @!p1 $0x0  }
0x14: {  	s2 =	sld [smem:$0x3F94];
	s0 =	simm.s32 @p1 $0x1  }
0x15: {  	[smem:$0x3FB1] =	sst s0;
	s0 =	simm.s32 @!p2 $0x0  }
0x16: {  	s3 =	sld [smem:$0x3FDB];
	s0 =	simm.s32 @p2 $0x1  }
0x17: {  	s4 =	simm.s32 $0x1BF5;
	[smem:$0x3FB3] =	sst s0  }
0x18: {  	s0 =	sld [smem:$0x3F96];
	_ =	swait.ge [sflag:s4], $0x0  }
0x19: {  	s7 =	sld [smem:$0x3F97]  }
0x1a: {  	s8 =	sadd.s32 $0xFFFFE003, lr  }
0x1b: {  	s9 =	sadd.s32 $0xFFFFFEF7, lr;
	s5 =	simm.s32 $0xFFFFFFFF;
	p2 =	slt.u32 s8, $0xFFFFF086  }
0x1c: {  	p1 =	slt.u32 s9, $0xF7A;
	s5 =	simm.s32 @!p2 $0x0  }
0x1d: {  	s5 =	simm.s32 @p1 $0x1;
	p0 =	seq.s32 s7, s2  }
0x1e: {  	s7 =	smul.u32 @!p0 $0xF7A, s2;
	p2 =	seq.s32 @!p0 s5, $0x0  }
0x1f: {  	s9 =	smul.u32 $0xF7A, s1;
	s8 =	simm.s32 @!p0 $0x1BF5;
	p2 =	por !p2, p0  }
0x20: {  	[sflag:s8] =	ssyncset.s32 @!p0 $0xFFFFF086;
	s6 =	sadd.s32 @!p0 s3, s7;
	s7 =	simm.s32 @!p0 $0x108  }
0x21: {  	s3 =	sadd.s32 s3, s9;
	s6 =	sadd.s32 @!p0 $0x88, s6;
	s7 =	simm.s32 @p2 $0x1082  }
0x22: {  	[simem:s7], [sflag:s8] =	dma.local @!p0 [hbm:s6], $0xF7A  }
0x23: {  	s9 =	sor.u32 $0xD0000000, s2;
	s6 =	simm.s32 $0x108;
	_ =	swait.ge @!p0 [sflag:s8], $0x0  }
0x24: {  	s3 =	sadd.s32 $0x88, s3;
	s6 =	simm.s32 @!p1 $0x1082;
	[sflag:s4] =	ssyncset.s32 $0xFFFFF086  }
0x25: {  	[simem:s6], [sflag:s4] =	dma.local [hbm:s3], $0xF7A  }
0x26: {  	[smem:$0x3F97] =	sst s1;
	(tag) =	ssettag s2;
	_ =	strace s9  }
0x27: {  	s1 =	sld [smem:$0x3FA7]  }
0x28: {  	s2 =	sld [smem:$0x3FA8]  }
0x29: {  	s4 =	sld [smem:$0x3FAA]  }
0x2a: {  	p0 =	seq.s32 s5, $0x0;
	s5 =	sld [smem:$0x3FAB]  }
0x2b: {  	s6 =	sld [smem:$0x3FAC]  }
0x2c: {  	s7 =	sld [smem:$0x3FAD]  }
0x2d: {  	s3 =	simm.s32 $0x108;
	s8 =	sld [smem:$0x3FAE]  }
0x2e: {  	s3 =	simm.s32 @!p0 $0x1082;
	s9 =	sld [smem:$0x3FAF]  }
0x2f: {  	lr =	sadd.s32 s0, s3;
	s0 =	sld [smem:$0x3FA6]  }
0x30: {  	s3 =	sld [smem:$0x3FA9]  }
0x31: {  	[smem:$0x3FB2] =	sst s10  }
0x32: {  	s10 =	sld [smem:$0x3FB0];
	_ =	sdelay $0x3  }
0x33: {  	p0 =	seq.s32 s10, $0x1;
	s10 =	sld [smem:$0x3FB2];
	_ =	sdelay $0x3  }
0x34: {  	[smem:$0x3FB2] =	sst s10  }
0x35: {  	s10 =	sld [smem:$0x3FB1];
	_ =	sdelay $0x3  }
0x36: {  	p1 =	seq.s32 s10, $0x1;
	s10 =	sld [smem:$0x3FB2];
	_ =	sdelay $0x3  }
0x37: {  	[smem:$0x3FB2] =	sst s10  }
0x38: {  	s10 =	sld [smem:$0x3FB3]  }
0x39: {  	_ = 	snop;
	(pc) =	sbr.ind lr, $3  }
0x3a: {  	_ = 	snop  }
0x3b: {  	_ = 	snop  }
0x3c: {  	p2 =	seq.s32 s10, $0x1;
	s10 =	sld [smem:$0x3FB2]  }
0x3d: {  	_ =	shalt  }
0x3e: {  	_ =	shalt  }
0x3f: {  	_ =	shalt  }
0x40: {  	_ =	shalt  }
0x41: {  	_ =	shalt  }
0x42: {  	_ =	shalt  }
0x43: {  	_ =	shalt  }
0x44: {  	_ =	shalt  }
0x45: {  	_ =	shalt  }
0x46: {  	_ =	shalt  }
0x47: {  	_ =	shalt  }
0x48: {  	_ =	shalt  }
0x49: {  	_ =	shalt  }
0x4a: {  	_ =	shalt  }
0x4b: {  	_ =	shalt  }
0x4c: {  	_ =	shalt  }
0x4d: {  	_ =	shalt  }
0x4e: {  	_ =	shalt  }
0x4f: {  	_ =	shalt  }
0x50: {  	_ =	shalt  }
0x51: {  	_ =	shalt  }
0x52: {  	_ =	shalt  }
0x53: {  	_ =	shalt  }
0x54: {  	_ =	shalt  }
0x55: {  	_ =	shalt  }
0x56: {  	_ =	shalt  }
0x57: {  	_ =	shalt  }
0x58: {  	_ =	shalt  }
0x59: {  	_ =	shalt  }
0x5a: {  	_ =	shalt  }
0x5b: {  	_ =	shalt  }
0x5c: {  	_ =	shalt  }
0x5d: {  	_ =	shalt  }
0x5e: {  	_ =	shalt  }
0x5f: {  	_ =	shalt  }
0x60: {  	_ =	shalt  }
0x61: {  	_ =	shalt  }
0x62: {  	_ =	shalt  }
0x63: {  	_ =	shalt  }
0x64: {  	_ =	shalt  }
0x65: {  	_ =	shalt  }
0x66: {  	_ =	shalt  }
0x67: {  	_ =	shalt  }
0x68: {  	_ =	shalt  }
0x69: {  	_ =	shalt  }
0x6a: {  	_ =	shalt  }
0x6b: {  	_ =	shalt  }
0x6c: {  	_ =	shalt  }
0x6d: {  	_ =	shalt  }
0x6e: {  	_ =	shalt  }
0x6f: {  	_ =	shalt  }
0x70: {  	_ =	shalt  }
0x71: {  	_ =	shalt  }
0x72: {  	_ =	shalt  }
0x73: {  	_ =	shalt  }
0x74: {  	_ =	shalt  }
0x75: {  	_ =	shalt  }
0x76: {  	_ =	shalt  }
0x77: {  	_ =	shalt  }
0x78: {  	_ =	shalt  }
0x79: {  	_ =	shalt  }
0x7a: {  	_ =	shalt  }
0x7b: {  	_ =	shalt  }
0x7c: {  	_ =	shalt  }
0x7d: {  	_ =	shalt  }
0x7e: {  	_ =	shalt  }
0x7f: {  	_ =	shalt  }
0x80: {  	_ =	shalt  }
0x81: {  	_ =	shalt  }
0x82: {  	_ =	shalt  }
0x83: {  	_ =	shalt  }
0x84: {  	_ =	shalt  }
0x85: {  	_ =	shalt  }
0x86: {  	_ =	shalt  }
0x87: {  	_ =	shalt  }
.Lfunc_end0:
.L_simem_size_0:
called_computation_lowered:
.L_overlay_start_0:
0x88: {  	s2 =	sld [smem:$0x3FD9]  }
0x89: {  	s3 =	sld [smem:$0x3FFE];
	_ =	sdelay $0x1  }
0x8a: {  	s1 =	srdreg.scid  }
0x8b: {  	s0 =	sand.u32 $0x1, s1  }
0x8c: {  	s16 =	sshll.u32 s0, $0xA;
	s2 =	sadd.s32 s3, s2  }
0x8d: {  	s2 =	sadd.s32 s2, s16  }
0x8e: {  	[smem:$0x3FBE] =	sst s2  }
0x8f: {  	_ = 	snop  }
0x90: {  	(tm) =	ssettm $0x1  }
0x91: {  	s17 =	sld [smem:$0x3FFB];
	_ =	sdelay $0x3  }
0x92: {  	_ =	strace s17  }
0x93: {  	s2 =	sld [smem:$0x3FFC];
	_ =	sdelay $0x3  }
0x94: {  	_ =	strace s2  }
0x95: {  	s2 =	sld [smem:$0x3FFD];
	_ =	sdelay $0x3  }
0x96: {  	_ =	strace s2  }
0x97: {  	_ =	strace $0x8FFFFFFF  }
0x98: {  	s18 =	sld [smem:$0x3FDB];
	_ =	sdelay $0x1  }
0x99: {  	s19 =	simm.s32 $_scs_section_size  }
0x9a: {  	s4 =	simm.s32 $_size__tile_overlayer_lowered;
	s5 =	simm.s32 $_tile_overlayer_lowered  }
0x9b: {  	s22 =	simm.s32 $0x1BFF;
	s21 =	sshll.u32 s5, $0x1;
	s2 =	sadd.s32 s19, s18  }
0x9c: {  	s6 =	simm.s32 $0x0;
	s20 =	sshll.u32 s4, $0x1;
	s4 =	sadd.s32 s21, s2  }
0x9d: {  	[timem:s6], [sflag:s22] =	dma.local [hbm:s4], s20  }
0x9e: {  	_ =	swait.ge [sflag:s22], s20  }
0x9f: {  	s3 =	ssub.s32 $0x0, s20;
	[sflag:s22] =	ssyncset.done $0x0  }
0xa0: {  	[sflag:s22] =	ssyncadd.s32 s3;
	_ =	sdelay $0x1  }
0xa1: {  	s23 =	simm.s32 $0x1B8B  }
0xa2: {  	_ =	swait.ge [sflag:s23], $0x1  }
0xa3: {  	[sflag:s23] =	ssyncset.done $0x0  }
0xa4: {  	s25 =	simm.s32 $0x1B8E;
	s24 =	sld [smem:$0x3FFE];
	[sflag:s23] =	ssyncadd.s32 $0xFFFFFFFF  }
0xa5: {  	s26 =	simm.s32 $execute0_lowered;
	[smem:$0x3FD2] =	sst s25  }
0xa6: {  	s4 =	sshll.u32 s26, $0x1;
	_ =	strace $0x80000046;
	[dreg:$0x1] =	wrdreg $0xFFFFFFFF  }
0xa7: {  	s28 =	simm.s32 $_size_execute0_lowered;
	s2 =	sadd.s32 s2, s4;
	[dreg:$0x0] =	wrdreg $0x0  }
0xa8: {  	s4 =	sshll.u32 s28, $0x1;
	[dreg:$0x2] =	wrdreg s2  }
0xa9: {  	[dreg:$0x3] =	wrdreg s4  }
0xaa: {  	[dreg:$0x4] =	wrdreg $0xC0  }
0xab: {  	_ =	task [dreg:s6], $0x5FFFF  }
0xac: {  	[dreg:$0x1] =	wrdreg $0xFFFFFFFF  }
0xad: {  	[dreg:$0x0] =	wrdreg $0x60  }
0xae: {  	[dreg:$0x2] =	wrdreg s24  }
0xaf: {  	[dreg:$0x3] =	wrdreg $0x9  }
0xb0: {  	_ =	task.clear_ibuf [dreg:s6], $0x4FFFF;
	_ =	strace $0x90000046  }
0xb1: {  	s29 =	simm.s32 $0x9;
	_ =	strace $0x80000048  }
0xb2: {  	_ =	swait.ge [sflag:s29], $0x1  }
0xb3: {  	[sflag:s29] =	ssyncadd.s32 $0xFFFFFFFF  }
0xb4: {  	_ =	strace $0x90000048  }
0xb5: {  	_ =	sfence  }
0xb6: {  	s30 =	sld [smem:$0x0];
	_ =	sdelay $0x2  }
0xb7: {  	s31 =	sshll.u32 s1, $0xD;
	s1 =	sshrl.u32 s1, $0x2  }
0xb8: {  	s3 =	sand.u32 $0x4000, s31;
	s1 =	sadd.s32 s1, s30  }
0xb9: {  	s0 =	sor.u32 s3, s0;
	s1 =	sshll.u32 s1, $0x11  }
0xba: {  	s0 =	sor.u32 s1, s0  }
0xbb: {  	s0 =	sadd.s32 $0x8F2B, s0  }
0xbc: {  	[sflag:s0] =	ssyncadd.remote.s32 $0x1  }
0xbd: {  	_ =	sfence.sel $0xFFFF  }
0xbe: {  	[dreg:$0x0] =	wrdreg $0xFFFFFFFF;
	(pc) =	sbr.abs _section_cstart, $3  }
0xbf: {  	[dreg:$0x1] =	wrdreg $0xFFFFFFFF  }
0xc0: {  	_ =	task.clear_ibuf [dreg:s6], $0x2FFFF;
	_ =	strace $0x9FFFFFFF  }
0xc1: {  	(tm) =	ssettm $0x7FFFFFFF  }
tec
execute0_lowered:
.L_overlay_start_1:
0x0: {  	(tag) =	ssettag $0x1  }
0x1: {  	s4 =	rddreg [dreg:$0x0]  }
0x2: {  	s0 =	rddreg [dreg:$0x1];
	s1 =	simm.s32 $0x0;
	s5 =	srdreg.scid  }
0x3: {  	s2 =	stileid.u32;
	s9 =	simm.s32 $0x4000;
	s10 =	simm.s32 $0x80  }
0x4: {  	s11 =	simm.s32 $0x6800;
	s12 =	simm.s32 $0x100;
	s13 =	simm.s32 $0x9000  }
0x5: {  	s14 =	simm.s32 $0x180;
	s15 =	simm.s32 $0xB800;
	s16 =	simm.s32 $0x1  }
0x6: {  	s17 =	simm.s32 $0x5;
	s18 =	simm.s32 $0x6;
	s19 =	simm.s32 $0x7  }
0x7: {  	s20 =	simm.s32 $0x8;
	s21 =	simm.s32 $0x4;
	s22 =	simm.s32 $0x0  }
0x8: {  	[smem:$0x7FF] =	sst s1;
	s5 =	sand.u32 $0x1, s5;
	s29 =	smul.u32 $0x27100, s2  }
0x9: {  	s3 =	sadd.s32 $0x1DC00, s4;
	s6 =	sshll.u32 s2, $0xB;
	s8 =	smul.u32 $0x271000, s5  }
.Ltmp0:
0xa: {  	s7 =	sshll.u32 s5, $0xF;
	s5 =	ssub.s32 $0x2, s5;
	(pc) =	sbr.rel .LBB2_1-.Ltmp0, $4  }
0xb: {  	_ =	strace $0x80000047;
	s6 =	sor.u32 s6, s7;
	s30 =	sshrl.u32 s5, $0x1  }
0xc: {  	s7 =	simm.s32 $0x9;
	s6 =	sadd.s32 s6, s4;
	s8 =	sadd.s32 s8, s4  }
0xd: {  	s5 =	ssub.s32 s5, s30;
	s4 =	sadd.s32 $0xDC00, s6;
	s31 =	sadd.s32 s29, s8  }
0xe: {  	s5 =	smax.u32 s5, $0x1;
	s8 =	simm.s32 $0x50;
	s6 =	sadd.s32 $0x44E00, s31  }
.LBB2_7:
0xf: {  	_ =	swait.ge [sflag:s17], $0x2800  }
0x10: {  	[sflag:s17] =	ssyncset.done $0x0  }
0x11: {  	[sflag:s17] =	ssyncadd.s32 $0xFFFFD800  }
0x12: {  	_ =	swait.ge [sflag:s18], $0x2800  }
0x13: {  	[sflag:s18] =	ssyncset.done $0x0  }
0x14: {  	s22 =	sadd.s32 $0x1, s22;
	[sflag:s18] =	ssyncadd.s32 $0xFFFFD800  }
0x15: {  	p0 =	sne.s32 s22, s5;
	_ =	swait.ge [sflag:s19], $0x2800  }
.Ltmp1:
0x16: {  	[sflag:s19] =	ssyncset.done $0x0;
	(pc) =	sbr.rel @!p0 .LBB2_8-.Ltmp1, $4  }
0x17: {  	[sflag:s19] =	ssyncadd.s32 $0xFFFFD800  }
0x18: {  	_ =	swait.ge [sflag:s20], $0x2800  }
0x19: {  	[sflag:s20] =	ssyncset.done $0x0  }
0x1a: {  	[sflag:s20] =	ssyncadd.s32 $0xFFFFD800  }
.LBB2_1:
0x1b: {  	[tilespmem:s1], [sflag:$0x9] =	stream.linear.gather [hbm4b:s4+s1], $0x3E80, $0x38;
	[tilespmem:$0xE000] =	vst v63  }
0x1c: {  	_ =	swait.ge [sflag:s7], $0x3E80  }
0x1d: {  	[sflag:s7] =	ssyncset.done $0x0  }
0x1e: {  	[sflag:s7] =	ssyncadd.s32 $0xFFFFC180  }
0x1f: {  	[tilespmem:s9], [sflag:$0x1] =	stream.indirect.gather [hbm4b:s3+s8], $0x80, s1, s8, $0xb8;
	[tilespmem:$0xE000] =	vst v63  }
0x20: {  	_ = 	snop  }
0x21: {  	[tilespmem:s11], [sflag:$0x2] =	stream.indirect.gather [hbm4b:s3+s8], $0x80, s10, s8, $0xb8;
	[tilespmem:$0xE000] =	vst v63  }
.Ltmp2:
0x22: {  	_ = 	snop;
	(pc) =	sbr.rel .LBB2_2-.Ltmp2, $4  }
0x23: {  	s23 =	simm.s32 $0x3  }
0x24: {  	[tilespmem:s13], [sflag:$0x3] =	stream.indirect.gather [hbm4b:s3+s8], $0x80, s12, s8, $0xb8;
	[tilespmem:$0xE000] =	vst v63  }
0x25: {  	s24 =	smov.u32 s6;
	s25 =	simm.s32 $0x0;
	s26 =	simm.s32 $0x0  }
0x26: {  	[tilespmem:s15], [sflag:$0x4] =	stream.indirect.gather [hbm4b:s3+s8], $0x80, s14, s8, $0xb8;
	[tilespmem:$0xE000] =	vst v63  }
.LBB2_5:
0x27: {  	_ =	swait.ge [sflag:s19], $0x2800  }
0x28: {  	[sflag:s19] =	ssyncset.done $0x0  }
0x29: {  	s29 =	sadd.s32 $0x300, s28;
	[sflag:s19] =	ssyncadd.s32 $0xFFFFD800  }
0x2a: {  	[tilespmem:s13], [sflag:$0x3] =	stream.indirect.gather [hbm4b:s3+s8], $0x80, s29, s8, $0xb8;
	[tilespmem:$0xE000] =	vst v63  }
0x2b: {  	_ =	swait.ge [sflag:s21], $0x2800  }
0x2c: {  	[sflag:s21] =	ssyncset.done $0x0  }
0x2d: {  	s30 =	sadd.s32 $0xF00, s24;
	[sflag:s21] =	ssyncadd.s32 $0xFFFFD800  }
0x2e: {  	[hbm4b:s30+s1] =	stream.linear.scatter [tilespmem:s15], [sflag:$0x8], $0x2800, $0x38;
	[tilespmem:$0xE000] =	vst v63  }
0x2f: {  	_ =	swait.ge [sflag:s20], $0x2800  }
0x30: {  	[sflag:s20] =	ssyncset.done $0x0  }
0x31: {  	s31 =	sadd.s32 $0x380, s28;
	[sflag:s20] =	ssyncadd.s32 $0xFFFFD800  }
0x32: {  	[tilespmem:s15], [sflag:$0x4] =	stream.indirect.gather [hbm4b:s3+s8], $0x80, s31, s8, $0xb8;
	[tilespmem:$0xE000] =	vst v63  }
.LBB2_6:
0x33: {  	s25 =	sadd.s32 $0x800, s25  }
0x34: {  	p0 =	sne.s32 s25, $0x10000  }
.Ltmp3:
0x35: {  	_ = 	snop;
	(pc) =	sbr.rel @!p0 .LBB2_7-.Ltmp3, $2  }
0x36: {  	_ =	sdelay $0x2  }
0x37: {  	s26 =	sadd.s32 $0x1, s26;
	s24 =	sadd.s32 $0x1400, s24;
	s23 =	sadd.s32 $0x4, s23  }
.LBB2_2:
0x38: {  	p0 =	seq.s32 s25, $0xF800  }
.Ltmp4:
0x39: {  	_ = 	snop;
	(pc) =	sbr.rel @p0 .LBB2_7-.Ltmp4, $4  }
0x3a: {  	_ =	swait.ge [sflag:s16], $0x2800  }
0x3b: {  	[sflag:s16] =	ssyncset.done $0x0  }
0x3c: {  	[sflag:s16] =	ssyncadd.s32 $0xFFFFD800  }
0x3d: {  	[hbm4b:s24+s1] =	stream.linear.scatter [tilespmem:s9], [sflag:$0x5], $0x2800, $0x38;
	[tilespmem:$0xE000] =	vst v63  }
0x3e: {  	_ =	swait.ge [sflag:s17], $0x2800  }
0x3f: {  	s28 =	sshra.s32 s25, $0x2;
	s30 =	sadd.s32 $0xFFFFFFFE, s23;
	[sflag:s17] =	ssyncset.done $0x0  }
0x40: {  	s29 =	sadd.s32 $0x200, s28;
	p0 =	sgt.u32 s30, $0x7C;
	[sflag:s17] =	ssyncadd.s32 $0xFFFFD800  }
0x41: {  	[tilespmem:s9], [sflag:$0x1] =	stream.indirect.gather [hbm4b:s3+s8], $0x80, s29, s8, $0xb8;
	[tilespmem:$0xE000] =	vst v63  }
0x42: {  	s29 =	simm.s32 @!p0 $0x2  }
0x43: {  	_ =	swait.ge @!p0 [sflag:s29], $0x2800  }
0x44: {  	s30 =	simm.s32 @!p0 $0x0;
	[sflag:s29] =	ssyncset.done @!p0 $0x0  }
0x45: {  	s31 =	simm.s32 @!p0 $0x6800;
	[sflag:s29] =	ssyncadd.s32 @!p0 $0xFFFFD800;
	s29 =	sadd.s32 @!p0 $0x500, s24  }
0x46: {  	[hbm4b:s29+s30] =	stream.linear.scatter @!p0 [tilespmem:s31], [sflag:$0x6], $0x2800, $0x38;
	[tilespmem:$0xE000] =	vst v63  }
0x47: {  	p0 =	sgt.u32 s26, $0x1D  }
0x48: {  	s29 =	simm.s32 @!p0 $0x6  }
0x49: {  	_ =	swait.ge @!p0 [sflag:s29], $0x2800  }
0x4a: {  	[sflag:s29] =	ssyncset.done @!p0 $0x0  }
0x4b: {  	[sflag:s29] =	ssyncadd.s32 @!p0 $0xFFFFD800;
	s29 =	sshra.s32 @!p0 s25, $0x2  }
0x4c: {  	s30 =	simm.s32 @!p0 $0x50;
	s31 =	simm.s32 @!p0 $0x6800;
	s29 =	sadd.s32 @!p0 $0x280, s29  }
0x4d: {  	[tilespmem:s31], [sflag:$0x2] =	stream.indirect.gather @!p0 [hbm4b:s3+s30], $0x80, s29, s30, $0xb8;
	[tilespmem:$0xE000] =	vst v63  }
0x4e: {  	s31 =	sadd.s32 $0xFFFFFFFF, s23  }
0x4f: {  	p0 =	sgt.u32 s31, $0x7C  }
0x50: {  	s29 =	simm.s32 @!p0 $0x3  }
0x51: {  	_ =	swait.ge @!p0 [sflag:s29], $0x2800  }
0x52: {  	p1 =	slt.u32 @!p0 s26, $0x1E;
	s30 =	simm.s32 @!p0 $0x0;
	[sflag:s29] =	ssyncset.done @!p0 $0x0  }
0x53: {  	s31 =	simm.s32 @!p0 $0x9000;
	[sflag:s29] =	ssyncadd.s32 @!p0 $0xFFFFD800;
	s29 =	sadd.s32 @!p0 $0xA00, s24  }
0x54: {  	[hbm4b:s29+s30] =	stream.linear.scatter @!p0 [tilespmem:s31], [sflag:$0x7], $0x2800, $0x38;
	[tilespmem:$0xE000] =	vst v63  }
0x55: {  	p0 =	por p0, !p1  }
.Ltmp5:
0x56: {  	_ = 	snop;
	(pc) =	sbr.rel @!p0 .LBB2_5-.Ltmp5, $1  }
0x57: {  	_ =	sdelay $0x3  }
0x58: {  	p0 =	slt.u32 s23, $0x7D  }
.Ltmp6:
0x59: {  	s28 =	simm.s32 @p0 $0x4;
	(pc) =	sbr.rel .LBB2_6-.Ltmp6, $4  }
0x5a: {  	_ =	swait.ge @p0 [sflag:s28], $0x2800  }
0x5b: {  	s29 =	simm.s32 @p0 $0x0;
	[sflag:s28] =	ssyncset.done @p0 $0x0  }
0x5c: {  	s30 =	simm.s32 @p0 $0xB800;
	[sflag:s28] =	ssyncadd.s32 @p0 $0xFFFFD800;
	s28 =	sadd.s32 @p0 $0xF00, s24  }
0x5d: {  	[hbm4b:s28+s29] =	stream.linear.scatter @p0 [tilespmem:s30], [sflag:$0x8], $0x2800, $0x38;
	[tilespmem:$0xE000] =	vst v63  }
.LBB2_8:
0x5e: {  	_ =	sfence.sel $0x180000  }
0x5f: {  	[bflag:$0x0] =	sbarrier.arrive $0xFFFF  }
0x60: {  	p0 =	sne.s32 s2, $0x0;
	_ =	strace $0x90000047  }
0x61: {  	s0 =	sadd.s32 @!p0 $0x100000, s0;
	[bflag:$0x2] =	sbarrier.arrive $0xFFFF  }
0x62: {  	[sflag:s0] =	ssyncadd.tile.s32 @!p0 $0x1;
	_ =	shalt  }
.Lfunc_end2:
_tile_overlayer_lowered:
.L_overlay_start_2:
0x63: {  	(tag) =	ssettag $0x2  }
0x64: {  	s0 =	rddreg [dreg:$0x0];
	s2 =	stileid.u32  }
0x65: {  	s1 =	rddreg [dreg:$0x1];
	p0 =	sne.s32 s2, $0x0  }
0x66: {  	s3 =	rddreg [dreg:$0x2];
	[bflag:$0x3] =	sbarrier.arrive $0xFFFF;
	s2 =	simm.s32 @!p0 $0x1C09  }
0x67: {  	[timem:s3], [sflag:s2] =	dma.local @!p0 [hbm:s0], s1  }
0x68: {  	s0 =	simm.s32 @!p0 $0x9  }
0x69: {  	_ =	swait.ge @!p0 [sflag:s0], s1  }
0x6a: {  	s1 =	ssub.s32 @!p0 $0x0, s1;
	[sflag:s0] =	ssyncset.done @!p0 $0x0  }
0x6b: {  	[sflag:s0] =	ssyncadd.s32 @!p0 s1  }
0x6c: {  	[bflag:$0x3] =	sbarrier.arrive $0xFFFF  }
0x6d: {  	_ =	shalt  }

// kernel: kernel.20.cloned.1.call-start
scs
__scs_entry_jumppad:
0x0: {  	(pc) =	sbr.rel $0x88, $3  }
0x1: {  	(tag) =	ssettag $0x0;
	lr =	simm.s32 $0x1  }
0x2: {  	[smem:$0x3F97] =	sst lr;
	_ =	strace $0xD0000000  }
0x3: {  	_ = 	snop  }
0x4: {  	_ = 	snop  }
0x5: {  	_ = 	snop  }
0x6: {  	_ = 	snop  }
0x7: {  	_ = 	snop  }
__scs_overlays_trampoline_lowered:
0x8: {  	[smem:$0x3FA6] =	sst s0  }
0x9: {  	[smem:$0x3FA7] =	sst s1  }
0xa: {  	[smem:$0x3FA8] =	sst s2  }
0xb: {  	[smem:$0x3FA9] =	sst s3  }
0xc: {  	[smem:$0x3FAA] =	sst s4  }
0xd: {  	[smem:$0x3FAB] =	sst s5  }
0xe: {  	[smem:$0x3FAC] =	sst s6  }
0xf: {  	[smem:$0x3FAD] =	sst s7  }
0x10: {  	[smem:$0x3FAE] =	sst s8  }
0x11: {  	[smem:$0x3FAF] =	sst s9;
	s0 =	simm.s32 @!p0 $0x0  }
0x12: {  	s1 =	sld [smem:$0x3F95];
	s0 =	simm.s32 @p0 $0x1  }
0x13: {  	[smem:$0x3FB0] =	sst s0;
	s0 =	simm.s32 @!p1 $0x0  }
0x14: {  	s2 =	sld [smem:$0x3F94];
	s0 =	simm.s32 @p1 $0x1  }
0x15: {  	[smem:$0x3FB1] =	sst s0;
	s0 =	simm.s32 @!p2 $0x0  }
0x16: {  	s3 =	sld [smem:$0x3FDB];
	s0 =	simm.s32 @p2 $0x1  }
0x17: {  	s4 =	simm.s32 $0x1BF5;
	[smem:$0x3FB3] =	sst s0  }
0x18: {  	s0 =	sld [smem:$0x3F96];
	_ =	swait.ge [sflag:s4], $0x0  }
0x19: {  	s7 =	sld [smem:$0x3F97]  }
0x1a: {  	s8 =	sadd.s32 $0xFFFFE003, lr  }
0x1b: {  	s9 =	sadd.s32 $0xFFFFFEF7, lr;
	s5 =	simm.s32 $0xFFFFFFFF;
	p2 =	slt.u32 s8, $0xFFFFF086  }
0x1c: {  	p1 =	slt.u32 s9, $0xF7A;
	s5 =	simm.s32 @!p2 $0x0  }
0x1d: {  	s5 =	simm.s32 @p1 $0x1;
	p0 =	seq.s32 s7, s2  }
0x1e: {  	s7 =	smul.u32 @!p0 $0xF7A, s2;
	p2 =	seq.s32 @!p0 s5, $0x0  }
0x1f: {  	s9 =	smul.u32 $0xF7A, s1;
	s8 =	simm.s32 @!p0 $0x1BF5;
	p2 =	por !p2, p0  }
0x20: {  	[sflag:s8] =	ssyncset.s32 @!p0 $0xFFFFF086;
	s6 =	sadd.s32 @!p0 s3, s7;
	s7 =	simm.s32 @!p0 $0x108  }
0x21: {  	s3 =	sadd.s32 s3, s9;
	s6 =	sadd.s32 @!p0 $0x88, s6;
	s7 =	simm.s32 @p2 $0x1082  }
0x22: {  	[simem:s7], [sflag:s8] =	dma.local @!p0 [hbm:s6], $0xF7A  }
0x23: {  	s9 =	sor.u32 $0xD0000000, s2;
	s6 =	simm.s32 $0x108;
	_ =	swait.ge @!p0 [sflag:s8], $0x0  }
0x24: {  	s3 =	sadd.s32 $0x88, s3;
	s6 =	simm.s32 @!p1 $0x1082;
	[sflag:s4] =	ssyncset.s32 $0xFFFFF086  }
0x25: {  	[simem:s6], [sflag:s4] =	dma.local [hbm:s3], $0xF7A  }
0x26: {  	[smem:$0x3F97] =	sst s1;
	(tag) =	ssettag s2;
	_ =	strace s9  }
0x27: {  	s1 =	sld [smem:$0x3FA7]  }
0x28: {  	s2 =	sld [smem:$0x3FA8]  }
0x29: {  	s4 =	sld [smem:$0x3FAA]  }
0x2a: {  	p0 =	seq.s32 s5, $0x0;
	s5 =	sld [smem:$0x3FAB]  }
0x2b: {  	s6 =	sld [smem:$0x3FAC]  }
0x2c: {  	s7 =	sld [smem:$0x3FAD]  }
0x2d: {  	s3 =	simm.s32 $0x108;
	s8 =	sld [smem:$0x3FAE]  }
0x2e: {  	s3 =	simm.s32 @!p0 $0x1082;
	s9 =	sld [smem:$0x3FAF]  }
0x2f: {  	lr =	sadd.s32 s0, s3;
	s0 =	sld [smem:$0x3FA6]  }
0x30: {  	s3 =	sld [smem:$0x3FA9]  }
0x31: {  	[smem:$0x3FB2] =	sst s10  }
0x32: {  	s10 =	sld [smem:$0x3FB0];
	_ =	sdelay $0x3  }
0x33: {  	p0 =	seq.s32 s10, $0x1;
	s10 =	sld [smem:$0x3FB2];
	_ =	sdelay $0x3  }
0x34: {  	[smem:$0x3FB2] =	sst s10  }
0x35: {  	s10 =	sld [smem:$0x3FB1];
	_ =	sdelay $0x3  }
0x36: {  	p1 =	seq.s32 s10, $0x1;
	s10 =	sld [smem:$0x3FB2];
	_ =	sdelay $0x3  }
0x37: {  	[smem:$0x3FB2] =	sst s10  }
0x38: {  	s10 =	sld [smem:$0x3FB3]  }
0x39: {  	_ = 	snop;
	(pc) =	sbr.ind lr, $3  }
0x3a: {  	_ = 	snop  }
0x3b: {  	_ = 	snop  }
0x3c: {  	p2 =	seq.s32 s10, $0x1;
	s10 =	sld [smem:$0x3FB2]  }
0x3d: {  	_ =	shalt  }
0x3e: {  	_ =	shalt  }
0x3f: {  	_ =	shalt  }
0x40: {  	_ =	shalt  }
0x41: {  	_ =	shalt  }
0x42: {  	_ =	shalt  }
0x43: {  	_ =	shalt  }
0x44: {  	_ =	shalt  }
0x45: {  	_ =	shalt  }
0x46: {  	_ =	shalt  }
0x47: {  	_ =	shalt  }
0x48: {  	_ =	shalt  }
0x49: {  	_ =	shalt  }
0x4a: {  	_ =	shalt  }
0x4b: {  	_ =	shalt  }
0x4c: {  	_ =	shalt  }
0x4d: {  	_ =	shalt  }
0x4e: {  	_ =	shalt  }
0x4f: {  	_ =	shalt  }
0x50: {  	_ =	shalt  }
0x51: {  	_ =	shalt  }
0x52: {  	_ =	shalt  }
0x53: {  	_ =	shalt  }
0x54: {  	_ =	shalt  }
0x55: {  	_ =	shalt  }
0x56: {  	_ =	shalt  }
0x57: {  	_ =	shalt  }
0x58: {  	_ =	shalt  }
0x59: {  	_ =	shalt  }
0x5a: {  	_ =	shalt  }
0x5b: {  	_ =	shalt  }
0x5c: {  	_ =	shalt  }
0x5d: {  	_ =	shalt  }
0x5e: {  	_ =	shalt  }
0x5f: {  	_ =	shalt  }
0x60: {  	_ =	shalt  }
0x61: {  	_ =	shalt  }
0x62: {  	_ =	shalt  }
0x63: {  	_ =	shalt  }
0x64: {  	_ =	shalt  }
0x65: {  	_ =	shalt  }
0x66: {  	_ =	shalt  }
0x67: {  	_ =	shalt  }
0x68: {  	_ =	shalt  }
0x69: {  	_ =	shalt  }
0x6a: {  	_ =	shalt  }
0x6b: {  	_ =	shalt  }
0x6c: {  	_ =	shalt  }
0x6d: {  	_ =	shalt  }
0x6e: {  	_ =	shalt  }
0x6f: {  	_ =	shalt  }
0x70: {  	_ =	shalt  }
0x71: {  	_ =	shalt  }
0x72: {  	_ =	shalt  }
0x73: {  	_ =	shalt  }
0x74: {  	_ =	shalt  }
0x75: {  	_ =	shalt  }
0x76: {  	_ =	shalt  }
0x77: {  	_ =	shalt  }
0x78: {  	_ =	shalt  }
0x79: {  	_ =	shalt  }
0x7a: {  	_ =	shalt  }
0x7b: {  	_ =	shalt  }
0x7c: {  	_ =	shalt  }
0x7d: {  	_ =	shalt  }
0x7e: {  	_ =	shalt  }
0x7f: {  	_ =	shalt  }
0x80: {  	_ =	shalt  }
0x81: {  	_ =	shalt  }
0x82: {  	_ =	shalt  }
0x83: {  	_ =	shalt  }
0x84: {  	_ =	shalt  }
0x85: {  	_ =	shalt  }
0x86: {  	_ =	shalt  }
0x87: {  	_ =	shalt  }
.Lfunc_end0:
.L_simem_size_0:
called_computation.1_lowered:
.L_overlay_start_0:
0x88: {  	s2 =	sld [smem:$0x3FD9]  }
0x89: {  	s3 =	sld [smem:$0x3FFE];
	_ =	sdelay $0x1  }
0x8a: {  	s1 =	srdreg.scid  }
0x8b: {  	s0 =	sand.u32 $0x1, s1  }
0x8c: {  	s16 =	sshll.u32 s0, $0xA;
	s2 =	sadd.s32 s3, s2  }
0x8d: {  	s2 =	sadd.s32 s2, s16  }
0x8e: {  	[smem:$0x3FBE] =	sst s2  }
0x8f: {  	_ = 	snop  }
0x90: {  	(tm) =	ssettm $0x1  }
0x91: {  	s17 =	sld [smem:$0x3FFB];
	_ =	sdelay $0x3  }
0x92: {  	_ =	strace s17  }
0x93: {  	s2 =	sld [smem:$0x3FFC];
	_ =	sdelay $0x3  }
0x94: {  	_ =	strace s2  }
0x95: {  	s2 =	sld [smem:$0x3FFD];
	_ =	sdelay $0x3  }
0x96: {  	_ =	strace s2  }
0x97: {  	_ =	strace $0x8FFFFFFF  }
0x98: {  	s18 =	sld [smem:$0x3FDB];
	_ =	sdelay $0x1  }
0x99: {  	s19 =	simm.s32 $_scs_section_size  }
0x9a: {  	s4 =	simm.s32 $_size__tile_overlayer_lowered;
	s5 =	simm.s32 $_tile_overlayer_lowered  }
0x9b: {  	s22 =	simm.s32 $0x1BFF;
	s21 =	sshll.u32 s5, $0x1;
	s2 =	sadd.s32 s19, s18  }
0x9c: {  	s6 =	simm.s32 $0x0;
	s20 =	sshll.u32 s4, $0x1;
	s4 =	sadd.s32 s21, s2  }
0x9d: {  	[timem:s6], [sflag:s22] =	dma.local [hbm:s4], s20  }
0x9e: {  	_ =	swait.ge [sflag:s22], s20  }
0x9f: {  	s3 =	ssub.s32 $0x0, s20;
	[sflag:s22] =	ssyncset.done $0x0  }
0xa0: {  	[sflag:s22] =	ssyncadd.s32 s3;
	_ =	sdelay $0x1  }
0xa1: {  	s23 =	simm.s32 $0x1B8B  }
0xa2: {  	_ =	swait.ge [sflag:s23], $0x1  }
0xa3: {  	[sflag:s23] =	ssyncset.done $0x0  }
0xa4: {  	s25 =	simm.s32 $0x1B8E;
	s24 =	sld [smem:$0x3FFE];
	[sflag:s23] =	ssyncadd.s32 $0xFFFFFFFF  }
0xa5: {  	s26 =	simm.s32 $execute0_lowered;
	[smem:$0x3FD2] =	sst s25  }
0xa6: {  	s4 =	sshll.u32 s26, $0x1;
	_ =	strace $0x80000049;
	[dreg:$0x1] =	wrdreg $0xFFFFFFFF  }
0xa7: {  	s28 =	simm.s32 $_size_execute0_lowered;
	s2 =	sadd.s32 s2, s4;
	[dreg:$0x0] =	wrdreg $0x0  }
0xa8: {  	s4 =	sshll.u32 s28, $0x1;
	[dreg:$0x2] =	wrdreg s2  }
0xa9: {  	[dreg:$0x3] =	wrdreg s4  }
0xaa: {  	[dreg:$0x4] =	wrdreg $0xC0  }
0xab: {  	_ =	task [dreg:s6], $0x5FFFF  }
0xac: {  	[dreg:$0x1] =	wrdreg $0xFFFFFFFF  }
0xad: {  	[dreg:$0x0] =	wrdreg $0x60  }
0xae: {  	[dreg:$0x2] =	wrdreg s24  }
0xaf: {  	[dreg:$0x3] =	wrdreg $0x0  }
0xb0: {  	[dreg:$0x4] =	wrdreg $0xA  }
0xb1: {  	_ =	task.clear_ibuf [dreg:s6], $0x5FFFF;
	_ =	strace $0x90000049  }
0xb2: {  	s29 =	simm.s32 $0xA;
	_ =	strace $0x8000004B  }
0xb3: {  	_ =	swait.ge [sflag:s29], $0x1  }
0xb4: {  	[sflag:s29] =	ssyncadd.s32 $0xFFFFFFFF  }
0xb5: {  	_ =	strace $0x9000004B  }
0xb6: {  	_ =	sfence  }
0xb7: {  	s30 =	sld [smem:$0x0];
	_ =	sdelay $0x2  }
0xb8: {  	s31 =	sshll.u32 s1, $0xD;
	s1 =	sshrl.u32 s1, $0x2  }
0xb9: {  	s3 =	sand.u32 $0x4000, s31;
	s1 =	sadd.s32 s1, s30  }
0xba: {  	s0 =	sor.u32 s3, s0;
	s1 =	sshll.u32 s1, $0x11  }
0xbb: {  	s0 =	sor.u32 s1, s0  }
0xbc: {  	s0 =	sadd.s32 $0x8F2B, s0  }
0xbd: {  	[sflag:s0] =	ssyncadd.remote.s32 $0x1  }
0xbe: {  	_ =	sfence.sel $0xFFFF  }
0xbf: {  	[dreg:$0x0] =	wrdreg $0xFFFFFFFF;
	(pc) =	sbr.abs _section_cstart, $3  }
0xc0: {  	[dreg:$0x1] =	wrdreg $0xFFFFFFFF  }
0xc1: {  	_ =	task.clear_ibuf [dreg:s6], $0x2FFFF;
	_ =	strace $0x9FFFFFFF  }
0xc2: {  	(tm) =	ssettm $0x7FFFFFFF  }
0xc3: {  	_ =	shalt  }
tec
execute0_lowered:
.L_overlay_start_1:
0x0: {  	(tag) =	ssettag $0x1  }
0x1: {  	s0 =	srdreg.scid;
	s24 =	stileid.u32  }
0x2: {  	s0 =	sand.u32 $0x1, s0;
	s9 =	smul.u32 $0x2800, s24  }
0x3: {  	s8 =	sor.u32 $0x10, s24;
	s7 =	smul.u32 $0x138800, s0  }
0x4: {  	s10 =	sor.u32 $0x20, s24;
	s11 =	smul.u32 $0x2800, s8  }
0x5: {  	s4 =	rddreg [dreg:$0x0];
	s13 =	sor.u32 $0x30, s24;
	s14 =	smul.u32 $0x2800, s10  }
0x6: {  	s2 =	rddreg [dreg:$0x1];
	s18 =	sor.u32 $0x40, s24;
	s16 =	smul.u32 $0x2800, s13  }
0x7: {  	s3 =	simm.s32 $0x0;
	s19 =	sor.u32 $0x50, s24;
	s26 =	smul.u32 $0x2800, s18  }
0x8: {  	s30 =	simm.s32 $0x7;
	s20 =	sor.u32 $0x60, s24;
	s17 =	smul.u32 $0x2800, s19  }
0x9: {  	s31 =	simm.s32 $0x17880;
	s21 =	sor.u32 $0x70, s24;
	s22 =	smul.u32 $0x2800, s20  }
0xa: {  	[smem:$0x7FF] =	sst s3;
	s1 =	sshll.u32 s0, $0x4;
	s23 =	smul.u32 $0x2800, s21  }
0xb: {  	s12 =	ssub.s32 $0x2, s0;
	s0 =	smul.u32 $0x271000, s0;
	s1 =	sor.u32 s24, s1  }
0xc: {  	s29 =	simm.s32 $0x1;
	_ =	strace $0x8000004A;
	s5 =	smul.u32 $0x27100, s1  }
0xd: {  	p0 =	sgt.u32 s21, $0x7C;
	s15 =	sshrl.u32 s12, $0x1;
	s6 =	smul.u32 $0x138800, s1  }
0xe: {  	s1 =	sshll.u32 s1, $0xB;
	s12 =	ssub.s32 s12, s15;
	s9 =	sadd.s32 s7, s9  }
0xf: {  	s11 =	sadd.s32 s7, s11;
	s14 =	sadd.s32 s7, s14;
	s16 =	sadd.s32 s7, s16  }
0x10: {  	s15 =	sadd.s32 s7, s26;
	s17 =	sadd.s32 s7, s17;
	s22 =	sadd.s32 s7, s22  }
0x11: {  	s7 =	sadd.s32 s7, s23;
	s23 =	sadd.s32 $0xA18E00, s4;
	s1 =	sadd.s32 s1, s4  }
0x12: {  	s4 =	sadd.s32 $0x1DC00, s4;
	s9 =	sshrl.u32 s9, $0x3;
	s11 =	sshrl.u32 s11, $0x3  }
0x13: {  	s26 =	sshrl.u32 s14, $0x3;
	s7 =	sshrl.u32 s7, $0x3;
	s0 =	sadd.s32 s0, s23  }
0x14: {  	s25 =	sadd.s32 s23, s5;
	s5 =	sshrl.u32 s6, $0x3;
	s6 =	sadd.s32 s4, s9  }
0x15: {  	s14 =	sadd.s32 s4, s11;
	s26 =	sadd.s32 s4, s26;
	[dreg:$0x3] =	wrdreg s6  }
0x16: {  	s9 =	sshrl.u32 s16, $0x3;
	s11 =	sshrl.u32 s15, $0x3;
	[dreg:$0x4] =	wrdreg s14  }
0x17: {  	s1 =	sadd.s32 $0xA08E00, s1;
	[dreg:$0x5] =	wrdreg s26;
	s14 =	sshrl.u32 s17, $0x3  }
0x18: {  	s6 =	sadd.s32 s4, s9;
	s17 =	sshrl.u32 s22, $0x3;
	s22 =	smul.u32 $0x27100, s24  }
0x19: {  	s5 =	sadd.s32 s23, s5;
	s23 =	smul.u32 $0xA000, s24;
	[dreg:$0xb] =	wrdreg s1  }
0x1a: {  	s15 =	sadd.s32 s4, s11;
	s24 =	smul.u32 $0xA000, s8;
	[dreg:$0x6] =	wrdreg s6  }
0x1b: {  	s8 =	smax.u32 s12, $0x1;
	s11 =	smul.u32 $0xA000, s18;
	[dreg:$0x7] =	wrdreg s15  }
0x1c: {  	s16 =	sadd.s32 s4, s14;
	s6 =	sadd.s32 s4, s17;
	[dreg:$0xe] =	wrdreg s8  }
0x1d: {  	s4 =	sadd.s32 s4, s7;
	s7 =	smul.u32 $0xA000, s10;
	[dreg:$0x8] =	wrdreg s16  }
0x1e: {  	s28 =	sadd.s32 $0x26C00, s25;
	s10 =	smul.u32 $0xA000, s13;
	[dreg:$0x9] =	wrdreg s6  }
0x1f: {  	s26 =	sadd.s32 $0x500, s5;
	s13 =	smul.u32 $0xA000, s19;
	[dreg:$0xa] =	wrdreg s4  }
0x20: {  	s5 =	sadd.s32 $0xA00, s5;
	s15 =	smul.u32 $0xA000, s20;
	[dreg:$0xc] =	wrdreg s26  }
0x21: {  	s8 =	simm.s32 $0x5;
	s0 =	sadd.s32 s22, s0;
	[dreg:$0xd] =	wrdreg s5  }
0x22: {  	s9 =	sshrl.u32 s23, $0x2;
	s1 =	sshrl.u32 s24, $0x2;
	s5 =	sshrl.u32 s11, $0x2  }
0x23: {  	s16 =	smul.u32 $0xA000, s21;
	s26 =	sadd.s32 $0x26700, s25;
	s6 =	simm.s32 $0x4  }
0x24: {  	s11 =	simm.s32 $0x8;
	s17 =	sadd.s32 s9, s2;
	s18 =	sadd.s32 s1, s2  }
0x25: {  	s12 =	sshrl.u32 s7, $0x2;
	s14 =	sshrl.u32 s10, $0x2;
	s21 =	sadd.s32 s5, s2  }
0x26: {  	s22 =	sshrl.u32 s13, $0x2;
	s23 =	sshrl.u32 s15, $0x2;
	[dreg:$0xf] =	wrdreg s26  }
0x27: {  	s26 =	smov.u32 s25;
	s1 =	simm.s32 $0x1A080;
	s5 =	simm.s32 $0x50  }
0x28: {  	s7 =	simm.s32 $0x2;
	s9 =	simm.s32 $0x3;
	s10 =	simm.s32 $0x6  }
0x29: {  	s19 =	sadd.s32 s12, s2;
	s20 =	sadd.s32 s14, s2;
	s22 =	sadd.s32 s22, s2  }
0x2a: {  	s24 =	sshrl.u32 s16, $0x2;
	s23 =	sadd.s32 s23, s2;
	s14 =	sadd.s32 $0x1900, s0  }
0x2b: {  	v0 =	vimm.f32 $0.0e+00;
	s0 =	simm.s32 $0x1C880;
	s12 =	simm.s32 $0x0;
	s24 =	sadd.s32 s24, s2  }
.LBB2_1:
0x2c: {  	s4 =	rddreg [dreg:$0xb];
	s13 =	simm.s32 $0x13880  }
0x2d: {  	[tilespmem:s13], [sflag:$0x7] =	stream.linear.gather [hbm4b:s4+s3], $0x3E80, $0x38;
	[tilespmem:$0x1F080] =	vst v63  }
0x2e: {  	_ =	swait.ge [sflag:s30], $0x3E80  }
0x2f: {  	[sflag:s30] =	ssyncset.done $0x0  }
0x30: {  	s4 =	simm.s32 $0x0;
	s13 =	simm.s32 $0x200;
	[sflag:s30] =	ssyncadd.s32 $0xFFFFC180  }
.LBB2_2:
0x31: {  	p1 =	sne.s32 s13, $0x9E00;
	[tilespmem:s4+$0x178F0] =	vst v0  }
0x32: {  	[tilespmem:s4+$0x17880] =	vst v0  }
0x33: {  	[tilespmem:s4+$0x17890] =	vst v0  }
.Ltmp0:
0x34: {  	[tilespmem:s4+$0x178A0] =	vst v0;
	(pc) =	sbr.rel @p1 .LBB2_2-.Ltmp0, $4  }
0x35: {  	[tilespmem:s4+$0x178B0] =	vst v0  }
0x36: {  	[tilespmem:s4+$0x178C0] =	vst v0  }
0x37: {  	[tilespmem:s4+$0x178D0] =	vst v0  }
0x38: {  	[tilespmem:s4+$0x178E0] =	vst v0;
	s4 =	sshra.s32 s13, $0x2;
	s13 =	sadd.s32 $0x200, s13  }
0x39: {  	[tilespmem:s4+$0x178F0] =	vst v0  }
0x3a: {  	[tilespmem:s4+$0x17880] =	vst v0  }
0x3b: {  	[tilespmem:s4+$0x17890] =	vst v0  }
0x3c: {  	[tilespmem:s4+$0x178A0] =	vst v0  }
0x3d: {  	[tilespmem:s4+$0x178B0] =	vst v0  }
0x3e: {  	[tilespmem:s4+$0x178C0] =	vst v0  }
0x3f: {  	[tilespmem:s4+$0x178D0] =	vst v0  }
0x40: {  	[tilespmem:s4+$0x178E0] =	vst v0  }
0x41: {  	[spmem:s17] =	stream.linear.scatter [tilespmem:s31], [sflag:$0x7], $0x2800, $0x38;
	[tilespmem:$0x1F080] =	vst v63  }
0x42: {  	_ =	swait.ge [sflag:s30], $0x2800  }
0x43: {  	[sflag:s30] =	ssyncset.done $0x0  }
0x44: {  	[sflag:s30] =	ssyncadd.s32 $0xFFFFD800  }
0x45: {  	[spmem:s18] =	stream.linear.scatter [tilespmem:s31], [sflag:$0x7], $0x2800, $0x38;
	[tilespmem:$0x1F080] =	vst v63  }
0x46: {  	_ =	swait.ge [sflag:s30], $0x2800  }
0x47: {  	[sflag:s30] =	ssyncset.done $0x0  }
0x48: {  	[sflag:s30] =	ssyncadd.s32 $0xFFFFD800  }
0x49: {  	[spmem:s19] =	stream.linear.scatter [tilespmem:s31], [sflag:$0x7], $0x2800, $0x38;
	[tilespmem:$0x1F080] =	vst v63  }
0x4a: {  	_ =	swait.ge [sflag:s30], $0x2800  }
0x4b: {  	[sflag:s30] =	ssyncset.done $0x0  }
0x4c: {  	[sflag:s30] =	ssyncadd.s32 $0xFFFFD800  }
0x4d: {  	[spmem:s20] =	stream.linear.scatter [tilespmem:s31], [sflag:$0x7], $0x2800, $0x38;
	[tilespmem:$0x1F080] =	vst v63  }
0x4e: {  	_ =	swait.ge [sflag:s30], $0x2800  }
0x4f: {  	[sflag:s30] =	ssyncset.done $0x0  }
0x50: {  	[sflag:s30] =	ssyncadd.s32 $0xFFFFD800  }
0x51: {  	[spmem:s21] =	stream.linear.scatter [tilespmem:s31], [sflag:$0x7], $0x2800, $0x38;
	[tilespmem:$0x1F080] =	vst v63  }
0x52: {  	_ =	swait.ge [sflag:s30], $0x2800  }
0x53: {  	[sflag:s30] =	ssyncset.done $0x0  }
0x54: {  	[sflag:s30] =	ssyncadd.s32 $0xFFFFD800  }
0x55: {  	[spmem:s22] =	stream.linear.scatter [tilespmem:s31], [sflag:$0x7], $0x2800, $0x38;
	[tilespmem:$0x1F080] =	vst v63  }
0x56: {  	_ =	swait.ge [sflag:s30], $0x2800  }
0x57: {  	[sflag:s30] =	ssyncset.done $0x0  }
0x58: {  	[sflag:s30] =	ssyncadd.s32 $0xFFFFD800  }
0x59: {  	[spmem:s23] =	stream.linear.scatter [tilespmem:s31], [sflag:$0x7], $0x2800, $0x38;
	[tilespmem:$0x1F080] =	vst v63  }
0x5a: {  	_ =	swait.ge [sflag:s30], $0x2800  }
0x5b: {  	[sflag:s30] =	ssyncset.done $0x0  }
0x5c: {  	s4 =	simm.s32 @!p0 $0x17880;
	[sflag:s30] =	ssyncadd.s32 $0xFFFFD800  }
0x5d: {  	[spmem:s24] =	stream.linear.scatter @!p0 [tilespmem:s4], [sflag:$0x7], $0x2800, $0x38;
	[tilespmem:$0x1F080] =	vst v63  }
0x5e: {  	s4 =	simm.s32 @!p0 $0x7  }
0x5f: {  	_ =	swait.ge @!p0 [sflag:s4], $0x2800  }
0x60: {  	[sflag:s4] =	ssyncset.done @!p0 $0x0  }
0x61: {  	[sflag:s4] =	ssyncadd.s32 @!p0 $0xFFFFD800  }
0x62: {  	s15 =	simm.s32 $0x0;
	[bflag:$0x0] =	sbarrier.arrive $0xFFFF  }
0x63: {  	[tilespmem:s31], [sflag:$0x1] =	stream.linear.gather [hbm4b:s26+s15], $0x2800, $0x38;
	[tilespmem:$0x1F080] =	vst v63  }
0x64: {  	s13 =	rddreg [dreg:$0xc]  }
0x65: {  	[tilespmem:s1], [sflag:$0x2] =	stream.linear.gather [hbm4b:s13+s15], $0x2800, $0x38;
	[tilespmem:$0x1F080] =	vst v63  }
0x66: {  	s16 =	rddreg [dreg:$0xd]  }
0x67: {  	[tilespmem:s0], [sflag:$0x3] =	stream.linear.gather [hbm4b:s16+s15], $0x2800, $0x38;
	[tilespmem:$0x1F080] =	vst v63  }
0x68: {  	_ =	swait.ge [sflag:s29], $0x2800  }
0x69: {  	[sflag:s29] =	ssyncset.done $0x0  }
0x6a: {  	s25 =	simm.s32 $0x13880;
	[sflag:s29] =	ssyncadd.s32 $0xFFFFD800  }
0x6b: {  	[spmem:s2] =	stream.indirect.scatter.add.f32 [tilespmem:s31], [sflag:$0x4], $0x80, s25, s5, $0xb8;
	[tilespmem:$0x1F080] =	vst v63  }
0x6c: {  	_ =	swait.ge [sflag:s6], $0x2800  }
0x6d: {  	[sflag:s6] =	ssyncset.done $0x0  }
0x6e: {  	s13 =	sadd.s32 $0xFFFFF600, s14;
	[sflag:s6] =	ssyncadd.s32 $0xFFFFD800  }
0x6f: {  	[tilespmem:s31], [sflag:$0x1] =	stream.linear.gather [hbm4b:s13+s3], $0x2800, $0x38;
	[tilespmem:$0x1F080] =	vst v63  }
0x70: {  	_ =	swait.ge [sflag:s7], $0x2800  }
0x71: {  	[sflag:s7] =	ssyncset.done $0x0  }
0x72: {  	s15 =	simm.s32 $0x13900;
	[sflag:s7] =	ssyncadd.s32 $0xFFFFD800  }
0x73: {  	[spmem:s2] =	stream.indirect.scatter.add.f32 [tilespmem:s1], [sflag:$0x5], $0x80, s15, s5, $0xb8;
	[tilespmem:$0x1F080] =	vst v63  }
0x74: {  	_ =	swait.ge [sflag:s8], $0x2800  }
0x75: {  	[sflag:s8] =	ssyncset.done $0x0  }
0x76: {  	s16 =	sadd.s32 $0xFFFFFB00, s14;
	[sflag:s8] =	ssyncadd.s32 $0xFFFFD800  }
0x77: {  	[tilespmem:s1], [sflag:$0x2] =	stream.linear.gather [hbm4b:s16+s3], $0x2800, $0x38;
	[tilespmem:$0x1F080] =	vst v63  }
0x78: {  	_ =	swait.ge [sflag:s9], $0x2800  }
0x79: {  	[sflag:s9] =	ssyncset.done $0x0  }
0x7a: {  	s25 =	simm.s32 $0x13980;
	[sflag:s9] =	ssyncadd.s32 $0xFFFFD800  }
0x7b: {  	[spmem:s2] =	stream.indirect.scatter.add.f32 [tilespmem:s0], [sflag:$0x6], $0x80, s25, s5, $0xb8;
	[tilespmem:$0x1F080] =	vst v63  }
0x7c: {  	_ =	swait.ge [sflag:s10], $0x2800  }
0x7d: {  	s4 =	simm.s32 $0x600;
	[sflag:s10] =	ssyncset.done $0x0  }
0x7e: {  	s13 =	sadd.s32 $0xF00, s14;
	s25 =	smov.u32 s14;
	[sflag:s10] =	ssyncadd.s32 $0xFFFFD800  }
.LBB2_4:
0x7f: {  	[tilespmem:s0], [sflag:$0x3] =	stream.linear.gather [hbm4b:s25+s3], $0x2800, $0x38;
	[tilespmem:$0x1F080] =	vst v63  }
0x80: {  	s25 =	smov.u32 s4;
	s4 =	sadd.s32 $0x600, s4;
	_ =	swait.ge [sflag:s29], $0x2800  }
0x81: {  	s15 =	sshra.s32 s25, $0x2;
	p1 =	sne.s32 s4, $0xF000;
	[sflag:s29] =	ssyncset.done $0x0  }
0x82: {  	s25 =	smov.u32 s13;
	s16 =	sadd.s32 $0x13880, s15;
	[sflag:s29] =	ssyncadd.s32 $0xFFFFD800  }
0x83: {  	[spmem:s2] =	stream.indirect.scatter.add.f32 [tilespmem:s31], [sflag:$0x4], $0x80, s16, s5, $0xb8;
	[tilespmem:$0x1F080] =	vst v63  }
0x84: {  	_ =	swait.ge [sflag:s6], $0x2800  }
0x85: {  	[sflag:s6] =	ssyncset.done $0x0  }
0x86: {  	s16 =	sadd.s32 $0xFFFFF600, s13;
	[sflag:s6] =	ssyncadd.s32 $0xFFFFD800  }
0x87: {  	[tilespmem:s31], [sflag:$0x1] =	stream.linear.gather [hbm4b:s16+s3], $0x2800, $0x38;
	[tilespmem:$0x1F080] =	vst v63  }
0x88: {  	_ =	swait.ge [sflag:s7], $0x2800  }
0x89: {  	[sflag:s7] =	ssyncset.done $0x0  }
0x8a: {  	s16 =	sadd.s32 $0x13900, s15;
	[sflag:s7] =	ssyncadd.s32 $0xFFFFD800  }
0x8b: {  	[spmem:s2] =	stream.indirect.scatter.add.f32 [tilespmem:s1], [sflag:$0x5], $0x80, s16, s5, $0xb8;
	[tilespmem:$0x1F080] =	vst v63  }
0x8c: {  	_ =	swait.ge [sflag:s8], $0x2800  }
0x8d: {  	[sflag:s8] =	ssyncset.done $0x0  }
0x8e: {  	s16 =	sadd.s32 $0xFFFFFB00, s13;
	[sflag:s8] =	ssyncadd.s32 $0xFFFFD800  }
0x8f: {  	[tilespmem:s1], [sflag:$0x2] =	stream.linear.gather [hbm4b:s16+s3], $0x2800, $0x38;
	[tilespmem:$0x1F080] =	vst v63  }
0x90: {  	_ =	swait.ge [sflag:s9], $0x2800  }
0x91: {  	[sflag:s9] =	ssyncset.done $0x0  }
.Ltmp1:
0x92: {  	s15 =	sadd.s32 $0x13980, s15;
	[sflag:s9] =	ssyncadd.s32 $0xFFFFD800;
	(pc) =	sbr.rel @p1 .LBB2_4-.Ltmp1, $4  }
0x93: {  	[spmem:s2] =	stream.indirect.scatter.add.f32 [tilespmem:s0], [sflag:$0x6], $0x80, s15, s5, $0xb8;
	[tilespmem:$0x1F080] =	vst v63  }
0x94: {  	_ =	swait.ge [sflag:s10], $0x2800  }
0x95: {  	[sflag:s10] =	ssyncset.done $0x0  }
0x96: {  	s13 =	sadd.s32 $0xF00, s13;
	[sflag:s10] =	ssyncadd.s32 $0xFFFFD800  }
0x97: {  	[tilespmem:s0], [sflag:$0x3] =	stream.linear.gather [hbm4b:s25+s3], $0x2800, $0x38;
	[tilespmem:$0x1F080] =	vst v63  }
0x98: {  	_ =	swait.ge [sflag:s29], $0x2800  }
0x99: {  	s4 =	sshra.s32 s4, $0x2;
	[sflag:s29] =	ssyncset.done $0x0  }
0x9a: {  	s13 =	sadd.s32 $0x13880, s4;
	[sflag:s29] =	ssyncadd.s32 $0xFFFFD800  }
0x9b: {  	[spmem:s2] =	stream.indirect.scatter.add.f32 [tilespmem:s31], [sflag:$0x4], $0x80, s13, s5, $0xb8;
	[tilespmem:$0x1F080] =	vst v63  }
0x9c: {  	_ =	swait.ge [sflag:s6], $0x2800  }
0x9d: {  	[sflag:s6] =	ssyncset.done $0x0  }
0x9e: {  	s25 =	rddreg [dreg:$0xf];
	[sflag:s6] =	ssyncadd.s32 $0xFFFFD800  }
0x9f: {  	[tilespmem:s31], [sflag:$0x1] =	stream.linear.gather [hbm4b:s25+s3], $0x2800, $0x38;
	[tilespmem:$0x1F080] =	vst v63  }
0xa0: {  	_ =	swait.ge [sflag:s7], $0x2800  }
0xa1: {  	[sflag:s7] =	ssyncset.done $0x0  }
0xa2: {  	s15 =	sadd.s32 $0x13900, s4;
	[sflag:s7] =	ssyncadd.s32 $0xFFFFD800  }
0xa3: {  	[spmem:s2] =	stream.indirect.scatter.add.f32 [tilespmem:s1], [sflag:$0x5], $0x80, s15, s5, $0xb8;
	[tilespmem:$0x1F080] =	vst v63  }
0xa4: {  	_ =	swait.ge [sflag:s8], $0x2800  }
0xa5: {  	[sflag:s8] =	ssyncset.done $0x0  }
0xa6: {  	[sflag:s8] =	ssyncadd.s32 $0xFFFFD800  }
0xa7: {  	[tilespmem:s1], [sflag:$0x2] =	stream.linear.gather [hbm4b:s28+s3], $0x2800, $0x38;
	[tilespmem:$0x1F080] =	vst v63  }
0xa8: {  	_ =	swait.ge [sflag:s9], $0x2800  }
0xa9: {  	[sflag:s9] =	ssyncset.done $0x0  }
0xaa: {  	s4 =	sadd.s32 $0x13980, s4;
	[sflag:s9] =	ssyncadd.s32 $0xFFFFD800  }
0xab: {  	[spmem:s2] =	stream.indirect.scatter.add.f32 [tilespmem:s0], [sflag:$0x6], $0x80, s4, s5, $0xb8;
	[tilespmem:$0x1F080] =	vst v63  }
0xac: {  	_ =	swait.ge [sflag:s29], $0x2800  }
0xad: {  	[sflag:s29] =	ssyncset.done $0x0  }
0xae: {  	s16 =	simm.s32 $0x17600;
	[sflag:s29] =	ssyncadd.s32 $0xFFFFD800  }
0xaf: {  	[spmem:s2] =	stream.indirect.scatter.add.f32 [tilespmem:s31], [sflag:$0x4], $0x80, s16, s5, $0xb8;
	[tilespmem:$0x1F080] =	vst v63  }
0xb0: {  	_ =	swait.ge [sflag:s7], $0x2800  }
0xb1: {  	[sflag:s7] =	ssyncset.done $0x0  }
0xb2: {  	s25 =	simm.s32 $0x17680;
	[sflag:s7] =	ssyncadd.s32 $0xFFFFD800  }
0xb3: {  	[spmem:s2] =	stream.indirect.scatter.add.f32 [tilespmem:s1], [sflag:$0x5], $0x80, s25, s5, $0xb8;
	[tilespmem:$0x1F080] =	vst v63  }
0xb4: {  	_ =	swait.ge [sflag:s6], $0x2800  }
0xb5: {  	[sflag:s6] =	ssyncset.done $0x0  }
0xb6: {  	[sflag:s6] =	ssyncadd.s32 $0xFFFFD800  }
0xb7: {  	_ =	swait.ge [sflag:s8], $0x2800  }
0xb8: {  	[sflag:s8] =	ssyncset.done $0x0  }
0xb9: {  	[sflag:s8] =	ssyncadd.s32 $0xFFFFD800  }
0xba: {  	_ =	swait.ge [sflag:s10], $0x2800  }
0xbb: {  	[sflag:s10] =	ssyncset.done $0x0  }
0xbc: {  	[sflag:s10] =	ssyncadd.s32 $0xFFFFD800  }
0xbd: {  	[bflag:$0x0] =	sbarrier.arrive $0xFFFF  }
0xbe: {  	[tilespmem:s31], [sflag:$0x8] =	stream.linear.gather [spmem:s17], $0x2800, $0x38;
	[tilespmem:$0x1F080] =	vst v63  }
0xbf: {  	_ =	swait.ge [sflag:s11], $0x2800  }
0xc0: {  	[sflag:s11] =	ssyncset.done $0x0  }
0xc1: {  	s13 =	rddreg [dreg:$0x3];
	[sflag:s11] =	ssyncadd.s32 $0xFFFFD800  }
0xc2: {  	[hbm4b:s13+s3] =	stream.linear.scatter [tilespmem:s31], [sflag:$0x7], $0x2800, $0x38;
	[tilespmem:$0x1F080] =	vst v63  }
0xc3: {  	_ =	swait.ge [sflag:s30], $0x2800  }
0xc4: {  	[sflag:s30] =	ssyncset.done $0x0  }
0xc5: {  	[sflag:s30] =	ssyncadd.s32 $0xFFFFD800  }
0xc6: {  	[tilespmem:s31], [sflag:$0x8] =	stream.linear.gather [spmem:s18], $0x2800, $0x38;
	[tilespmem:$0x1F080] =	vst v63  }
0xc7: {  	_ =	swait.ge [sflag:s11], $0x2800  }
0xc8: {  	[sflag:s11] =	ssyncset.done $0x0  }
0xc9: {  	s15 =	rddreg [dreg:$0x4];
	[sflag:s11] =	ssyncadd.s32 $0xFFFFD800  }
0xca: {  	[hbm4b:s15+s3] =	stream.linear.scatter [tilespmem:s31], [sflag:$0x7], $0x2800, $0x38;
	[tilespmem:$0x1F080] =	vst v63  }
0xcb: {  	_ =	swait.ge [sflag:s30], $0x2800  }
0xcc: {  	[sflag:s30] =	ssyncset.done $0x0  }
0xcd: {  	[sflag:s30] =	ssyncadd.s32 $0xFFFFD800  }
0xce: {  	[tilespmem:s31], [sflag:$0x8] =	stream.linear.gather [spmem:s19], $0x2800, $0x38;
	[tilespmem:$0x1F080] =	vst v63  }
0xcf: {  	_ =	swait.ge [sflag:s11], $0x2800  }
0xd0: {  	[sflag:s11] =	ssyncset.done $0x0  }
0xd1: {  	s16 =	rddreg [dreg:$0x5];
	[sflag:s11] =	ssyncadd.s32 $0xFFFFD800  }
0xd2: {  	[hbm4b:s16+s3] =	stream.linear.scatter [tilespmem:s31], [sflag:$0x7], $0x2800, $0x38;
	[tilespmem:$0x1F080] =	vst v63  }
0xd3: {  	_ =	swait.ge [sflag:s30], $0x2800  }
0xd4: {  	[sflag:s30] =	ssyncset.done $0x0  }
0xd5: {  	[sflag:s30] =	ssyncadd.s32 $0xFFFFD800  }
0xd6: {  	[tilespmem:s31], [sflag:$0x8] =	stream.linear.gather [spmem:s20], $0x2800, $0x38;
	[tilespmem:$0x1F080] =	vst v63  }
0xd7: {  	_ =	swait.ge [sflag:s11], $0x2800  }
0xd8: {  	[sflag:s11] =	ssyncset.done $0x0  }
0xd9: {  	s25 =	rddreg [dreg:$0x6];
	[sflag:s11] =	ssyncadd.s32 $0xFFFFD800  }
0xda: {  	[hbm4b:s25+s3] =	stream.linear.scatter [tilespmem:s31], [sflag:$0x7], $0x2800, $0x38;
	[tilespmem:$0x1F080] =	vst v63  }
0xdb: {  	_ =	swait.ge [sflag:s30], $0x2800  }
0xdc: {  	[sflag:s30] =	ssyncset.done $0x0  }
0xdd: {  	[sflag:s30] =	ssyncadd.s32 $0xFFFFD800  }
0xde: {  	[tilespmem:s31], [sflag:$0x8] =	stream.linear.gather [spmem:s21], $0x2800, $0x38;
	[tilespmem:$0x1F080] =	vst v63  }
0xdf: {  	_ =	swait.ge [sflag:s11], $0x2800  }
0xe0: {  	[sflag:s11] =	ssyncset.done $0x0  }
0xe1: {  	s13 =	rddreg [dreg:$0x7];
	[sflag:s11] =	ssyncadd.s32 $0xFFFFD800  }
0xe2: {  	[hbm4b:s13+s3] =	stream.linear.scatter [tilespmem:s31], [sflag:$0x7], $0x2800, $0x38;
	[tilespmem:$0x1F080] =	vst v63  }
0xe3: {  	_ =	swait.ge [sflag:s30], $0x2800  }
0xe4: {  	[sflag:s30] =	ssyncset.done $0x0  }
0xe5: {  	[sflag:s30] =	ssyncadd.s32 $0xFFFFD800  }
0xe6: {  	[tilespmem:s31], [sflag:$0x8] =	stream.linear.gather [spmem:s22], $0x2800, $0x38;
	[tilespmem:$0x1F080] =	vst v63  }
0xe7: {  	_ =	swait.ge [sflag:s11], $0x2800  }
0xe8: {  	[sflag:s11] =	ssyncset.done $0x0  }
0xe9: {  	s15 =	rddreg [dreg:$0x8];
	[sflag:s11] =	ssyncadd.s32 $0xFFFFD800  }
0xea: {  	[hbm4b:s15+s3] =	stream.linear.scatter [tilespmem:s31], [sflag:$0x7], $0x2800, $0x38;
	[tilespmem:$0x1F080] =	vst v63  }
0xeb: {  	_ =	swait.ge [sflag:s30], $0x2800  }
0xec: {  	[sflag:s30] =	ssyncset.done $0x0  }
0xed: {  	[sflag:s30] =	ssyncadd.s32 $0xFFFFD800  }
0xee: {  	[tilespmem:s31], [sflag:$0x8] =	stream.linear.gather [spmem:s23], $0x2800, $0x38;
	[tilespmem:$0x1F080] =	vst v63  }
0xef: {  	_ =	swait.ge [sflag:s11], $0x2800  }
0xf0: {  	[sflag:s11] =	ssyncset.done $0x0  }
0xf1: {  	s16 =	rddreg [dreg:$0x9];
	[sflag:s11] =	ssyncadd.s32 $0xFFFFD800  }
0xf2: {  	[hbm4b:s16+s3] =	stream.linear.scatter [tilespmem:s31], [sflag:$0x7], $0x2800, $0x38;
	[tilespmem:$0x1F080] =	vst v63  }
0xf3: {  	_ =	swait.ge [sflag:s30], $0x2800  }
0xf4: {  	[sflag:s30] =	ssyncset.done $0x0  }
0xf5: {  	s4 =	simm.s32 @!p0 $0x17880;
	s13 =	simm.s32 @!p0 $0x8;
	[sflag:s30] =	ssyncadd.s32 $0xFFFFD800  }
0xf6: {  	[tilespmem:s4], [sflag:$0x8] =	stream.linear.gather @!p0 [spmem:s24], $0x2800, $0x38;
	[tilespmem:$0x1F080] =	vst v63  }
0xf7: {  	_ =	swait.ge @!p0 [sflag:s13], $0x2800  }
0xf8: {  	[sflag:s13] =	ssyncset.done @!p0 $0x0  }
0xf9: {  	s15 =	rddreg [dreg:$0xa];
	[sflag:s13] =	ssyncadd.s32 @!p0 $0xFFFFD800;
	s13 =	simm.s32 @!p0 $0x0  }
0xfa: {  	[hbm4b:s15+s13] =	stream.linear.scatter @!p0 [tilespmem:s4], [sflag:$0x7], $0x2800, $0x38;
	[tilespmem:$0x1F080] =	vst v63  }
0xfb: {  	s4 =	simm.s32 @!p0 $0x7  }
0xfc: {  	_ =	swait.ge @!p0 [sflag:s4], $0x2800  }
0xfd: {  	s12 =	sadd.s32 $0x1, s12;
	s25 =	rddreg [dreg:$0xe]  }
0xfe: {  	p1 =	sne.s32 s12, s25  }
.Ltmp2:
0xff: {  	_ = 	snop;
	(pc) =	sbr.rel @p1 .LBB2_1-.Ltmp2, $3  }
0x100: {  	_ =	sdelay $0x1  }
0x101: {  	[sflag:s4] =	ssyncset.done @!p0 $0x0  }
0x102: {  	[sflag:s4] =	ssyncadd.s32 @!p0 $0xFFFFD800  }
0x103: {  	_ =	sfence.sel $0x180000  }
0x104: {  	[bflag:$0x0] =	sbarrier.arrive $0xFFFF  }
0x105: {  	_ =	strace $0x9000004A  }
0x106: {  	s0 =	stileid.u32;
	[bflag:$0x2] =	sbarrier.arrive $0xFFFF  }
0x107: {  	p0 =	sne.s32 s0, $0x0;
	s0 =	rddreg [dreg:$0x2]  }
0x108: {  	s0 =	sadd.s32 @!p0 $0x100000, s0  }
0x109: {  	[sflag:s0] =	ssyncadd.tile.s32 @!p0 $0x1;
	_ =	shalt  }
.Lfunc_end2:
_tile_overlayer_lowered:
.L_overlay_start_2:
0x10a: {  	(tag) =	ssettag $0x2  }
0x10b: {  	s0 =	rddreg [dreg:$0x0];
	s2 =	stileid.u32  }
0x10c: {  	s1 =	rddreg [dreg:$0x1];
	p0 =	sne.s32 s2, $0x0  }
0x10d: {  	s3 =	rddreg [dreg:$0x2];
	[bflag:$0x3] =	sbarrier.arrive $0xFFFF;
	s2 =	simm.s32 @!p0 $0x1C07  }
0x10e: {  	[timem:s3], [sflag:s2] =	dma.local @!p0 [hbm:s0], s1  }
0x10f: {  	s0 =	simm.s32 @!p0 $0x7  }
0x110: {  	_ =	swait.ge @!p0 [sflag:s0], s1  }
0x111: {  	s1 =	ssub.s32 @!p0 $0x0, s1;
	[sflag:s0] =	ssyncset.done @!p0 $0x0  }
0x112: {  	[sflag:s0] =	ssyncadd.s32 @!p0 s1  }
0x113: {  	[bflag:$0x3] =	sbarrier.arrive $0xFFFF  }
0x114: {  	_ =	shalt  }

// kernel: kernel.23.cloned.1.call-start
scs
__scs_entry_jumppad:
0x0: {  	(pc) =	sbr.rel $0x88, $3  }
0x1: {  	(tag) =	ssettag $0x0;
	lr =	simm.s32 $0x1  }
0x2: {  	[smem:$0x3F97] =	sst lr;
	_ =	strace $0xD0000000  }
0x3: {  	_ = 	snop  }
0x4: {  	_ = 	snop  }
0x5: {  	_ = 	snop  }
0x6: {  	_ = 	snop  }
0x7: {  	_ = 	snop  }
__scs_overlays_trampoline_lowered:
0x8: {  	[smem:$0x3FA6] =	sst s0  }
0x9: {  	[smem:$0x3FA7] =	sst s1  }
0xa: {  	[smem:$0x3FA8] =	sst s2  }
0xb: {  	[smem:$0x3FA9] =	sst s3  }
0xc: {  	[smem:$0x3FAA] =	sst s4  }
0xd: {  	[smem:$0x3FAB] =	sst s5  }
0xe: {  	[smem:$0x3FAC] =	sst s6  }
0xf: {  	[smem:$0x3FAD] =	sst s7  }
0x10: {  	[smem:$0x3FAE] =	sst s8  }
0x11: {  	[smem:$0x3FAF] =	sst s9;
	s0 =	simm.s32 @!p0 $0x0  }
0x12: {  	s1 =	sld [smem:$0x3F95];
	s0 =	simm.s32 @p0 $0x1  }
0x13: {  	[smem:$0x3FB0] =	sst s0;
	s0 =	simm.s32 @!p1 $0x0  }
0x14: {  	s2 =	sld [smem:$0x3F94];
	s0 =	simm.s32 @p1 $0x1  }
0x15: {  	[smem:$0x3FB1] =	sst s0;
	s0 =	simm.s32 @!p2 $0x0  }
0x16: {  	s3 =	sld [smem:$0x3FDB];
	s0 =	simm.s32 @p2 $0x1  }
0x17: {  	s4 =	simm.s32 $0x1BF5;
	[smem:$0x3FB3] =	sst s0  }
0x18: {  	s0 =	sld [smem:$0x3F96];
	_ =	swait.ge [sflag:s4], $0x0  }
0x19: {  	s7 =	sld [smem:$0x3F97]  }
0x1a: {  	s8 =	sadd.s32 $0xFFFFE003, lr  }
0x1b: {  	s9 =	sadd.s32 $0xFFFFFEF7, lr;
	s5 =	simm.s32 $0xFFFFFFFF;
	p2 =	slt.u32 s8, $0xFFFFF086  }
0x1c: {  	p1 =	slt.u32 s9, $0xF7A;
	s5 =	simm.s32 @!p2 $0x0  }
0x1d: {  	s5 =	simm.s32 @p1 $0x1;
	p0 =	seq.s32 s7, s2  }
0x1e: {  	s7 =	smul.u32 @!p0 $0xF7A, s2;
	p2 =	seq.s32 @!p0 s5, $0x0  }
0x1f: {  	s9 =	smul.u32 $0xF7A, s1;
	s8 =	simm.s32 @!p0 $0x1BF5;
	p2 =	por !p2, p0  }
0x20: {  	[sflag:s8] =	ssyncset.s32 @!p0 $0xFFFFF086;
	s6 =	sadd.s32 @!p0 s3, s7;
	s7 =	simm.s32 @!p0 $0x108  }
0x21: {  	s3 =	sadd.s32 s3, s9;
	s6 =	sadd.s32 @!p0 $0x88, s6;
	s7 =	simm.s32 @p2 $0x1082  }
0x22: {  	[simem:s7], [sflag:s8] =	dma.local @!p0 [hbm:s6], $0xF7A  }
0x23: {  	s9 =	sor.u32 $0xD0000000, s2;
	s6 =	simm.s32 $0x108;
	_ =	swait.ge @!p0 [sflag:s8], $0x0  }
0x24: {  	s3 =	sadd.s32 $0x88, s3;
	s6 =	simm.s32 @!p1 $0x1082;
	[sflag:s4] =	ssyncset.s32 $0xFFFFF086  }
0x25: {  	[simem:s6], [sflag:s4] =	dma.local [hbm:s3], $0xF7A  }
0x26: {  	[smem:$0x3F97] =	sst s1;
	(tag) =	ssettag s2;
	_ =	strace s9  }
0x27: {  	s1 =	sld [smem:$0x3FA7]  }
0x28: {  	s2 =	sld [smem:$0x3FA8]  }
0x29: {  	s4 =	sld [smem:$0x3FAA]  }
0x2a: {  	p0 =	seq.s32 s5, $0x0;
	s5 =	sld [smem:$0x3FAB]  }
0x2b: {  	s6 =	sld [smem:$0x3FAC]  }
0x2c: {  	s7 =	sld [smem:$0x3FAD]  }
0x2d: {  	s3 =	simm.s32 $0x108;
	s8 =	sld [smem:$0x3FAE]  }
0x2e: {  	s3 =	simm.s32 @!p0 $0x1082;
	s9 =	sld [smem:$0x3FAF]  }
0x2f: {  	lr =	sadd.s32 s0, s3;
	s0 =	sld [smem:$0x3FA6]  }
0x30: {  	s3 =	sld [smem:$0x3FA9]  }
0x31: {  	[smem:$0x3FB2] =	sst s10  }
0x32: {  	s10 =	sld [smem:$0x3FB0];
	_ =	sdelay $0x3  }
0x33: {  	p0 =	seq.s32 s10, $0x1;
	s10 =	sld [smem:$0x3FB2];
	_ =	sdelay $0x3  }
0x34: {  	[smem:$0x3FB2] =	sst s10  }
0x35: {  	s10 =	sld [smem:$0x3FB1];
	_ =	sdelay $0x3  }
0x36: {  	p1 =	seq.s32 s10, $0x1;
	s10 =	sld [smem:$0x3FB2];
	_ =	sdelay $0x3  }
0x37: {  	[smem:$0x3FB2] =	sst s10  }
0x38: {  	s10 =	sld [smem:$0x3FB3]  }
0x39: {  	_ = 	snop;
	(pc) =	sbr.ind lr, $3  }
0x3a: {  	_ = 	snop  }
0x3b: {  	_ = 	snop  }
0x3c: {  	p2 =	seq.s32 s10, $0x1;
	s10 =	sld [smem:$0x3FB2]  }
0x3d: {  	_ =	shalt  }
0x3e: {  	_ =	shalt  }
0x3f: {  	_ =	shalt  }
0x40: {  	_ =	shalt  }
0x41: {  	_ =	shalt  }
0x42: {  	_ =	shalt  }
0x43: {  	_ =	shalt  }
0x44: {  	_ =	shalt  }
0x45: {  	_ =	shalt  }
0x46: {  	_ =	shalt  }
0x47: {  	_ =	shalt  }
0x48: {  	_ =	shalt  }
0x49: {  	_ =	shalt  }
0x4a: {  	_ =	shalt  }
0x4b: {  	_ =	shalt  }
0x4c: {  	_ =	shalt  }
0x4d: {  	_ =	shalt  }
0x4e: {  	_ =	shalt  }
0x4f: {  	_ =	shalt  }
0x50: {  	_ =	shalt  }
0x51: {  	_ =	shalt  }
0x52: {  	_ =	shalt  }
0x53: {  	_ =	shalt  }
0x54: {  	_ =	shalt  }
0x55: {  	_ =	shalt  }
0x56: {  	_ =	shalt  }
0x57: {  	_ =	shalt  }
0x58: {  	_ =	shalt  }
0x59: {  	_ =	shalt  }
0x5a: {  	_ =	shalt  }
0x5b: {  	_ =	shalt  }
0x5c: {  	_ =	shalt  }
0x5d: {  	_ =	shalt  }
0x5e: {  	_ =	shalt  }
0x5f: {  	_ =	shalt  }
0x60: {  	_ =	shalt  }
0x61: {  	_ =	shalt  }
0x62: {  	_ =	shalt  }
0x63: {  	_ =	shalt  }
0x64: {  	_ =	shalt  }
0x65: {  	_ =	shalt  }
0x66: {  	_ =	shalt  }
0x67: {  	_ =	shalt  }
0x68: {  	_ =	shalt  }
0x69: {  	_ =	shalt  }
0x6a: {  	_ =	shalt  }
0x6b: {  	_ =	shalt  }
0x6c: {  	_ =	shalt  }
0x6d: {  	_ =	shalt  }
0x6e: {  	_ =	shalt  }
0x6f: {  	_ =	shalt  }
0x70: {  	_ =	shalt  }
0x71: {  	_ =	shalt  }
0x72: {  	_ =	shalt  }
0x73: {  	_ =	shalt  }
0x74: {  	_ =	shalt  }
0x75: {  	_ =	shalt  }
0x76: {  	_ =	shalt  }
0x77: {  	_ =	shalt  }
0x78: {  	_ =	shalt  }
0x79: {  	_ =	shalt  }
0x7a: {  	_ =	shalt  }
0x7b: {  	_ =	shalt  }
0x7c: {  	_ =	shalt  }
0x7d: {  	_ =	shalt  }
0x7e: {  	_ =	shalt  }
0x7f: {  	_ =	shalt  }
0x80: {  	_ =	shalt  }
0x81: {  	_ =	shalt  }
0x82: {  	_ =	shalt  }
0x83: {  	_ =	shalt  }
0x84: {  	_ =	shalt  }
0x85: {  	_ =	shalt  }
0x86: {  	_ =	shalt  }
0x87: {  	_ =	shalt  }
.Lfunc_end0:
.L_simem_size_0:
called_computation.2_lowered:
.L_overlay_start_0:
0x88: {  	s2 =	sld [smem:$0x3FD9]  }
0x89: {  	s3 =	sld [smem:$0x3FFE];
	_ =	sdelay $0x1  }
0x8a: {  	s1 =	srdreg.scid  }
0x8b: {  	s0 =	sand.u32 $0x1, s1  }
0x8c: {  	s17 =	sshll.u32 s0, $0xA;
	s2 =	sadd.s32 s3, s2  }
0x8d: {  	s2 =	sadd.s32 s2, s17  }
0x8e: {  	[smem:$0x3FBE] =	sst s2  }
0x8f: {  	_ = 	snop  }
0x90: {  	(tm) =	ssettm $0x1  }
0x91: {  	s18 =	sld [smem:$0x3FFB];
	_ =	sdelay $0x3  }
0x92: {  	_ =	strace s18  }
0x93: {  	s2 =	sld [smem:$0x3FFC];
	_ =	sdelay $0x3  }
0x94: {  	_ =	strace s2  }
0x95: {  	s2 =	sld [smem:$0x3FFD];
	_ =	sdelay $0x3  }
0x96: {  	_ =	strace s2  }
0x97: {  	_ =	strace $0x8FFFFFFF  }
0x98: {  	s19 =	sld [smem:$0x3FDB];
	_ =	sdelay $0x1  }
0x99: {  	s20 =	simm.s32 $_scs_section_size  }
0x9a: {  	s4 =	simm.s32 $_size__tile_overlayer_lowered;
	s5 =	simm.s32 $_tile_overlayer_lowered  }
0x9b: {  	s6 =	simm.s32 $0x1BFF;
	s21 =	sshll.u32 s5, $0x1;
	s3 =	sadd.s32 s20, s19  }
0x9c: {  	s22 =	simm.s32 $0x0;
	s4 =	sshll.u32 s4, $0x1;
	s5 =	sadd.s32 s21, s3  }
0x9d: {  	[timem:s22], [sflag:s6] =	dma.local [hbm:s5], s4  }
0x9e: {  	_ =	swait.ge [sflag:s6], s4  }
0x9f: {  	s4 =	ssub.s32 $0x0, s4;
	[sflag:s6] =	ssyncset.done $0x0  }
0xa0: {  	[sflag:s6] =	ssyncadd.s32 s4;
	_ =	sdelay $0x1  }
0xa1: {  	s23 =	simm.s32 $0x1B8B  }
0xa2: {  	_ =	swait.ge [sflag:s23], $0x1  }
0xa3: {  	[sflag:s23] =	ssyncset.done $0x0  }
0xa4: {  	[sflag:s23] =	ssyncadd.s32 $0xFFFFFFFF  }
0xa5: {  	s4 =	sld [smem:$0x0]  }
0xa6: {  	s5 =	sand.u32 $0xFFFFFFFE, s1  }
0xa7: {  	p0 =	sne.s32 s1, s5  }
0xa8: {  	s5 =	sshll.u32 @p0 s5, $0xE  }
0xa9: {  	s5 =	sadd.s32 @p0 $0x11B8D, s5;
	s6 =	sshll.u32 @p0 s4, $0x11  }
0xaa: {  	s5 =	sor.u32 @p0 s6, s5  }
0xab: {  	[sflag:s5] =	ssyncadd.remote.s32 @p0 $0x1;
	_ =	sdelay $0x1  }
0xac: {  	s5 =	simm.s32 @p0 $0x1B8D  }
0xad: {  	_ =	swait.eq @p0 [sflag:s5], $0x1  }
0xae: {  	[sflag:s5] =	ssyncadd.s32 @p0 $0xFFFFFFFF  }
0xaf: {  	s6 =	sshll.u32 @!p0 s1, $0xE  }
0xb0: {  	s6 =	sor.u32 @!p0 $0x4000, s6;
	s5 =	simm.s32 @!p0 $0x1B8D  }
0xb1: {  	s4 =	sshll.u32 @!p0 s4, $0x11;
	s6 =	sadd.s32 @!p0 $0x11B8D, s6;
	_ =	swait.eq @!p0 [sflag:s5], $0x1  }
0xb2: {  	s4 =	sor.u32 @!p0 s4, s6;
	[sflag:s5] =	ssyncadd.s32 @!p0 $0xFFFFFFFF  }
0xb3: {  	s25 =	simm.s32 $0x1B8E;
	s24 =	sld [smem:$0x3FFE];
	[sflag:s4] =	ssyncadd.remote.s32 @!p0 $0x1  }
0xb4: {  	s26 =	simm.s32 $execute0_lowered;
	[smem:$0x3FD2] =	sst s25  }
0xb5: {  	s5 =	sshll.u32 s26, $0x1;
	_ =	strace $0x8000004F;
	[dreg:$0x1] =	wrdreg $0xFFFFFFFF  }
0xb6: {  	s28 =	simm.s32 $_size_execute0_lowered;
	s3 =	sadd.s32 s3, s5;
	[dreg:$0x0] =	wrdreg $0x0  }
0xb7: {  	s5 =	sshll.u32 s28, $0x1;
	[dreg:$0x2] =	wrdreg s3  }
0xb8: {  	[dreg:$0x3] =	wrdreg s5  }
0xb9: {  	[dreg:$0x4] =	wrdreg $0xC0  }
0xba: {  	_ =	task [dreg:s22], $0x5FFFF  }
0xbb: {  	[dreg:$0x1] =	wrdreg $0xFFFFFFFF  }
0xbc: {  	[dreg:$0x0] =	wrdreg $0x60  }
0xbd: {  	[dreg:$0x2] =	wrdreg s24  }
0xbe: {  	[dreg:$0x3] =	wrdreg $0xA  }
0xbf: {  	_ =	task.clear_ibuf [dreg:s22], $0x4FFFF;
	_ =	strace $0x9000004F  }
0xc0: {  	s29 =	simm.s32 $0xA;
	_ =	strace $0x80000051  }
0xc1: {  	_ =	swait.ge [sflag:s29], $0x1  }
0xc2: {  	[sflag:s29] =	ssyncadd.s32 $0xFFFFFFFF  }
0xc3: {  	_ =	strace $0x90000051  }
0xc4: {  	_ =	sfence  }
0xc5: {  	s30 =	sld [smem:$0x0];
	_ =	sdelay $0x2  }
0xc6: {  	s31 =	sshll.u32 s1, $0xD;
	s1 =	sshrl.u32 s1, $0x2  }
0xc7: {  	s4 =	sand.u32 $0x4000, s31;
	s1 =	sadd.s32 s1, s30  }
0xc8: {  	s0 =	sor.u32 s4, s0;
	s1 =	sshll.u32 s1, $0x11  }
0xc9: {  	s0 =	sor.u32 s1, s0  }
0xca: {  	s0 =	sadd.s32 $0x8F2B, s0  }
0xcb: {  	[sflag:s0] =	ssyncadd.remote.s32 $0x1  }
0xcc: {  	_ =	sfence.sel $0xFFFF  }
0xcd: {  	[dreg:$0x0] =	wrdreg $0xFFFFFFFF;
	(pc) =	sbr.abs _section_cstart, $3  }
0xce: {  	[dreg:$0x1] =	wrdreg $0xFFFFFFFF  }
0xcf: {  	_ =	task.clear_ibuf [dreg:s22], $0x2FFFF;
	_ =	strace $0x9FFFFFFF  }
0xd0: {  	(tm) =	ssettm $0x7FFFFFFF  }
0xd1: {  	_ =	shalt  }
tec
execute0_lowered:
.L_overlay_start_1:
0x0: {  	(tag) =	ssettag $0x1  }
0x1: {  	s4 =	rddreg [dreg:$0x0]  }
0x2: {  	s0 =	rddreg [dreg:$0x1];
	s1 =	simm.s32 $0x0;
	s5 =	srdreg.scid  }
0x3: {  	s2 =	stileid.u32;
	s9 =	simm.s32 $0x4000;
	s10 =	simm.s32 $0x80  }
0x4: {  	s11 =	simm.s32 $0x6800;
	s12 =	simm.s32 $0x100;
	s13 =	simm.s32 $0x9000  }
0x5: {  	s14 =	simm.s32 $0x180;
	s15 =	simm.s32 $0xB800;
	s16 =	simm.s32 $0x1  }
0x6: {  	s17 =	simm.s32 $0x5;
	s18 =	simm.s32 $0x6;
	s19 =	simm.s32 $0x7  }
0x7: {  	s20 =	simm.s32 $0x8;
	s21 =	simm.s32 $0x4;
	s22 =	simm.s32 $0x0  }
0x8: {  	[smem:$0x7FF] =	sst s1;
	s5 =	sand.u32 $0x1, s5;
	s29 =	smul.u32 $0x27100, s2  }
0x9: {  	s3 =	sadd.s32 $0x1DC00, s4;
	s6 =	sshll.u32 s2, $0xB;
	s8 =	smul.u32 $0x271000, s5  }
.Ltmp0:
0xa: {  	s7 =	sshll.u32 s5, $0xF;
	s5 =	ssub.s32 $0x2, s5;
	(pc) =	sbr.rel .LBB2_1-.Ltmp0, $4  }
0xb: {  	_ =	strace $0x80000050;
	s6 =	sor.u32 s6, s7;
	s30 =	sshrl.u32 s5, $0x1  }
0xc: {  	s7 =	simm.s32 $0x9;
	s6 =	sadd.s32 s6, s4;
	s8 =	sadd.s32 s8, s4  }
0xd: {  	s5 =	ssub.s32 s5, s30;
	s4 =	sadd.s32 $0xDC00, s6;
	s31 =	sadd.s32 s29, s8  }
0xe: {  	s5 =	smax.u32 s5, $0x1;
	s8 =	simm.s32 $0x50;
	s6 =	sadd.s32 $0x116BE00, s31  }
.LBB2_7:
0xf: {  	_ =	swait.ge [sflag:s17], $0x2800  }
0x10: {  	[sflag:s17] =	ssyncset.done $0x0  }
0x11: {  	[sflag:s17] =	ssyncadd.s32 $0xFFFFD800  }
0x12: {  	_ =	swait.ge [sflag:s18], $0x2800  }
0x13: {  	[sflag:s18] =	ssyncset.done $0x0  }
0x14: {  	s22 =	sadd.s32 $0x1, s22;
	[sflag:s18] =	ssyncadd.s32 $0xFFFFD800  }
0x15: {  	p0 =	sne.s32 s22, s5;
	_ =	swait.ge [sflag:s19], $0x2800  }
.Ltmp1:
0x16: {  	[sflag:s19] =	ssyncset.done $0x0;
	(pc) =	sbr.rel @!p0 .LBB2_8-.Ltmp1, $4  }
0x17: {  	[sflag:s19] =	ssyncadd.s32 $0xFFFFD800  }
0x18: {  	_ =	swait.ge [sflag:s20], $0x2800  }
0x19: {  	[sflag:s20] =	ssyncset.done $0x0  }
0x1a: {  	[sflag:s20] =	ssyncadd.s32 $0xFFFFD800  }
.LBB2_1:
0x1b: {  	[tilespmem:s1], [sflag:$0x9] =	stream.linear.gather [hbm4b:s4+s1], $0x3E80, $0x38;
	[tilespmem:$0xE000] =	vst v63  }
0x1c: {  	_ =	swait.ge [sflag:s7], $0x3E80  }
0x1d: {  	[sflag:s7] =	ssyncset.done $0x0  }
0x1e: {  	[sflag:s7] =	ssyncadd.s32 $0xFFFFC180  }
0x1f: {  	[tilespmem:s9], [sflag:$0x1] =	stream.indirect.gather [hbm4b:s3+s8], $0x80, s1, s8, $0xb8;
	[tilespmem:$0xE000] =	vst v63  }
0x20: {  	_ = 	snop  }
0x21: {  	[tilespmem:s11], [sflag:$0x2] =	stream.indirect.gather [hbm4b:s3+s8], $0x80, s10, s8, $0xb8;
	[tilespmem:$0xE000] =	vst v63  }
.Ltmp2:
0x22: {  	_ = 	snop;
	(pc) =	sbr.rel .LBB2_2-.Ltmp2, $4  }
0x23: {  	s23 =	simm.s32 $0x3  }
0x24: {  	[tilespmem:s13], [sflag:$0x3] =	stream.indirect.gather [hbm4b:s3+s8], $0x80, s12, s8, $0xb8;
	[tilespmem:$0xE000] =	vst v63  }
0x25: {  	s24 =	smov.u32 s6;
	s25 =	simm.s32 $0x0;
	s26 =	simm.s32 $0x0  }
0x26: {  	[tilespmem:s15], [sflag:$0x4] =	stream.indirect.gather [hbm4b:s3+s8], $0x80, s14, s8, $0xb8;
	[tilespmem:$0xE000] =	vst v63  }
.LBB2_5:
0x27: {  	_ =	swait.ge [sflag:s19], $0x2800  }
0x28: {  	[sflag:s19] =	ssyncset.done $0x0  }
0x29: {  	s29 =	sadd.s32 $0x300, s28;
	[sflag:s19] =	ssyncadd.s32 $0xFFFFD800  }
0x2a: {  	[tilespmem:s13], [sflag:$0x3] =	stream.indirect.gather [hbm4b:s3+s8], $0x80, s29, s8, $0xb8;
	[tilespmem:$0xE000] =	vst v63  }
0x2b: {  	_ =	swait.ge [sflag:s21], $0x2800  }
0x2c: {  	[sflag:s21] =	ssyncset.done $0x0  }
0x2d: {  	s30 =	sadd.s32 $0xF00, s24;
	[sflag:s21] =	ssyncadd.s32 $0xFFFFD800  }
0x2e: {  	[hbm4b:s30+s1] =	stream.linear.scatter [tilespmem:s15], [sflag:$0x8], $0x2800, $0x38;
	[tilespmem:$0xE000] =	vst v63  }
0x2f: {  	_ =	swait.ge [sflag:s20], $0x2800  }
0x30: {  	[sflag:s20] =	ssyncset.done $0x0  }
0x31: {  	s31 =	sadd.s32 $0x380, s28;
	[sflag:s20] =	ssyncadd.s32 $0xFFFFD800  }
0x32: {  	[tilespmem:s15], [sflag:$0x4] =	stream.indirect.gather [hbm4b:s3+s8], $0x80, s31, s8, $0xb8;
	[tilespmem:$0xE000] =	vst v63  }
.LBB2_6:
0x33: {  	s25 =	sadd.s32 $0x800, s25  }
0x34: {  	p0 =	sne.s32 s25, $0x10000  }
.Ltmp3:
0x35: {  	_ = 	snop;
	(pc) =	sbr.rel @!p0 .LBB2_7-.Ltmp3, $2  }
0x36: {  	_ =	sdelay $0x2  }
0x37: {  	s26 =	sadd.s32 $0x1, s26;
	s24 =	sadd.s32 $0x1400, s24;
	s23 =	sadd.s32 $0x4, s23  }
.LBB2_2:
0x38: {  	p0 =	seq.s32 s25, $0xF800  }
.Ltmp4:
0x39: {  	_ = 	snop;
	(pc) =	sbr.rel @p0 .LBB2_7-.Ltmp4, $4  }
0x3a: {  	_ =	swait.ge [sflag:s16], $0x2800  }
0x3b: {  	[sflag:s16] =	ssyncset.done $0x0  }
0x3c: {  	[sflag:s16] =	ssyncadd.s32 $0xFFFFD800  }
0x3d: {  	[hbm4b:s24+s1] =	stream.linear.scatter [tilespmem:s9], [sflag:$0x5], $0x2800, $0x38;
	[tilespmem:$0xE000] =	vst v63  }
0x3e: {  	_ =	swait.ge [sflag:s17], $0x2800  }
0x3f: {  	s28 =	sshra.s32 s25, $0x2;
	s30 =	sadd.s32 $0xFFFFFFFE, s23;
	[sflag:s17] =	ssyncset.done $0x0  }
0x40: {  	s29 =	sadd.s32 $0x200, s28;
	p0 =	sgt.u32 s30, $0x7C;
	[sflag:s17] =	ssyncadd.s32 $0xFFFFD800  }
0x41: {  	[tilespmem:s9], [sflag:$0x1] =	stream.indirect.gather [hbm4b:s3+s8], $0x80, s29, s8, $0xb8;
	[tilespmem:$0xE000] =	vst v63  }
0x42: {  	s29 =	simm.s32 @!p0 $0x2  }
0x43: {  	_ =	swait.ge @!p0 [sflag:s29], $0x2800  }
0x44: {  	s30 =	simm.s32 @!p0 $0x0;
	[sflag:s29] =	ssyncset.done @!p0 $0x0  }
0x45: {  	s31 =	simm.s32 @!p0 $0x6800;
	[sflag:s29] =	ssyncadd.s32 @!p0 $0xFFFFD800;
	s29 =	sadd.s32 @!p0 $0x500, s24  }
0x46: {  	[hbm4b:s29+s30] =	stream.linear.scatter @!p0 [tilespmem:s31], [sflag:$0x6], $0x2800, $0x38;
	[tilespmem:$0xE000] =	vst v63  }
0x47: {  	p0 =	sgt.u32 s26, $0x1D  }
0x48: {  	s29 =	simm.s32 @!p0 $0x6  }
0x49: {  	_ =	swait.ge @!p0 [sflag:s29], $0x2800  }
0x4a: {  	[sflag:s29] =	ssyncset.done @!p0 $0x0  }
0x4b: {  	[sflag:s29] =	ssyncadd.s32 @!p0 $0xFFFFD800;
	s29 =	sshra.s32 @!p0 s25, $0x2  }
0x4c: {  	s30 =	simm.s32 @!p0 $0x50;
	s31 =	simm.s32 @!p0 $0x6800;
	s29 =	sadd.s32 @!p0 $0x280, s29  }
0x4d: {  	[tilespmem:s31], [sflag:$0x2] =	stream.indirect.gather @!p0 [hbm4b:s3+s30], $0x80, s29, s30, $0xb8;
	[tilespmem:$0xE000] =	vst v63  }
0x4e: {  	s31 =	sadd.s32 $0xFFFFFFFF, s23  }
0x4f: {  	p0 =	sgt.u32 s31, $0x7C  }
0x50: {  	s29 =	simm.s32 @!p0 $0x3  }
0x51: {  	_ =	swait.ge @!p0 [sflag:s29], $0x2800  }
0x52: {  	p1 =	slt.u32 @!p0 s26, $0x1E;
	s30 =	simm.s32 @!p0 $0x0;
	[sflag:s29] =	ssyncset.done @!p0 $0x0  }
0x53: {  	s31 =	simm.s32 @!p0 $0x9000;
	[sflag:s29] =	ssyncadd.s32 @!p0 $0xFFFFD800;
	s29 =	sadd.s32 @!p0 $0xA00, s24  }
0x54: {  	[hbm4b:s29+s30] =	stream.linear.scatter @!p0 [tilespmem:s31], [sflag:$0x7], $0x2800, $0x38;
	[tilespmem:$0xE000] =	vst v63  }
0x55: {  	p0 =	por p0, !p1  }
.Ltmp5:
0x56: {  	_ = 	snop;
	(pc) =	sbr.rel @!p0 .LBB2_5-.Ltmp5, $1  }
0x57: {  	_ =	sdelay $0x3  }
0x58: {  	p0 =	slt.u32 s23, $0x7D  }
.Ltmp6:
0x59: {  	s28 =	simm.s32 @p0 $0x4;
	(pc) =	sbr.rel .LBB2_6-.Ltmp6, $4  }
0x5a: {  	_ =	swait.ge @p0 [sflag:s28], $0x2800  }
0x5b: {  	s29 =	simm.s32 @p0 $0x0;
	[sflag:s28] =	ssyncset.done @p0 $0x0  }
0x5c: {  	s30 =	simm.s32 @p0 $0xB800;
	[sflag:s28] =	ssyncadd.s32 @p0 $0xFFFFD800;
	s28 =	sadd.s32 @p0 $0xF00, s24  }
0x5d: {  	[hbm4b:s28+s29] =	stream.linear.scatter @p0 [tilespmem:s30], [sflag:$0x8], $0x2800, $0x38;
	[tilespmem:$0xE000] =	vst v63  }
.LBB2_8:
0x5e: {  	_ =	sfence.sel $0x180000  }
0x5f: {  	[bflag:$0x0] =	sbarrier.arrive $0xFFFF  }
0x60: {  	p0 =	sne.s32 s2, $0x0;
	_ =	strace $0x90000050  }
0x61: {  	s0 =	sadd.s32 @!p0 $0x100000, s0;
	[bflag:$0x2] =	sbarrier.arrive $0xFFFF  }
0x62: {  	[sflag:s0] =	ssyncadd.tile.s32 @!p0 $0x1;
	_ =	shalt  }
.Lfunc_end2:
_tile_overlayer_lowered:
.L_overlay_start_2:
0x63: {  	(tag) =	ssettag $0x2  }
0x64: {  	s0 =	rddreg [dreg:$0x0];
	s2 =	stileid.u32  }
0x65: {  	s1 =	rddreg [dreg:$0x1];
	p0 =	sne.s32 s2, $0x0  }
0x66: {  	s3 =	rddreg [dreg:$0x2];
	[bflag:$0x3] =	sbarrier.arrive $0xFFFF;
	s2 =	simm.s32 @!p0 $0x1C09  }
0x67: {  	[timem:s3], [sflag:s2] =	dma.local @!p0 [hbm:s0], s1  }
0x68: {  	s0 =	simm.s32 @!p0 $0x9  }
0x69: {  	_ =	swait.ge @!p0 [sflag:s0], s1  }
0x6a: {  	s1 =	ssub.s32 @!p0 $0x0, s1;
	[sflag:s0] =	ssyncset.done @!p0 $0x0  }
0x6b: {  	[sflag:s0] =	ssyncadd.s32 @!p0 s1  }
0x6c: {  	[bflag:$0x3] =	sbarrier.arrive $0xFFFF  }
0x6d: {  	_ =	shalt  }

// kernel: kernel.26.cloned.1.call-start
scs
__scs_entry_jumppad:
0x0: {  	(pc) =	sbr.rel $0x88, $3  }
0x1: {  	(tag) =	ssettag $0x0;
	lr =	simm.s32 $0x1  }
0x2: {  	[smem:$0x3F97] =	sst lr;
	_ =	strace $0xD0000000  }
0x3: {  	_ = 	snop  }
0x4: {  	_ = 	snop  }
0x5: {  	_ = 	snop  }
0x6: {  	_ = 	snop  }
0x7: {  	_ = 	snop  }
__scs_overlays_trampoline_lowered:
0x8: {  	[smem:$0x3FA6] =	sst s0  }
0x9: {  	[smem:$0x3FA7] =	sst s1  }
0xa: {  	[smem:$0x3FA8] =	sst s2  }
0xb: {  	[smem:$0x3FA9] =	sst s3  }
0xc: {  	[smem:$0x3FAA] =	sst s4  }
0xd: {  	[smem:$0x3FAB] =	sst s5  }
0xe: {  	[smem:$0x3FAC] =	sst s6  }
0xf: {  	[smem:$0x3FAD] =	sst s7  }
0x10: {  	[smem:$0x3FAE] =	sst s8  }
0x11: {  	[smem:$0x3FAF] =	sst s9;
	s0 =	simm.s32 @!p0 $0x0  }
0x12: {  	s1 =	sld [smem:$0x3F95];
	s0 =	simm.s32 @p0 $0x1  }
0x13: {  	[smem:$0x3FB0] =	sst s0;
	s0 =	simm.s32 @!p1 $0x0  }
0x14: {  	s2 =	sld [smem:$0x3F94];
	s0 =	simm.s32 @p1 $0x1  }
0x15: {  	[smem:$0x3FB1] =	sst s0;
	s0 =	simm.s32 @!p2 $0x0  }
0x16: {  	s3 =	sld [smem:$0x3FDB];
	s0 =	simm.s32 @p2 $0x1  }
0x17: {  	s4 =	simm.s32 $0x1BF5;
	[smem:$0x3FB3] =	sst s0  }
0x18: {  	s0 =	sld [smem:$0x3F96];
	_ =	swait.ge [sflag:s4], $0x0  }
0x19: {  	s7 =	sld [smem:$0x3F97]  }
0x1a: {  	s8 =	sadd.s32 $0xFFFFE003, lr  }
0x1b: {  	s9 =	sadd.s32 $0xFFFFFEF7, lr;
	s5 =	simm.s32 $0xFFFFFFFF;
	p2 =	slt.u32 s8, $0xFFFFF086  }
0x1c: {  	p1 =	slt.u32 s9, $0xF7A;
	s5 =	simm.s32 @!p2 $0x0  }
0x1d: {  	s5 =	simm.s32 @p1 $0x1;
	p0 =	seq.s32 s7, s2  }
0x1e: {  	s7 =	smul.u32 @!p0 $0xF7A, s2;
	p2 =	seq.s32 @!p0 s5, $0x0  }
0x1f: {  	s9 =	smul.u32 $0xF7A, s1;
	s8 =	simm.s32 @!p0 $0x1BF5;
	p2 =	por !p2, p0  }
0x20: {  	[sflag:s8] =	ssyncset.s32 @!p0 $0xFFFFF086;
	s6 =	sadd.s32 @!p0 s3, s7;
	s7 =	simm.s32 @!p0 $0x108  }
0x21: {  	s3 =	sadd.s32 s3, s9;
	s6 =	sadd.s32 @!p0 $0x88, s6;
	s7 =	simm.s32 @p2 $0x1082  }
0x22: {  	[simem:s7], [sflag:s8] =	dma.local @!p0 [hbm:s6], $0xF7A  }
0x23: {  	s9 =	sor.u32 $0xD0000000, s2;
	s6 =	simm.s32 $0x108;
	_ =	swait.ge @!p0 [sflag:s8], $0x0  }
0x24: {  	s3 =	sadd.s32 $0x88, s3;
	s6 =	simm.s32 @!p1 $0x1082;
	[sflag:s4] =	ssyncset.s32 $0xFFFFF086  }
0x25: {  	[simem:s6], [sflag:s4] =	dma.local [hbm:s3], $0xF7A  }
0x26: {  	[smem:$0x3F97] =	sst s1;
	(tag) =	ssettag s2;
	_ =	strace s9  }
0x27: {  	s1 =	sld [smem:$0x3FA7]  }
0x28: {  	s2 =	sld [smem:$0x3FA8]  }
0x29: {  	s4 =	sld [smem:$0x3FAA]  }
0x2a: {  	p0 =	seq.s32 s5, $0x0;
	s5 =	sld [smem:$0x3FAB]  }
0x2b: {  	s6 =	sld [smem:$0x3FAC]  }
0x2c: {  	s7 =	sld [smem:$0x3FAD]  }
0x2d: {  	s3 =	simm.s32 $0x108;
	s8 =	sld [smem:$0x3FAE]  }
0x2e: {  	s3 =	simm.s32 @!p0 $0x1082;
	s9 =	sld [smem:$0x3FAF]  }
0x2f: {  	lr =	sadd.s32 s0, s3;
	s0 =	sld [smem:$0x3FA6]  }
0x30: {  	s3 =	sld [smem:$0x3FA9]  }
0x31: {  	[smem:$0x3FB2] =	sst s10  }
0x32: {  	s10 =	sld [smem:$0x3FB0];
	_ =	sdelay $0x3  }
0x33: {  	p0 =	seq.s32 s10, $0x1;
	s10 =	sld [smem:$0x3FB2];
	_ =	sdelay $0x3  }
0x34: {  	[smem:$0x3FB2] =	sst s10  }
0x35: {  	s10 =	sld [smem:$0x3FB1];
	_ =	sdelay $0x3  }
0x36: {  	p1 =	seq.s32 s10, $0x1;
	s10 =	sld [smem:$0x3FB2];
	_ =	sdelay $0x3  }
0x37: {  	[smem:$0x3FB2] =	sst s10  }
0x38: {  	s10 =	sld [smem:$0x3FB3]  }
0x39: {  	_ = 	snop;
	(pc) =	sbr.ind lr, $3  }
0x3a: {  	_ = 	snop  }
0x3b: {  	_ = 	snop  }
0x3c: {  	p2 =	seq.s32 s10, $0x1;
	s10 =	sld [smem:$0x3FB2]  }
0x3d: {  	_ =	shalt  }
0x3e: {  	_ =	shalt  }
0x3f: {  	_ =	shalt  }
0x40: {  	_ =	shalt  }
0x41: {  	_ =	shalt  }
0x42: {  	_ =	shalt  }
0x43: {  	_ =	shalt  }
0x44: {  	_ =	shalt  }
0x45: {  	_ =	shalt  }
0x46: {  	_ =	shalt  }
0x47: {  	_ =	shalt  }
0x48: {  	_ =	shalt  }
0x49: {  	_ =	shalt  }
0x4a: {  	_ =	shalt  }
0x4b: {  	_ =	shalt  }
0x4c: {  	_ =	shalt  }
0x4d: {  	_ =	shalt  }
0x4e: {  	_ =	shalt  }
0x4f: {  	_ =	shalt  }
0x50: {  	_ =	shalt  }
0x51: {  	_ =	shalt  }
0x52: {  	_ =	shalt  }
0x53: {  	_ =	shalt  }
0x54: {  	_ =	shalt  }
0x55: {  	_ =	shalt  }
0x56: {  	_ =	shalt  }
0x57: {  	_ =	shalt  }
0x58: {  	_ =	shalt  }
0x59: {  	_ =	shalt  }
0x5a: {  	_ =	shalt  }
0x5b: {  	_ =	shalt  }
0x5c: {  	_ =	shalt  }
0x5d: {  	_ =	shalt  }
0x5e: {  	_ =	shalt  }
0x5f: {  	_ =	shalt  }
0x60: {  	_ =	shalt  }
0x61: {  	_ =	shalt  }
0x62: {  	_ =	shalt  }
0x63: {  	_ =	shalt  }
0x64: {  	_ =	shalt  }
0x65: {  	_ =	shalt  }
0x66: {  	_ =	shalt  }
0x67: {  	_ =	shalt  }
0x68: {  	_ =	shalt  }
0x69: {  	_ =	shalt  }
0x6a: {  	_ =	shalt  }
0x6b: {  	_ =	shalt  }
0x6c: {  	_ =	shalt  }
0x6d: {  	_ =	shalt  }
0x6e: {  	_ =	shalt  }
0x6f: {  	_ =	shalt  }
0x70: {  	_ =	shalt  }
0x71: {  	_ =	shalt  }
0x72: {  	_ =	shalt  }
0x73: {  	_ =	shalt  }
0x74: {  	_ =	shalt  }
0x75: {  	_ =	shalt  }
0x76: {  	_ =	shalt  }
0x77: {  	_ =	shalt  }
0x78: {  	_ =	shalt  }
0x79: {  	_ =	shalt  }
0x7a: {  	_ =	shalt  }
0x7b: {  	_ =	shalt  }
0x7c: {  	_ =	shalt  }
0x7d: {  	_ =	shalt  }
0x7e: {  	_ =	shalt  }
0x7f: {  	_ =	shalt  }
0x80: {  	_ =	shalt  }
0x81: {  	_ =	shalt  }
0x82: {  	_ =	shalt  }
0x83: {  	_ =	shalt  }
0x84: {  	_ =	shalt  }
0x85: {  	_ =	shalt  }
0x86: {  	_ =	shalt  }
0x87: {  	_ =	shalt  }
.Lfunc_end0:
.L_simem_size_0:
called_computation.3_lowered:
.L_overlay_start_0:
0x88: {  	s2 =	sld [smem:$0x3FD9]  }
0x89: {  	s3 =	sld [smem:$0x3FFE];
	_ =	sdelay $0x1  }
0x8a: {  	s1 =	srdreg.scid  }
0x8b: {  	s0 =	sand.u32 $0x1, s1  }
0x8c: {  	s17 =	sshll.u32 s0, $0xA;
	s2 =	sadd.s32 s3, s2  }
0x8d: {  	s2 =	sadd.s32 s2, s17  }
0x8e: {  	[smem:$0x3FBE] =	sst s2  }
0x8f: {  	_ = 	snop  }
0x90: {  	(tm) =	ssettm $0x1  }
0x91: {  	s18 =	sld [smem:$0x3FFB];
	_ =	sdelay $0x3  }
0x92: {  	_ =	strace s18  }
0x93: {  	s2 =	sld [smem:$0x3FFC];
	_ =	sdelay $0x3  }
0x94: {  	_ =	strace s2  }
0x95: {  	s2 =	sld [smem:$0x3FFD];
	_ =	sdelay $0x3  }
0x96: {  	_ =	strace s2  }
0x97: {  	_ =	strace $0x8FFFFFFF  }
0x98: {  	s19 =	sld [smem:$0x3FDB];
	_ =	sdelay $0x1  }
0x99: {  	s20 =	simm.s32 $_scs_section_size  }
0x9a: {  	s4 =	simm.s32 $_size__tile_overlayer_lowered;
	s5 =	simm.s32 $_tile_overlayer_lowered  }
0x9b: {  	s6 =	simm.s32 $0x1BFF;
	s21 =	sshll.u32 s5, $0x1;
	s3 =	sadd.s32 s20, s19  }
0x9c: {  	s22 =	simm.s32 $0x0;
	s4 =	sshll.u32 s4, $0x1;
	s5 =	sadd.s32 s21, s3  }
0x9d: {  	[timem:s22], [sflag:s6] =	dma.local [hbm:s5], s4  }
0x9e: {  	_ =	swait.ge [sflag:s6], s4  }
0x9f: {  	s4 =	ssub.s32 $0x0, s4;
	[sflag:s6] =	ssyncset.done $0x0  }
0xa0: {  	[sflag:s6] =	ssyncadd.s32 s4;
	_ =	sdelay $0x1  }
0xa1: {  	s23 =	simm.s32 $0x1B8B  }
0xa2: {  	_ =	swait.ge [sflag:s23], $0x1  }
0xa3: {  	[sflag:s23] =	ssyncset.done $0x0  }
0xa4: {  	[sflag:s23] =	ssyncadd.s32 $0xFFFFFFFF  }
0xa5: {  	s4 =	sld [smem:$0x0]  }
0xa6: {  	s5 =	sand.u32 $0xFFFFFFFE, s1  }
0xa7: {  	p0 =	sne.s32 s1, s5  }
0xa8: {  	s5 =	sshll.u32 @p0 s5, $0xE  }
0xa9: {  	s5 =	sadd.s32 @p0 $0x11B8D, s5;
	s6 =	sshll.u32 @p0 s4, $0x11  }
0xaa: {  	s5 =	sor.u32 @p0 s6, s5  }
0xab: {  	[sflag:s5] =	ssyncadd.remote.s32 @p0 $0x1;
	_ =	sdelay $0x1  }
0xac: {  	s5 =	simm.s32 @p0 $0x1B8D  }
0xad: {  	_ =	swait.eq @p0 [sflag:s5], $0x1  }
0xae: {  	[sflag:s5] =	ssyncadd.s32 @p0 $0xFFFFFFFF  }
0xaf: {  	s6 =	sshll.u32 @!p0 s1, $0xE  }
0xb0: {  	s6 =	sor.u32 @!p0 $0x4000, s6;
	s5 =	simm.s32 @!p0 $0x1B8D  }
0xb1: {  	s4 =	sshll.u32 @!p0 s4, $0x11;
	s6 =	sadd.s32 @!p0 $0x11B8D, s6;
	_ =	swait.eq @!p0 [sflag:s5], $0x1  }
0xb2: {  	s4 =	sor.u32 @!p0 s4, s6;
	[sflag:s5] =	ssyncadd.s32 @!p0 $0xFFFFFFFF  }
0xb3: {  	s25 =	simm.s32 $0x1B8E;
	s24 =	sld [smem:$0x3FFE];
	[sflag:s4] =	ssyncadd.remote.s32 @!p0 $0x1  }
0xb4: {  	s26 =	simm.s32 $execute0_lowered;
	[smem:$0x3FD2] =	sst s25  }
0xb5: {  	s5 =	sshll.u32 s26, $0x1;
	_ =	strace $0x8000004C;
	[dreg:$0x1] =	wrdreg $0xFFFFFFFF  }
0xb6: {  	s28 =	simm.s32 $_size_execute0_lowered;
	s3 =	sadd.s32 s3, s5;
	[dreg:$0x0] =	wrdreg $0x0  }
0xb7: {  	s5 =	sshll.u32 s28, $0x1;
	[dreg:$0x2] =	wrdreg s3  }
0xb8: {  	[dreg:$0x3] =	wrdreg s5  }
0xb9: {  	[dreg:$0x4] =	wrdreg $0xC0  }
0xba: {  	_ =	task [dreg:s22], $0x5FFFF  }
0xbb: {  	[dreg:$0x1] =	wrdreg $0xFFFFFFFF  }
0xbc: {  	[dreg:$0x0] =	wrdreg $0x60  }
0xbd: {  	[dreg:$0x2] =	wrdreg s24  }
0xbe: {  	[dreg:$0x3] =	wrdreg $0x9  }
0xbf: {  	_ =	task.clear_ibuf [dreg:s22], $0x4FFFF;
	_ =	strace $0x9000004C  }
0xc0: {  	s29 =	simm.s32 $0x9;
	_ =	strace $0x8000004E  }
0xc1: {  	_ =	swait.ge [sflag:s29], $0x1  }
0xc2: {  	[sflag:s29] =	ssyncadd.s32 $0xFFFFFFFF  }
0xc3: {  	_ =	strace $0x9000004E  }
0xc4: {  	_ =	sfence  }
0xc5: {  	s30 =	sld [smem:$0x0];
	_ =	sdelay $0x2  }
0xc6: {  	s31 =	sshll.u32 s1, $0xD;
	s1 =	sshrl.u32 s1, $0x2  }
0xc7: {  	s4 =	sand.u32 $0x4000, s31;
	s1 =	sadd.s32 s1, s30  }
0xc8: {  	s0 =	sor.u32 s4, s0;
	s1 =	sshll.u32 s1, $0x11  }
0xc9: {  	s0 =	sor.u32 s1, s0  }
0xca: {  	s0 =	sadd.s32 $0x8F2B, s0  }
0xcb: {  	[sflag:s0] =	ssyncadd.remote.s32 $0x1  }
0xcc: {  	_ =	sfence.sel $0xFFFF  }
0xcd: {  	[dreg:$0x0] =	wrdreg $0xFFFFFFFF;
	(pc) =	sbr.abs _section_cstart, $3  }
0xce: {  	[dreg:$0x1] =	wrdreg $0xFFFFFFFF  }
0xcf: {  	_ =	task.clear_ibuf [dreg:s22], $0x2FFFF;
	_ =	strace $0x9FFFFFFF  }
0xd0: {  	(tm) =	ssettm $0x7FFFFFFF  }
0xd1: {  	_ =	shalt  }
tec
execute0_lowered:
.L_overlay_start_1:
0x0: {  	(tag) =	ssettag $0x1  }
0x1: {  	s4 =	rddreg [dreg:$0x0]  }
0x2: {  	s0 =	rddreg [dreg:$0x1];
	s1 =	simm.s32 $0x0;
	s5 =	srdreg.scid  }
0x3: {  	s2 =	stileid.u32;
	s9 =	simm.s32 $0x4000;
	s10 =	simm.s32 $0x80  }
0x4: {  	s11 =	simm.s32 $0x6800;
	s12 =	simm.s32 $0x100;
	s13 =	simm.s32 $0x9000  }
0x5: {  	s14 =	simm.s32 $0x180;
	s15 =	simm.s32 $0xB800;
	s16 =	simm.s32 $0x1  }
0x6: {  	s17 =	simm.s32 $0x5;
	s18 =	simm.s32 $0x6;
	s19 =	simm.s32 $0x7  }
0x7: {  	s20 =	simm.s32 $0x8;
	s21 =	simm.s32 $0x4;
	s22 =	simm.s32 $0x0  }
0x8: {  	[smem:$0x7FF] =	sst s1;
	s5 =	sand.u32 $0x1, s5;
	s29 =	smul.u32 $0x27100, s2  }
0x9: {  	s3 =	sadd.s32 $0xA18E00, s4;
	s6 =	sshll.u32 s2, $0xB;
	s8 =	smul.u32 $0x271000, s5  }
.Ltmp0:
0xa: {  	s7 =	sshll.u32 s5, $0xF;
	s5 =	ssub.s32 $0x2, s5;
	(pc) =	sbr.rel .LBB2_1-.Ltmp0, $4  }
0xb: {  	_ =	strace $0x8000004D;
	s6 =	sor.u32 s6, s7;
	s30 =	sshrl.u32 s5, $0x1  }
0xc: {  	s7 =	simm.s32 $0x9;
	s6 =	sadd.s32 s6, s4;
	s8 =	sadd.s32 s8, s4  }
0xd: {  	s5 =	ssub.s32 s5, s30;
	s4 =	sadd.s32 $0x6BE00, s6;
	s31 =	sadd.s32 s29, s8  }
0xe: {  	s5 =	smax.u32 s5, $0x1;
	s8 =	simm.s32 $0x50;
	s6 =	sadd.s32 $0x7BE00, s31  }
.LBB2_7:
0xf: {  	_ =	swait.ge [sflag:s17], $0x2800  }
0x10: {  	[sflag:s17] =	ssyncset.done $0x0  }
0x11: {  	[sflag:s17] =	ssyncadd.s32 $0xFFFFD800  }
0x12: {  	_ =	swait.ge [sflag:s18], $0x2800  }
0x13: {  	[sflag:s18] =	ssyncset.done $0x0  }
0x14: {  	s22 =	sadd.s32 $0x1, s22;
	[sflag:s18] =	ssyncadd.s32 $0xFFFFD800  }
0x15: {  	p0 =	sne.s32 s22, s5;
	_ =	swait.ge [sflag:s19], $0x2800  }
.Ltmp1:
0x16: {  	[sflag:s19] =	ssyncset.done $0x0;
	(pc) =	sbr.rel @!p0 .LBB2_8-.Ltmp1, $4  }
0x17: {  	[sflag:s19] =	ssyncadd.s32 $0xFFFFD800  }
0x18: {  	_ =	swait.ge [sflag:s20], $0x2800  }
0x19: {  	[sflag:s20] =	ssyncset.done $0x0  }
0x1a: {  	[sflag:s20] =	ssyncadd.s32 $0xFFFFD800  }
.LBB2_1:
0x1b: {  	[tilespmem:s1], [sflag:$0x9] =	stream.linear.gather [hbm4b:s4+s1], $0x3E80, $0x38;
	[tilespmem:$0xE000] =	vst v63  }
0x1c: {  	_ =	swait.ge [sflag:s7], $0x3E80  }
0x1d: {  	[sflag:s7] =	ssyncset.done $0x0  }
0x1e: {  	[sflag:s7] =	ssyncadd.s32 $0xFFFFC180  }
0x1f: {  	[tilespmem:s9], [sflag:$0x1] =	stream.indirect.gather [hbm4b:s3+s8], $0x80, s1, s8, $0xb8;
	[tilespmem:$0xE000] =	vst v63  }
0x20: {  	_ = 	snop  }
0x21: {  	[tilespmem:s11], [sflag:$0x2] =	stream.indirect.gather [hbm4b:s3+s8], $0x80, s10, s8, $0xb8;
	[tilespmem:$0xE000] =	vst v63  }
.Ltmp2:
0x22: {  	_ = 	snop;
	(pc) =	sbr.rel .LBB2_2-.Ltmp2, $4  }
0x23: {  	s23 =	simm.s32 $0x3  }
0x24: {  	[tilespmem:s13], [sflag:$0x3] =	stream.indirect.gather [hbm4b:s3+s8], $0x80, s12, s8, $0xb8;
	[tilespmem:$0xE000] =	vst v63  }
0x25: {  	s24 =	smov.u32 s6;
	s25 =	simm.s32 $0x0;
	s26 =	simm.s32 $0x0  }
0x26: {  	[tilespmem:s15], [sflag:$0x4] =	stream.indirect.gather [hbm4b:s3+s8], $0x80, s14, s8, $0xb8;
	[tilespmem:$0xE000] =	vst v63  }
.LBB2_5:
0x27: {  	_ =	swait.ge [sflag:s19], $0x2800  }
0x28: {  	[sflag:s19] =	ssyncset.done $0x0  }
0x29: {  	s29 =	sadd.s32 $0x300, s28;
	[sflag:s19] =	ssyncadd.s32 $0xFFFFD800  }
0x2a: {  	[tilespmem:s13], [sflag:$0x3] =	stream.indirect.gather [hbm4b:s3+s8], $0x80, s29, s8, $0xb8;
	[tilespmem:$0xE000] =	vst v63  }
0x2b: {  	_ =	swait.ge [sflag:s21], $0x2800  }
0x2c: {  	[sflag:s21] =	ssyncset.done $0x0  }
0x2d: {  	s30 =	sadd.s32 $0xF00, s24;
	[sflag:s21] =	ssyncadd.s32 $0xFFFFD800  }
0x2e: {  	[hbm4b:s30+s1] =	stream.linear.scatter [tilespmem:s15], [sflag:$0x8], $0x2800, $0x38;
	[tilespmem:$0xE000] =	vst v63  }
0x2f: {  	_ =	swait.ge [sflag:s20], $0x2800  }
0x30: {  	[sflag:s20] =	ssyncset.done $0x0  }
0x31: {  	s31 =	sadd.s32 $0x380, s28;
	[sflag:s20] =	ssyncadd.s32 $0xFFFFD800  }
0x32: {  	[tilespmem:s15], [sflag:$0x4] =	stream.indirect.gather [hbm4b:s3+s8], $0x80, s31, s8, $0xb8;
	[tilespmem:$0xE000] =	vst v63  }
.LBB2_6:
0x33: {  	s25 =	sadd.s32 $0x800, s25  }
0x34: {  	p0 =	sne.s32 s25, $0x10000  }
.Ltmp3:
0x35: {  	_ = 	snop;
	(pc) =	sbr.rel @!p0 .LBB2_7-.Ltmp3, $2  }
0x36: {  	_ =	sdelay $0x2  }
0x37: {  	s26 =	sadd.s32 $0x1, s26;
	s24 =	sadd.s32 $0x1400, s24;
	s23 =	sadd.s32 $0x4, s23  }
.LBB2_2:
0x38: {  	p0 =	seq.s32 s25, $0xF800  }
.Ltmp4:
0x39: {  	_ = 	snop;
	(pc) =	sbr.rel @p0 .LBB2_7-.Ltmp4, $4  }
0x3a: {  	_ =	swait.ge [sflag:s16], $0x2800  }
0x3b: {  	[sflag:s16] =	ssyncset.done $0x0  }
0x3c: {  	[sflag:s16] =	ssyncadd.s32 $0xFFFFD800  }
0x3d: {  	[hbm4b:s24+s1] =	stream.linear.scatter [tilespmem:s9], [sflag:$0x5], $0x2800, $0x38;
	[tilespmem:$0xE000] =	vst v63  }
0x3e: {  	_ =	swait.ge [sflag:s17], $0x2800  }
0x3f: {  	s28 =	sshra.s32 s25, $0x2;
	s30 =	sadd.s32 $0xFFFFFFFE, s23;
	[sflag:s17] =	ssyncset.done $0x0  }
0x40: {  	s29 =	sadd.s32 $0x200, s28;
	p0 =	sgt.u32 s30, $0x7C;
	[sflag:s17] =	ssyncadd.s32 $0xFFFFD800  }
0x41: {  	[tilespmem:s9], [sflag:$0x1] =	stream.indirect.gather [hbm4b:s3+s8], $0x80, s29, s8, $0xb8;
	[tilespmem:$0xE000] =	vst v63  }
0x42: {  	s29 =	simm.s32 @!p0 $0x2  }
0x43: {  	_ =	swait.ge @!p0 [sflag:s29], $0x2800  }
0x44: {  	s30 =	simm.s32 @!p0 $0x0;
	[sflag:s29] =	ssyncset.done @!p0 $0x0  }
0x45: {  	s31 =	simm.s32 @!p0 $0x6800;
	[sflag:s29] =	ssyncadd.s32 @!p0 $0xFFFFD800;
	s29 =	sadd.s32 @!p0 $0x500, s24  }
0x46: {  	[hbm4b:s29+s30] =	stream.linear.scatter @!p0 [tilespmem:s31], [sflag:$0x6], $0x2800, $0x38;
	[tilespmem:$0xE000] =	vst v63  }
0x47: {  	p0 =	sgt.u32 s26, $0x1D  }
0x48: {  	s29 =	simm.s32 @!p0 $0x6  }
0x49: {  	_ =	swait.ge @!p0 [sflag:s29], $0x2800  }
0x4a: {  	[sflag:s29] =	ssyncset.done @!p0 $0x0  }
0x4b: {  	[sflag:s29] =	ssyncadd.s32 @!p0 $0xFFFFD800;
	s29 =	sshra.s32 @!p0 s25, $0x2  }
0x4c: {  	s30 =	simm.s32 @!p0 $0x50;
	s31 =	simm.s32 @!p0 $0x6800;
	s29 =	sadd.s32 @!p0 $0x280, s29  }
0x4d: {  	[tilespmem:s31], [sflag:$0x2] =	stream.indirect.gather @!p0 [hbm4b:s3+s30], $0x80, s29, s30, $0xb8;
	[tilespmem:$0xE000] =	vst v63  }
0x4e: {  	s31 =	sadd.s32 $0xFFFFFFFF, s23  }
0x4f: {  	p0 =	sgt.u32 s31, $0x7C  }
0x50: {  	s29 =	simm.s32 @!p0 $0x3  }
0x51: {  	_ =	swait.ge @!p0 [sflag:s29], $0x2800  }
0x52: {  	p1 =	slt.u32 @!p0 s26, $0x1E;
	s30 =	simm.s32 @!p0 $0x0;
	[sflag:s29] =	ssyncset.done @!p0 $0x0  }
0x53: {  	s31 =	simm.s32 @!p0 $0x9000;
	[sflag:s29] =	ssyncadd.s32 @!p0 $0xFFFFD800;
	s29 =	sadd.s32 @!p0 $0xA00, s24  }
0x54: {  	[hbm4b:s29+s30] =	stream.linear.scatter @!p0 [tilespmem:s31], [sflag:$0x7], $0x2800, $0x38;
	[tilespmem:$0xE000] =	vst v63  }
0x55: {  	p0 =	por p0, !p1  }
.Ltmp5:
0x56: {  	_ = 	snop;
	(pc) =	sbr.rel @!p0 .LBB2_5-.Ltmp5, $1  }
0x57: {  	_ =	sdelay $0x3  }
0x58: {  	p0 =	slt.u32 s23, $0x7D  }
.Ltmp6:
0x59: {  	s28 =	simm.s32 @p0 $0x4;
	(pc) =	sbr.rel .LBB2_6-.Ltmp6, $4  }
0x5a: {  	_ =	swait.ge @p0 [sflag:s28], $0x2800  }
0x5b: {  	s29 =	simm.s32 @p0 $0x0;
	[sflag:s28] =	ssyncset.done @p0 $0x0  }
0x5c: {  	s30 =	simm.s32 @p0 $0xB800;
	[sflag:s28] =	ssyncadd.s32 @p0 $0xFFFFD800;
	s28 =	sadd.s32 @p0 $0xF00, s24  }
0x5d: {  	[hbm4b:s28+s29] =	stream.linear.scatter @p0 [tilespmem:s30], [sflag:$0x8], $0x2800, $0x38;
	[tilespmem:$0xE000] =	vst v63  }
.LBB2_8:
0x5e: {  	_ =	sfence.sel $0x180000  }
0x5f: {  	[bflag:$0x0] =	sbarrier.arrive $0xFFFF  }
0x60: {  	p0 =	sne.s32 s2, $0x0;
	_ =	strace $0x9000004D  }
0x61: {  	s0 =	sadd.s32 @!p0 $0x100000, s0;
	[bflag:$0x2] =	sbarrier.arrive $0xFFFF  }
0x62: {  	[sflag:s0] =	ssyncadd.tile.s32 @!p0 $0x1;
	_ =	shalt  }
.Lfunc_end2:
_tile_overlayer_lowered:
.L_overlay_start_2:
0x63: {  	(tag) =	ssettag $0x2  }
0x64: {  	s0 =	rddreg [dreg:$0x0];
	s2 =	stileid.u32  }
0x65: {  	s1 =	rddreg [dreg:$0x1];
	p0 =	sne.s32 s2, $0x0  }
0x66: {  	s3 =	rddreg [dreg:$0x2];
	[bflag:$0x3] =	sbarrier.arrive $0xFFFF;
	s2 =	simm.s32 @!p0 $0x1C09  }
0x67: {  	[timem:s3], [sflag:s2] =	dma.local @!p0 [hbm:s0], s1  }
0x68: {  	s0 =	simm.s32 @!p0 $0x9  }
0x69: {  	_ =	swait.ge @!p0 [sflag:s0], s1  }
0x6a: {  	s1 =	ssub.s32 @!p0 $0x0, s1;
	[sflag:s0] =	ssyncset.done @!p0 $0x0  }
0x6b: {  	[sflag:s0] =	ssyncadd.s32 @!p0 s1  }
0x6c: {  	[bflag:$0x3] =	sbarrier.arrive $0xFFFF  }
0x6d: {  	_ =	shalt  }

// kernel: kernel.29.cloned.1.call-start
scs
__scs_entry_jumppad:
0x0: {  	(pc) =	sbr.rel $0x88, $3  }
0x1: {  	(tag) =	ssettag $0x0;
	lr =	simm.s32 $0x1  }
0x2: {  	[smem:$0x3F97] =	sst lr;
	_ =	strace $0xD0000000  }
0x3: {  	_ = 	snop  }
0x4: {  	_ = 	snop  }
0x5: {  	_ = 	snop  }
0x6: {  	_ = 	snop  }
0x7: {  	_ = 	snop  }
__scs_overlays_trampoline_lowered:
0x8: {  	[smem:$0x3FA6] =	sst s0  }
0x9: {  	[smem:$0x3FA7] =	sst s1  }
0xa: {  	[smem:$0x3FA8] =	sst s2  }
0xb: {  	[smem:$0x3FA9] =	sst s3  }
0xc: {  	[smem:$0x3FAA] =	sst s4  }
0xd: {  	[smem:$0x3FAB] =	sst s5  }
0xe: {  	[smem:$0x3FAC] =	sst s6  }
0xf: {  	[smem:$0x3FAD] =	sst s7  }
0x10: {  	[smem:$0x3FAE] =	sst s8  }
0x11: {  	[smem:$0x3FAF] =	sst s9;
	s0 =	simm.s32 @!p0 $0x0  }
0x12: {  	s1 =	sld [smem:$0x3F95];
	s0 =	simm.s32 @p0 $0x1  }
0x13: {  	[smem:$0x3FB0] =	sst s0;
	s0 =	simm.s32 @!p1 $0x0  }
0x14: {  	s2 =	sld [smem:$0x3F94];
	s0 =	simm.s32 @p1 $0x1  }
0x15: {  	[smem:$0x3FB1] =	sst s0;
	s0 =	simm.s32 @!p2 $0x0  }
0x16: {  	s3 =	sld [smem:$0x3FDB];
	s0 =	simm.s32 @p2 $0x1  }
0x17: {  	s4 =	simm.s32 $0x1BF5;
	[smem:$0x3FB3] =	sst s0  }
0x18: {  	s0 =	sld [smem:$0x3F96];
	_ =	swait.ge [sflag:s4], $0x0  }
0x19: {  	s7 =	sld [smem:$0x3F97]  }
0x1a: {  	s8 =	sadd.s32 $0xFFFFE003, lr  }
0x1b: {  	s9 =	sadd.s32 $0xFFFFFEF7, lr;
	s5 =	simm.s32 $0xFFFFFFFF;
	p2 =	slt.u32 s8, $0xFFFFF086  }
0x1c: {  	p1 =	slt.u32 s9, $0xF7A;
	s5 =	simm.s32 @!p2 $0x0  }
0x1d: {  	s5 =	simm.s32 @p1 $0x1;
	p0 =	seq.s32 s7, s2  }
0x1e: {  	s7 =	smul.u32 @!p0 $0xF7A, s2;
	p2 =	seq.s32 @!p0 s5, $0x0  }
0x1f: {  	s9 =	smul.u32 $0xF7A, s1;
	s8 =	simm.s32 @!p0 $0x1BF5;
	p2 =	por !p2, p0  }
0x20: {  	[sflag:s8] =	ssyncset.s32 @!p0 $0xFFFFF086;
	s6 =	sadd.s32 @!p0 s3, s7;
	s7 =	simm.s32 @!p0 $0x108  }
0x21: {  	s3 =	sadd.s32 s3, s9;
	s6 =	sadd.s32 @!p0 $0x88, s6;
	s7 =	simm.s32 @p2 $0x1082  }
0x22: {  	[simem:s7], [sflag:s8] =	dma.local @!p0 [hbm:s6], $0xF7A  }
0x23: {  	s9 =	sor.u32 $0xD0000000, s2;
	s6 =	simm.s32 $0x108;
	_ =	swait.ge @!p0 [sflag:s8], $0x0  }
0x24: {  	s3 =	sadd.s32 $0x88, s3;
	s6 =	simm.s32 @!p1 $0x1082;
	[sflag:s4] =	ssyncset.s32 $0xFFFFF086  }
0x25: {  	[simem:s6], [sflag:s4] =	dma.local [hbm:s3], $0xF7A  }
0x26: {  	[smem:$0x3F97] =	sst s1;
	(tag) =	ssettag s2;
	_ =	strace s9  }
0x27: {  	s1 =	sld [smem:$0x3FA7]  }
0x28: {  	s2 =	sld [smem:$0x3FA8]  }
0x29: {  	s4 =	sld [smem:$0x3FAA]  }
0x2a: {  	p0 =	seq.s32 s5, $0x0;
	s5 =	sld [smem:$0x3FAB]  }
0x2b: {  	s6 =	sld [smem:$0x3FAC]  }
0x2c: {  	s7 =	sld [smem:$0x3FAD]  }
0x2d: {  	s3 =	simm.s32 $0x108;
	s8 =	sld [smem:$0x3FAE]  }
0x2e: {  	s3 =	simm.s32 @!p0 $0x1082;
	s9 =	sld [smem:$0x3FAF]  }
0x2f: {  	lr =	sadd.s32 s0, s3;
	s0 =	sld [smem:$0x3FA6]  }
0x30: {  	s3 =	sld [smem:$0x3FA9]  }
0x31: {  	[smem:$0x3FB2] =	sst s10  }
0x32: {  	s10 =	sld [smem:$0x3FB0];
	_ =	sdelay $0x3  }
0x33: {  	p0 =	seq.s32 s10, $0x1;
	s10 =	sld [smem:$0x3FB2];
	_ =	sdelay $0x3  }
0x34: {  	[smem:$0x3FB2] =	sst s10  }
0x35: {  	s10 =	sld [smem:$0x3FB1];
	_ =	sdelay $0x3  }
0x36: {  	p1 =	seq.s32 s10, $0x1;
	s10 =	sld [smem:$0x3FB2];
	_ =	sdelay $0x3  }
0x37: {  	[smem:$0x3FB2] =	sst s10  }
0x38: {  	s10 =	sld [smem:$0x3FB3]  }
0x39: {  	_ = 	snop;
	(pc) =	sbr.ind lr, $3  }
0x3a: {  	_ = 	snop  }
0x3b: {  	_ = 	snop  }
0x3c: {  	p2 =	seq.s32 s10, $0x1;
	s10 =	sld [smem:$0x3FB2]  }
0x3d: {  	_ =	shalt  }
0x3e: {  	_ =	shalt  }
0x3f: {  	_ =	shalt  }
0x40: {  	_ =	shalt  }
0x41: {  	_ =	shalt  }
0x42: {  	_ =	shalt  }
0x43: {  	_ =	shalt  }
0x44: {  	_ =	shalt  }
0x45: {  	_ =	shalt  }
0x46: {  	_ =	shalt  }
0x47: {  	_ =	shalt  }
0x48: {  	_ =	shalt  }
0x49: {  	_ =	shalt  }
0x4a: {  	_ =	shalt  }
0x4b: {  	_ =	shalt  }
0x4c: {  	_ =	shalt  }
0x4d: {  	_ =	shalt  }
0x4e: {  	_ =	shalt  }
0x4f: {  	_ =	shalt  }
0x50: {  	_ =	shalt  }
0x51: {  	_ =	shalt  }
0x52: {  	_ =	shalt  }
0x53: {  	_ =	shalt  }
0x54: {  	_ =	shalt  }
0x55: {  	_ =	shalt  }
0x56: {  	_ =	shalt  }
0x57: {  	_ =	shalt  }
0x58: {  	_ =	shalt  }
0x59: {  	_ =	shalt  }
0x5a: {  	_ =	shalt  }
0x5b: {  	_ =	shalt  }
0x5c: {  	_ =	shalt  }
0x5d: {  	_ =	shalt  }
0x5e: {  	_ =	shalt  }
0x5f: {  	_ =	shalt  }
0x60: {  	_ =	shalt  }
0x61: {  	_ =	shalt  }
0x62: {  	_ =	shalt  }
0x63: {  	_ =	shalt  }
0x64: {  	_ =	shalt  }
0x65: {  	_ =	shalt  }
0x66: {  	_ =	shalt  }
0x67: {  	_ =	shalt  }
0x68: {  	_ =	shalt  }
0x69: {  	_ =	shalt  }
0x6a: {  	_ =	shalt  }
0x6b: {  	_ =	shalt  }
0x6c: {  	_ =	shalt  }
0x6d: {  	_ =	shalt  }
0x6e: {  	_ =	shalt  }
0x6f: {  	_ =	shalt  }
0x70: {  	_ =	shalt  }
0x71: {  	_ =	shalt  }
0x72: {  	_ =	shalt  }
0x73: {  	_ =	shalt  }
0x74: {  	_ =	shalt  }
0x75: {  	_ =	shalt  }
0x76: {  	_ =	shalt  }
0x77: {  	_ =	shalt  }
0x78: {  	_ =	shalt  }
0x79: {  	_ =	shalt  }
0x7a: {  	_ =	shalt  }
0x7b: {  	_ =	shalt  }
0x7c: {  	_ =	shalt  }
0x7d: {  	_ =	shalt  }
0x7e: {  	_ =	shalt  }
0x7f: {  	_ =	shalt  }
0x80: {  	_ =	shalt  }
0x81: {  	_ =	shalt  }
0x82: {  	_ =	shalt  }
0x83: {  	_ =	shalt  }
0x84: {  	_ =	shalt  }
0x85: {  	_ =	shalt  }
0x86: {  	_ =	shalt  }
0x87: {  	_ =	shalt  }
.Lfunc_end0:
.L_simem_size_0:
called_computation.4_lowered:
.L_overlay_start_0:
0x88: {  	s2 =	sld [smem:$0x3FD9]  }
0x89: {  	s3 =	sld [smem:$0x3FFE];
	_ =	sdelay $0x1  }
0x8a: {  	s1 =	srdreg.scid  }
0x8b: {  	s0 =	sand.u32 $0x1, s1  }
0x8c: {  	s16 =	sshll.u32 s0, $0xA;
	s2 =	sadd.s32 s3, s2  }
0x8d: {  	s2 =	sadd.s32 s2, s16  }
0x8e: {  	[smem:$0x3FBE] =	sst s2  }
0x8f: {  	_ = 	snop  }
0x90: {  	(tm) =	ssettm $0x1  }
0x91: {  	s17 =	sld [smem:$0x3FFB];
	_ =	sdelay $0x3  }
0x92: {  	_ =	strace s17  }
0x93: {  	s2 =	sld [smem:$0x3FFC];
	_ =	sdelay $0x3  }
0x94: {  	_ =	strace s2  }
0x95: {  	s2 =	sld [smem:$0x3FFD];
	_ =	sdelay $0x3  }
0x96: {  	_ =	strace s2  }
0x97: {  	_ =	strace $0x8FFFFFFF  }
0x98: {  	s18 =	sld [smem:$0x3FDB];
	_ =	sdelay $0x1  }
0x99: {  	s19 =	simm.s32 $_scs_section_size  }
0x9a: {  	s4 =	simm.s32 $_size__tile_overlayer_lowered;
	s5 =	simm.s32 $_tile_overlayer_lowered  }
0x9b: {  	s22 =	simm.s32 $0x1BFF;
	s21 =	sshll.u32 s5, $0x1;
	s2 =	sadd.s32 s19, s18  }
0x9c: {  	s6 =	simm.s32 $0x0;
	s20 =	sshll.u32 s4, $0x1;
	s4 =	sadd.s32 s21, s2  }
0x9d: {  	[timem:s6], [sflag:s22] =	dma.local [hbm:s4], s20  }
0x9e: {  	_ =	swait.ge [sflag:s22], s20  }
0x9f: {  	s3 =	ssub.s32 $0x0, s20;
	[sflag:s22] =	ssyncset.done $0x0  }
0xa0: {  	[sflag:s22] =	ssyncadd.s32 s3;
	_ =	sdelay $0x1  }
0xa1: {  	s23 =	simm.s32 $0x1B8B  }
0xa2: {  	_ =	swait.ge [sflag:s23], $0x1  }
0xa3: {  	[sflag:s23] =	ssyncset.done $0x0  }
0xa4: {  	s25 =	simm.s32 $0x1B8E;
	s24 =	sld [smem:$0x3FFE];
	[sflag:s23] =	ssyncadd.s32 $0xFFFFFFFF  }
0xa5: {  	s26 =	simm.s32 $execute0_lowered;
	[smem:$0x3FD2] =	sst s25  }
0xa6: {  	s4 =	sshll.u32 s26, $0x1;
	_ =	strace $0x80000052;
	[dreg:$0x1] =	wrdreg $0xFFFFFFFF  }
0xa7: {  	s28 =	simm.s32 $_size_execute0_lowered;
	s2 =	sadd.s32 s2, s4;
	[dreg:$0x0] =	wrdreg $0x0  }
0xa8: {  	s4 =	sshll.u32 s28, $0x1;
	[dreg:$0x2] =	wrdreg s2  }
0xa9: {  	[dreg:$0x3] =	wrdreg s4  }
0xaa: {  	[dreg:$0x4] =	wrdreg $0xC0  }
0xab: {  	_ =	task [dreg:s6], $0x5FFFF  }
0xac: {  	[dreg:$0x1] =	wrdreg $0xFFFFFFFF  }
0xad: {  	[dreg:$0x0] =	wrdreg $0x60  }
0xae: {  	[dreg:$0x2] =	wrdreg s24  }
0xaf: {  	[dreg:$0x3] =	wrdreg $0x0  }
0xb0: {  	[dreg:$0x4] =	wrdreg $0xA  }
0xb1: {  	_ =	task.clear_ibuf [dreg:s6], $0x5FFFF;
	_ =	strace $0x90000052  }
0xb2: {  	s29 =	simm.s32 $0xA;
	_ =	strace $0x80000054  }
0xb3: {  	_ =	swait.ge [sflag:s29], $0x1  }
0xb4: {  	[sflag:s29] =	ssyncadd.s32 $0xFFFFFFFF  }
0xb5: {  	_ =	strace $0x90000054  }
0xb6: {  	_ =	sfence  }
0xb7: {  	s30 =	sld [smem:$0x0];
	_ =	sdelay $0x2  }
0xb8: {  	s31 =	sshll.u32 s1, $0xD;
	s1 =	sshrl.u32 s1, $0x2  }
0xb9: {  	s3 =	sand.u32 $0x4000, s31;
	s1 =	sadd.s32 s1, s30  }
0xba: {  	s0 =	sor.u32 s3, s0;
	s1 =	sshll.u32 s1, $0x11  }
0xbb: {  	s0 =	sor.u32 s1, s0  }
0xbc: {  	s0 =	sadd.s32 $0x8F2B, s0  }
0xbd: {  	[sflag:s0] =	ssyncadd.remote.s32 $0x1  }
0xbe: {  	_ =	sfence.sel $0xFFFF  }
0xbf: {  	[dreg:$0x0] =	wrdreg $0xFFFFFFFF;
	(pc) =	sbr.abs _section_cstart, $3  }
0xc0: {  	[dreg:$0x1] =	wrdreg $0xFFFFFFFF  }
0xc1: {  	_ =	task.clear_ibuf [dreg:s6], $0x2FFFF;
	_ =	strace $0x9FFFFFFF  }
0xc2: {  	(tm) =	ssettm $0x7FFFFFFF  }
0xc3: {  	_ =	shalt  }
tec
execute0_lowered:
.L_overlay_start_1:
0x0: {  	(tag) =	ssettag $0x1  }
0x1: {  	s0 =	srdreg.scid;
	s24 =	stileid.u32  }
0x2: {  	s0 =	sand.u32 $0x1, s0;
	s9 =	smul.u32 $0x2800, s24  }
0x3: {  	s8 =	sor.u32 $0x10, s24;
	s7 =	smul.u32 $0x138800, s0  }
0x4: {  	s10 =	sor.u32 $0x20, s24;
	s11 =	smul.u32 $0x2800, s8  }
0x5: {  	s4 =	rddreg [dreg:$0x0];
	s13 =	sor.u32 $0x30, s24;
	s14 =	smul.u32 $0x2800, s10  }
0x6: {  	s2 =	rddreg [dreg:$0x1];
	s18 =	sor.u32 $0x40, s24;
	s16 =	smul.u32 $0x2800, s13  }
0x7: {  	s3 =	simm.s32 $0x0;
	s19 =	sor.u32 $0x50, s24;
	s26 =	smul.u32 $0x2800, s18  }
0x8: {  	s30 =	simm.s32 $0x7;
	s20 =	sor.u32 $0x60, s24;
	s17 =	smul.u32 $0x2800, s19  }
0x9: {  	s31 =	simm.s32 $0x17880;
	s21 =	sor.u32 $0x70, s24;
	s22 =	smul.u32 $0x2800, s20  }
0xa: {  	[smem:$0x7FF] =	sst s3;
	s1 =	sshll.u32 s0, $0x4;
	s23 =	smul.u32 $0x2800, s21  }
0xb: {  	s12 =	ssub.s32 $0x2, s0;
	s0 =	smul.u32 $0x271000, s0;
	s1 =	sor.u32 s24, s1  }
0xc: {  	s29 =	simm.s32 $0x1;
	_ =	strace $0x80000053;
	s5 =	smul.u32 $0x27100, s1  }
0xd: {  	p0 =	sgt.u32 s21, $0x7C;
	s15 =	sshrl.u32 s12, $0x1;
	s6 =	smul.u32 $0x138800, s1  }
0xe: {  	s1 =	sshll.u32 s1, $0xB;
	s12 =	ssub.s32 s12, s15;
	s9 =	sadd.s32 s7, s9  }
0xf: {  	s11 =	sadd.s32 s7, s11;
	s14 =	sadd.s32 s7, s14;
	s16 =	sadd.s32 s7, s16  }
0x10: {  	s15 =	sadd.s32 s7, s26;
	s17 =	sadd.s32 s7, s17;
	s22 =	sadd.s32 s7, s22  }
0x11: {  	s7 =	sadd.s32 s7, s23;
	s23 =	sadd.s32 $0xA18E00, s4;
	s1 =	sadd.s32 s1, s4  }
0x12: {  	s4 =	sadd.s32 $0x1DC00, s4;
	s9 =	sshrl.u32 s9, $0x3;
	s11 =	sshrl.u32 s11, $0x3  }
0x13: {  	s26 =	sshrl.u32 s14, $0x3;
	s7 =	sshrl.u32 s7, $0x3;
	s0 =	sadd.s32 s0, s23  }
0x14: {  	s25 =	sadd.s32 s23, s5;
	s5 =	sshrl.u32 s6, $0x3;
	s6 =	sadd.s32 s4, s9  }
0x15: {  	s14 =	sadd.s32 s4, s11;
	s26 =	sadd.s32 s4, s26;
	[dreg:$0x3] =	wrdreg s6  }
0x16: {  	s9 =	sshrl.u32 s16, $0x3;
	s11 =	sshrl.u32 s15, $0x3;
	[dreg:$0x4] =	wrdreg s14  }
0x17: {  	s1 =	sadd.s32 $0xA08E00, s1;
	[dreg:$0x5] =	wrdreg s26;
	s14 =	sshrl.u32 s17, $0x3  }
0x18: {  	s6 =	sadd.s32 s4, s9;
	s17 =	sshrl.u32 s22, $0x3;
	s22 =	smul.u32 $0x27100, s24  }
0x19: {  	s5 =	sadd.s32 s23, s5;
	s23 =	smul.u32 $0xA000, s24;
	[dreg:$0xb] =	wrdreg s1  }
0x1a: {  	s15 =	sadd.s32 s4, s11;
	s24 =	smul.u32 $0xA000, s8;
	[dreg:$0x6] =	wrdreg s6  }
0x1b: {  	s8 =	smax.u32 s12, $0x1;
	s11 =	smul.u32 $0xA000, s18;
	[dreg:$0x7] =	wrdreg s15  }
0x1c: {  	s16 =	sadd.s32 s4, s14;
	s6 =	sadd.s32 s4, s17;
	[dreg:$0xe] =	wrdreg s8  }
0x1d: {  	s4 =	sadd.s32 s4, s7;
	s7 =	smul.u32 $0xA000, s10;
	[dreg:$0x8] =	wrdreg s16  }
0x1e: {  	s28 =	sadd.s32 $0x26C00, s25;
	s10 =	smul.u32 $0xA000, s13;
	[dreg:$0x9] =	wrdreg s6  }
0x1f: {  	s26 =	sadd.s32 $0x500, s5;
	s13 =	smul.u32 $0xA000, s19;
	[dreg:$0xa] =	wrdreg s4  }
0x20: {  	s5 =	sadd.s32 $0xA00, s5;
	s15 =	smul.u32 $0xA000, s20;
	[dreg:$0xc] =	wrdreg s26  }
0x21: {  	s8 =	simm.s32 $0x5;
	s0 =	sadd.s32 s22, s0;
	[dreg:$0xd] =	wrdreg s5  }
0x22: {  	s9 =	sshrl.u32 s23, $0x2;
	s1 =	sshrl.u32 s24, $0x2;
	s5 =	sshrl.u32 s11, $0x2  }
0x23: {  	s16 =	smul.u32 $0xA000, s21;
	s26 =	sadd.s32 $0x26700, s25;
	s6 =	simm.s32 $0x4  }
0x24: {  	s11 =	simm.s32 $0x8;
	s17 =	sadd.s32 s9, s2;
	s18 =	sadd.s32 s1, s2  }
0x25: {  	s12 =	sshrl.u32 s7, $0x2;
	s14 =	sshrl.u32 s10, $0x2;
	s21 =	sadd.s32 s5, s2  }
0x26: {  	s22 =	sshrl.u32 s13, $0x2;
	s23 =	sshrl.u32 s15, $0x2;
	[dreg:$0xf] =	wrdreg s26  }
0x27: {  	s26 =	smov.u32 s25;
	s1 =	simm.s32 $0x1A080;
	s5 =	simm.s32 $0x50  }
0x28: {  	s7 =	simm.s32 $0x2;
	s9 =	simm.s32 $0x3;
	s10 =	simm.s32 $0x6  }
0x29: {  	s19 =	sadd.s32 s12, s2;
	s20 =	sadd.s32 s14, s2;
	s22 =	sadd.s32 s22, s2  }
0x2a: {  	s24 =	sshrl.u32 s16, $0x2;
	s23 =	sadd.s32 s23, s2;
	s14 =	sadd.s32 $0x1900, s0  }
0x2b: {  	v0 =	vimm.f32 $0.0e+00;
	s0 =	simm.s32 $0x1C880;
	s12 =	simm.s32 $0x0;
	s24 =	sadd.s32 s24, s2  }
.LBB2_1:
0x2c: {  	s4 =	rddreg [dreg:$0xb];
	s13 =	simm.s32 $0x13880  }
0x2d: {  	[tilespmem:s13], [sflag:$0x7] =	stream.linear.gather [hbm4b:s4+s3], $0x3E80, $0x38;
	[tilespmem:$0x1F080] =	vst v63  }
0x2e: {  	_ =	swait.ge [sflag:s30], $0x3E80  }
0x2f: {  	[sflag:s30] =	ssyncset.done $0x0  }
0x30: {  	s4 =	simm.s32 $0x0;
	s13 =	simm.s32 $0x200;
	[sflag:s30] =	ssyncadd.s32 $0xFFFFC180  }
.LBB2_2:
0x31: {  	p1 =	sne.s32 s13, $0x9E00;
	[tilespmem:s4+$0x178F0] =	vst v0  }
0x32: {  	[tilespmem:s4+$0x17880] =	vst v0  }
0x33: {  	[tilespmem:s4+$0x17890] =	vst v0  }
.Ltmp0:
0x34: {  	[tilespmem:s4+$0x178A0] =	vst v0;
	(pc) =	sbr.rel @p1 .LBB2_2-.Ltmp0, $4  }
0x35: {  	[tilespmem:s4+$0x178B0] =	vst v0  }
0x36: {  	[tilespmem:s4+$0x178C0] =	vst v0  }
0x37: {  	[tilespmem:s4+$0x178D0] =	vst v0  }
0x38: {  	[tilespmem:s4+$0x178E0] =	vst v0;
	s4 =	sshra.s32 s13, $0x2;
	s13 =	sadd.s32 $0x200, s13  }
0x39: {  	[tilespmem:s4+$0x178F0] =	vst v0  }
0x3a: {  	[tilespmem:s4+$0x17880] =	vst v0  }
0x3b: {  	[tilespmem:s4+$0x17890] =	vst v0  }
0x3c: {  	[tilespmem:s4+$0x178A0] =	vst v0  }
0x3d: {  	[tilespmem:s4+$0x178B0] =	vst v0  }
0x3e: {  	[tilespmem:s4+$0x178C0] =	vst v0  }
0x3f: {  	[tilespmem:s4+$0x178D0] =	vst v0  }
0x40: {  	[tilespmem:s4+$0x178E0] =	vst v0  }
0x41: {  	[spmem:s17] =	stream.linear.scatter [tilespmem:s31], [sflag:$0x7], $0x2800, $0x38;
	[tilespmem:$0x1F080] =	vst v63  }
0x42: {  	_ =	swait.ge [sflag:s30], $0x2800  }
0x43: {  	[sflag:s30] =	ssyncset.done $0x0  }
0x44: {  	[sflag:s30] =	ssyncadd.s32 $0xFFFFD800  }
0x45: {  	[spmem:s18] =	stream.linear.scatter [tilespmem:s31], [sflag:$0x7], $0x2800, $0x38;
	[tilespmem:$0x1F080] =	vst v63  }
0x46: {  	_ =	swait.ge [sflag:s30], $0x2800  }
0x47: {  	[sflag:s30] =	ssyncset.done $0x0  }
0x48: {  	[sflag:s30] =	ssyncadd.s32 $0xFFFFD800  }
0x49: {  	[spmem:s19] =	stream.linear.scatter [tilespmem:s31], [sflag:$0x7], $0x2800, $0x38;
	[tilespmem:$0x1F080] =	vst v63  }
0x4a: {  	_ =	swait.ge [sflag:s30], $0x2800  }
0x4b: {  	[sflag:s30] =	ssyncset.done $0x0  }
0x4c: {  	[sflag:s30] =	ssyncadd.s32 $0xFFFFD800  }
0x4d: {  	[spmem:s20] =	stream.linear.scatter [tilespmem:s31], [sflag:$0x7], $0x2800, $0x38;
	[tilespmem:$0x1F080] =	vst v63  }
0x4e: {  	_ =	swait.ge [sflag:s30], $0x2800  }
0x4f: {  	[sflag:s30] =	ssyncset.done $0x0  }
0x50: {  	[sflag:s30] =	ssyncadd.s32 $0xFFFFD800  }
0x51: {  	[spmem:s21] =	stream.linear.scatter [tilespmem:s31], [sflag:$0x7], $0x2800, $0x38;
	[tilespmem:$0x1F080] =	vst v63  }
0x52: {  	_ =	swait.ge [sflag:s30], $0x2800  }
0x53: {  	[sflag:s30] =	ssyncset.done $0x0  }
0x54: {  	[sflag:s30] =	ssyncadd.s32 $0xFFFFD800  }
0x55: {  	[spmem:s22] =	stream.linear.scatter [tilespmem:s31], [sflag:$0x7], $0x2800, $0x38;
	[tilespmem:$0x1F080] =	vst v63  }
0x56: {  	_ =	swait.ge [sflag:s30], $0x2800  }
0x57: {  	[sflag:s30] =	ssyncset.done $0x0  }
0x58: {  	[sflag:s30] =	ssyncadd.s32 $0xFFFFD800  }
0x59: {  	[spmem:s23] =	stream.linear.scatter [tilespmem:s31], [sflag:$0x7], $0x2800, $0x38;
	[tilespmem:$0x1F080] =	vst v63  }
0x5a: {  	_ =	swait.ge [sflag:s30], $0x2800  }
0x5b: {  	[sflag:s30] =	ssyncset.done $0x0  }
0x5c: {  	s4 =	simm.s32 @!p0 $0x17880;
	[sflag:s30] =	ssyncadd.s32 $0xFFFFD800  }
0x5d: {  	[spmem:s24] =	stream.linear.scatter @!p0 [tilespmem:s4], [sflag:$0x7], $0x2800, $0x38;
	[tilespmem:$0x1F080] =	vst v63  }
0x5e: {  	s4 =	simm.s32 @!p0 $0x7  }
0x5f: {  	_ =	swait.ge @!p0 [sflag:s4], $0x2800  }
0x60: {  	[sflag:s4] =	ssyncset.done @!p0 $0x0  }
0x61: {  	[sflag:s4] =	ssyncadd.s32 @!p0 $0xFFFFD800  }
0x62: {  	s15 =	simm.s32 $0x0;
	[bflag:$0x0] =	sbarrier.arrive $0xFFFF  }
0x63: {  	[tilespmem:s31], [sflag:$0x1] =	stream.linear.gather [hbm4b:s26+s15], $0x2800, $0x38;
	[tilespmem:$0x1F080] =	vst v63  }
0x64: {  	s13 =	rddreg [dreg:$0xc]  }
0x65: {  	[tilespmem:s1], [sflag:$0x2] =	stream.linear.gather [hbm4b:s13+s15], $0x2800, $0x38;
	[tilespmem:$0x1F080] =	vst v63  }
0x66: {  	s16 =	rddreg [dreg:$0xd]  }
0x67: {  	[tilespmem:s0], [sflag:$0x3] =	stream.linear.gather [hbm4b:s16+s15], $0x2800, $0x38;
	[tilespmem:$0x1F080] =	vst v63  }
0x68: {  	_ =	swait.ge [sflag:s29], $0x2800  }
0x69: {  	[sflag:s29] =	ssyncset.done $0x0  }
0x6a: {  	s25 =	simm.s32 $0x13880;
	[sflag:s29] =	ssyncadd.s32 $0xFFFFD800  }
0x6b: {  	[spmem:s2] =	stream.indirect.scatter.add.f32 [tilespmem:s31], [sflag:$0x4], $0x80, s25, s5, $0xb8;
	[tilespmem:$0x1F080] =	vst v63  }
0x6c: {  	_ =	swait.ge [sflag:s6], $0x2800  }
0x6d: {  	[sflag:s6] =	ssyncset.done $0x0  }
0x6e: {  	s13 =	sadd.s32 $0xFFFFF600, s14;
	[sflag:s6] =	ssyncadd.s32 $0xFFFFD800  }
0x6f: {  	[tilespmem:s31], [sflag:$0x1] =	stream.linear.gather [hbm4b:s13+s3], $0x2800, $0x38;
	[tilespmem:$0x1F080] =	vst v63  }
0x70: {  	_ =	swait.ge [sflag:s7], $0x2800  }
0x71: {  	[sflag:s7] =	ssyncset.done $0x0  }
0x72: {  	s15 =	simm.s32 $0x13900;
	[sflag:s7] =	ssyncadd.s32 $0xFFFFD800  }
0x73: {  	[spmem:s2] =	stream.indirect.scatter.add.f32 [tilespmem:s1], [sflag:$0x5], $0x80, s15, s5, $0xb8;
	[tilespmem:$0x1F080] =	vst v63  }
0x74: {  	_ =	swait.ge [sflag:s8], $0x2800  }
0x75: {  	[sflag:s8] =	ssyncset.done $0x0  }
0x76: {  	s16 =	sadd.s32 $0xFFFFFB00, s14;
	[sflag:s8] =	ssyncadd.s32 $0xFFFFD800  }
0x77: {  	[tilespmem:s1], [sflag:$0x2] =	stream.linear.gather [hbm4b:s16+s3], $0x2800, $0x38;
	[tilespmem:$0x1F080] =	vst v63  }
0x78: {  	_ =	swait.ge [sflag:s9], $0x2800  }
0x79: {  	[sflag:s9] =	ssyncset.done $0x0  }
0x7a: {  	s25 =	simm.s32 $0x13980;
	[sflag:s9] =	ssyncadd.s32 $0xFFFFD800  }
0x7b: {  	[spmem:s2] =	stream.indirect.scatter.add.f32 [tilespmem:s0], [sflag:$0x6], $0x80, s25, s5, $0xb8;
	[tilespmem:$0x1F080] =	vst v63  }
0x7c: {  	_ =	swait.ge [sflag:s10], $0x2800  }
0x7d: {  	s4 =	simm.s32 $0x600;
	[sflag:s10] =	ssyncset.done $0x0  }
0x7e: {  	s13 =	sadd.s32 $0xF00, s14;
	s25 =	smov.u32 s14;
	[sflag:s10] =	ssyncadd.s32 $0xFFFFD800  }
.LBB2_4:
0x7f: {  	[tilespmem:s0], [sflag:$0x3] =	stream.linear.gather [hbm4b:s25+s3], $0x2800, $0x38;
	[tilespmem:$0x1F080] =	vst v63  }
0x80: {  	s25 =	smov.u32 s4;
	s4 =	sadd.s32 $0x600, s4;
	_ =	swait.ge [sflag:s29], $0x2800  }
0x81: {  	s15 =	sshra.s32 s25, $0x2;
	p1 =	sne.s32 s4, $0xF000;
	[sflag:s29] =	ssyncset.done $0x0  }
0x82: {  	s25 =	smov.u32 s13;
	s16 =	sadd.s32 $0x13880, s15;
	[sflag:s29] =	ssyncadd.s32 $0xFFFFD800  }
0x83: {  	[spmem:s2] =	stream.indirect.scatter.add.f32 [tilespmem:s31], [sflag:$0x4], $0x80, s16, s5, $0xb8;
	[tilespmem:$0x1F080] =	vst v63  }
0x84: {  	_ =	swait.ge [sflag:s6], $0x2800  }
0x85: {  	[sflag:s6] =	ssyncset.done $0x0  }
0x86: {  	s16 =	sadd.s32 $0xFFFFF600, s13;
	[sflag:s6] =	ssyncadd.s32 $0xFFFFD800  }
0x87: {  	[tilespmem:s31], [sflag:$0x1] =	stream.linear.gather [hbm4b:s16+s3], $0x2800, $0x38;
	[tilespmem:$0x1F080] =	vst v63  }
0x88: {  	_ =	swait.ge [sflag:s7], $0x2800  }
0x89: {  	[sflag:s7] =	ssyncset.done $0x0  }
0x8a: {  	s16 =	sadd.s32 $0x13900, s15;
	[sflag:s7] =	ssyncadd.s32 $0xFFFFD800  }
0x8b: {  	[spmem:s2] =	stream.indirect.scatter.add.f32 [tilespmem:s1], [sflag:$0x5], $0x80, s16, s5, $0xb8;
	[tilespmem:$0x1F080] =	vst v63  }
0x8c: {  	_ =	swait.ge [sflag:s8], $0x2800  }
0x8d: {  	[sflag:s8] =	ssyncset.done $0x0  }
0x8e: {  	s16 =	sadd.s32 $0xFFFFFB00, s13;
	[sflag:s8] =	ssyncadd.s32 $0xFFFFD800  }
0x8f: {  	[tilespmem:s1], [sflag:$0x2] =	stream.linear.gather [hbm4b:s16+s3], $0x2800, $0x38;
	[tilespmem:$0x1F080] =	vst v63  }
0x90: {  	_ =	swait.ge [sflag:s9], $0x2800  }
0x91: {  	[sflag:s9] =	ssyncset.done $0x0  }
.Ltmp1:
0x92: {  	s15 =	sadd.s32 $0x13980, s15;
	[sflag:s9] =	ssyncadd.s32 $0xFFFFD800;
	(pc) =	sbr.rel @p1 .LBB2_4-.Ltmp1, $4  }
0x93: {  	[spmem:s2] =	stream.indirect.scatter.add.f32 [tilespmem:s0], [sflag:$0x6], $0x80, s15, s5, $0xb8;
	[tilespmem:$0x1F080] =	vst v63  }
0x94: {  	_ =	swait.ge [sflag:s10], $0x2800  }
0x95: {  	[sflag:s10] =	ssyncset.done $0x0  }
0x96: {  	s13 =	sadd.s32 $0xF00, s13;
	[sflag:s10] =	ssyncadd.s32 $0xFFFFD800  }
0x97: {  	[tilespmem:s0], [sflag:$0x3] =	stream.linear.gather [hbm4b:s25+s3], $0x2800, $0x38;
	[tilespmem:$0x1F080] =	vst v63  }
0x98: {  	_ =	swait.ge [sflag:s29], $0x2800  }
0x99: {  	s4 =	sshra.s32 s4, $0x2;
	[sflag:s29] =	ssyncset.done $0x0  }
0x9a: {  	s13 =	sadd.s32 $0x13880, s4;
	[sflag:s29] =	ssyncadd.s32 $0xFFFFD800  }
0x9b: {  	[spmem:s2] =	stream.indirect.scatter.add.f32 [tilespmem:s31], [sflag:$0x4], $0x80, s13, s5, $0xb8;
	[tilespmem:$0x1F080] =	vst v63  }
0x9c: {  	_ =	swait.ge [sflag:s6], $0x2800  }
0x9d: {  	[sflag:s6] =	ssyncset.done $0x0  }
0x9e: {  	s25 =	rddreg [dreg:$0xf];
	[sflag:s6] =	ssyncadd.s32 $0xFFFFD800  }
0x9f: {  	[tilespmem:s31], [sflag:$0x1] =	stream.linear.gather [hbm4b:s25+s3], $0x2800, $0x38;
	[tilespmem:$0x1F080] =	vst v63  }
0xa0: {  	_ =	swait.ge [sflag:s7], $0x2800  }
0xa1: {  	[sflag:s7] =	ssyncset.done $0x0  }
0xa2: {  	s15 =	sadd.s32 $0x13900, s4;
	[sflag:s7] =	ssyncadd.s32 $0xFFFFD800  }
0xa3: {  	[spmem:s2] =	stream.indirect.scatter.add.f32 [tilespmem:s1], [sflag:$0x5], $0x80, s15, s5, $0xb8;
	[tilespmem:$0x1F080] =	vst v63  }
0xa4: {  	_ =	swait.ge [sflag:s8], $0x2800  }
0xa5: {  	[sflag:s8] =	ssyncset.done $0x0  }
0xa6: {  	[sflag:s8] =	ssyncadd.s32 $0xFFFFD800  }
0xa7: {  	[tilespmem:s1], [sflag:$0x2] =	stream.linear.gather [hbm4b:s28+s3], $0x2800, $0x38;
	[tilespmem:$0x1F080] =	vst v63  }
0xa8: {  	_ =	swait.ge [sflag:s9], $0x2800  }
0xa9: {  	[sflag:s9] =	ssyncset.done $0x0  }
0xaa: {  	s4 =	sadd.s32 $0x13980, s4;
	[sflag:s9] =	ssyncadd.s32 $0xFFFFD800  }
0xab: {  	[spmem:s2] =	stream.indirect.scatter.add.f32 [tilespmem:s0], [sflag:$0x6], $0x80, s4, s5, $0xb8;
	[tilespmem:$0x1F080] =	vst v63  }
0xac: {  	_ =	swait.ge [sflag:s29], $0x2800  }
0xad: {  	[sflag:s29] =	ssyncset.done $0x0  }
0xae: {  	s16 =	simm.s32 $0x17600;
	[sflag:s29] =	ssyncadd.s32 $0xFFFFD800  }
0xaf: {  	[spmem:s2] =	stream.indirect.scatter.add.f32 [tilespmem:s31], [sflag:$0x4], $0x80, s16, s5, $0xb8;
	[tilespmem:$0x1F080] =	vst v63  }
0xb0: {  	_ =	swait.ge [sflag:s7], $0x2800  }
0xb1: {  	[sflag:s7] =	ssyncset.done $0x0  }
0xb2: {  	s25 =	simm.s32 $0x17680;
	[sflag:s7] =	ssyncadd.s32 $0xFFFFD800  }
0xb3: {  	[spmem:s2] =	stream.indirect.scatter.add.f32 [tilespmem:s1], [sflag:$0x5], $0x80, s25, s5, $0xb8;
	[tilespmem:$0x1F080] =	vst v63  }
0xb4: {  	_ =	swait.ge [sflag:s6], $0x2800  }
0xb5: {  	[sflag:s6] =	ssyncset.done $0x0  }
0xb6: {  	[sflag:s6] =	ssyncadd.s32 $0xFFFFD800  }
0xb7: {  	_ =	swait.ge [sflag:s8], $0x2800  }
0xb8: {  	[sflag:s8] =	ssyncset.done $0x0  }
0xb9: {  	[sflag:s8] =	ssyncadd.s32 $0xFFFFD800  }
0xba: {  	_ =	swait.ge [sflag:s10], $0x2800  }
0xbb: {  	[sflag:s10] =	ssyncset.done $0x0  }
0xbc: {  	[sflag:s10] =	ssyncadd.s32 $0xFFFFD800  }
0xbd: {  	[bflag:$0x0] =	sbarrier.arrive $0xFFFF  }
0xbe: {  	[tilespmem:s31], [sflag:$0x8] =	stream.linear.gather [spmem:s17], $0x2800, $0x38;
	[tilespmem:$0x1F080] =	vst v63  }
0xbf: {  	_ =	swait.ge [sflag:s11], $0x2800  }
0xc0: {  	[sflag:s11] =	ssyncset.done $0x0  }
0xc1: {  	s13 =	rddreg [dreg:$0x3];
	[sflag:s11] =	ssyncadd.s32 $0xFFFFD800  }
0xc2: {  	[hbm4b:s13+s3] =	stream.linear.scatter [tilespmem:s31], [sflag:$0x7], $0x2800, $0x38;
	[tilespmem:$0x1F080] =	vst v63  }
0xc3: {  	_ =	swait.ge [sflag:s30], $0x2800  }
0xc4: {  	[sflag:s30] =	ssyncset.done $0x0  }
0xc5: {  	[sflag:s30] =	ssyncadd.s32 $0xFFFFD800  }
0xc6: {  	[tilespmem:s31], [sflag:$0x8] =	stream.linear.gather [spmem:s18], $0x2800, $0x38;
	[tilespmem:$0x1F080] =	vst v63  }
0xc7: {  	_ =	swait.ge [sflag:s11], $0x2800  }
0xc8: {  	[sflag:s11] =	ssyncset.done $0x0  }
0xc9: {  	s15 =	rddreg [dreg:$0x4];
	[sflag:s11] =	ssyncadd.s32 $0xFFFFD800  }
0xca: {  	[hbm4b:s15+s3] =	stream.linear.scatter [tilespmem:s31], [sflag:$0x7], $0x2800, $0x38;
	[tilespmem:$0x1F080] =	vst v63  }
0xcb: {  	_ =	swait.ge [sflag:s30], $0x2800  }
0xcc: {  	[sflag:s30] =	ssyncset.done $0x0  }
0xcd: {  	[sflag:s30] =	ssyncadd.s32 $0xFFFFD800  }
0xce: {  	[tilespmem:s31], [sflag:$0x8] =	stream.linear.gather [spmem:s19], $0x2800, $0x38;
	[tilespmem:$0x1F080] =	vst v63  }
0xcf: {  	_ =	swait.ge [sflag:s11], $0x2800  }
0xd0: {  	[sflag:s11] =	ssyncset.done $0x0  }
0xd1: {  	s16 =	rddreg [dreg:$0x5];
	[sflag:s11] =	ssyncadd.s32 $0xFFFFD800  }
0xd2: {  	[hbm4b:s16+s3] =	stream.linear.scatter [tilespmem:s31], [sflag:$0x7], $0x2800, $0x38;
	[tilespmem:$0x1F080] =	vst v63  }
0xd3: {  	_ =	swait.ge [sflag:s30], $0x2800  }
0xd4: {  	[sflag:s30] =	ssyncset.done $0x0  }
0xd5: {  	[sflag:s30] =	ssyncadd.s32 $0xFFFFD800  }
0xd6: {  	[tilespmem:s31], [sflag:$0x8] =	stream.linear.gather [spmem:s20], $0x2800, $0x38;
	[tilespmem:$0x1F080] =	vst v63  }
0xd7: {  	_ =	swait.ge [sflag:s11], $0x2800  }
0xd8: {  	[sflag:s11] =	ssyncset.done $0x0  }
0xd9: {  	s25 =	rddreg [dreg:$0x6];
	[sflag:s11] =	ssyncadd.s32 $0xFFFFD800  }
0xda: {  	[hbm4b:s25+s3] =	stream.linear.scatter [tilespmem:s31], [sflag:$0x7], $0x2800, $0x38;
	[tilespmem:$0x1F080] =	vst v63  }
0xdb: {  	_ =	swait.ge [sflag:s30], $0x2800  }
0xdc: {  	[sflag:s30] =	ssyncset.done $0x0  }
0xdd: {  	[sflag:s30] =	ssyncadd.s32 $0xFFFFD800  }
0xde: {  	[tilespmem:s31], [sflag:$0x8] =	stream.linear.gather [spmem:s21], $0x2800, $0x38;
	[tilespmem:$0x1F080] =	vst v63  }
0xdf: {  	_ =	swait.ge [sflag:s11], $0x2800  }
0xe0: {  	[sflag:s11] =	ssyncset.done $0x0  }
0xe1: {  	s13 =	rddreg [dreg:$0x7];
	[sflag:s11] =	ssyncadd.s32 $0xFFFFD800  }
0xe2: {  	[hbm4b:s13+s3] =	stream.linear.scatter [tilespmem:s31], [sflag:$0x7], $0x2800, $0x38;
	[tilespmem:$0x1F080] =	vst v63  }
0xe3: {  	_ =	swait.ge [sflag:s30], $0x2800  }
0xe4: {  	[sflag:s30] =	ssyncset.done $0x0  }
0xe5: {  	[sflag:s30] =	ssyncadd.s32 $0xFFFFD800  }
0xe6: {  	[tilespmem:s31], [sflag:$0x8] =	stream.linear.gather [spmem:s22], $0x2800, $0x38;
	[tilespmem:$0x1F080] =	vst v63  }
0xe7: {  	_ =	swait.ge [sflag:s11], $0x2800  }
0xe8: {  	[sflag:s11] =	ssyncset.done $0x0  }
0xe9: {  	s15 =	rddreg [dreg:$0x8];
	[sflag:s11] =	ssyncadd.s32 $0xFFFFD800  }
0xea: {  	[hbm4b:s15+s3] =	stream.linear.scatter [tilespmem:s31], [sflag:$0x7], $0x2800, $0x38;
	[tilespmem:$0x1F080] =	vst v63  }
0xeb: {  	_ =	swait.ge [sflag:s30], $0x2800  }
0xec: {  	[sflag:s30] =	ssyncset.done $0x0  }
0xed: {  	[sflag:s30] =	ssyncadd.s32 $0xFFFFD800  }
0xee: {  	[tilespmem:s31], [sflag:$0x8] =	stream.linear.gather [spmem:s23], $0x2800, $0x38;
	[tilespmem:$0x1F080] =	vst v63  }
0xef: {  	_ =	swait.ge [sflag:s11], $0x2800  }
0xf0: {  	[sflag:s11] =	ssyncset.done $0x0  }
0xf1: {  	s16 =	rddreg [dreg:$0x9];
	[sflag:s11] =	ssyncadd.s32 $0xFFFFD800  }
0xf2: {  	[hbm4b:s16+s3] =	stream.linear.scatter [tilespmem:s31], [sflag:$0x7], $0x2800, $0x38;
	[tilespmem:$0x1F080] =	vst v63  }
0xf3: {  	_ =	swait.ge [sflag:s30], $0x2800  }
0xf4: {  	[sflag:s30] =	ssyncset.done $0x0  }
0xf5: {  	s4 =	simm.s32 @!p0 $0x17880;
	s13 =	simm.s32 @!p0 $0x8;
	[sflag:s30] =	ssyncadd.s32 $0xFFFFD800  }
0xf6: {  	[tilespmem:s4], [sflag:$0x8] =	stream.linear.gather @!p0 [spmem:s24], $0x2800, $0x38;
	[tilespmem:$0x1F080] =	vst v63  }
0xf7: {  	_ =	swait.ge @!p0 [sflag:s13], $0x2800  }
0xf8: {  	[sflag:s13] =	ssyncset.done @!p0 $0x0  }
0xf9: {  	s15 =	rddreg [dreg:$0xa];
	[sflag:s13] =	ssyncadd.s32 @!p0 $0xFFFFD800;
	s13 =	simm.s32 @!p0 $0x0  }
0xfa: {  	[hbm4b:s15+s13] =	stream.linear.scatter @!p0 [tilespmem:s4], [sflag:$0x7], $0x2800, $0x38;
	[tilespmem:$0x1F080] =	vst v63  }
0xfb: {  	s4 =	simm.s32 @!p0 $0x7  }
0xfc: {  	_ =	swait.ge @!p0 [sflag:s4], $0x2800  }
0xfd: {  	s12 =	sadd.s32 $0x1, s12;
	s25 =	rddreg [dreg:$0xe]  }
0xfe: {  	p1 =	sne.s32 s12, s25  }
.Ltmp2:
0xff: {  	_ = 	snop;
	(pc) =	sbr.rel @p1 .LBB2_1-.Ltmp2, $3  }
0x100: {  	_ =	sdelay $0x1  }
0x101: {  	[sflag:s4] =	ssyncset.done @!p0 $0x0  }
0x102: {  	[sflag:s4] =	ssyncadd.s32 @!p0 $0xFFFFD800  }
0x103: {  	_ =	sfence.sel $0x180000  }
0x104: {  	[bflag:$0x0] =	sbarrier.arrive $0xFFFF  }
0x105: {  	_ =	strace $0x90000053  }
0x106: {  	s0 =	stileid.u32;
	[bflag:$0x2] =	sbarrier.arrive $0xFFFF  }
0x107: {  	p0 =	sne.s32 s0, $0x0;
	s0 =	rddreg [dreg:$0x2]  }
0x108: {  	s0 =	sadd.s32 @!p0 $0x100000, s0  }
0x109: {  	[sflag:s0] =	ssyncadd.tile.s32 @!p0 $0x1;
	_ =	shalt  }
.Lfunc_end2:
_tile_overlayer_lowered:
.L_overlay_start_2:
0x10a: {  	(tag) =	ssettag $0x2  }
0x10b: {  	s0 =	rddreg [dreg:$0x0];
	s2 =	stileid.u32  }
0x10c: {  	s1 =	rddreg [dreg:$0x1];
	p0 =	sne.s32 s2, $0x0  }
0x10d: {  	s3 =	rddreg [dreg:$0x2];
	[bflag:$0x3] =	sbarrier.arrive $0xFFFF;
	s2 =	simm.s32 @!p0 $0x1C07  }
0x10e: {  	[timem:s3], [sflag:s2] =	dma.local @!p0 [hbm:s0], s1  }
0x10f: {  	s0 =	simm.s32 @!p0 $0x7  }
0x110: {  	_ =	swait.ge @!p0 [sflag:s0], s1  }
0x111: {  	s1 =	ssub.s32 @!p0 $0x0, s1;
	[sflag:s0] =	ssyncset.done @!p0 $0x0  }
0x112: {  	[sflag:s0] =	ssyncadd.s32 @!p0 s1  }
0x113: {  	[bflag:$0x3] =	sbarrier.arrive $0xFFFF  }
0x114: {  	_ =	shalt  }

// kernel: kernel.32.cloned.1.call-start
scs
__scs_entry_jumppad:
0x0: {  	(pc) =	sbr.rel $0x88, $3  }
0x1: {  	(tag) =	ssettag $0x0;
	lr =	simm.s32 $0x1  }
0x2: {  	[smem:$0x3F97] =	sst lr;
	_ =	strace $0xD0000000  }
0x3: {  	_ = 	snop  }
0x4: {  	_ = 	snop  }
0x5: {  	_ = 	snop  }
0x6: {  	_ = 	snop  }
0x7: {  	_ = 	snop  }
__scs_overlays_trampoline_lowered:
0x8: {  	[smem:$0x3FA6] =	sst s0  }
0x9: {  	[smem:$0x3FA7] =	sst s1  }
0xa: {  	[smem:$0x3FA8] =	sst s2  }
0xb: {  	[smem:$0x3FA9] =	sst s3  }
0xc: {  	[smem:$0x3FAA] =	sst s4  }
0xd: {  	[smem:$0x3FAB] =	sst s5  }
0xe: {  	[smem:$0x3FAC] =	sst s6  }
0xf: {  	[smem:$0x3FAD] =	sst s7  }
0x10: {  	[smem:$0x3FAE] =	sst s8  }
0x11: {  	[smem:$0x3FAF] =	sst s9;
	s0 =	simm.s32 @!p0 $0x0  }
0x12: {  	s1 =	sld [smem:$0x3F95];
	s0 =	simm.s32 @p0 $0x1  }
0x13: {  	[smem:$0x3FB0] =	sst s0;
	s0 =	simm.s32 @!p1 $0x0  }
0x14: {  	s2 =	sld [smem:$0x3F94];
	s0 =	simm.s32 @p1 $0x1  }
0x15: {  	[smem:$0x3FB1] =	sst s0;
	s0 =	simm.s32 @!p2 $0x0  }
0x16: {  	s3 =	sld [smem:$0x3FDB];
	s0 =	simm.s32 @p2 $0x1  }
0x17: {  	s4 =	simm.s32 $0x1BF5;
	[smem:$0x3FB3] =	sst s0  }
0x18: {  	s0 =	sld [smem:$0x3F96];
	_ =	swait.ge [sflag:s4], $0x0  }
0x19: {  	s7 =	sld [smem:$0x3F97]  }
0x1a: {  	s8 =	sadd.s32 $0xFFFFE003, lr  }
0x1b: {  	s9 =	sadd.s32 $0xFFFFFEF7, lr;
	s5 =	simm.s32 $0xFFFFFFFF;
	p2 =	slt.u32 s8, $0xFFFFF086  }
0x1c: {  	p1 =	slt.u32 s9, $0xF7A;
	s5 =	simm.s32 @!p2 $0x0  }
0x1d: {  	s5 =	simm.s32 @p1 $0x1;
	p0 =	seq.s32 s7, s2  }
0x1e: {  	s7 =	smul.u32 @!p0 $0xF7A, s2;
	p2 =	seq.s32 @!p0 s5, $0x0  }
0x1f: {  	s9 =	smul.u32 $0xF7A, s1;
	s8 =	simm.s32 @!p0 $0x1BF5;
	p2 =	por !p2, p0  }
0x20: {  	[sflag:s8] =	ssyncset.s32 @!p0 $0xFFFFF086;
	s6 =	sadd.s32 @!p0 s3, s7;
	s7 =	simm.s32 @!p0 $0x108  }
0x21: {  	s3 =	sadd.s32 s3, s9;
	s6 =	sadd.s32 @!p0 $0x88, s6;
	s7 =	simm.s32 @p2 $0x1082  }
0x22: {  	[simem:s7], [sflag:s8] =	dma.local @!p0 [hbm:s6], $0xF7A  }
0x23: {  	s9 =	sor.u32 $0xD0000000, s2;
	s6 =	simm.s32 $0x108;
	_ =	swait.ge @!p0 [sflag:s8], $0x0  }
0x24: {  	s3 =	sadd.s32 $0x88, s3;
	s6 =	simm.s32 @!p1 $0x1082;
	[sflag:s4] =	ssyncset.s32 $0xFFFFF086  }
0x25: {  	[simem:s6], [sflag:s4] =	dma.local [hbm:s3], $0xF7A  }
0x26: {  	[smem:$0x3F97] =	sst s1;
	(tag) =	ssettag s2;
	_ =	strace s9  }
0x27: {  	s1 =	sld [smem:$0x3FA7]  }
0x28: {  	s2 =	sld [smem:$0x3FA8]  }
0x29: {  	s4 =	sld [smem:$0x3FAA]  }
0x2a: {  	p0 =	seq.s32 s5, $0x0;
	s5 =	sld [smem:$0x3FAB]  }
0x2b: {  	s6 =	sld [smem:$0x3FAC]  }
0x2c: {  	s7 =	sld [smem:$0x3FAD]  }
0x2d: {  	s3 =	simm.s32 $0x108;
	s8 =	sld [smem:$0x3FAE]  }
0x2e: {  	s3 =	simm.s32 @!p0 $0x1082;
	s9 =	sld [smem:$0x3FAF]  }
0x2f: {  	lr =	sadd.s32 s0, s3;
	s0 =	sld [smem:$0x3FA6]  }
0x30: {  	s3 =	sld [smem:$0x3FA9]  }
0x31: {  	[smem:$0x3FB2] =	sst s10  }
0x32: {  	s10 =	sld [smem:$0x3FB0];
	_ =	sdelay $0x3  }
0x33: {  	p0 =	seq.s32 s10, $0x1;
	s10 =	sld [smem:$0x3FB2];
	_ =	sdelay $0x3  }
0x34: {  	[smem:$0x3FB2] =	sst s10  }
0x35: {  	s10 =	sld [smem:$0x3FB1];
	_ =	sdelay $0x3  }
0x36: {  	p1 =	seq.s32 s10, $0x1;
	s10 =	sld [smem:$0x3FB2];
	_ =	sdelay $0x3  }
0x37: {  	[smem:$0x3FB2] =	sst s10  }
0x38: {  	s10 =	sld [smem:$0x3FB3]  }
0x39: {  	_ = 	snop;
	(pc) =	sbr.ind lr, $3  }
0x3a: {  	_ = 	snop  }
0x3b: {  	_ = 	snop  }
0x3c: {  	p2 =	seq.s32 s10, $0x1;
	s10 =	sld [smem:$0x3FB2]  }
0x3d: {  	_ =	shalt  }
0x3e: {  	_ =	shalt  }
0x3f: {  	_ =	shalt  }
0x40: {  	_ =	shalt  }
0x41: {  	_ =	shalt  }
0x42: {  	_ =	shalt  }
0x43: {  	_ =	shalt  }
0x44: {  	_ =	shalt  }
0x45: {  	_ =	shalt  }
0x46: {  	_ =	shalt  }
0x47: {  	_ =	shalt  }
0x48: {  	_ =	shalt  }
0x49: {  	_ =	shalt  }
0x4a: {  	_ =	shalt  }
0x4b: {  	_ =	shalt  }
0x4c: {  	_ =	shalt  }
0x4d: {  	_ =	shalt  }
0x4e: {  	_ =	shalt  }
0x4f: {  	_ =	shalt  }
0x50: {  	_ =	shalt  }
0x51: {  	_ =	shalt  }
0x52: {  	_ =	shalt  }
0x53: {  	_ =	shalt  }
0x54: {  	_ =	shalt  }
0x55: {  	_ =	shalt  }
0x56: {  	_ =	shalt  }
0x57: {  	_ =	shalt  }
0x58: {  	_ =	shalt  }
0x59: {  	_ =	shalt  }
0x5a: {  	_ =	shalt  }
0x5b: {  	_ =	shalt  }
0x5c: {  	_ =	shalt  }
0x5d: {  	_ =	shalt  }
0x5e: {  	_ =	shalt  }
0x5f: {  	_ =	shalt  }
0x60: {  	_ =	shalt  }
0x61: {  	_ =	shalt  }
0x62: {  	_ =	shalt  }
0x63: {  	_ =	shalt  }
0x64: {  	_ =	shalt  }
0x65: {  	_ =	shalt  }
0x66: {  	_ =	shalt  }
0x67: {  	_ =	shalt  }
0x68: {  	_ =	shalt  }
0x69: {  	_ =	shalt  }
0x6a: {  	_ =	shalt  }
0x6b: {  	_ =	shalt  }
0x6c: {  	_ =	shalt  }
0x6d: {  	_ =	shalt  }
0x6e: {  	_ =	shalt  }
0x6f: {  	_ =	shalt  }
0x70: {  	_ =	shalt  }
0x71: {  	_ =	shalt  }
0x72: {  	_ =	shalt  }
0x73: {  	_ =	shalt  }
0x74: {  	_ =	shalt  }
0x75: {  	_ =	shalt  }
0x76: {  	_ =	shalt  }
0x77: {  	_ =	shalt  }
0x78: {  	_ =	shalt  }
0x79: {  	_ =	shalt  }
0x7a: {  	_ =	shalt  }
0x7b: {  	_ =	shalt  }
0x7c: {  	_ =	shalt  }
0x7d: {  	_ =	shalt  }
0x7e: {  	_ =	shalt  }
0x7f: {  	_ =	shalt  }
0x80: {  	_ =	shalt  }
0x81: {  	_ =	shalt  }
0x82: {  	_ =	shalt  }
0x83: {  	_ =	shalt  }
0x84: {  	_ =	shalt  }
0x85: {  	_ =	shalt  }
0x86: {  	_ =	shalt  }
0x87: {  	_ =	shalt  }
.Lfunc_end0:
.L_simem_size_0:
called_computation.5_lowered:
.L_overlay_start_0:
0x88: {  	s2 =	sld [smem:$0x3FD9]  }
0x89: {  	s3 =	sld [smem:$0x3FFE];
	_ =	sdelay $0x1  }
0x8a: {  	s1 =	srdreg.scid  }
0x8b: {  	s0 =	sand.u32 $0x1, s1  }
0x8c: {  	s17 =	sshll.u32 s0, $0xA;
	s2 =	sadd.s32 s3, s2  }
0x8d: {  	s2 =	sadd.s32 s2, s17  }
0x8e: {  	[smem:$0x3FBE] =	sst s2  }
0x8f: {  	_ = 	snop  }
0x90: {  	(tm) =	ssettm $0x1  }
0x91: {  	s18 =	sld [smem:$0x3FFB];
	_ =	sdelay $0x3  }
0x92: {  	_ =	strace s18  }
0x93: {  	s2 =	sld [smem:$0x3FFC];
	_ =	sdelay $0x3  }
0x94: {  	_ =	strace s2  }
0x95: {  	s2 =	sld [smem:$0x3FFD];
	_ =	sdelay $0x3  }
0x96: {  	_ =	strace s2  }
0x97: {  	_ =	strace $0x8FFFFFFF  }
0x98: {  	s19 =	sld [smem:$0x3FDB];
	_ =	sdelay $0x1  }
0x99: {  	s20 =	simm.s32 $_scs_section_size  }
0x9a: {  	s4 =	simm.s32 $_size__tile_overlayer_lowered;
	s5 =	simm.s32 $_tile_overlayer_lowered  }
0x9b: {  	s6 =	simm.s32 $0x1BFF;
	s21 =	sshll.u32 s5, $0x1;
	s3 =	sadd.s32 s20, s19  }
0x9c: {  	s22 =	simm.s32 $0x0;
	s4 =	sshll.u32 s4, $0x1;
	s5 =	sadd.s32 s21, s3  }
0x9d: {  	[timem:s22], [sflag:s6] =	dma.local [hbm:s5], s4  }
0x9e: {  	_ =	swait.ge [sflag:s6], s4  }
0x9f: {  	s4 =	ssub.s32 $0x0, s4;
	[sflag:s6] =	ssyncset.done $0x0  }
0xa0: {  	[sflag:s6] =	ssyncadd.s32 s4;
	_ =	sdelay $0x1  }
0xa1: {  	s23 =	simm.s32 $0x1B8B  }
0xa2: {  	_ =	swait.ge [sflag:s23], $0x1  }
0xa3: {  	[sflag:s23] =	ssyncset.done $0x0  }
0xa4: {  	[sflag:s23] =	ssyncadd.s32 $0xFFFFFFFF  }
0xa5: {  	s4 =	sld [smem:$0x0]  }
0xa6: {  	s5 =	sand.u32 $0xFFFFFFFE, s1  }
0xa7: {  	p0 =	sne.s32 s1, s5  }
0xa8: {  	s5 =	sshll.u32 @p0 s5, $0xE  }
0xa9: {  	s5 =	sadd.s32 @p0 $0x11B8D, s5;
	s6 =	sshll.u32 @p0 s4, $0x11  }
0xaa: {  	s5 =	sor.u32 @p0 s6, s5  }
0xab: {  	[sflag:s5] =	ssyncadd.remote.s32 @p0 $0x1;
	_ =	sdelay $0x1  }
0xac: {  	s5 =	simm.s32 @p0 $0x1B8D  }
0xad: {  	_ =	swait.eq @p0 [sflag:s5], $0x1  }
0xae: {  	[sflag:s5] =	ssyncadd.s32 @p0 $0xFFFFFFFF  }
0xaf: {  	s6 =	sshll.u32 @!p0 s1, $0xE  }
0xb0: {  	s6 =	sor.u32 @!p0 $0x4000, s6;
	s5 =	simm.s32 @!p0 $0x1B8D  }
0xb1: {  	s4 =	sshll.u32 @!p0 s4, $0x11;
	s6 =	sadd.s32 @!p0 $0x11B8D, s6;
	_ =	swait.eq @!p0 [sflag:s5], $0x1  }
0xb2: {  	s4 =	sor.u32 @!p0 s4, s6;
	[sflag:s5] =	ssyncadd.s32 @!p0 $0xFFFFFFFF  }
0xb3: {  	s25 =	simm.s32 $0x1B8E;
	s24 =	sld [smem:$0x3FFE];
	[sflag:s4] =	ssyncadd.remote.s32 @!p0 $0x1  }
0xb4: {  	s26 =	simm.s32 $execute0_lowered;
	[smem:$0x3FD2] =	sst s25  }
0xb5: {  	s5 =	sshll.u32 s26, $0x1;
	_ =	strace $0x80000058;
	[dreg:$0x1] =	wrdreg $0xFFFFFFFF  }
0xb6: {  	s28 =	simm.s32 $_size_execute0_lowered;
	s3 =	sadd.s32 s3, s5;
	[dreg:$0x0] =	wrdreg $0x0  }
0xb7: {  	s5 =	sshll.u32 s28, $0x1;
	[dreg:$0x2] =	wrdreg s3  }
0xb8: {  	[dreg:$0x3] =	wrdreg s5  }
0xb9: {  	[dreg:$0x4] =	wrdreg $0xC0  }
0xba: {  	_ =	task [dreg:s22], $0x5FFFF  }
0xbb: {  	[dreg:$0x1] =	wrdreg $0xFFFFFFFF  }
0xbc: {  	[dreg:$0x0] =	wrdreg $0x60  }
0xbd: {  	[dreg:$0x2] =	wrdreg s24  }
0xbe: {  	[dreg:$0x3] =	wrdreg $0xA  }
0xbf: {  	_ =	task.clear_ibuf [dreg:s22], $0x4FFFF;
	_ =	strace $0x90000058  }
0xc0: {  	s29 =	simm.s32 $0xA;
	_ =	strace $0x8000005A  }
0xc1: {  	_ =	swait.ge [sflag:s29], $0x1  }
0xc2: {  	[sflag:s29] =	ssyncadd.s32 $0xFFFFFFFF  }
0xc3: {  	_ =	strace $0x9000005A  }
0xc4: {  	_ =	sfence  }
0xc5: {  	s30 =	sld [smem:$0x0];
	_ =	sdelay $0x2  }
0xc6: {  	s31 =	sshll.u32 s1, $0xD;
	s1 =	sshrl.u32 s1, $0x2  }
0xc7: {  	s4 =	sand.u32 $0x4000, s31;
	s1 =	sadd.s32 s1, s30  }
0xc8: {  	s0 =	sor.u32 s4, s0;
	s1 =	sshll.u32 s1, $0x11  }
0xc9: {  	s0 =	sor.u32 s1, s0  }
0xca: {  	s0 =	sadd.s32 $0x8F2B, s0  }
0xcb: {  	[sflag:s0] =	ssyncadd.remote.s32 $0x1  }
0xcc: {  	_ =	sfence.sel $0xFFFF  }
0xcd: {  	[dreg:$0x0] =	wrdreg $0xFFFFFFFF;
	(pc) =	sbr.abs _section_cstart, $3  }
0xce: {  	[dreg:$0x1] =	wrdreg $0xFFFFFFFF  }
0xcf: {  	_ =	task.clear_ibuf [dreg:s22], $0x2FFFF;
	_ =	strace $0x9FFFFFFF  }
0xd0: {  	(tm) =	ssettm $0x7FFFFFFF  }
0xd1: {  	_ =	shalt  }
tec
execute0_lowered:
.L_overlay_start_1:
0x0: {  	(tag) =	ssettag $0x1  }
0x1: {  	s4 =	rddreg [dreg:$0x0]  }
0x2: {  	s0 =	rddreg [dreg:$0x1];
	s1 =	simm.s32 $0x0;
	s5 =	srdreg.scid  }
0x3: {  	s2 =	stileid.u32;
	s9 =	simm.s32 $0x4000;
	s10 =	simm.s32 $0x80  }
0x4: {  	s11 =	simm.s32 $0x6800;
	s12 =	simm.s32 $0x100;
	s13 =	simm.s32 $0x9000  }
0x5: {  	s14 =	simm.s32 $0x180;
	s15 =	simm.s32 $0xB800;
	s16 =	simm.s32 $0x1  }
0x6: {  	s17 =	simm.s32 $0x5;
	s18 =	simm.s32 $0x6;
	s19 =	simm.s32 $0x7  }
0x7: {  	s20 =	simm.s32 $0x8;
	s21 =	simm.s32 $0x4;
	s22 =	simm.s32 $0x0  }
0x8: {  	[smem:$0x7FF] =	sst s1;
	s5 =	sand.u32 $0x1, s5;
	s29 =	smul.u32 $0x27100, s2  }
0x9: {  	s3 =	sadd.s32 $0x1DC00, s4;
	s6 =	sshll.u32 s2, $0xB;
	s8 =	smul.u32 $0x271000, s5  }
.Ltmp0:
0xa: {  	s7 =	sshll.u32 s5, $0xF;
	s5 =	ssub.s32 $0x2, s5;
	(pc) =	sbr.rel .LBB2_1-.Ltmp0, $4  }
0xb: {  	_ =	strace $0x80000059;
	s6 =	sor.u32 s6, s7;
	s30 =	sshrl.u32 s5, $0x1  }
0xc: {  	s7 =	simm.s32 $0x9;
	s6 =	sadd.s32 s6, s4;
	s8 =	sadd.s32 s8, s4  }
0xd: {  	s5 =	ssub.s32 s5, s30;
	s4 =	sadd.s32 $0xDC00, s6;
	s31 =	sadd.s32 s29, s8  }
0xe: {  	s5 =	smax.u32 s5, $0x1;
	s8 =	simm.s32 $0x50;
	s6 =	sadd.s32 $0x116BE00, s31  }
.LBB2_7:
0xf: {  	_ =	swait.ge [sflag:s17], $0x2800  }
0x10: {  	[sflag:s17] =	ssyncset.done $0x0  }
0x11: {  	[sflag:s17] =	ssyncadd.s32 $0xFFFFD800  }
0x12: {  	_ =	swait.ge [sflag:s18], $0x2800  }
0x13: {  	[sflag:s18] =	ssyncset.done $0x0  }
0x14: {  	s22 =	sadd.s32 $0x1, s22;
	[sflag:s18] =	ssyncadd.s32 $0xFFFFD800  }
0x15: {  	p0 =	sne.s32 s22, s5;
	_ =	swait.ge [sflag:s19], $0x2800  }
.Ltmp1:
0x16: {  	[sflag:s19] =	ssyncset.done $0x0;
	(pc) =	sbr.rel @!p0 .LBB2_8-.Ltmp1, $4  }
0x17: {  	[sflag:s19] =	ssyncadd.s32 $0xFFFFD800  }
0x18: {  	_ =	swait.ge [sflag:s20], $0x2800  }
0x19: {  	[sflag:s20] =	ssyncset.done $0x0  }
0x1a: {  	[sflag:s20] =	ssyncadd.s32 $0xFFFFD800  }
.LBB2_1:
0x1b: {  	[tilespmem:s1], [sflag:$0x9] =	stream.linear.gather [hbm4b:s4+s1], $0x3E80, $0x38;
	[tilespmem:$0xE000] =	vst v63  }
0x1c: {  	_ =	swait.ge [sflag:s7], $0x3E80  }
0x1d: {  	[sflag:s7] =	ssyncset.done $0x0  }
0x1e: {  	[sflag:s7] =	ssyncadd.s32 $0xFFFFC180  }
0x1f: {  	[tilespmem:s9], [sflag:$0x1] =	stream.indirect.gather [hbm4b:s3+s8], $0x80, s1, s8, $0xb8;
	[tilespmem:$0xE000] =	vst v63  }
0x20: {  	_ = 	snop  }
0x21: {  	[tilespmem:s11], [sflag:$0x2] =	stream.indirect.gather [hbm4b:s3+s8], $0x80, s10, s8, $0xb8;
	[tilespmem:$0xE000] =	vst v63  }
.Ltmp2:
0x22: {  	_ = 	snop;
	(pc) =	sbr.rel .LBB2_2-.Ltmp2, $4  }
0x23: {  	s23 =	simm.s32 $0x3  }
0x24: {  	[tilespmem:s13], [sflag:$0x3] =	stream.indirect.gather [hbm4b:s3+s8], $0x80, s12, s8, $0xb8;
	[tilespmem:$0xE000] =	vst v63  }
0x25: {  	s24 =	smov.u32 s6;
	s25 =	simm.s32 $0x0;
	s26 =	simm.s32 $0x0  }
0x26: {  	[tilespmem:s15], [sflag:$0x4] =	stream.indirect.gather [hbm4b:s3+s8], $0x80, s14, s8, $0xb8;
	[tilespmem:$0xE000] =	vst v63  }
.LBB2_5:
0x27: {  	_ =	swait.ge [sflag:s19], $0x2800  }
0x28: {  	[sflag:s19] =	ssyncset.done $0x0  }
0x29: {  	s29 =	sadd.s32 $0x300, s28;
	[sflag:s19] =	ssyncadd.s32 $0xFFFFD800  }
0x2a: {  	[tilespmem:s13], [sflag:$0x3] =	stream.indirect.gather [hbm4b:s3+s8], $0x80, s29, s8, $0xb8;
	[tilespmem:$0xE000] =	vst v63  }
0x2b: {  	_ =	swait.ge [sflag:s21], $0x2800  }
0x2c: {  	[sflag:s21] =	ssyncset.done $0x0  }
0x2d: {  	s30 =	sadd.s32 $0xF00, s24;
	[sflag:s21] =	ssyncadd.s32 $0xFFFFD800  }
0x2e: {  	[hbm4b:s30+s1] =	stream.linear.scatter [tilespmem:s15], [sflag:$0x8], $0x2800, $0x38;
	[tilespmem:$0xE000] =	vst v63  }
0x2f: {  	_ =	swait.ge [sflag:s20], $0x2800  }
0x30: {  	[sflag:s20] =	ssyncset.done $0x0  }
0x31: {  	s31 =	sadd.s32 $0x380, s28;
	[sflag:s20] =	ssyncadd.s32 $0xFFFFD800  }
0x32: {  	[tilespmem:s15], [sflag:$0x4] =	stream.indirect.gather [hbm4b:s3+s8], $0x80, s31, s8, $0xb8;
	[tilespmem:$0xE000] =	vst v63  }
.LBB2_6:
0x33: {  	s25 =	sadd.s32 $0x800, s25  }
0x34: {  	p0 =	sne.s32 s25, $0x10000  }
.Ltmp3:
0x35: {  	_ = 	snop;
	(pc) =	sbr.rel @!p0 .LBB2_7-.Ltmp3, $2  }
0x36: {  	_ =	sdelay $0x2  }
0x37: {  	s26 =	sadd.s32 $0x1, s26;
	s24 =	sadd.s32 $0x1400, s24;
	s23 =	sadd.s32 $0x4, s23  }
.LBB2_2:
0x38: {  	p0 =	seq.s32 s25, $0xF800  }
.Ltmp4:
0x39: {  	_ = 	snop;
	(pc) =	sbr.rel @p0 .LBB2_7-.Ltmp4, $4  }
0x3a: {  	_ =	swait.ge [sflag:s16], $0x2800  }
0x3b: {  	[sflag:s16] =	ssyncset.done $0x0  }
0x3c: {  	[sflag:s16] =	ssyncadd.s32 $0xFFFFD800  }
0x3d: {  	[hbm4b:s24+s1] =	stream.linear.scatter [tilespmem:s9], [sflag:$0x5], $0x2800, $0x38;
	[tilespmem:$0xE000] =	vst v63  }
0x3e: {  	_ =	swait.ge [sflag:s17], $0x2800  }
0x3f: {  	s28 =	sshra.s32 s25, $0x2;
	s30 =	sadd.s32 $0xFFFFFFFE, s23;
	[sflag:s17] =	ssyncset.done $0x0  }
0x40: {  	s29 =	sadd.s32 $0x200, s28;
	p0 =	sgt.u32 s30, $0x7C;
	[sflag:s17] =	ssyncadd.s32 $0xFFFFD800  }
0x41: {  	[tilespmem:s9], [sflag:$0x1] =	stream.indirect.gather [hbm4b:s3+s8], $0x80, s29, s8, $0xb8;
	[tilespmem:$0xE000] =	vst v63  }
0x42: {  	s29 =	simm.s32 @!p0 $0x2  }
0x43: {  	_ =	swait.ge @!p0 [sflag:s29], $0x2800  }
0x44: {  	s30 =	simm.s32 @!p0 $0x0;
	[sflag:s29] =	ssyncset.done @!p0 $0x0  }
0x45: {  	s31 =	simm.s32 @!p0 $0x6800;
	[sflag:s29] =	ssyncadd.s32 @!p0 $0xFFFFD800;
	s29 =	sadd.s32 @!p0 $0x500, s24  }
0x46: {  	[hbm4b:s29+s30] =	stream.linear.scatter @!p0 [tilespmem:s31], [sflag:$0x6], $0x2800, $0x38;
	[tilespmem:$0xE000] =	vst v63  }
0x47: {  	p0 =	sgt.u32 s26, $0x1D  }
0x48: {  	s29 =	simm.s32 @!p0 $0x6  }
0x49: {  	_ =	swait.ge @!p0 [sflag:s29], $0x2800  }
0x4a: {  	[sflag:s29] =	ssyncset.done @!p0 $0x0  }
0x4b: {  	[sflag:s29] =	ssyncadd.s32 @!p0 $0xFFFFD800;
	s29 =	sshra.s32 @!p0 s25, $0x2  }
0x4c: {  	s30 =	simm.s32 @!p0 $0x50;
	s31 =	simm.s32 @!p0 $0x6800;
	s29 =	sadd.s32 @!p0 $0x280, s29  }
0x4d: {  	[tilespmem:s31], [sflag:$0x2] =	stream.indirect.gather @!p0 [hbm4b:s3+s30], $0x80, s29, s30, $0xb8;
	[tilespmem:$0xE000] =	vst v63  }
0x4e: {  	s31 =	sadd.s32 $0xFFFFFFFF, s23  }
0x4f: {  	p0 =	sgt.u32 s31, $0x7C  }
0x50: {  	s29 =	simm.s32 @!p0 $0x3  }
0x51: {  	_ =	swait.ge @!p0 [sflag:s29], $0x2800  }
0x52: {  	p1 =	slt.u32 @!p0 s26, $0x1E;
	s30 =	simm.s32 @!p0 $0x0;
	[sflag:s29] =	ssyncset.done @!p0 $0x0  }
0x53: {  	s31 =	simm.s32 @!p0 $0x9000;
	[sflag:s29] =	ssyncadd.s32 @!p0 $0xFFFFD800;
	s29 =	sadd.s32 @!p0 $0xA00, s24  }
0x54: {  	[hbm4b:s29+s30] =	stream.linear.scatter @!p0 [tilespmem:s31], [sflag:$0x7], $0x2800, $0x38;
	[tilespmem:$0xE000] =	vst v63  }
0x55: {  	p0 =	por p0, !p1  }
.Ltmp5:
0x56: {  	_ = 	snop;
	(pc) =	sbr.rel @!p0 .LBB2_5-.Ltmp5, $1  }
0x57: {  	_ =	sdelay $0x3  }
0x58: {  	p0 =	slt.u32 s23, $0x7D  }
.Ltmp6:
0x59: {  	s28 =	simm.s32 @p0 $0x4;
	(pc) =	sbr.rel .LBB2_6-.Ltmp6, $4  }
0x5a: {  	_ =	swait.ge @p0 [sflag:s28], $0x2800  }
0x5b: {  	s29 =	simm.s32 @p0 $0x0;
	[sflag:s28] =	ssyncset.done @p0 $0x0  }
0x5c: {  	s30 =	simm.s32 @p0 $0xB800;
	[sflag:s28] =	ssyncadd.s32 @p0 $0xFFFFD800;
	s28 =	sadd.s32 @p0 $0xF00, s24  }
0x5d: {  	[hbm4b:s28+s29] =	stream.linear.scatter @p0 [tilespmem:s30], [sflag:$0x8], $0x2800, $0x38;
	[tilespmem:$0xE000] =	vst v63  }
.LBB2_8:
0x5e: {  	_ =	sfence.sel $0x180000  }
0x5f: {  	[bflag:$0x0] =	sbarrier.arrive $0xFFFF  }
0x60: {  	p0 =	sne.s32 s2, $0x0;
	_ =	strace $0x90000059  }
0x61: {  	s0 =	sadd.s32 @!p0 $0x100000, s0;
	[bflag:$0x2] =	sbarrier.arrive $0xFFFF  }
0x62: {  	[sflag:s0] =	ssyncadd.tile.s32 @!p0 $0x1;
	_ =	shalt  }
.Lfunc_end2:
_tile_overlayer_lowered:
.L_overlay_start_2:
0x63: {  	(tag) =	ssettag $0x2  }
0x64: {  	s0 =	rddreg [dreg:$0x0];
	s2 =	stileid.u32  }
0x65: {  	s1 =	rddreg [dreg:$0x1];
	p0 =	sne.s32 s2, $0x0  }
0x66: {  	s3 =	rddreg [dreg:$0x2];
	[bflag:$0x3] =	sbarrier.arrive $0xFFFF;
	s2 =	simm.s32 @!p0 $0x1C09  }
0x67: {  	[timem:s3], [sflag:s2] =	dma.local @!p0 [hbm:s0], s1  }
0x68: {  	s0 =	simm.s32 @!p0 $0x9  }
0x69: {  	_ =	swait.ge @!p0 [sflag:s0], s1  }
0x6a: {  	s1 =	ssub.s32 @!p0 $0x0, s1;
	[sflag:s0] =	ssyncset.done @!p0 $0x0  }
0x6b: {  	[sflag:s0] =	ssyncadd.s32 @!p0 s1  }
0x6c: {  	[bflag:$0x3] =	sbarrier.arrive $0xFFFF  }
0x6d: {  	_ =	shalt  }

// kernel: kernel.35.cloned.1.call-start
scs
__scs_entry_jumppad:
0x0: {  	(pc) =	sbr.rel $0x88, $3  }
0x1: {  	(tag) =	ssettag $0x0;
	lr =	simm.s32 $0x1  }
0x2: {  	[smem:$0x3F97] =	sst lr;
	_ =	strace $0xD0000000  }
0x3: {  	_ = 	snop  }
0x4: {  	_ = 	snop  }
0x5: {  	_ = 	snop  }
0x6: {  	_ = 	snop  }
0x7: {  	_ = 	snop  }
__scs_overlays_trampoline_lowered:
0x8: {  	[smem:$0x3FA6] =	sst s0  }
0x9: {  	[smem:$0x3FA7] =	sst s1  }
0xa: {  	[smem:$0x3FA8] =	sst s2  }
0xb: {  	[smem:$0x3FA9] =	sst s3  }
0xc: {  	[smem:$0x3FAA] =	sst s4  }
0xd: {  	[smem:$0x3FAB] =	sst s5  }
0xe: {  	[smem:$0x3FAC] =	sst s6  }
0xf: {  	[smem:$0x3FAD] =	sst s7  }
0x10: {  	[smem:$0x3FAE] =	sst s8  }
0x11: {  	[smem:$0x3FAF] =	sst s9;
	s0 =	simm.s32 @!p0 $0x0  }
0x12: {  	s1 =	sld [smem:$0x3F95];
	s0 =	simm.s32 @p0 $0x1  }
0x13: {  	[smem:$0x3FB0] =	sst s0;
	s0 =	simm.s32 @!p1 $0x0  }
0x14: {  	s2 =	sld [smem:$0x3F94];
	s0 =	simm.s32 @p1 $0x1  }
0x15: {  	[smem:$0x3FB1] =	sst s0;
	s0 =	simm.s32 @!p2 $0x0  }
0x16: {  	s3 =	sld [smem:$0x3FDB];
	s0 =	simm.s32 @p2 $0x1  }
0x17: {  	s4 =	simm.s32 $0x1BF5;
	[smem:$0x3FB3] =	sst s0  }
0x18: {  	s0 =	sld [smem:$0x3F96];
	_ =	swait.ge [sflag:s4], $0x0  }
0x19: {  	s7 =	sld [smem:$0x3F97]  }
0x1a: {  	s8 =	sadd.s32 $0xFFFFE003, lr  }
0x1b: {  	s9 =	sadd.s32 $0xFFFFFEF7, lr;
	s5 =	simm.s32 $0xFFFFFFFF;
	p2 =	slt.u32 s8, $0xFFFFF086  }
0x1c: {  	p1 =	slt.u32 s9, $0xF7A;
	s5 =	simm.s32 @!p2 $0x0  }
0x1d: {  	s5 =	simm.s32 @p1 $0x1;
	p0 =	seq.s32 s7, s2  }
0x1e: {  	s7 =	smul.u32 @!p0 $0xF7A, s2;
	p2 =	seq.s32 @!p0 s5, $0x0  }
0x1f: {  	s9 =	smul.u32 $0xF7A, s1;
	s8 =	simm.s32 @!p0 $0x1BF5;
	p2 =	por !p2, p0  }
0x20: {  	[sflag:s8] =	ssyncset.s32 @!p0 $0xFFFFF086;
	s6 =	sadd.s32 @!p0 s3, s7;
	s7 =	simm.s32 @!p0 $0x108  }
0x21: {  	s3 =	sadd.s32 s3, s9;
	s6 =	sadd.s32 @!p0 $0x88, s6;
	s7 =	simm.s32 @p2 $0x1082  }
0x22: {  	[simem:s7], [sflag:s8] =	dma.local @!p0 [hbm:s6], $0xF7A  }
0x23: {  	s9 =	sor.u32 $0xD0000000, s2;
	s6 =	simm.s32 $0x108;
	_ =	swait.ge @!p0 [sflag:s8], $0x0  }
0x24: {  	s3 =	sadd.s32 $0x88, s3;
	s6 =	simm.s32 @!p1 $0x1082;
	[sflag:s4] =	ssyncset.s32 $0xFFFFF086  }
0x25: {  	[simem:s6], [sflag:s4] =	dma.local [hbm:s3], $0xF7A  }
0x26: {  	[smem:$0x3F97] =	sst s1;
	(tag) =	ssettag s2;
	_ =	strace s9  }
0x27: {  	s1 =	sld [smem:$0x3FA7]  }
0x28: {  	s2 =	sld [smem:$0x3FA8]  }
0x29: {  	s4 =	sld [smem:$0x3FAA]  }
0x2a: {  	p0 =	seq.s32 s5, $0x0;
	s5 =	sld [smem:$0x3FAB]  }
0x2b: {  	s6 =	sld [smem:$0x3FAC]  }
0x2c: {  	s7 =	sld [smem:$0x3FAD]  }
0x2d: {  	s3 =	simm.s32 $0x108;
	s8 =	sld [smem:$0x3FAE]  }
0x2e: {  	s3 =	simm.s32 @!p0 $0x1082;
	s9 =	sld [smem:$0x3FAF]  }
0x2f: {  	lr =	sadd.s32 s0, s3;
	s0 =	sld [smem:$0x3FA6]  }
0x30: {  	s3 =	sld [smem:$0x3FA9]  }
0x31: {  	[smem:$0x3FB2] =	sst s10  }
0x32: {  	s10 =	sld [smem:$0x3FB0];
	_ =	sdelay $0x3  }
0x33: {  	p0 =	seq.s32 s10, $0x1;
	s10 =	sld [smem:$0x3FB2];
	_ =	sdelay $0x3  }
0x34: {  	[smem:$0x3FB2] =	sst s10  }
0x35: {  	s10 =	sld [smem:$0x3FB1];
	_ =	sdelay $0x3  }
0x36: {  	p1 =	seq.s32 s10, $0x1;
	s10 =	sld [smem:$0x3FB2];
	_ =	sdelay $0x3  }
0x37: {  	[smem:$0x3FB2] =	sst s10  }
0x38: {  	s10 =	sld [smem:$0x3FB3]  }
0x39: {  	_ = 	snop;
	(pc) =	sbr.ind lr, $3  }
0x3a: {  	_ = 	snop  }
0x3b: {  	_ = 	snop  }
0x3c: {  	p2 =	seq.s32 s10, $0x1;
	s10 =	sld [smem:$0x3FB2]  }
0x3d: {  	_ =	shalt  }
0x3e: {  	_ =	shalt  }
0x3f: {  	_ =	shalt  }
0x40: {  	_ =	shalt  }
0x41: {  	_ =	shalt  }
0x42: {  	_ =	shalt  }
0x43: {  	_ =	shalt  }
0x44: {  	_ =	shalt  }
0x45: {  	_ =	shalt  }
0x46: {  	_ =	shalt  }
0x47: {  	_ =	shalt  }
0x48: {  	_ =	shalt  }
0x49: {  	_ =	shalt  }
0x4a: {  	_ =	shalt  }
0x4b: {  	_ =	shalt  }
0x4c: {  	_ =	shalt  }
0x4d: {  	_ =	shalt  }
0x4e: {  	_ =	shalt  }
0x4f: {  	_ =	shalt  }
0x50: {  	_ =	shalt  }
0x51: {  	_ =	shalt  }
0x52: {  	_ =	shalt  }
0x53: {  	_ =	shalt  }
0x54: {  	_ =	shalt  }
0x55: {  	_ =	shalt  }
0x56: {  	_ =	shalt  }
0x57: {  	_ =	shalt  }
0x58: {  	_ =	shalt  }
0x59: {  	_ =	shalt  }
0x5a: {  	_ =	shalt  }
0x5b: {  	_ =	shalt  }
0x5c: {  	_ =	shalt  }
0x5d: {  	_ =	shalt  }
0x5e: {  	_ =	shalt  }
0x5f: {  	_ =	shalt  }
0x60: {  	_ =	shalt  }
0x61: {  	_ =	shalt  }
0x62: {  	_ =	shalt  }
0x63: {  	_ =	shalt  }
0x64: {  	_ =	shalt  }
0x65: {  	_ =	shalt  }
0x66: {  	_ =	shalt  }
0x67: {  	_ =	shalt  }
0x68: {  	_ =	shalt  }
0x69: {  	_ =	shalt  }
0x6a: {  	_ =	shalt  }
0x6b: {  	_ =	shalt  }
0x6c: {  	_ =	shalt  }
0x6d: {  	_ =	shalt  }
0x6e: {  	_ =	shalt  }
0x6f: {  	_ =	shalt  }
0x70: {  	_ =	shalt  }
0x71: {  	_ =	shalt  }
0x72: {  	_ =	shalt  }
0x73: {  	_ =	shalt  }
0x74: {  	_ =	shalt  }
0x75: {  	_ =	shalt  }
0x76: {  	_ =	shalt  }
0x77: {  	_ =	shalt  }
0x78: {  	_ =	shalt  }
0x79: {  	_ =	shalt  }
0x7a: {  	_ =	shalt  }
0x7b: {  	_ =	shalt  }
0x7c: {  	_ =	shalt  }
0x7d: {  	_ =	shalt  }
0x7e: {  	_ =	shalt  }
0x7f: {  	_ =	shalt  }
0x80: {  	_ =	shalt  }
0x81: {  	_ =	shalt  }
0x82: {  	_ =	shalt  }
0x83: {  	_ =	shalt  }
0x84: {  	_ =	shalt  }
0x85: {  	_ =	shalt  }
0x86: {  	_ =	shalt  }
0x87: {  	_ =	shalt  }
.Lfunc_end0:
.L_simem_size_0:
called_computation.6_lowered:
.L_overlay_start_0:
0x88: {  	s2 =	sld [smem:$0x3FD9]  }
0x89: {  	s3 =	sld [smem:$0x3FFE];
	_ =	sdelay $0x1  }
0x8a: {  	s1 =	srdreg.scid  }
0x8b: {  	s0 =	sand.u32 $0x1, s1  }
0x8c: {  	s17 =	sshll.u32 s0, $0xA;
	s2 =	sadd.s32 s3, s2  }
0x8d: {  	s2 =	sadd.s32 s2, s17  }
0x8e: {  	[smem:$0x3FBE] =	sst s2  }
0x8f: {  	_ = 	snop  }
0x90: {  	(tm) =	ssettm $0x1  }
0x91: {  	s18 =	sld [smem:$0x3FFB];
	_ =	sdelay $0x3  }
0x92: {  	_ =	strace s18  }
0x93: {  	s2 =	sld [smem:$0x3FFC];
	_ =	sdelay $0x3  }
0x94: {  	_ =	strace s2  }
0x95: {  	s2 =	sld [smem:$0x3FFD];
	_ =	sdelay $0x3  }
0x96: {  	_ =	strace s2  }
0x97: {  	_ =	strace $0x8FFFFFFF  }
0x98: {  	s19 =	sld [smem:$0x3FDB];
	_ =	sdelay $0x1  }
0x99: {  	s20 =	simm.s32 $_scs_section_size  }
0x9a: {  	s4 =	simm.s32 $_size__tile_overlayer_lowered;
	s5 =	simm.s32 $_tile_overlayer_lowered  }
0x9b: {  	s6 =	simm.s32 $0x1BFF;
	s21 =	sshll.u32 s5, $0x1;
	s3 =	sadd.s32 s20, s19  }
0x9c: {  	s22 =	simm.s32 $0x0;
	s4 =	sshll.u32 s4, $0x1;
	s5 =	sadd.s32 s21, s3  }
0x9d: {  	[timem:s22], [sflag:s6] =	dma.local [hbm:s5], s4  }
0x9e: {  	_ =	swait.ge [sflag:s6], s4  }
0x9f: {  	s4 =	ssub.s32 $0x0, s4;
	[sflag:s6] =	ssyncset.done $0x0  }
0xa0: {  	[sflag:s6] =	ssyncadd.s32 s4;
	_ =	sdelay $0x1  }
0xa1: {  	s23 =	simm.s32 $0x1B8B  }
0xa2: {  	_ =	swait.ge [sflag:s23], $0x1  }
0xa3: {  	[sflag:s23] =	ssyncset.done $0x0  }
0xa4: {  	[sflag:s23] =	ssyncadd.s32 $0xFFFFFFFF  }
0xa5: {  	s4 =	sld [smem:$0x0]  }
0xa6: {  	s5 =	sand.u32 $0xFFFFFFFE, s1  }
0xa7: {  	p0 =	sne.s32 s1, s5  }
0xa8: {  	s5 =	sshll.u32 @p0 s5, $0xE  }
0xa9: {  	s5 =	sadd.s32 @p0 $0x11B8D, s5;
	s6 =	sshll.u32 @p0 s4, $0x11  }
0xaa: {  	s5 =	sor.u32 @p0 s6, s5  }
0xab: {  	[sflag:s5] =	ssyncadd.remote.s32 @p0 $0x1;
	_ =	sdelay $0x1  }
0xac: {  	s5 =	simm.s32 @p0 $0x1B8D  }
0xad: {  	_ =	swait.eq @p0 [sflag:s5], $0x1  }
0xae: {  	[sflag:s5] =	ssyncadd.s32 @p0 $0xFFFFFFFF  }
0xaf: {  	s6 =	sshll.u32 @!p0 s1, $0xE  }
0xb0: {  	s6 =	sor.u32 @!p0 $0x4000, s6;
	s5 =	simm.s32 @!p0 $0x1B8D  }
0xb1: {  	s4 =	sshll.u32 @!p0 s4, $0x11;
	s6 =	sadd.s32 @!p0 $0x11B8D, s6;
	_ =	swait.eq @!p0 [sflag:s5], $0x1  }
0xb2: {  	s4 =	sor.u32 @!p0 s4, s6;
	[sflag:s5] =	ssyncadd.s32 @!p0 $0xFFFFFFFF  }
0xb3: {  	s25 =	simm.s32 $0x1B8E;
	s24 =	sld [smem:$0x3FFE];
	[sflag:s4] =	ssyncadd.remote.s32 @!p0 $0x1  }
0xb4: {  	s26 =	simm.s32 $execute0_lowered;
	[smem:$0x3FD2] =	sst s25  }
0xb5: {  	s5 =	sshll.u32 s26, $0x1;
	_ =	strace $0x80000055;
	[dreg:$0x1] =	wrdreg $0xFFFFFFFF  }
0xb6: {  	s28 =	simm.s32 $_size_execute0_lowered;
	s3 =	sadd.s32 s3, s5;
	[dreg:$0x0] =	wrdreg $0x0  }
0xb7: {  	s5 =	sshll.u32 s28, $0x1;
	[dreg:$0x2] =	wrdreg s3  }
0xb8: {  	[dreg:$0x3] =	wrdreg s5  }
0xb9: {  	[dreg:$0x4] =	wrdreg $0xC0  }
0xba: {  	_ =	task [dreg:s22], $0x5FFFF  }
0xbb: {  	[dreg:$0x1] =	wrdreg $0xFFFFFFFF  }
0xbc: {  	[dreg:$0x0] =	wrdreg $0x60  }
0xbd: {  	[dreg:$0x2] =	wrdreg s24  }
0xbe: {  	[dreg:$0x3] =	wrdreg $0x9  }
0xbf: {  	_ =	task.clear_ibuf [dreg:s22], $0x4FFFF;
	_ =	strace $0x90000055  }
0xc0: {  	s29 =	simm.s32 $0x9;
	_ =	strace $0x80000057  }
0xc1: {  	_ =	swait.ge [sflag:s29], $0x1  }
0xc2: {  	[sflag:s29] =	ssyncadd.s32 $0xFFFFFFFF  }
0xc3: {  	_ =	strace $0x90000057  }
0xc4: {  	_ =	sfence  }
0xc5: {  	s30 =	sld [smem:$0x0];
	_ =	sdelay $0x2  }
0xc6: {  	s31 =	sshll.u32 s1, $0xD;
	s1 =	sshrl.u32 s1, $0x2  }
0xc7: {  	s4 =	sand.u32 $0x4000, s31;
	s1 =	sadd.s32 s1, s30  }
0xc8: {  	s0 =	sor.u32 s4, s0;
	s1 =	sshll.u32 s1, $0x11  }
0xc9: {  	s0 =	sor.u32 s1, s0  }
0xca: {  	s0 =	sadd.s32 $0x8F2B, s0  }
0xcb: {  	[sflag:s0] =	ssyncadd.remote.s32 $0x1  }
0xcc: {  	_ =	sfence.sel $0xFFFF  }
0xcd: {  	[dreg:$0x0] =	wrdreg $0xFFFFFFFF;
	(pc) =	sbr.abs _section_cstart, $3  }
0xce: {  	[dreg:$0x1] =	wrdreg $0xFFFFFFFF  }
0xcf: {  	_ =	task.clear_ibuf [dreg:s22], $0x2FFFF;
	_ =	strace $0x9FFFFFFF  }
0xd0: {  	(tm) =	ssettm $0x7FFFFFFF  }
0xd1: {  	_ =	shalt  }
tec
execute0_lowered:
.L_overlay_start_1:
0x0: {  	(tag) =	ssettag $0x1  }
0x1: {  	s4 =	rddreg [dreg:$0x0]  }
0x2: {  	s0 =	rddreg [dreg:$0x1];
	s1 =	simm.s32 $0x0;
	s5 =	srdreg.scid  }
0x3: {  	s2 =	stileid.u32;
	s9 =	simm.s32 $0x4000;
	s10 =	simm.s32 $0x80  }
0x4: {  	s11 =	simm.s32 $0x6800;
	s12 =	simm.s32 $0x100;
	s13 =	simm.s32 $0x9000  }
0x5: {  	s14 =	simm.s32 $0x180;
	s15 =	simm.s32 $0xB800;
	s16 =	simm.s32 $0x1  }
0x6: {  	s17 =	simm.s32 $0x5;
	s18 =	simm.s32 $0x6;
	s19 =	simm.s32 $0x7  }
0x7: {  	s20 =	simm.s32 $0x8;
	s21 =	simm.s32 $0x4;
	s22 =	simm.s32 $0x0  }
0x8: {  	[smem:$0x7FF] =	sst s1;
	s5 =	sand.u32 $0x1, s5;
	s29 =	smul.u32 $0x27100, s2  }
0x9: {  	s3 =	sadd.s32 $0xA18E00, s4;
	s6 =	sshll.u32 s2, $0xB;
	s8 =	smul.u32 $0x271000, s5  }
.Ltmp0:
0xa: {  	s7 =	sshll.u32 s5, $0xF;
	s5 =	ssub.s32 $0x2, s5;
	(pc) =	sbr.rel .LBB2_1-.Ltmp0, $4  }
0xb: {  	_ =	strace $0x80000056;
	s6 =	sor.u32 s6, s7;
	s30 =	sshrl.u32 s5, $0x1  }
0xc: {  	s7 =	simm.s32 $0x9;
	s6 =	sadd.s32 s6, s4;
	s8 =	sadd.s32 s8, s4  }
0xd: {  	s5 =	ssub.s32 s5, s30;
	s4 =	sadd.s32 $0x6BE00, s6;
	s31 =	sadd.s32 s29, s8  }
0xe: {  	s5 =	smax.u32 s5, $0x1;
	s8 =	simm.s32 $0x50;
	s6 =	sadd.s32 $0x7BE00, s31  }
.LBB2_7:
0xf: {  	_ =	swait.ge [sflag:s17], $0x2800  }
0x10: {  	[sflag:s17] =	ssyncset.done $0x0  }
0x11: {  	[sflag:s17] =	ssyncadd.s32 $0xFFFFD800  }
0x12: {  	_ =	swait.ge [sflag:s18], $0x2800  }
0x13: {  	[sflag:s18] =	ssyncset.done $0x0  }
0x14: {  	s22 =	sadd.s32 $0x1, s22;
	[sflag:s18] =	ssyncadd.s32 $0xFFFFD800  }
0x15: {  	p0 =	sne.s32 s22, s5;
	_ =	swait.ge [sflag:s19], $0x2800  }
.Ltmp1:
0x16: {  	[sflag:s19] =	ssyncset.done $0x0;
	(pc) =	sbr.rel @!p0 .LBB2_8-.Ltmp1, $4  }
0x17: {  	[sflag:s19] =	ssyncadd.s32 $0xFFFFD800  }
0x18: {  	_ =	swait.ge [sflag:s20], $0x2800  }
0x19: {  	[sflag:s20] =	ssyncset.done $0x0  }
0x1a: {  	[sflag:s20] =	ssyncadd.s32 $0xFFFFD800  }
.LBB2_1:
0x1b: {  	[tilespmem:s1], [sflag:$0x9] =	stream.linear.gather [hbm4b:s4+s1], $0x3E80, $0x38;
	[tilespmem:$0xE000] =	vst v63  }
0x1c: {  	_ =	swait.ge [sflag:s7], $0x3E80  }
0x1d: {  	[sflag:s7] =	ssyncset.done $0x0  }
0x1e: {  	[sflag:s7] =	ssyncadd.s32 $0xFFFFC180  }
0x1f: {  	[tilespmem:s9], [sflag:$0x1] =	stream.indirect.gather [hbm4b:s3+s8], $0x80, s1, s8, $0xb8;
	[tilespmem:$0xE000] =	vst v63  }
0x20: {  	_ = 	snop  }
0x21: {  	[tilespmem:s11], [sflag:$0x2] =	stream.indirect.gather [hbm4b:s3+s8], $0x80, s10, s8, $0xb8;
	[tilespmem:$0xE000] =	vst v63  }
.Ltmp2:
0x22: {  	_ = 	snop;
	(pc) =	sbr.rel .LBB2_2-.Ltmp2, $4  }
0x23: {  	s23 =	simm.s32 $0x3  }
0x24: {  	[tilespmem:s13], [sflag:$0x3] =	stream.indirect.gather [hbm4b:s3+s8], $0x80, s12, s8, $0xb8;
	[tilespmem:$0xE000] =	vst v63  }
0x25: {  	s24 =	smov.u32 s6;
	s25 =	simm.s32 $0x0;
	s26 =	simm.s32 $0x0  }
0x26: {  	[tilespmem:s15], [sflag:$0x4] =	stream.indirect.gather [hbm4b:s3+s8], $0x80, s14, s8, $0xb8;
	[tilespmem:$0xE000] =	vst v63  }
.LBB2_5:
0x27: {  	_ =	swait.ge [sflag:s19], $0x2800  }
0x28: {  	[sflag:s19] =	ssyncset.done $0x0  }
0x29: {  	s29 =	sadd.s32 $0x300, s28;
	[sflag:s19] =	ssyncadd.s32 $0xFFFFD800  }
0x2a: {  	[tilespmem:s13], [sflag:$0x3] =	stream.indirect.gather [hbm4b:s3+s8], $0x80, s29, s8, $0xb8;
	[tilespmem:$0xE000] =	vst v63  }
0x2b: {  	_ =	swait.ge [sflag:s21], $0x2800  }
0x2c: {  	[sflag:s21] =	ssyncset.done $0x0  }
0x2d: {  	s30 =	sadd.s32 $0xF00, s24;
	[sflag:s21] =	ssyncadd.s32 $0xFFFFD800  }
0x2e: {  	[hbm4b:s30+s1] =	stream.linear.scatter [tilespmem:s15], [sflag:$0x8], $0x2800, $0x38;
	[tilespmem:$0xE000] =	vst v63  }
0x2f: {  	_ =	swait.ge [sflag:s20], $0x2800  }
0x30: {  	[sflag:s20] =	ssyncset.done $0x0  }
0x31: {  	s31 =	sadd.s32 $0x380, s28;
	[sflag:s20] =	ssyncadd.s32 $0xFFFFD800  }
0x32: {  	[tilespmem:s15], [sflag:$0x4] =	stream.indirect.gather [hbm4b:s3+s8], $0x80, s31, s8, $0xb8;
	[tilespmem:$0xE000] =	vst v63  }
.LBB2_6:
0x33: {  	s25 =	sadd.s32 $0x800, s25  }
0x34: {  	p0 =	sne.s32 s25, $0x10000  }
.Ltmp3:
0x35: {  	_ = 	snop;
	(pc) =	sbr.rel @!p0 .LBB2_7-.Ltmp3, $2  }
0x36: {  	_ =	sdelay $0x2  }
0x37: {  	s26 =	sadd.s32 $0x1, s26;
	s24 =	sadd.s32 $0x1400, s24;
	s23 =	sadd.s32 $0x4, s23  }
.LBB2_2:
0x38: {  	p0 =	seq.s32 s25, $0xF800  }
.Ltmp4:
0x39: {  	_ = 	snop;
	(pc) =	sbr.rel @p0 .LBB2_7-.Ltmp4, $4  }
0x3a: {  	_ =	swait.ge [sflag:s16], $0x2800  }
0x3b: {  	[sflag:s16] =	ssyncset.done $0x0  }
0x3c: {  	[sflag:s16] =	ssyncadd.s32 $0xFFFFD800  }
0x3d: {  	[hbm4b:s24+s1] =	stream.linear.scatter [tilespmem:s9], [sflag:$0x5], $0x2800, $0x38;
	[tilespmem:$0xE000] =	vst v63  }
0x3e: {  	_ =	swait.ge [sflag:s17], $0x2800  }
0x3f: {  	s28 =	sshra.s32 s25, $0x2;
	s30 =	sadd.s32 $0xFFFFFFFE, s23;
	[sflag:s17] =	ssyncset.done $0x0  }
0x40: {  	s29 =	sadd.s32 $0x200, s28;
	p0 =	sgt.u32 s30, $0x7C;
	[sflag:s17] =	ssyncadd.s32 $0xFFFFD800  }
0x41: {  	[tilespmem:s9], [sflag:$0x1] =	stream.indirect.gather [hbm4b:s3+s8], $0x80, s29, s8, $0xb8;
	[tilespmem:$0xE000] =	vst v63  }
0x42: {  	s29 =	simm.s32 @!p0 $0x2  }
0x43: {  	_ =	swait.ge @!p0 [sflag:s29], $0x2800  }
0x44: {  	s30 =	simm.s32 @!p0 $0x0;
	[sflag:s29] =	ssyncset.done @!p0 $0x0  }
0x45: {  	s31 =	simm.s32 @!p0 $0x6800;
	[sflag:s29] =	ssyncadd.s32 @!p0 $0xFFFFD800;
	s29 =	sadd.s32 @!p0 $0x500, s24  }
0x46: {  	[hbm4b:s29+s30] =	stream.linear.scatter @!p0 [tilespmem:s31], [sflag:$0x6], $0x2800, $0x38;
	[tilespmem:$0xE000] =	vst v63  }
0x47: {  	p0 =	sgt.u32 s26, $0x1D  }
0x48: {  	s29 =	simm.s32 @!p0 $0x6  }
0x49: {  	_ =	swait.ge @!p0 [sflag:s29], $0x2800  }
0x4a: {  	[sflag:s29] =	ssyncset.done @!p0 $0x0  }
0x4b: {  	[sflag:s29] =	ssyncadd.s32 @!p0 $0xFFFFD800;
	s29 =	sshra.s32 @!p0 s25, $0x2  }
0x4c: {  	s30 =	simm.s32 @!p0 $0x50;
	s31 =	simm.s32 @!p0 $0x6800;
	s29 =	sadd.s32 @!p0 $0x280, s29  }
0x4d: {  	[tilespmem:s31], [sflag:$0x2] =	stream.indirect.gather @!p0 [hbm4b:s3+s30], $0x80, s29, s30, $0xb8;
	[tilespmem:$0xE000] =	vst v63  }
0x4e: {  	s31 =	sadd.s32 $0xFFFFFFFF, s23  }
0x4f: {  	p0 =	sgt.u32 s31, $0x7C  }
0x50: {  	s29 =	simm.s32 @!p0 $0x3  }
0x51: {  	_ =	swait.ge @!p0 [sflag:s29], $0x2800  }
0x52: {  	p1 =	slt.u32 @!p0 s26, $0x1E;
	s30 =	simm.s32 @!p0 $0x0;
	[sflag:s29] =	ssyncset.done @!p0 $0x0  }
0x53: {  	s31 =	simm.s32 @!p0 $0x9000;
	[sflag:s29] =	ssyncadd.s32 @!p0 $0xFFFFD800;
	s29 =	sadd.s32 @!p0 $0xA00, s24  }
0x54: {  	[hbm4b:s29+s30] =	stream.linear.scatter @!p0 [tilespmem:s31], [sflag:$0x7], $0x2800, $0x38;
	[tilespmem:$0xE000] =	vst v63  }
0x55: {  	p0 =	por p0, !p1  }
.Ltmp5:
0x56: {  	_ = 	snop;
	(pc) =	sbr.rel @!p0 .LBB2_5-.Ltmp5, $1  }
0x57: {  	_ =	sdelay $0x3  }
0x58: {  	p0 =	slt.u32 s23, $0x7D  }
.Ltmp6:
0x59: {  	s28 =	simm.s32 @p0 $0x4;
	(pc) =	sbr.rel .LBB2_6-.Ltmp6, $4  }
0x5a: {  	_ =	swait.ge @p0 [sflag:s28], $0x2800  }
0x5b: {  	s29 =	simm.s32 @p0 $0x0;
	[sflag:s28] =	ssyncset.done @p0 $0x0  }
0x5c: {  	s30 =	simm.s32 @p0 $0xB800;
	[sflag:s28] =	ssyncadd.s32 @p0 $0xFFFFD800;
	s28 =	sadd.s32 @p0 $0xF00, s24  }
0x5d: {  	[hbm4b:s28+s29] =	stream.linear.scatter @p0 [tilespmem:s30], [sflag:$0x8], $0x2800, $0x38;
	[tilespmem:$0xE000] =	vst v63  }
.LBB2_8:
0x5e: {  	_ =	sfence.sel $0x180000  }
0x5f: {  	[bflag:$0x0] =	sbarrier.arrive $0xFFFF  }
0x60: {  	p0 =	sne.s32 s2, $0x0;
	_ =	strace $0x90000056  }
0x61: {  	s0 =	sadd.s32 @!p0 $0x100000, s0;
	[bflag:$0x2] =	sbarrier.arrive $0xFFFF  }
0x62: {  	[sflag:s0] =	ssyncadd.tile.s32 @!p0 $0x1;
	_ =	shalt  }
.Lfunc_end2:
_tile_overlayer_lowered:
.L_overlay_start_2:
0x63: {  	(tag) =	ssettag $0x2  }
0x64: {  	s0 =	rddreg [dreg:$0x0];
	s2 =	stileid.u32  }
0x65: {  	s1 =	rddreg [dreg:$0x1];
	p0 =	sne.s32 s2, $0x0  }
0x66: {  	s3 =	rddreg [dreg:$0x2];
	[bflag:$0x3] =	sbarrier.arrive $0xFFFF;
	s2 =	simm.s32 @!p0 $0x1C09  }
0x67: {  	[timem:s3], [sflag:s2] =	dma.local @!p0 [hbm:s0], s1  }
0x68: {  	s0 =	simm.s32 @!p0 $0x9  }
0x69: {  	_ =	swait.ge @!p0 [sflag:s0], s1  }
0x6a: {  	s1 =	ssub.s32 @!p0 $0x0, s1;
	[sflag:s0] =	ssyncset.done @!p0 $0x0  }
0x6b: {  	[sflag:s0] =	ssyncadd.s32 @!p0 s1  }
0x6c: {  	[bflag:$0x3] =	sbarrier.arrive $0xFFFF  }
0x6d: {  	_ =	shalt  }

// kernel: kernel.38.cloned.1.call-start
scs
__scs_entry_jumppad:
0x0: {  	(pc) =	sbr.rel $0x88, $3  }
0x1: {  	(tag) =	ssettag $0x0;
	lr =	simm.s32 $0x1  }
0x2: {  	[smem:$0x3F97] =	sst lr;
	_ =	strace $0xD0000000  }
0x3: {  	_ = 	snop  }
0x4: {  	_ = 	snop  }
0x5: {  	_ = 	snop  }
0x6: {  	_ = 	snop  }
0x7: {  	_ = 	snop  }
__scs_overlays_trampoline_lowered:
0x8: {  	[smem:$0x3FA6] =	sst s0  }
0x9: {  	[smem:$0x3FA7] =	sst s1  }
0xa: {  	[smem:$0x3FA8] =	sst s2  }
0xb: {  	[smem:$0x3FA9] =	sst s3  }
0xc: {  	[smem:$0x3FAA] =	sst s4  }
0xd: {  	[smem:$0x3FAB] =	sst s5  }
0xe: {  	[smem:$0x3FAC] =	sst s6  }
0xf: {  	[smem:$0x3FAD] =	sst s7  }
0x10: {  	[smem:$0x3FAE] =	sst s8  }
0x11: {  	[smem:$0x3FAF] =	sst s9;
	s0 =	simm.s32 @!p0 $0x0  }
0x12: {  	s1 =	sld [smem:$0x3F95];
	s0 =	simm.s32 @p0 $0x1  }
0x13: {  	[smem:$0x3FB0] =	sst s0;
	s0 =	simm.s32 @!p1 $0x0  }
0x14: {  	s2 =	sld [smem:$0x3F94];
	s0 =	simm.s32 @p1 $0x1  }
0x15: {  	[smem:$0x3FB1] =	sst s0;
	s0 =	simm.s32 @!p2 $0x0  }
0x16: {  	s3 =	sld [smem:$0x3FDB];
	s0 =	simm.s32 @p2 $0x1  }
0x17: {  	s4 =	simm.s32 $0x1BF5;
	[smem:$0x3FB3] =	sst s0  }
0x18: {  	s0 =	sld [smem:$0x3F96];
	_ =	swait.ge [sflag:s4], $0x0  }
0x19: {  	s7 =	sld [smem:$0x3F97]  }
0x1a: {  	s8 =	sadd.s32 $0xFFFFE003, lr  }
0x1b: {  	s9 =	sadd.s32 $0xFFFFFEF7, lr;
	s5 =	simm.s32 $0xFFFFFFFF;
	p2 =	slt.u32 s8, $0xFFFFF086  }
0x1c: {  	p1 =	slt.u32 s9, $0xF7A;
	s5 =	simm.s32 @!p2 $0x0  }
0x1d: {  	s5 =	simm.s32 @p1 $0x1;
	p0 =	seq.s32 s7, s2  }
0x1e: {  	s7 =	smul.u32 @!p0 $0xF7A, s2;
	p2 =	seq.s32 @!p0 s5, $0x0  }
0x1f: {  	s9 =	smul.u32 $0xF7A, s1;
	s8 =	simm.s32 @!p0 $0x1BF5;
	p2 =	por !p2, p0  }
0x20: {  	[sflag:s8] =	ssyncset.s32 @!p0 $0xFFFFF086;
	s6 =	sadd.s32 @!p0 s3, s7;
	s7 =	simm.s32 @!p0 $0x108  }
0x21: {  	s3 =	sadd.s32 s3, s9;
	s6 =	sadd.s32 @!p0 $0x88, s6;
	s7 =	simm.s32 @p2 $0x1082  }
0x22: {  	[simem:s7], [sflag:s8] =	dma.local @!p0 [hbm:s6], $0xF7A  }
0x23: {  	s9 =	sor.u32 $0xD0000000, s2;
	s6 =	simm.s32 $0x108;
	_ =	swait.ge @!p0 [sflag:s8], $0x0  }
0x24: {  	s3 =	sadd.s32 $0x88, s3;
	s6 =	simm.s32 @!p1 $0x1082;
	[sflag:s4] =	ssyncset.s32 $0xFFFFF086  }
0x25: {  	[simem:s6], [sflag:s4] =	dma.local [hbm:s3], $0xF7A  }
0x26: {  	[smem:$0x3F97] =	sst s1;
	(tag) =	ssettag s2;
	_ =	strace s9  }
0x27: {  	s1 =	sld [smem:$0x3FA7]  }
0x28: {  	s2 =	sld [smem:$0x3FA8]  }
0x29: {  	s4 =	sld [smem:$0x3FAA]  }
0x2a: {  	p0 =	seq.s32 s5, $0x0;
	s5 =	sld [smem:$0x3FAB]  }
0x2b: {  	s6 =	sld [smem:$0x3FAC]  }
0x2c: {  	s7 =	sld [smem:$0x3FAD]  }
0x2d: {  	s3 =	simm.s32 $0x108;
	s8 =	sld [smem:$0x3FAE]  }
0x2e: {  	s3 =	simm.s32 @!p0 $0x1082;
	s9 =	sld [smem:$0x3FAF]  }
0x2f: {  	lr =	sadd.s32 s0, s3;
	s0 =	sld [smem:$0x3FA6]  }
0x30: {  	s3 =	sld [smem:$0x3FA9]  }
0x31: {  	[smem:$0x3FB2] =	sst s10  }
0x32: {  	s10 =	sld [smem:$0x3FB0];
	_ =	sdelay $0x3  }
0x33: {  	p0 =	seq.s32 s10, $0x1;
	s10 =	sld [smem:$0x3FB2];
	_ =	sdelay $0x3  }
0x34: {  	[smem:$0x3FB2] =	sst s10  }
0x35: {  	s10 =	sld [smem:$0x3FB1];
	_ =	sdelay $0x3  }
0x36: {  	p1 =	seq.s32 s10, $0x1;
	s10 =	sld [smem:$0x3FB2];
	_ =	sdelay $0x3  }
0x37: {  	[smem:$0x3FB2] =	sst s10  }
0x38: {  	s10 =	sld [smem:$0x3FB3]  }
0x39: {  	_ = 	snop;
	(pc) =	sbr.ind lr, $3  }
0x3a: {  	_ = 	snop  }
0x3b: {  	_ = 	snop  }
0x3c: {  	p2 =	seq.s32 s10, $0x1;
	s10 =	sld [smem:$0x3FB2]  }
0x3d: {  	_ =	shalt  }
0x3e: {  	_ =	shalt  }
0x3f: {  	_ =	shalt  }
0x40: {  	_ =	shalt  }
0x41: {  	_ =	shalt  }
0x42: {  	_ =	shalt  }
0x43: {  	_ =	shalt  }
0x44: {  	_ =	shalt  }
0x45: {  	_ =	shalt  }
0x46: {  	_ =	shalt  }
0x47: {  	_ =	shalt  }
0x48: {  	_ =	shalt  }
0x49: {  	_ =	shalt  }
0x4a: {  	_ =	shalt  }
0x4b: {  	_ =	shalt  }
0x4c: {  	_ =	shalt  }
0x4d: {  	_ =	shalt  }
0x4e: {  	_ =	shalt  }
0x4f: {  	_ =	shalt  }
0x50: {  	_ =	shalt  }
0x51: {  	_ =	shalt  }
0x52: {  	_ =	shalt  }
0x53: {  	_ =	shalt  }
0x54: {  	_ =	shalt  }
0x55: {  	_ =	shalt  }
0x56: {  	_ =	shalt  }
0x57: {  	_ =	shalt  }
0x58: {  	_ =	shalt  }
0x59: {  	_ =	shalt  }
0x5a: {  	_ =	shalt  }
0x5b: {  	_ =	shalt  }
0x5c: {  	_ =	shalt  }
0x5d: {  	_ =	shalt  }
0x5e: {  	_ =	shalt  }
0x5f: {  	_ =	shalt  }
0x60: {  	_ =	shalt  }
0x61: {  	_ =	shalt  }
0x62: {  	_ =	shalt  }
0x63: {  	_ =	shalt  }
0x64: {  	_ =	shalt  }
0x65: {  	_ =	shalt  }
0x66: {  	_ =	shalt  }
0x67: {  	_ =	shalt  }
0x68: {  	_ =	shalt  }
0x69: {  	_ =	shalt  }
0x6a: {  	_ =	shalt  }
0x6b: {  	_ =	shalt  }
0x6c: {  	_ =	shalt  }
0x6d: {  	_ =	shalt  }
0x6e: {  	_ =	shalt  }
0x6f: {  	_ =	shalt  }
0x70: {  	_ =	shalt  }
0x71: {  	_ =	shalt  }
0x72: {  	_ =	shalt  }
0x73: {  	_ =	shalt  }
0x74: {  	_ =	shalt  }
0x75: {  	_ =	shalt  }
0x76: {  	_ =	shalt  }
0x77: {  	_ =	shalt  }
0x78: {  	_ =	shalt  }
0x79: {  	_ =	shalt  }
0x7a: {  	_ =	shalt  }
0x7b: {  	_ =	shalt  }
0x7c: {  	_ =	shalt  }
0x7d: {  	_ =	shalt  }
0x7e: {  	_ =	shalt  }
0x7f: {  	_ =	shalt  }
0x80: {  	_ =	shalt  }
0x81: {  	_ =	shalt  }
0x82: {  	_ =	shalt  }
0x83: {  	_ =	shalt  }
0x84: {  	_ =	shalt  }
0x85: {  	_ =	shalt  }
0x86: {  	_ =	shalt  }
0x87: {  	_ =	shalt  }
.Lfunc_end0:
.L_simem_size_0:
called_computation.7_lowered:
.L_overlay_start_0:
0x88: {  	s2 =	sld [smem:$0x3FD9]  }
0x89: {  	s3 =	sld [smem:$0x3FFE];
	_ =	sdelay $0x1  }
0x8a: {  	s1 =	srdreg.scid  }
0x8b: {  	s0 =	sand.u32 $0x1, s1  }
0x8c: {  	s16 =	sshll.u32 s0, $0xA;
	s2 =	sadd.s32 s3, s2  }
0x8d: {  	s2 =	sadd.s32 s2, s16  }
0x8e: {  	[smem:$0x3FBE] =	sst s2  }
0x8f: {  	_ = 	snop  }
0x90: {  	(tm) =	ssettm $0x1  }
0x91: {  	s17 =	sld [smem:$0x3FFB];
	_ =	sdelay $0x3  }
0x92: {  	_ =	strace s17  }
0x93: {  	s2 =	sld [smem:$0x3FFC];
	_ =	sdelay $0x3  }
0x94: {  	_ =	strace s2  }
0x95: {  	s2 =	sld [smem:$0x3FFD];
	_ =	sdelay $0x3  }
0x96: {  	_ =	strace s2  }
0x97: {  	_ =	strace $0x8FFFFFFF  }
0x98: {  	s18 =	sld [smem:$0x3FDB];
	_ =	sdelay $0x1  }
0x99: {  	s19 =	simm.s32 $_scs_section_size  }
0x9a: {  	s4 =	simm.s32 $_size__tile_overlayer_lowered;
	s5 =	simm.s32 $_tile_overlayer_lowered  }
0x9b: {  	s22 =	simm.s32 $0x1BFF;
	s21 =	sshll.u32 s5, $0x1;
	s2 =	sadd.s32 s19, s18  }
0x9c: {  	s6 =	simm.s32 $0x0;
	s20 =	sshll.u32 s4, $0x1;
	s4 =	sadd.s32 s21, s2  }
0x9d: {  	[timem:s6], [sflag:s22] =	dma.local [hbm:s4], s20  }
0x9e: {  	_ =	swait.ge [sflag:s22], s20  }
0x9f: {  	s3 =	ssub.s32 $0x0, s20;
	[sflag:s22] =	ssyncset.done $0x0  }
0xa0: {  	[sflag:s22] =	ssyncadd.s32 s3;
	_ =	sdelay $0x1  }
0xa1: {  	s23 =	simm.s32 $0x1B8B  }
0xa2: {  	_ =	swait.ge [sflag:s23], $0x1  }
0xa3: {  	[sflag:s23] =	ssyncset.done $0x0  }
0xa4: {  	s25 =	simm.s32 $0x1B8E;
	s24 =	sld [smem:$0x3FFE];
	[sflag:s23] =	ssyncadd.s32 $0xFFFFFFFF  }
0xa5: {  	s26 =	simm.s32 $execute0_lowered;
	[smem:$0x3FD2] =	sst s25  }
0xa6: {  	s4 =	sshll.u32 s26, $0x1;
	_ =	strace $0x8000005B;
	[dreg:$0x1] =	wrdreg $0xFFFFFFFF  }
0xa7: {  	s28 =	simm.s32 $_size_execute0_lowered;
	s2 =	sadd.s32 s2, s4;
	[dreg:$0x0] =	wrdreg $0x0  }
0xa8: {  	s4 =	sshll.u32 s28, $0x1;
	[dreg:$0x2] =	wrdreg s2  }
0xa9: {  	[dreg:$0x3] =	wrdreg s4  }
0xaa: {  	[dreg:$0x4] =	wrdreg $0xC0  }
0xab: {  	_ =	task [dreg:s6], $0x5FFFF  }
0xac: {  	[dreg:$0x1] =	wrdreg $0xFFFFFFFF  }
0xad: {  	[dreg:$0x0] =	wrdreg $0x60  }
0xae: {  	[dreg:$0x2] =	wrdreg s24  }
0xaf: {  	[dreg:$0x3] =	wrdreg $0x0  }
0xb0: {  	[dreg:$0x4] =	wrdreg $0x9  }
0xb1: {  	_ =	task.clear_ibuf [dreg:s6], $0x5FFFF;
	_ =	strace $0x9000005B  }
0xb2: {  	s29 =	simm.s32 $0x9;
	_ =	strace $0x8000005D  }
0xb3: {  	_ =	swait.ge [sflag:s29], $0x1  }
0xb4: {  	[sflag:s29] =	ssyncadd.s32 $0xFFFFFFFF  }
0xb5: {  	_ =	strace $0x9000005D  }
0xb6: {  	_ =	sfence  }
0xb7: {  	s30 =	sld [smem:$0x0];
	_ =	sdelay $0x2  }
0xb8: {  	s31 =	sshll.u32 s1, $0xD;
	s1 =	sshrl.u32 s1, $0x2  }
0xb9: {  	s3 =	sand.u32 $0x4000, s31;
	s1 =	sadd.s32 s1, s30  }
0xba: {  	s0 =	sor.u32 s3, s0;
	s1 =	sshll.u32 s1, $0x11  }
0xbb: {  	s0 =	sor.u32 s1, s0  }
0xbc: {  	s0 =	sadd.s32 $0x8F2B, s0  }
0xbd: {  	[sflag:s0] =	ssyncadd.remote.s32 $0x1  }
0xbe: {  	_ =	sfence.sel $0xFFFF  }
0xbf: {  	[dreg:$0x0] =	wrdreg $0xFFFFFFFF;
	(pc) =	sbr.abs _section_cstart, $3  }
0xc0: {  	[dreg:$0x1] =	wrdreg $0xFFFFFFFF  }
0xc1: {  	_ =	task.clear_ibuf [dreg:s6], $0x2FFFF;
	_ =	strace $0x9FFFFFFF  }
0xc2: {  	(tm) =	ssettm $0x7FFFFFFF  }
0xc3: {  	_ =	shalt  }
tec
execute0_lowered:
.L_overlay_start_1:
0x0: {  	(tag) =	ssettag $0x1  }
0x1: {  	s0 =	srdreg.scid;
	s24 =	stileid.u32  }
0x2: {  	s0 =	sand.u32 $0x1, s0;
	s9 =	smul.u32 $0x2800, s24  }
0x3: {  	s8 =	sor.u32 $0x10, s24;
	s7 =	smul.u32 $0x138800, s0  }
0x4: {  	s10 =	sor.u32 $0x20, s24;
	s11 =	smul.u32 $0x2800, s8  }
0x5: {  	s4 =	rddreg [dreg:$0x0];
	s13 =	sor.u32 $0x30, s24;
	s14 =	smul.u32 $0x2800, s10  }
0x6: {  	s2 =	rddreg [dreg:$0x1];
	s18 =	sor.u32 $0x40, s24;
	s16 =	smul.u32 $0x2800, s13  }
0x7: {  	s3 =	simm.s32 $0x0;
	s19 =	sor.u32 $0x50, s24;
	s26 =	smul.u32 $0x2800, s18  }
0x8: {  	s30 =	simm.s32 $0x7;
	s20 =	sor.u32 $0x60, s24;
	s17 =	smul.u32 $0x2800, s19  }
0x9: {  	s31 =	simm.s32 $0x17880;
	s21 =	sor.u32 $0x70, s24;
	s22 =	smul.u32 $0x2800, s20  }
0xa: {  	[smem:$0x7FF] =	sst s3;
	s1 =	sshll.u32 s0, $0x4;
	s23 =	smul.u32 $0x2800, s21  }
0xb: {  	s12 =	ssub.s32 $0x2, s0;
	s0 =	smul.u32 $0x271000, s0;
	s1 =	sor.u32 s24, s1  }
0xc: {  	s29 =	simm.s32 $0x1;
	_ =	strace $0x8000005C;
	s5 =	smul.u32 $0x27100, s1  }
0xd: {  	p0 =	sgt.u32 s21, $0x7C;
	s15 =	sshrl.u32 s12, $0x1;
	s6 =	smul.u32 $0x138800, s1  }
0xe: {  	s1 =	sshll.u32 s1, $0xB;
	s12 =	ssub.s32 s12, s15;
	s9 =	sadd.s32 s7, s9  }
0xf: {  	s11 =	sadd.s32 s7, s11;
	s14 =	sadd.s32 s7, s14;
	s16 =	sadd.s32 s7, s16  }
0x10: {  	s15 =	sadd.s32 s7, s26;
	s17 =	sadd.s32 s7, s17;
	s22 =	sadd.s32 s7, s22  }
0x11: {  	s7 =	sadd.s32 s7, s23;
	s23 =	sadd.s32 $0xA18E00, s4;
	s1 =	sadd.s32 s1, s4  }
0x12: {  	s4 =	sadd.s32 $0x3E00, s4;
	s9 =	sshrl.u32 s9, $0x3;
	s11 =	sshrl.u32 s11, $0x3  }
0x13: {  	s26 =	sshrl.u32 s14, $0x3;
	s7 =	sshrl.u32 s7, $0x3;
	s0 =	sadd.s32 s0, s23  }
0x14: {  	s25 =	sadd.s32 s23, s5;
	s5 =	sshrl.u32 s6, $0x3;
	s6 =	sadd.s32 s4, s9  }
0x15: {  	s14 =	sadd.s32 s4, s11;
	s26 =	sadd.s32 s4, s26;
	[dreg:$0x3] =	wrdreg s6  }
0x16: {  	s9 =	sshrl.u32 s16, $0x3;
	s11 =	sshrl.u32 s15, $0x3;
	[dreg:$0x4] =	wrdreg s14  }
0x17: {  	s1 =	sadd.s32 $0xA08E00, s1;
	[dreg:$0x5] =	wrdreg s26;
	s14 =	sshrl.u32 s17, $0x3  }
0x18: {  	s6 =	sadd.s32 s4, s9;
	s17 =	sshrl.u32 s22, $0x3;
	s22 =	smul.u32 $0x27100, s24  }
0x19: {  	s5 =	sadd.s32 s23, s5;
	s23 =	smul.u32 $0xA000, s24;
	[dreg:$0xb] =	wrdreg s1  }
0x1a: {  	s15 =	sadd.s32 s4, s11;
	s24 =	smul.u32 $0xA000, s8;
	[dreg:$0x6] =	wrdreg s6  }
0x1b: {  	s8 =	smax.u32 s12, $0x1;
	s11 =	smul.u32 $0xA000, s18;
	[dreg:$0x7] =	wrdreg s15  }
0x1c: {  	s16 =	sadd.s32 s4, s14;
	s6 =	sadd.s32 s4, s17;
	[dreg:$0xe] =	wrdreg s8  }
0x1d: {  	s4 =	sadd.s32 s4, s7;
	s7 =	smul.u32 $0xA000, s10;
	[dreg:$0x8] =	wrdreg s16  }
0x1e: {  	s28 =	sadd.s32 $0x26C00, s25;
	s10 =	smul.u32 $0xA000, s13;
	[dreg:$0x9] =	wrdreg s6  }
0x1f: {  	s26 =	sadd.s32 $0x500, s5;
	s13 =	smul.u32 $0xA000, s19;
	[dreg:$0xa] =	wrdreg s4  }
0x20: {  	s5 =	sadd.s32 $0xA00, s5;
	s15 =	smul.u32 $0xA000, s20;
	[dreg:$0xc] =	wrdreg s26  }
0x21: {  	s8 =	simm.s32 $0x5;
	s0 =	sadd.s32 s22, s0;
	[dreg:$0xd] =	wrdreg s5  }
0x22: {  	s9 =	sshrl.u32 s23, $0x2;
	s1 =	sshrl.u32 s24, $0x2;
	s5 =	sshrl.u32 s11, $0x2  }
0x23: {  	s16 =	smul.u32 $0xA000, s21;
	s26 =	sadd.s32 $0x26700, s25;
	s6 =	simm.s32 $0x4  }
0x24: {  	s11 =	simm.s32 $0x8;
	s17 =	sadd.s32 s9, s2;
	s18 =	sadd.s32 s1, s2  }
0x25: {  	s12 =	sshrl.u32 s7, $0x2;
	s14 =	sshrl.u32 s10, $0x2;
	s21 =	sadd.s32 s5, s2  }
0x26: {  	s22 =	sshrl.u32 s13, $0x2;
	s23 =	sshrl.u32 s15, $0x2;
	[dreg:$0xf] =	wrdreg s26  }
0x27: {  	s26 =	smov.u32 s25;
	s1 =	simm.s32 $0x1A080;
	s5 =	simm.s32 $0x50  }
0x28: {  	s7 =	simm.s32 $0x2;
	s9 =	simm.s32 $0x3;
	s10 =	simm.s32 $0x6  }
0x29: {  	s19 =	sadd.s32 s12, s2;
	s20 =	sadd.s32 s14, s2;
	s22 =	sadd.s32 s22, s2  }
0x2a: {  	s24 =	sshrl.u32 s16, $0x2;
	s23 =	sadd.s32 s23, s2;
	s14 =	sadd.s32 $0x1900, s0  }
0x2b: {  	v0 =	vimm.f32 $0.0e+00;
	s0 =	simm.s32 $0x1C880;
	s12 =	simm.s32 $0x0;
	s24 =	sadd.s32 s24, s2  }
.LBB2_1:
0x2c: {  	s4 =	rddreg [dreg:$0xb];
	s13 =	simm.s32 $0x13880  }
0x2d: {  	[tilespmem:s13], [sflag:$0x7] =	stream.linear.gather [hbm4b:s4+s3], $0x3E80, $0x38;
	[tilespmem:$0x1F080] =	vst v63  }
0x2e: {  	_ =	swait.ge [sflag:s30], $0x3E80  }
0x2f: {  	[sflag:s30] =	ssyncset.done $0x0  }
0x30: {  	s4 =	simm.s32 $0x0;
	s13 =	simm.s32 $0x200;
	[sflag:s30] =	ssyncadd.s32 $0xFFFFC180  }
.LBB2_2:
0x31: {  	p1 =	sne.s32 s13, $0x9E00;
	[tilespmem:s4+$0x178F0] =	vst v0  }
0x32: {  	[tilespmem:s4+$0x17880] =	vst v0  }
0x33: {  	[tilespmem:s4+$0x17890] =	vst v0  }
.Ltmp0:
0x34: {  	[tilespmem:s4+$0x178A0] =	vst v0;
	(pc) =	sbr.rel @p1 .LBB2_2-.Ltmp0, $4  }
0x35: {  	[tilespmem:s4+$0x178B0] =	vst v0  }
0x36: {  	[tilespmem:s4+$0x178C0] =	vst v0  }
0x37: {  	[tilespmem:s4+$0x178D0] =	vst v0  }
0x38: {  	[tilespmem:s4+$0x178E0] =	vst v0;
	s4 =	sshra.s32 s13, $0x2;
	s13 =	sadd.s32 $0x200, s13  }
0x39: {  	[tilespmem:s4+$0x178F0] =	vst v0  }
0x3a: {  	[tilespmem:s4+$0x17880] =	vst v0  }
0x3b: {  	[tilespmem:s4+$0x17890] =	vst v0  }
0x3c: {  	[tilespmem:s4+$0x178A0] =	vst v0  }
0x3d: {  	[tilespmem:s4+$0x178B0] =	vst v0  }
0x3e: {  	[tilespmem:s4+$0x178C0] =	vst v0  }
0x3f: {  	[tilespmem:s4+$0x178D0] =	vst v0  }
0x40: {  	[tilespmem:s4+$0x178E0] =	vst v0  }
0x41: {  	[spmem:s17] =	stream.linear.scatter [tilespmem:s31], [sflag:$0x7], $0x2800, $0x38;
	[tilespmem:$0x1F080] =	vst v63  }
0x42: {  	_ =	swait.ge [sflag:s30], $0x2800  }
0x43: {  	[sflag:s30] =	ssyncset.done $0x0  }
0x44: {  	[sflag:s30] =	ssyncadd.s32 $0xFFFFD800  }
0x45: {  	[spmem:s18] =	stream.linear.scatter [tilespmem:s31], [sflag:$0x7], $0x2800, $0x38;
	[tilespmem:$0x1F080] =	vst v63  }
0x46: {  	_ =	swait.ge [sflag:s30], $0x2800  }
0x47: {  	[sflag:s30] =	ssyncset.done $0x0  }
0x48: {  	[sflag:s30] =	ssyncadd.s32 $0xFFFFD800  }
0x49: {  	[spmem:s19] =	stream.linear.scatter [tilespmem:s31], [sflag:$0x7], $0x2800, $0x38;
	[tilespmem:$0x1F080] =	vst v63  }
0x4a: {  	_ =	swait.ge [sflag:s30], $0x2800  }
0x4b: {  	[sflag:s30] =	ssyncset.done $0x0  }
0x4c: {  	[sflag:s30] =	ssyncadd.s32 $0xFFFFD800  }
0x4d: {  	[spmem:s20] =	stream.linear.scatter [tilespmem:s31], [sflag:$0x7], $0x2800, $0x38;
	[tilespmem:$0x1F080] =	vst v63  }
0x4e: {  	_ =	swait.ge [sflag:s30], $0x2800  }
0x4f: {  	[sflag:s30] =	ssyncset.done $0x0  }
0x50: {  	[sflag:s30] =	ssyncadd.s32 $0xFFFFD800  }
0x51: {  	[spmem:s21] =	stream.linear.scatter [tilespmem:s31], [sflag:$0x7], $0x2800, $0x38;
	[tilespmem:$0x1F080] =	vst v63  }
0x52: {  	_ =	swait.ge [sflag:s30], $0x2800  }
0x53: {  	[sflag:s30] =	ssyncset.done $0x0  }
0x54: {  	[sflag:s30] =	ssyncadd.s32 $0xFFFFD800  }
0x55: {  	[spmem:s22] =	stream.linear.scatter [tilespmem:s31], [sflag:$0x7], $0x2800, $0x38;
	[tilespmem:$0x1F080] =	vst v63  }
0x56: {  	_ =	swait.ge [sflag:s30], $0x2800  }
0x57: {  	[sflag:s30] =	ssyncset.done $0x0  }
0x58: {  	[sflag:s30] =	ssyncadd.s32 $0xFFFFD800  }
0x59: {  	[spmem:s23] =	stream.linear.scatter [tilespmem:s31], [sflag:$0x7], $0x2800, $0x38;
	[tilespmem:$0x1F080] =	vst v63  }
0x5a: {  	_ =	swait.ge [sflag:s30], $0x2800  }
0x5b: {  	[sflag:s30] =	ssyncset.done $0x0  }
0x5c: {  	s4 =	simm.s32 @!p0 $0x17880;
	[sflag:s30] =	ssyncadd.s32 $0xFFFFD800  }
0x5d: {  	[spmem:s24] =	stream.linear.scatter @!p0 [tilespmem:s4], [sflag:$0x7], $0x2800, $0x38;
	[tilespmem:$0x1F080] =	vst v63  }
0x5e: {  	s4 =	simm.s32 @!p0 $0x7  }
0x5f: {  	_ =	swait.ge @!p0 [sflag:s4], $0x2800  }
0x60: {  	[sflag:s4] =	ssyncset.done @!p0 $0x0  }
0x61: {  	[sflag:s4] =	ssyncadd.s32 @!p0 $0xFFFFD800  }
0x62: {  	s15 =	simm.s32 $0x0;
	[bflag:$0x0] =	sbarrier.arrive $0xFFFF  }
0x63: {  	[tilespmem:s31], [sflag:$0x1] =	stream.linear.gather [hbm4b:s26+s15], $0x2800, $0x38;
	[tilespmem:$0x1F080] =	vst v63  }
0x64: {  	s13 =	rddreg [dreg:$0xc]  }
0x65: {  	[tilespmem:s1], [sflag:$0x2] =	stream.linear.gather [hbm4b:s13+s15], $0x2800, $0x38;
	[tilespmem:$0x1F080] =	vst v63  }
0x66: {  	s16 =	rddreg [dreg:$0xd]  }
0x67: {  	[tilespmem:s0], [sflag:$0x3] =	stream.linear.gather [hbm4b:s16+s15], $0x2800, $0x38;
	[tilespmem:$0x1F080] =	vst v63  }
0x68: {  	_ =	swait.ge [sflag:s29], $0x2800  }
0x69: {  	[sflag:s29] =	ssyncset.done $0x0  }
0x6a: {  	s25 =	simm.s32 $0x13880;
	[sflag:s29] =	ssyncadd.s32 $0xFFFFD800  }
0x6b: {  	[spmem:s2] =	stream.indirect.scatter.add.f32 [tilespmem:s31], [sflag:$0x4], $0x80, s25, s5, $0xb8;
	[tilespmem:$0x1F080] =	vst v63  }
0x6c: {  	_ =	swait.ge [sflag:s6], $0x2800  }
0x6d: {  	[sflag:s6] =	ssyncset.done $0x0  }
0x6e: {  	s13 =	sadd.s32 $0xFFFFF600, s14;
	[sflag:s6] =	ssyncadd.s32 $0xFFFFD800  }
0x6f: {  	[tilespmem:s31], [sflag:$0x1] =	stream.linear.gather [hbm4b:s13+s3], $0x2800, $0x38;
	[tilespmem:$0x1F080] =	vst v63  }
0x70: {  	_ =	swait.ge [sflag:s7], $0x2800  }
0x71: {  	[sflag:s7] =	ssyncset.done $0x0  }
0x72: {  	s15 =	simm.s32 $0x13900;
	[sflag:s7] =	ssyncadd.s32 $0xFFFFD800  }
0x73: {  	[spmem:s2] =	stream.indirect.scatter.add.f32 [tilespmem:s1], [sflag:$0x5], $0x80, s15, s5, $0xb8;
	[tilespmem:$0x1F080] =	vst v63  }
0x74: {  	_ =	swait.ge [sflag:s8], $0x2800  }
0x75: {  	[sflag:s8] =	ssyncset.done $0x0  }
0x76: {  	s16 =	sadd.s32 $0xFFFFFB00, s14;
	[sflag:s8] =	ssyncadd.s32 $0xFFFFD800  }
0x77: {  	[tilespmem:s1], [sflag:$0x2] =	stream.linear.gather [hbm4b:s16+s3], $0x2800, $0x38;
	[tilespmem:$0x1F080] =	vst v63  }
0x78: {  	_ =	swait.ge [sflag:s9], $0x2800  }
0x79: {  	[sflag:s9] =	ssyncset.done $0x0  }
0x7a: {  	s25 =	simm.s32 $0x13980;
	[sflag:s9] =	ssyncadd.s32 $0xFFFFD800  }
0x7b: {  	[spmem:s2] =	stream.indirect.scatter.add.f32 [tilespmem:s0], [sflag:$0x6], $0x80, s25, s5, $0xb8;
	[tilespmem:$0x1F080] =	vst v63  }
0x7c: {  	_ =	swait.ge [sflag:s10], $0x2800  }
0x7d: {  	s4 =	simm.s32 $0x600;
	[sflag:s10] =	ssyncset.done $0x0  }
0x7e: {  	s13 =	sadd.s32 $0xF00, s14;
	s25 =	smov.u32 s14;
	[sflag:s10] =	ssyncadd.s32 $0xFFFFD800  }
.LBB2_4:
0x7f: {  	[tilespmem:s0], [sflag:$0x3] =	stream.linear.gather [hbm4b:s25+s3], $0x2800, $0x38;
	[tilespmem:$0x1F080] =	vst v63  }
0x80: {  	s25 =	smov.u32 s4;
	s4 =	sadd.s32 $0x600, s4;
	_ =	swait.ge [sflag:s29], $0x2800  }
0x81: {  	s15 =	sshra.s32 s25, $0x2;
	p1 =	sne.s32 s4, $0xF000;
	[sflag:s29] =	ssyncset.done $0x0  }
0x82: {  	s25 =	smov.u32 s13;
	s16 =	sadd.s32 $0x13880, s15;
	[sflag:s29] =	ssyncadd.s32 $0xFFFFD800  }
0x83: {  	[spmem:s2] =	stream.indirect.scatter.add.f32 [tilespmem:s31], [sflag:$0x4], $0x80, s16, s5, $0xb8;
	[tilespmem:$0x1F080] =	vst v63  }
0x84: {  	_ =	swait.ge [sflag:s6], $0x2800  }
0x85: {  	[sflag:s6] =	ssyncset.done $0x0  }
0x86: {  	s16 =	sadd.s32 $0xFFFFF600, s13;
	[sflag:s6] =	ssyncadd.s32 $0xFFFFD800  }
0x87: {  	[tilespmem:s31], [sflag:$0x1] =	stream.linear.gather [hbm4b:s16+s3], $0x2800, $0x38;
	[tilespmem:$0x1F080] =	vst v63  }
0x88: {  	_ =	swait.ge [sflag:s7], $0x2800  }
0x89: {  	[sflag:s7] =	ssyncset.done $0x0  }
0x8a: {  	s16 =	sadd.s32 $0x13900, s15;
	[sflag:s7] =	ssyncadd.s32 $0xFFFFD800  }
0x8b: {  	[spmem:s2] =	stream.indirect.scatter.add.f32 [tilespmem:s1], [sflag:$0x5], $0x80, s16, s5, $0xb8;
	[tilespmem:$0x1F080] =	vst v63  }
0x8c: {  	_ =	swait.ge [sflag:s8], $0x2800  }
0x8d: {  	[sflag:s8] =	ssyncset.done $0x0  }
0x8e: {  	s16 =	sadd.s32 $0xFFFFFB00, s13;
	[sflag:s8] =	ssyncadd.s32 $0xFFFFD800  }
0x8f: {  	[tilespmem:s1], [sflag:$0x2] =	stream.linear.gather [hbm4b:s16+s3], $0x2800, $0x38;
	[tilespmem:$0x1F080] =	vst v63  }
0x90: {  	_ =	swait.ge [sflag:s9], $0x2800  }
0x91: {  	[sflag:s9] =	ssyncset.done $0x0  }
.Ltmp1:
0x92: {  	s15 =	sadd.s32 $0x13980, s15;
	[sflag:s9] =	ssyncadd.s32 $0xFFFFD800;
	(pc) =	sbr.rel @p1 .LBB2_4-.Ltmp1, $4  }
0x93: {  	[spmem:s2] =	stream.indirect.scatter.add.f32 [tilespmem:s0], [sflag:$0x6], $0x80, s15, s5, $0xb8;
	[tilespmem:$0x1F080] =	vst v63  }
0x94: {  	_ =	swait.ge [sflag:s10], $0x2800  }
0x95: {  	[sflag:s10] =	ssyncset.done $0x0  }
0x96: {  	s13 =	sadd.s32 $0xF00, s13;
	[sflag:s10] =	ssyncadd.s32 $0xFFFFD800  }
0x97: {  	[tilespmem:s0], [sflag:$0x3] =	stream.linear.gather [hbm4b:s25+s3], $0x2800, $0x38;
	[tilespmem:$0x1F080] =	vst v63  }
0x98: {  	_ =	swait.ge [sflag:s29], $0x2800  }
0x99: {  	s4 =	sshra.s32 s4, $0x2;
	[sflag:s29] =	ssyncset.done $0x0  }
0x9a: {  	s13 =	sadd.s32 $0x13880, s4;
	[sflag:s29] =	ssyncadd.s32 $0xFFFFD800  }
0x9b: {  	[spmem:s2] =	stream.indirect.scatter.add.f32 [tilespmem:s31], [sflag:$0x4], $0x80, s13, s5, $0xb8;
	[tilespmem:$0x1F080] =	vst v63  }
0x9c: {  	_ =	swait.ge [sflag:s6], $0x2800  }
0x9d: {  	[sflag:s6] =	ssyncset.done $0x0  }
0x9e: {  	s25 =	rddreg [dreg:$0xf];
	[sflag:s6] =	ssyncadd.s32 $0xFFFFD800  }
0x9f: {  	[tilespmem:s31], [sflag:$0x1] =	stream.linear.gather [hbm4b:s25+s3], $0x2800, $0x38;
	[tilespmem:$0x1F080] =	vst v63  }
0xa0: {  	_ =	swait.ge [sflag:s7], $0x2800  }
0xa1: {  	[sflag:s7] =	ssyncset.done $0x0  }
0xa2: {  	s15 =	sadd.s32 $0x13900, s4;
	[sflag:s7] =	ssyncadd.s32 $0xFFFFD800  }
0xa3: {  	[spmem:s2] =	stream.indirect.scatter.add.f32 [tilespmem:s1], [sflag:$0x5], $0x80, s15, s5, $0xb8;
	[tilespmem:$0x1F080] =	vst v63  }
0xa4: {  	_ =	swait.ge [sflag:s8], $0x2800  }
0xa5: {  	[sflag:s8] =	ssyncset.done $0x0  }
0xa6: {  	[sflag:s8] =	ssyncadd.s32 $0xFFFFD800  }
0xa7: {  	[tilespmem:s1], [sflag:$0x2] =	stream.linear.gather [hbm4b:s28+s3], $0x2800, $0x38;
	[tilespmem:$0x1F080] =	vst v63  }
0xa8: {  	_ =	swait.ge [sflag:s9], $0x2800  }
0xa9: {  	[sflag:s9] =	ssyncset.done $0x0  }
0xaa: {  	s4 =	sadd.s32 $0x13980, s4;
	[sflag:s9] =	ssyncadd.s32 $0xFFFFD800  }
0xab: {  	[spmem:s2] =	stream.indirect.scatter.add.f32 [tilespmem:s0], [sflag:$0x6], $0x80, s4, s5, $0xb8;
	[tilespmem:$0x1F080] =	vst v63  }
0xac: {  	_ =	swait.ge [sflag:s29], $0x2800  }
0xad: {  	[sflag:s29] =	ssyncset.done $0x0  }
0xae: {  	s16 =	simm.s32 $0x17600;
	[sflag:s29] =	ssyncadd.s32 $0xFFFFD800  }
0xaf: {  	[spmem:s2] =	stream.indirect.scatter.add.f32 [tilespmem:s31], [sflag:$0x4], $0x80, s16, s5, $0xb8;
	[tilespmem:$0x1F080] =	vst v63  }
0xb0: {  	_ =	swait.ge [sflag:s7], $0x2800  }
0xb1: {  	[sflag:s7] =	ssyncset.done $0x0  }
0xb2: {  	s25 =	simm.s32 $0x17680;
	[sflag:s7] =	ssyncadd.s32 $0xFFFFD800  }
0xb3: {  	[spmem:s2] =	stream.indirect.scatter.add.f32 [tilespmem:s1], [sflag:$0x5], $0x80, s25, s5, $0xb8;
	[tilespmem:$0x1F080] =	vst v63  }
0xb4: {  	_ =	swait.ge [sflag:s6], $0x2800  }
0xb5: {  	[sflag:s6] =	ssyncset.done $0x0  }
0xb6: {  	[sflag:s6] =	ssyncadd.s32 $0xFFFFD800  }
0xb7: {  	_ =	swait.ge [sflag:s8], $0x2800  }
0xb8: {  	[sflag:s8] =	ssyncset.done $0x0  }
0xb9: {  	[sflag:s8] =	ssyncadd.s32 $0xFFFFD800  }
0xba: {  	_ =	swait.ge [sflag:s10], $0x2800  }
0xbb: {  	[sflag:s10] =	ssyncset.done $0x0  }
0xbc: {  	[sflag:s10] =	ssyncadd.s32 $0xFFFFD800  }
0xbd: {  	[bflag:$0x0] =	sbarrier.arrive $0xFFFF  }
0xbe: {  	[tilespmem:s31], [sflag:$0x8] =	stream.linear.gather [spmem:s17], $0x2800, $0x38;
	[tilespmem:$0x1F080] =	vst v63  }
0xbf: {  	_ =	swait.ge [sflag:s11], $0x2800  }
0xc0: {  	[sflag:s11] =	ssyncset.done $0x0  }
0xc1: {  	s13 =	rddreg [dreg:$0x3];
	[sflag:s11] =	ssyncadd.s32 $0xFFFFD800  }
0xc2: {  	[hbm4b:s13+s3] =	stream.linear.scatter [tilespmem:s31], [sflag:$0x7], $0x2800, $0x38;
	[tilespmem:$0x1F080] =	vst v63  }
0xc3: {  	_ =	swait.ge [sflag:s30], $0x2800  }
0xc4: {  	[sflag:s30] =	ssyncset.done $0x0  }
0xc5: {  	[sflag:s30] =	ssyncadd.s32 $0xFFFFD800  }
0xc6: {  	[tilespmem:s31], [sflag:$0x8] =	stream.linear.gather [spmem:s18], $0x2800, $0x38;
	[tilespmem:$0x1F080] =	vst v63  }
0xc7: {  	_ =	swait.ge [sflag:s11], $0x2800  }
0xc8: {  	[sflag:s11] =	ssyncset.done $0x0  }
0xc9: {  	s15 =	rddreg [dreg:$0x4];
	[sflag:s11] =	ssyncadd.s32 $0xFFFFD800  }
0xca: {  	[hbm4b:s15+s3] =	stream.linear.scatter [tilespmem:s31], [sflag:$0x7], $0x2800, $0x38;
	[tilespmem:$0x1F080] =	vst v63  }
0xcb: {  	_ =	swait.ge [sflag:s30], $0x2800  }
0xcc: {  	[sflag:s30] =	ssyncset.done $0x0  }
0xcd: {  	[sflag:s30] =	ssyncadd.s32 $0xFFFFD800  }
0xce: {  	[tilespmem:s31], [sflag:$0x8] =	stream.linear.gather [spmem:s19], $0x2800, $0x38;
	[tilespmem:$0x1F080] =	vst v63  }
0xcf: {  	_ =	swait.ge [sflag:s11], $0x2800  }
0xd0: {  	[sflag:s11] =	ssyncset.done $0x0  }
0xd1: {  	s16 =	rddreg [dreg:$0x5];
	[sflag:s11] =	ssyncadd.s32 $0xFFFFD800  }
0xd2: {  	[hbm4b:s16+s3] =	stream.linear.scatter [tilespmem:s31], [sflag:$0x7], $0x2800, $0x38;
	[tilespmem:$0x1F080] =	vst v63  }
0xd3: {  	_ =	swait.ge [sflag:s30], $0x2800  }
0xd4: {  	[sflag:s30] =	ssyncset.done $0x0  }
0xd5: {  	[sflag:s30] =	ssyncadd.s32 $0xFFFFD800  }
0xd6: {  	[tilespmem:s31], [sflag:$0x8] =	stream.linear.gather [spmem:s20], $0x2800, $0x38;
	[tilespmem:$0x1F080] =	vst v63  }
0xd7: {  	_ =	swait.ge [sflag:s11], $0x2800  }
0xd8: {  	[sflag:s11] =	ssyncset.done $0x0  }
0xd9: {  	s25 =	rddreg [dreg:$0x6];
	[sflag:s11] =	ssyncadd.s32 $0xFFFFD800  }
0xda: {  	[hbm4b:s25+s3] =	stream.linear.scatter [tilespmem:s31], [sflag:$0x7], $0x2800, $0x38;
	[tilespmem:$0x1F080] =	vst v63  }
0xdb: {  	_ =	swait.ge [sflag:s30], $0x2800  }
0xdc: {  	[sflag:s30] =	ssyncset.done $0x0  }
0xdd: {  	[sflag:s30] =	ssyncadd.s32 $0xFFFFD800  }
0xde: {  	[tilespmem:s31], [sflag:$0x8] =	stream.linear.gather [spmem:s21], $0x2800, $0x38;
	[tilespmem:$0x1F080] =	vst v63  }
0xdf: {  	_ =	swait.ge [sflag:s11], $0x2800  }
0xe0: {  	[sflag:s11] =	ssyncset.done $0x0  }
0xe1: {  	s13 =	rddreg [dreg:$0x7];
	[sflag:s11] =	ssyncadd.s32 $0xFFFFD800  }
0xe2: {  	[hbm4b:s13+s3] =	stream.linear.scatter [tilespmem:s31], [sflag:$0x7], $0x2800, $0x38;
	[tilespmem:$0x1F080] =	vst v63  }
0xe3: {  	_ =	swait.ge [sflag:s30], $0x2800  }
0xe4: {  	[sflag:s30] =	ssyncset.done $0x0  }
0xe5: {  	[sflag:s30] =	ssyncadd.s32 $0xFFFFD800  }
0xe6: {  	[tilespmem:s31], [sflag:$0x8] =	stream.linear.gather [spmem:s22], $0x2800, $0x38;
	[tilespmem:$0x1F080] =	vst v63  }
0xe7: {  	_ =	swait.ge [sflag:s11], $0x2800  }
0xe8: {  	[sflag:s11] =	ssyncset.done $0x0  }
0xe9: {  	s15 =	rddreg [dreg:$0x8];
	[sflag:s11] =	ssyncadd.s32 $0xFFFFD800  }
0xea: {  	[hbm4b:s15+s3] =	stream.linear.scatter [tilespmem:s31], [sflag:$0x7], $0x2800, $0x38;
	[tilespmem:$0x1F080] =	vst v63  }
0xeb: {  	_ =	swait.ge [sflag:s30], $0x2800  }
0xec: {  	[sflag:s30] =	ssyncset.done $0x0  }
0xed: {  	[sflag:s30] =	ssyncadd.s32 $0xFFFFD800  }
0xee: {  	[tilespmem:s31], [sflag:$0x8] =	stream.linear.gather [spmem:s23], $0x2800, $0x38;
	[tilespmem:$0x1F080] =	vst v63  }
0xef: {  	_ =	swait.ge [sflag:s11], $0x2800  }
0xf0: {  	[sflag:s11] =	ssyncset.done $0x0  }
0xf1: {  	s16 =	rddreg [dreg:$0x9];
	[sflag:s11] =	ssyncadd.s32 $0xFFFFD800  }
0xf2: {  	[hbm4b:s16+s3] =	stream.linear.scatter [tilespmem:s31], [sflag:$0x7], $0x2800, $0x38;
	[tilespmem:$0x1F080] =	vst v63  }
0xf3: {  	_ =	swait.ge [sflag:s30], $0x2800  }
0xf4: {  	[sflag:s30] =	ssyncset.done $0x0  }
0xf5: {  	s4 =	simm.s32 @!p0 $0x17880;
	s13 =	simm.s32 @!p0 $0x8;
	[sflag:s30] =	ssyncadd.s32 $0xFFFFD800  }
0xf6: {  	[tilespmem:s4], [sflag:$0x8] =	stream.linear.gather @!p0 [spmem:s24], $0x2800, $0x38;
	[tilespmem:$0x1F080] =	vst v63  }
0xf7: {  	_ =	swait.ge @!p0 [sflag:s13], $0x2800  }
0xf8: {  	[sflag:s13] =	ssyncset.done @!p0 $0x0  }
0xf9: {  	s15 =	rddreg [dreg:$0xa];
	[sflag:s13] =	ssyncadd.s32 @!p0 $0xFFFFD800;
	s13 =	simm.s32 @!p0 $0x0  }
0xfa: {  	[hbm4b:s15+s13] =	stream.linear.scatter @!p0 [tilespmem:s4], [sflag:$0x7], $0x2800, $0x38;
	[tilespmem:$0x1F080] =	vst v63  }
0xfb: {  	s4 =	simm.s32 @!p0 $0x7  }
0xfc: {  	_ =	swait.ge @!p0 [sflag:s4], $0x2800  }
0xfd: {  	s12 =	sadd.s32 $0x1, s12;
	s25 =	rddreg [dreg:$0xe]  }
0xfe: {  	p1 =	sne.s32 s12, s25  }
.Ltmp2:
0xff: {  	_ = 	snop;
	(pc) =	sbr.rel @p1 .LBB2_1-.Ltmp2, $3  }
0x100: {  	_ =	sdelay $0x1  }
0x101: {  	[sflag:s4] =	ssyncset.done @!p0 $0x0  }
0x102: {  	[sflag:s4] =	ssyncadd.s32 @!p0 $0xFFFFD800  }
0x103: {  	_ =	sfence.sel $0x180000  }
0x104: {  	[bflag:$0x0] =	sbarrier.arrive $0xFFFF  }
0x105: {  	_ =	strace $0x9000005C  }
0x106: {  	s0 =	stileid.u32;
	[bflag:$0x2] =	sbarrier.arrive $0xFFFF  }
0x107: {  	p0 =	sne.s32 s0, $0x0;
	s0 =	rddreg [dreg:$0x2]  }
0x108: {  	s0 =	sadd.s32 @!p0 $0x100000, s0  }
0x109: {  	[sflag:s0] =	ssyncadd.tile.s32 @!p0 $0x1;
	_ =	shalt  }
.Lfunc_end2:
_tile_overlayer_lowered:
.L_overlay_start_2:
0x10a: {  	(tag) =	ssettag $0x2  }
0x10b: {  	s0 =	rddreg [dreg:$0x0];
	s2 =	stileid.u32  }
0x10c: {  	s1 =	rddreg [dreg:$0x1];
	p0 =	sne.s32 s2, $0x0  }
0x10d: {  	s3 =	rddreg [dreg:$0x2];
	[bflag:$0x3] =	sbarrier.arrive $0xFFFF;
	s2 =	simm.s32 @!p0 $0x1C07  }
0x10e: {  	[timem:s3], [sflag:s2] =	dma.local @!p0 [hbm:s0], s1  }
0x10f: {  	s0 =	simm.s32 @!p0 $0x7  }
0x110: {  	_ =	swait.ge @!p0 [sflag:s0], s1  }
0x111: {  	s1 =	ssub.s32 @!p0 $0x0, s1;
	[sflag:s0] =	ssyncset.done @!p0 $0x0  }
0x112: {  	[sflag:s0] =	ssyncadd.s32 @!p0 s1  }
0x113: {  	[bflag:$0x3] =	sbarrier.arrive $0xFFFF  }
0x114: {  	_ =	shalt  }

</sc_bundles>
